<compile_context>
chip_gen: v7x
topology: tpu7x:2x2x1
jax: 0.10.2.dev20260603
libtpu: 0.0.44.dev20260713+nightly
codegen_flags: <defaults>
</compile_context>

<pallas_src>
import functools

import jax
import jax.numpy as jnp
from jax import lax
from jax.experimental import pallas as pl
from jax.experimental.pallas import tpu as pltpu
from jax.experimental.pallas import tpu_sc as plsc

B = 16384
NF = 26
V = 100000
D = 32
L = 50
NUMF = 16

NC = 2
NS = 16
NW = NC * NS
RPW = B // NW
BAG_C = 32
BAG_NCH = RPW // BAG_C


def _sc_body(catT, sidx, nff, tab, emb, w, out,
             cidx0, cidx1, cdat0, cdat1, sidx_v, sdat_v, bag_v,
             nf_v, num_v, w_v, sem0, sem1, semb):
    wid = lax.axis_index("s") * NC + lax.axis_index("c")
    base = wid * RPW

    cidx = [cidx0, cidx1]
    cdat = [cdat0, cdat1]
    sems = [sem0, sem1]
    cps = [None, None]
    pltpu.sync_copy(catT.at[0, pl.ds(base, RPW)], cidx[0])
    cps[0] = pltpu.async_copy(tab.at[cidx[0]], cdat[0], sems[0])
    for f in range(1, NF + 1):
        if f < NF:
            pltpu.sync_copy(catT.at[f, pl.ds(base, RPW)], cidx[f % 2])
            cps[f % 2] = pltpu.async_copy(tab.at[cidx[f % 2]], cdat[f % 2],
                                          sems[f % 2])
        cps[(f - 1) % 2].wait()
        pltpu.sync_copy(cdat[(f - 1) % 2], out.at[pl.ds(base, RPW), f - 1])

    lane = lax.iota(jnp.int32, 16)
    mhi = lane >= 14

    def bag_row(b, _):
        rb = b * L
        a0 = jnp.zeros((16,), jnp.float32)
        a1 = jnp.zeros((16,), jnp.float32)
        a2 = jnp.zeros((16,), jnp.float32)
        a3 = jnp.zeros((16,), jnp.float32)
        for l in range(0, L, 2):
            a0 = a0 + sdat_v[rb + l, 0:16]
            a1 = a1 + sdat_v[rb + l, 16:32]
            a2 = a2 + sdat_v[rb + l + 1, 0:16]
            a3 = a3 + sdat_v[rb + l + 1, 16:32]
        s0 = a0 + a2
        s1 = a1 + a3
        m0 = sidx_v[pl.ds(rb, 16)] != 0
        m1 = sidx_v[pl.ds(rb + 16, 16)] != 0
        m2 = sidx_v[pl.ds(rb + 32, 16)] != 0
        m3 = (sidx_v[pl.ds(rb + 34, 16)] != 0) & mhi
        cnt = (plsc.all_reduce_population_count(m0)
               + plsc.all_reduce_population_count(m1)
               + plsc.all_reduce_population_count(m2)
               + plsc.all_reduce_population_count(m3))
        scale = 1.0 / jnp.maximum(cnt.astype(jnp.float32), 1.0)
        bag_v[b, 0:16] = s0 * scale
        bag_v[b, 16:32] = s1 * scale
        return 0

    def bag_chunk(c, _):
        gb = base + c * BAG_C
        pltpu.sync_copy(sidx.at[pl.ds(gb * L, BAG_C * L)], sidx_v)
        pltpu.async_copy(emb.at[sidx_v], sdat_v, semb).wait()
        lax.fori_loop(0, BAG_C, bag_row, 0)
        pltpu.sync_copy(bag_v, out.at[pl.ds(gb, BAG_C), NF])
        return 0

    lax.fori_loop(0, BAG_NCH, bag_chunk, 0)

    pltpu.sync_copy(w, w_v)
    pltpu.sync_copy(nff.at[pl.ds(base * NUMF, RPW * NUMF)], nf_v)
    wr0 = [w_v[k, 0:16] for k in range(NUMF)]
    wr1 = [w_v[k, 16:32] for k in range(NUMF)]

    def num_row(r, _):
        acc0 = jnp.zeros((16,), jnp.float32)
        acc1 = jnp.zeros((16,), jnp.float32)
        rb = r * NUMF
        for k in range(NUMF):
            s = plsc.load_gather(nf_v, [jnp.full((16,), rb + k, jnp.int32)])
            acc0 = acc0 + s * wr0[k]
            acc1 = acc1 + s * wr1[k]
        num_v[r, 0:16] = acc0
        num_v[r, 16:32] = acc1
        return 0

    lax.fori_loop(0, RPW, num_row, 0)
    pltpu.sync_copy(num_v, out.at[pl.ds(base, RPW), NF + 1])


_sc_kernel = functools.partial(
    pl.kernel,
    out_type=jax.ShapeDtypeStruct((B, NF + 2, D), jnp.float32),
    mesh=plsc.VectorSubcoreMesh(core_axis_name="c", subcore_axis_name="s"),
    compiler_params=pltpu.CompilerParams(needs_layout_passes=False,
                                         use_tc_tiling_on_sc=False),
    scratch_types=[
        pltpu.VMEM((RPW,), jnp.int32),
        pltpu.VMEM((RPW,), jnp.int32),
        pltpu.VMEM((RPW, D), jnp.float32),
        pltpu.VMEM((RPW, D), jnp.float32),
        pltpu.VMEM((BAG_C * L,), jnp.int32),
        pltpu.VMEM((BAG_C * L, D), jnp.float32),
        pltpu.VMEM((BAG_C, D), jnp.float32),
        pltpu.VMEM((RPW * NUMF,), jnp.float32),
        pltpu.VMEM((RPW, D), jnp.float32),
        pltpu.VMEM((NUMF, D), jnp.float32),
        pltpu.SemaphoreType.DMA,
        pltpu.SemaphoreType.DMA,
        pltpu.SemaphoreType.DMA,
    ],
)(_sc_body)


def kernel(cat_indices, seq_indices, num_feat, tables_cat, emb_seq, W_num):
    offs = jnp.arange(NF, dtype=jnp.int32) * V
    catT = (cat_indices + offs[None, :]).T
    sflat = seq_indices.reshape(B * L)
    nff = num_feat.reshape(B * NUMF)
    tab = tables_cat.reshape(NF * V, D)
    out3 = _sc_kernel(catT, sflat, nff, tab, emb_seq, W_num)
    return out3.reshape(B, (NF + 2) * D)

# --- scband reference (transcript-rebuilt; emitter-appended) ---
"""Pipeline reference for scband-embedding-layer-3521873183012 (READ-ONLY COPY).

The authoritative reference and input builder live on the scoring server;
editing this copy changes nothing except your own understanding.
"""

import jax, jax.numpy as jnp
import numpy as np

B = 16384
NF = 26
V = 100000
D = 32
L = 50
NUMF = 16


def setup_inputs(seed: int = 0) -> dict:
    key = jax.random.key(seed)
    ks = jax.random.split(key, 6)
    cat_indices = jax.random.randint(ks[0], (B, NF), 0, V, dtype=jnp.int64 if jax.config.jax_enable_x64 else jnp.int32).astype(jnp.int32)
    seq_indices = jax.random.randint(ks[1], (B, L), 0, V).astype(jnp.int32)
    num_feat = jax.random.normal(ks[2], (B, NUMF), dtype=jnp.float32)
    tables_cat = jax.random.normal(ks[3], (NF, V, D), dtype=jnp.float32) * 0.02
    # nn.Embedding padding_idx=0 -> row 0 is zeros
    tables_cat = tables_cat.at[:, 0, :].set(0.0)
    emb_seq = jax.random.normal(ks[4], (V, D), dtype=jnp.float32) * 0.02
    emb_seq = emb_seq.at[0, :].set(0.0)
    W_num = jax.random.normal(ks[5], (NUMF, D), dtype=jnp.float32) * 0.05
    return {
        "cat_indices": cat_indices,
        "seq_indices": seq_indices,
        "num_feat": num_feat,
        "tables_cat": tables_cat,
        "emb_seq": emb_seq,
        "W_num": W_num,
    }


def reference(cat_indices, seq_indices, num_feat, tables_cat, emb_seq, W_num):
    # 26 categorical features -> per-field nn.Embedding lookup (gather)
    field_ids = jnp.arange(tables_cat.shape[0])  # [NF]
    cat_emb = tables_cat[field_ids[None, :], cat_indices]  # [B, NF, D]
    cat_out = cat_emb.reshape(cat_emb.shape[0], -1)  # [B, NF*D]

    # categorical sequence -> nn.EmbeddingBag(mode='mean', padding_idx=0)
    g = emb_seq[seq_indices]  # [B, L, D] gather
    mask = (seq_indices != 0).astype(jnp.float32)[..., None]  # padding_idx excluded
    cnt = jnp.maximum(jnp.sum(mask, axis=1), 1.0)
    bag = jnp.sum(g * mask, axis=1) / cnt  # [B, D]

    # numerical feature -> nn.Linear(bias=False)
    num_out = num_feat.astype(jnp.float32) @ W_num  # [B, D]

    # flatten_emb=True, proj_output_features=False -> concat, identity proj
    return jnp.concatenate([cat_out, bag, num_out], axis=-1)  # [B, 896]

if __name__ == "__main__":
    import jax
    _d = setup_inputs()
    print(jax.jit(kernel)(*tuple(_d.values())))

</pallas_src>

<mosaic_0001>
#map = affine_map<(d0, d1) -> (0, 0)>
#map1 = affine_map<(d0, d1) -> (0)>
#map2 = affine_map<(d0, d1) -> (0, 0, 0)>
module attributes {stable_mosaic.version = 14 : i64} {
  func.func @_sc_body(%arg0: i32, %arg1: i32, %arg2: memref<26x16384xi32, #tpu.memory_space<hbm>>, %arg3: memref<819200xi32, #tpu.memory_space<hbm>>, %arg4: memref<262144xf32, #tpu.memory_space<hbm>>, %arg5: memref<2600000x32xf32, #tpu.memory_space<hbm>>, %arg6: memref<100000x32xf32, #tpu.memory_space<hbm>>, %arg7: memref<16x32xf32, #tpu.memory_space<hbm>>, %arg8: memref<16384x28x32xf32, #tpu.memory_space<hbm>>, %arg9: memref<512xi32, #tpu.memory_space<vmem>>, %arg10: memref<512xi32, #tpu.memory_space<vmem>>, %arg11: memref<512x32xf32, #tpu.memory_space<vmem>>, %arg12: memref<512x32xf32, #tpu.memory_space<vmem>>, %arg13: memref<1600xi32, #tpu.memory_space<vmem>>, %arg14: memref<1600x32xf32, #tpu.memory_space<vmem>>, %arg15: memref<32x32xf32, #tpu.memory_space<vmem>>, %arg16: memref<8192xf32, #tpu.memory_space<vmem>>, %arg17: memref<512x32xf32, #tpu.memory_space<vmem>>, %arg18: memref<16x32xf32, #tpu.memory_space<vmem>>, %arg19: memref<!tpu.dma_semaphore, #tpu.memory_space<semaphore_mem>>, %arg20: memref<!tpu.dma_semaphore, #tpu.memory_space<semaphore_mem>>, %arg21: memref<!tpu.dma_semaphore, #tpu.memory_space<semaphore_mem>>) attributes {dimension_semantics = [#tpu.dimension_semantics<core_parallel>, #tpu.dimension_semantics<subcore_parallel>], iteration_bounds = array<i64: 2, 16>, scalar_prefetch = 0 : i64, scratch_operands = 13 : i64, tpu.core_type = #tpu.core_type<sc_vector_subcore>, window_params = [{transform_indices = #map}, {transform_indices = #map1}, {transform_indices = #map1}, {transform_indices = #map}, {transform_indices = #map}, {transform_indices = #map}, {transform_indices = #map2}]} {
    %mul3A = arith.constant 2 : i32
    %mul3A_0 = arith.muli %arg1, %mul3A : i32
    %add3A = arith.addi %mul3A_0, %arg0 : i32
    %mul3A_1 = arith.constant 512 : i32
    %mul3A_2 = arith.muli %add3A, %mul3A_1 : i32
    %run_scoped3A = arith.constant 0 : i32
    "tpu.region"() ({
      %run_scoped3A_353 = tpu.sem_alloc : memref<!tpu.dma_semaphore, #tpu.memory_space<semaphore_mem>>
      %dma_start3A_354 = tpu.memref_slice %arg2[%run_scoped3A, %mul3A_2] : memref<26x16384xi32, #tpu.memory_space<hbm>> -> memref<1x512xi32, #tpu.memory_space<hbm>>
      %dma_start3A_355 = tpu.memref_squeeze %dma_start3A_354 : memref<1x512xi32, #tpu.memory_space<hbm>> -> memref<512xi32, #tpu.memory_space<hbm>>
      %dma_start3A_356 = tpu.memref_slice %arg2[%run_scoped3A, %mul3A_2] : memref<26x16384xi32, #tpu.memory_space<hbm>> -> memref<1x512xi32, #tpu.memory_space<hbm>>
      %dma_start3A_357 = tpu.memref_squeeze %dma_start3A_356 : memref<1x512xi32, #tpu.memory_space<hbm>> -> memref<512xi32, #tpu.memory_space<hbm>>
      tpu.enqueue_dma source(%dma_start3A_357 : memref<512xi32, #tpu.memory_space<hbm>>) target(%arg9 : memref<512xi32, #tpu.memory_space<vmem>>) target_semaphore(%run_scoped3A_353 : memref<!tpu.dma_semaphore, #tpu.memory_space<semaphore_mem>>)
      %dma_wait3A_358 = tpu.memref_slice %arg2[%run_scoped3A, %mul3A_2] : memref<26x16384xi32, #tpu.memory_space<hbm>> -> memref<1x512xi32, #tpu.memory_space<hbm>>
      %dma_wait3A_359 = tpu.memref_squeeze %dma_wait3A_358 : memref<1x512xi32, #tpu.memory_space<hbm>> -> memref<512xi32, #tpu.memory_space<hbm>>
      %dma_wait3A_360 = tpu.memref_slice %arg2[%run_scoped3A, %mul3A_2] : memref<26x16384xi32, #tpu.memory_space<hbm>> -> memref<1x512xi32, #tpu.memory_space<hbm>>
      %dma_wait3A_361 = tpu.memref_squeeze %dma_wait3A_360 : memref<1x512xi32, #tpu.memory_space<hbm>> -> memref<512xi32, #tpu.memory_space<hbm>>
      tpu.wait_dma2 semaphore(%run_scoped3A_353 : memref<!tpu.dma_semaphore, #tpu.memory_space<semaphore_mem>>) src(%dma_wait3A_361 : memref<512xi32, #tpu.memory_space<hbm>>) dst(%arg9 : memref<512xi32, #tpu.memory_space<vmem>>)
      tpu.yield
    }) : () -> ()
    %dma_start3A = arith.constant 0 : i32
    %dma_start3A_3 = arith.constant 0 : i32
    %dma_start3A_4 = tpu.memref_slice %arg5[%dma_start3A, %dma_start3A_3] : memref<2600000x32xf32, #tpu.memory_space<hbm>> -> memref<2600000x32xf32, #tpu.memory_space<hbm>>
    tpu.enqueue_indirect_dma source(%dma_start3A_4 : memref<2600000x32xf32, #tpu.memory_space<hbm>>) target(%arg11 : memref<512x32xf32, #tpu.memory_space<vmem>>) offsets(%arg9 : memref<512xi32, #tpu.memory_space<vmem>>) semaphore(%arg19 : memref<!tpu.dma_semaphore, #tpu.memory_space<semaphore_mem>>)
    %run_scoped3A_5 = arith.constant 1 : i32
    "tpu.region"() ({
      %run_scoped3A_353 = tpu.sem_alloc : memref<!tpu.dma_semaphore, #tpu.memory_space<semaphore_mem>>
      %dma_start3A_354 = tpu.memref_slice %arg2[%run_scoped3A_5, %mul3A_2] : memref<26x16384xi32, #tpu.memory_space<hbm>> -> memref<1x512xi32, #tpu.memory_space<hbm>>
      %dma_start3A_355 = tpu.memref_squeeze %dma_start3A_354 : memref<1x512xi32, #tpu.memory_space<hbm>> -> memref<512xi32, #tpu.memory_space<hbm>>
      %dma_start3A_356 = tpu.memref_slice %arg2[%run_scoped3A_5, %mul3A_2] : memref<26x16384xi32, #tpu.memory_space<hbm>> -> memref<1x512xi32, #tpu.memory_space<hbm>>
      %dma_start3A_357 = tpu.memref_squeeze %dma_start3A_356 : memref<1x512xi32, #tpu.memory_space<hbm>> -> memref<512xi32, #tpu.memory_space<hbm>>
      tpu.enqueue_dma source(%dma_start3A_357 : memref<512xi32, #tpu.memory_space<hbm>>) target(%arg10 : memref<512xi32, #tpu.memory_space<vmem>>) target_semaphore(%run_scoped3A_353 : memref<!tpu.dma_semaphore, #tpu.memory_space<semaphore_mem>>)
      %dma_wait3A_358 = tpu.memref_slice %arg2[%run_scoped3A_5, %mul3A_2] : memref<26x16384xi32, #tpu.memory_space<hbm>> -> memref<1x512xi32, #tpu.memory_space<hbm>>
      %dma_wait3A_359 = tpu.memref_squeeze %dma_wait3A_358 : memref<1x512xi32, #tpu.memory_space<hbm>> -> memref<512xi32, #tpu.memory_space<hbm>>
      %dma_wait3A_360 = tpu.memref_slice %arg2[%run_scoped3A_5, %mul3A_2] : memref<26x16384xi32, #tpu.memory_space<hbm>> -> memref<1x512xi32, #tpu.memory_space<hbm>>
      %dma_wait3A_361 = tpu.memref_squeeze %dma_wait3A_360 : memref<1x512xi32, #tpu.memory_space<hbm>> -> memref<512xi32, #tpu.memory_space<hbm>>
      tpu.wait_dma2 semaphore(%run_scoped3A_353 : memref<!tpu.dma_semaphore, #tpu.memory_space<semaphore_mem>>) src(%dma_wait3A_361 : memref<512xi32, #tpu.memory_space<hbm>>) dst(%arg10 : memref<512xi32, #tpu.memory_space<vmem>>)
      tpu.yield
    }) : () -> ()
    %dma_start3A_6 = arith.constant 0 : i32
    %dma_start3A_7 = arith.constant 0 : i32
    %dma_start3A_8 = tpu.memref_slice %arg5[%dma_start3A_6, %dma_start3A_7] : memref<2600000x32xf32, #tpu.memory_space<hbm>> -> memref<2600000x32xf32, #tpu.memory_space<hbm>>
    tpu.enqueue_indirect_dma source(%dma_start3A_8 : memref<2600000x32xf32, #tpu.memory_space<hbm>>) target(%arg12 : memref<512x32xf32, #tpu.memory_space<vmem>>) offsets(%arg10 : memref<512xi32, #tpu.memory_space<vmem>>) semaphore(%arg20 : memref<!tpu.dma_semaphore, #tpu.memory_space<semaphore_mem>>)
    %dma_wait3A = arith.constant 0 : i32
    %dma_wait3A_9 = arith.constant 0 : i32
    %dma_wait3A_10 = tpu.memref_slice %arg5[%dma_wait3A, %dma_wait3A_9] : memref<2600000x32xf32, #tpu.memory_space<hbm>> -> memref<2600000x32xf32, #tpu.memory_space<hbm>>
    tpu.wait_indirect_dma semaphore(%arg19 : memref<!tpu.dma_semaphore, #tpu.memory_space<semaphore_mem>>) src(%dma_wait3A_10 : memref<2600000x32xf32, #tpu.memory_space<hbm>>) dst(%arg11 : memref<512x32xf32, #tpu.memory_space<vmem>>)
    %run_scoped3A_11 = arith.constant 0 : i32
    "tpu.region"() ({
      %run_scoped3A_353 = tpu.sem_alloc : memref<!tpu.dma_semaphore, #tpu.memory_space<semaphore_mem>>
      %dma_start3A_354 = arith.constant 0 : i32
      %dma_start3A_355 = tpu.memref_slice %arg8[%mul3A_2, %run_scoped3A_11, %dma_start3A_354] : memref<16384x28x32xf32, #tpu.memory_space<hbm>> -> memref<512x1x32xf32, #tpu.memory_space<hbm>>
      %dma_start3A_356 = tpu.memref_squeeze %dma_start3A_355 : memref<512x1x32xf32, #tpu.memory_space<hbm>> -> memref<512x32xf32, #tpu.memory_space<hbm>>
      %dma_start3A_357 = arith.constant 0 : i32
      %dma_start3A_358 = tpu.memref_slice %arg8[%mul3A_2, %run_scoped3A_11, %dma_start3A_357] : memref<16384x28x32xf32, #tpu.memory_space<hbm>> -> memref<512x1x32xf32, #tpu.memory_space<hbm>>
      %dma_start3A_359 = tpu.memref_squeeze %dma_start3A_358 : memref<512x1x32xf32, #tpu.memory_space<hbm>> -> memref<512x32xf32, #tpu.memory_space<hbm>>
      tpu.enqueue_dma source(%arg11 : memref<512x32xf32, #tpu.memory_space<vmem>>) target(%dma_start3A_359 : memref<512x32xf32, #tpu.memory_space<hbm>>) target_semaphore(%run_scoped3A_353 : memref<!tpu.dma_semaphore, #tpu.memory_space<semaphore_mem>>)
      %dma_wait3A_360 = arith.constant 0 : i32
      %dma_wait3A_361 = tpu.memref_slice %arg8[%mul3A_2, %run_scoped3A_11, %dma_wait3A_360] : memref<16384x28x32xf32, #tpu.memory_space<hbm>> -> memref<512x1x32xf32, #tpu.memory_space<hbm>>
      %dma_wait3A_362 = tpu.memref_squeeze %dma_wait3A_361 : memref<512x1x32xf32, #tpu.memory_space<hbm>> -> memref<512x32xf32, #tpu.memory_space<hbm>>
      %dma_wait3A_363 = arith.constant 0 : i32
      %dma_wait3A_364 = tpu.memref_slice %arg8[%mul3A_2, %run_scoped3A_11, %dma_wait3A_363] : memref<16384x28x32xf32, #tpu.memory_space<hbm>> -> memref<512x1x32xf32, #tpu.memory_space<hbm>>
      %dma_wait3A_365 = tpu.memref_squeeze %dma_wait3A_364 : memref<512x1x32xf32, #tpu.memory_space<hbm>> -> memref<512x32xf32, #tpu.memory_space<hbm>>
      tpu.wait_dma2 semaphore(%run_scoped3A_353 : memref<!tpu.dma_semaphore, #tpu.memory_space<semaphore_mem>>) src(%arg11 : memref<512x32xf32, #tpu.memory_space<vmem>>) dst(%dma_wait3A_365 : memref<512x32xf32, #tpu.memory_space<hbm>>)
      tpu.yield
    }) : () -> ()
    %run_scoped3A_12 = arith.constant 2 : i32
    "tpu.region"() ({
      %run_scoped3A_353 = tpu.sem_alloc : memref<!tpu.dma_semaphore, #tpu.memory_space<semaphore_mem>>
      %dma_start3A_354 = tpu.memref_slice %arg2[%run_scoped3A_12, %mul3A_2] : memref<26x16384xi32, #tpu.memory_space<hbm>> -> memref<1x512xi32, #tpu.memory_space<hbm>>
      %dma_start3A_355 = tpu.memref_squeeze %dma_start3A_354 : memref<1x512xi32, #tpu.memory_space<hbm>> -> memref<512xi32, #tpu.memory_space<hbm>>
      %dma_start3A_356 = tpu.memref_slice %arg2[%run_scoped3A_12, %mul3A_2] : memref<26x16384xi32, #tpu.memory_space<hbm>> -> memref<1x512xi32, #tpu.memory_space<hbm>>
      %dma_start3A_357 = tpu.memref_squeeze %dma_start3A_356 : memref<1x512xi32, #tpu.memory_space<hbm>> -> memref<512xi32, #tpu.memory_space<hbm>>
      tpu.enqueue_dma source(%dma_start3A_357 : memref<512xi32, #tpu.memory_space<hbm>>) target(%arg9 : memref<512xi32, #tpu.memory_space<vmem>>) target_semaphore(%run_scoped3A_353 : memref<!tpu.dma_semaphore, #tpu.memory_space<semaphore_mem>>)
      %dma_wait3A_358 = tpu.memref_slice %arg2[%run_scoped3A_12, %mul3A_2] : memref<26x16384xi32, #tpu.memory_space<hbm>> -> memref<1x512xi32, #tpu.memory_space<hbm>>
      %dma_wait3A_359 = tpu.memref_squeeze %dma_wait3A_358 : memref<1x512xi32, #tpu.memory_space<hbm>> -> memref<512xi32, #tpu.memory_space<hbm>>
      %dma_wait3A_360 = tpu.memref_slice %arg2[%run_scoped3A_12, %mul3A_2] : memref<26x16384xi32, #tpu.memory_space<hbm>> -> memref<1x512xi32, #tpu.memory_space<hbm>>
      %dma_wait3A_361 = tpu.memref_squeeze %dma_wait3A_360 : memref<1x512xi32, #tpu.memory_space<hbm>> -> memref<512xi32, #tpu.memory_space<hbm>>
      tpu.wait_dma2 semaphore(%run_scoped3A_353 : memref<!tpu.dma_semaphore, #tpu.memory_space<semaphore_mem>>) src(%dma_wait3A_361 : memref<512xi32, #tpu.memory_space<hbm>>) dst(%arg9 : memref<512xi32, #tpu.memory_space<vmem>>)
      tpu.yield
    }) : () -> ()
    %dma_start3A_13 = arith.constant 0 : i32
    %dma_start3A_14 = arith.constant 0 : i32
    %dma_start3A_15 = tpu.memref_slice %arg5[%dma_start3A_13, %dma_start3A_14] : memref<2600000x32xf32, #tpu.memory_space<hbm>> -> memref<2600000x32xf32, #tpu.memory_space<hbm>>
    tpu.enqueue_indirect_dma source(%dma_start3A_15 : memref<2600000x32xf32, #tpu.memory_space<hbm>>) target(%arg11 : memref<512x32xf32, #tpu.memory_space<vmem>>) offsets(%arg9 : memref<512xi32, #tpu.memory_space<vmem>>) semaphore(%arg19 : memref<!tpu.dma_semaphore, #tpu.memory_space<semaphore_mem>>)
    %dma_wait3A_16 = arith.constant 0 : i32
    %dma_wait3A_17 = arith.constant 0 : i32
    %dma_wait3A_18 = tpu.memref_slice %arg5[%dma_wait3A_16, %dma_wait3A_17] : memref<2600000x32xf32, #tpu.memory_space<hbm>> -> memref<2600000x32xf32, #tpu.memory_space<hbm>>
    tpu.wait_indirect_dma semaphore(%arg20 : memref<!tpu.dma_semaphore, #tpu.memory_space<semaphore_mem>>) src(%dma_wait3A_18 : memref<2600000x32xf32, #tpu.memory_space<hbm>>) dst(%arg12 : memref<512x32xf32, #tpu.memory_space<vmem>>)
    %run_scoped3A_19 = arith.constant 1 : i32
    "tpu.region"() ({
      %run_scoped3A_353 = tpu.sem_alloc : memref<!tpu.dma_semaphore, #tpu.memory_space<semaphore_mem>>
      %dma_start3A_354 = arith.constant 0 : i32
      %dma_start3A_355 = tpu.memref_slice %arg8[%mul3A_2, %run_scoped3A_19, %dma_start3A_354] : memref<16384x28x32xf32, #tpu.memory_space<hbm>> -> memref<512x1x32xf32, #tpu.memory_space<hbm>>
      %dma_start3A_356 = tpu.memref_squeeze %dma_start3A_355 : memref<512x1x32xf32, #tpu.memory_space<hbm>> -> memref<512x32xf32, #tpu.memory_space<hbm>>
      %dma_start3A_357 = arith.constant 0 : i32
      %dma_start3A_358 = tpu.memref_slice %arg8[%mul3A_2, %run_scoped3A_19, %dma_start3A_357] : memref<16384x28x32xf32, #tpu.memory_space<hbm>> -> memref<512x1x32xf32, #tpu.memory_space<hbm>>
      %dma_start3A_359 = tpu.memref_squeeze %dma_start3A_358 : memref<512x1x32xf32, #tpu.memory_space<hbm>> -> memref<512x32xf32, #tpu.memory_space<hbm>>
      tpu.enqueue_dma source(%arg12 : memref<512x32xf32, #tpu.memory_space<vmem>>) target(%dma_start3A_359 : memref<512x32xf32, #tpu.memory_space<hbm>>) target_semaphore(%run_scoped3A_353 : memref<!tpu.dma_semaphore, #tpu.memory_space<semaphore_mem>>)
      %dma_wait3A_360 = arith.constant 0 : i32
      %dma_wait3A_361 = tpu.memref_slice %arg8[%mul3A_2, %run_scoped3A_19, %dma_wait3A_360] : memref<16384x28x32xf32, #tpu.memory_space<hbm>> -> memref<512x1x32xf32, #tpu.memory_space<hbm>>
      %dma_wait3A_362 = tpu.memref_squeeze %dma_wait3A_361 : memref<512x1x32xf32, #tpu.memory_space<hbm>> -> memref<512x32xf32, #tpu.memory_space<hbm>>
      %dma_wait3A_363 = arith.constant 0 : i32
      %dma_wait3A_364 = tpu.memref_slice %arg8[%mul3A_2, %run_scoped3A_19, %dma_wait3A_363] : memref<16384x28x32xf32, #tpu.memory_space<hbm>> -> memref<512x1x32xf32, #tpu.memory_space<hbm>>
      %dma_wait3A_365 = tpu.memref_squeeze %dma_wait3A_364 : memref<512x1x32xf32, #tpu.memory_space<hbm>> -> memref<512x32xf32, #tpu.memory_space<hbm>>
      tpu.wait_dma2 semaphore(%run_scoped3A_353 : memref<!tpu.dma_semaphore, #tpu.memory_space<semaphore_mem>>) src(%arg12 : memref<512x32xf32, #tpu.memory_space<vmem>>) dst(%dma_wait3A_365 : memref<512x32xf32, #tpu.memory_space<hbm>>)
      tpu.yield
    }) : () -> ()
    %run_scoped3A_20 = arith.constant 3 : i32
    "tpu.region"() ({
      %run_scoped3A_353 = tpu.sem_alloc : memref<!tpu.dma_semaphore, #tpu.memory_space<semaphore_mem>>
      %dma_start3A_354 = tpu.memref_slice %arg2[%run_scoped3A_20, %mul3A_2] : memref<26x16384xi32, #tpu.memory_space<hbm>> -> memref<1x512xi32, #tpu.memory_space<hbm>>
      %dma_start3A_355 = tpu.memref_squeeze %dma_start3A_354 : memref<1x512xi32, #tpu.memory_space<hbm>> -> memref<512xi32, #tpu.memory_space<hbm>>
      %dma_start3A_356 = tpu.memref_slice %arg2[%run_scoped3A_20, %mul3A_2] : memref<26x16384xi32, #tpu.memory_space<hbm>> -> memref<1x512xi32, #tpu.memory_space<hbm>>
      %dma_start3A_357 = tpu.memref_squeeze %dma_start3A_356 : memref<1x512xi32, #tpu.memory_space<hbm>> -> memref<512xi32, #tpu.memory_space<hbm>>
      tpu.enqueue_dma source(%dma_start3A_357 : memref<512xi32, #tpu.memory_space<hbm>>) target(%arg10 : memref<512xi32, #tpu.memory_space<vmem>>) target_semaphore(%run_scoped3A_353 : memref<!tpu.dma_semaphore, #tpu.memory_space<semaphore_mem>>)
      %dma_wait3A_358 = tpu.memref_slice %arg2[%run_scoped3A_20, %mul3A_2] : memref<26x16384xi32, #tpu.memory_space<hbm>> -> memref<1x512xi32, #tpu.memory_space<hbm>>
      %dma_wait3A_359 = tpu.memref_squeeze %dma_wait3A_358 : memref<1x512xi32, #tpu.memory_space<hbm>> -> memref<512xi32, #tpu.memory_space<hbm>>
      %dma_wait3A_360 = tpu.memref_slice %arg2[%run_scoped3A_20, %mul3A_2] : memref<26x16384xi32, #tpu.memory_space<hbm>> -> memref<1x512xi32, #tpu.memory_space<hbm>>
      %dma_wait3A_361 = tpu.memref_squeeze %dma_wait3A_360 : memref<1x512xi32, #tpu.memory_space<hbm>> -> memref<512xi32, #tpu.memory_space<hbm>>
      tpu.wait_dma2 semaphore(%run_scoped3A_353 : memref<!tpu.dma_semaphore, #tpu.memory_space<semaphore_mem>>) src(%dma_wait3A_361 : memref<512xi32, #tpu.memory_space<hbm>>) dst(%arg10 : memref<512xi32, #tpu.memory_space<vmem>>)
      tpu.yield
    }) : () -> ()
    %dma_start3A_21 = arith.constant 0 : i32
    %dma_start3A_22 = arith.constant 0 : i32
    %dma_start3A_23 = tpu.memref_slice %arg5[%dma_start3A_21, %dma_start3A_22] : memref<2600000x32xf32, #tpu.memory_space<hbm>> -> memref<2600000x32xf32, #tpu.memory_space<hbm>>
    tpu.enqueue_indirect_dma source(%dma_start3A_23 : memref<2600000x32xf32, #tpu.memory_space<hbm>>) target(%arg12 : memref<512x32xf32, #tpu.memory_space<vmem>>) offsets(%arg10 : memref<512xi32, #tpu.memory_space<vmem>>) semaphore(%arg20 : memref<!tpu.dma_semaphore, #tpu.memory_space<semaphore_mem>>)
    %dma_wait3A_24 = arith.constant 0 : i32
    %dma_wait3A_25 = arith.constant 0 : i32
    %dma_wait3A_26 = tpu.memref_slice %arg5[%dma_wait3A_24, %dma_wait3A_25] : memref<2600000x32xf32, #tpu.memory_space<hbm>> -> memref<2600000x32xf32, #tpu.memory_space<hbm>>
    tpu.wait_indirect_dma semaphore(%arg19 : memref<!tpu.dma_semaphore, #tpu.memory_space<semaphore_mem>>) src(%dma_wait3A_26 : memref<2600000x32xf32, #tpu.memory_space<hbm>>) dst(%arg11 : memref<512x32xf32, #tpu.memory_space<vmem>>)
    %run_scoped3A_27 = arith.constant 2 : i32
    "tpu.region"() ({
      %run_scoped3A_353 = tpu.sem_alloc : memref<!tpu.dma_semaphore, #tpu.memory_space<semaphore_mem>>
      %dma_start3A_354 = arith.constant 0 : i32
      %dma_start3A_355 = tpu.memref_slice %arg8[%mul3A_2, %run_scoped3A_27, %dma_start3A_354] : memref<16384x28x32xf32, #tpu.memory_space<hbm>> -> memref<512x1x32xf32, #tpu.memory_space<hbm>>
      %dma_start3A_356 = tpu.memref_squeeze %dma_start3A_355 : memref<512x1x32xf32, #tpu.memory_space<hbm>> -> memref<512x32xf32, #tpu.memory_space<hbm>>
      %dma_start3A_357 = arith.constant 0 : i32
      %dma_start3A_358 = tpu.memref_slice %arg8[%mul3A_2, %run_scoped3A_27, %dma_start3A_357] : memref<16384x28x32xf32, #tpu.memory_space<hbm>> -> memref<512x1x32xf32, #tpu.memory_space<hbm>>
      %dma_start3A_359 = tpu.memref_squeeze %dma_start3A_358 : memref<512x1x32xf32, #tpu.memory_space<hbm>> -> memref<512x32xf32, #tpu.memory_space<hbm>>
      tpu.enqueue_dma source(%arg11 : memref<512x32xf32, #tpu.memory_space<vmem>>) target(%dma_start3A_359 : memref<512x32xf32, #tpu.memory_space<hbm>>) target_semaphore(%run_scoped3A_353 : memref<!tpu.dma_semaphore, #tpu.memory_space<semaphore_mem>>)
      %dma_wait3A_360 = arith.constant 0 : i32
      %dma_wait3A_361 = tpu.memref_slice %arg8[%mul3A_2, %run_scoped3A_27, %dma_wait3A_360] : memref<16384x28x32xf32, #tpu.memory_space<hbm>> -> memref<512x1x32xf32, #tpu.memory_space<hbm>>
      %dma_wait3A_362 = tpu.memref_squeeze %dma_wait3A_361 : memref<512x1x32xf32, #tpu.memory_space<hbm>> -> memref<512x32xf32, #tpu.memory_space<hbm>>
      %dma_wait3A_363 = arith.constant 0 : i32
      %dma_wait3A_364 = tpu.memref_slice %arg8[%mul3A_2, %run_scoped3A_27, %dma_wait3A_363] : memref<16384x28x32xf32, #tpu.memory_space<hbm>> -> memref<512x1x32xf32, #tpu.memory_space<hbm>>
      %dma_wait3A_365 = tpu.memref_squeeze %dma_wait3A_364 : memref<512x1x32xf32, #tpu.memory_space<hbm>> -> memref<512x32xf32, #tpu.memory_space<hbm>>
      tpu.wait_dma2 semaphore(%run_scoped3A_353 : memref<!tpu.dma_semaphore, #tpu.memory_space<semaphore_mem>>) src(%arg11 : memref<512x32xf32, #tpu.memory_space<vmem>>) dst(%dma_wait3A_365 : memref<512x32xf32, #tpu.memory_space<hbm>>)
      tpu.yield
    }) : () -> ()
    %run_scoped3A_28 = arith.constant 4 : i32
    "tpu.region"() ({
      %run_scoped3A_353 = tpu.sem_alloc : memref<!tpu.dma_semaphore, #tpu.memory_space<semaphore_mem>>
      %dma_start3A_354 = tpu.memref_slice %arg2[%run_scoped3A_28, %mul3A_2] : memref<26x16384xi32, #tpu.memory_space<hbm>> -> memref<1x512xi32, #tpu.memory_space<hbm>>
      %dma_start3A_355 = tpu.memref_squeeze %dma_start3A_354 : memref<1x512xi32, #tpu.memory_space<hbm>> -> memref<512xi32, #tpu.memory_space<hbm>>
      %dma_start3A_356 = tpu.memref_slice %arg2[%run_scoped3A_28, %mul3A_2] : memref<26x16384xi32, #tpu.memory_space<hbm>> -> memref<1x512xi32, #tpu.memory_space<hbm>>
      %dma_start3A_357 = tpu.memref_squeeze %dma_start3A_356 : memref<1x512xi32, #tpu.memory_space<hbm>> -> memref<512xi32, #tpu.memory_space<hbm>>
      tpu.enqueue_dma source(%dma_start3A_357 : memref<512xi32, #tpu.memory_space<hbm>>) target(%arg9 : memref<512xi32, #tpu.memory_space<vmem>>) target_semaphore(%run_scoped3A_353 : memref<!tpu.dma_semaphore, #tpu.memory_space<semaphore_mem>>)
      %dma_wait3A_358 = tpu.memref_slice %arg2[%run_scoped3A_28, %mul3A_2] : memref<26x16384xi32, #tpu.memory_space<hbm>> -> memref<1x512xi32, #tpu.memory_space<hbm>>
      %dma_wait3A_359 = tpu.memref_squeeze %dma_wait3A_358 : memref<1x512xi32, #tpu.memory_space<hbm>> -> memref<512xi32, #tpu.memory_space<hbm>>
      %dma_wait3A_360 = tpu.memref_slice %arg2[%run_scoped3A_28, %mul3A_2] : memref<26x16384xi32, #tpu.memory_space<hbm>> -> memref<1x512xi32, #tpu.memory_space<hbm>>
      %dma_wait3A_361 = tpu.memref_squeeze %dma_wait3A_360 : memref<1x512xi32, #tpu.memory_space<hbm>> -> memref<512xi32, #tpu.memory_space<hbm>>
      tpu.wait_dma2 semaphore(%run_scoped3A_353 : memref<!tpu.dma_semaphore, #tpu.memory_space<semaphore_mem>>) src(%dma_wait3A_361 : memref<512xi32, #tpu.memory_space<hbm>>) dst(%arg9 : memref<512xi32, #tpu.memory_space<vmem>>)
      tpu.yield
    }) : () -> ()
    %dma_start3A_29 = arith.constant 0 : i32
    %dma_start3A_30 = arith.constant 0 : i32
    %dma_start3A_31 = tpu.memref_slice %arg5[%dma_start3A_29, %dma_start3A_30] : memref<2600000x32xf32, #tpu.memory_space<hbm>> -> memref<2600000x32xf32, #tpu.memory_space<hbm>>
    tpu.enqueue_indirect_dma source(%dma_start3A_31 : memref<2600000x32xf32, #tpu.memory_space<hbm>>) target(%arg11 : memref<512x32xf32, #tpu.memory_space<vmem>>) offsets(%arg9 : memref<512xi32, #tpu.memory_space<vmem>>) semaphore(%arg19 : memref<!tpu.dma_semaphore, #tpu.memory_space<semaphore_mem>>)
    %dma_wait3A_32 = arith.constant 0 : i32
    %dma_wait3A_33 = arith.constant 0 : i32
    %dma_wait3A_34 = tpu.memref_slice %arg5[%dma_wait3A_32, %dma_wait3A_33] : memref<2600000x32xf32, #tpu.memory_space<hbm>> -> memref<2600000x32xf32, #tpu.memory_space<hbm>>
    tpu.wait_indirect_dma semaphore(%arg20 : memref<!tpu.dma_semaphore, #tpu.memory_space<semaphore_mem>>) src(%dma_wait3A_34 : memref<2600000x32xf32, #tpu.memory_space<hbm>>) dst(%arg12 : memref<512x32xf32, #tpu.memory_space<vmem>>)
    %run_scoped3A_35 = arith.constant 3 : i32
    "tpu.region"() ({
      %run_scoped3A_353 = tpu.sem_alloc : memref<!tpu.dma_semaphore, #tpu.memory_space<semaphore_mem>>
      %dma_start3A_354 = arith.constant 0 : i32
      %dma_start3A_355 = tpu.memref_slice %arg8[%mul3A_2, %run_scoped3A_35, %dma_start3A_354] : memref<16384x28x32xf32, #tpu.memory_space<hbm>> -> memref<512x1x32xf32, #tpu.memory_space<hbm>>
      %dma_start3A_356 = tpu.memref_squeeze %dma_start3A_355 : memref<512x1x32xf32, #tpu.memory_space<hbm>> -> memref<512x32xf32, #tpu.memory_space<hbm>>
      %dma_start3A_357 = arith.constant 0 : i32
      %dma_start3A_358 = tpu.memref_slice %arg8[%mul3A_2, %run_scoped3A_35, %dma_start3A_357] : memref<16384x28x32xf32, #tpu.memory_space<hbm>> -> memref<512x1x32xf32, #tpu.memory_space<hbm>>
      %dma_start3A_359 = tpu.memref_squeeze %dma_start3A_358 : memref<512x1x32xf32, #tpu.memory_space<hbm>> -> memref<512x32xf32, #tpu.memory_space<hbm>>
      tpu.enqueue_dma source(%arg12 : memref<512x32xf32, #tpu.memory_space<vmem>>) target(%dma_start3A_359 : memref<512x32xf32, #tpu.memory_space<hbm>>) target_semaphore(%run_scoped3A_353 : memref<!tpu.dma_semaphore, #tpu.memory_space<semaphore_mem>>)
      %dma_wait3A_360 = arith.constant 0 : i32
      %dma_wait3A_361 = tpu.memref_slice %arg8[%mul3A_2, %run_scoped3A_35, %dma_wait3A_360] : memref<16384x28x32xf32, #tpu.memory_space<hbm>> -> memref<512x1x32xf32, #tpu.memory_space<hbm>>
      %dma_wait3A_362 = tpu.memref_squeeze %dma_wait3A_361 : memref<512x1x32xf32, #tpu.memory_space<hbm>> -> memref<512x32xf32, #tpu.memory_space<hbm>>
      %dma_wait3A_363 = arith.constant 0 : i32
      %dma_wait3A_364 = tpu.memref_slice %arg8[%mul3A_2, %run_scoped3A_35, %dma_wait3A_363] : memref<16384x28x32xf32, #tpu.memory_space<hbm>> -> memref<512x1x32xf32, #tpu.memory_space<hbm>>
      %dma_wait3A_365 = tpu.memref_squeeze %dma_wait3A_364 : memref<512x1x32xf32, #tpu.memory_space<hbm>> -> memref<512x32xf32, #tpu.memory_space<hbm>>
      tpu.wait_dma2 semaphore(%run_scoped3A_353 : memref<!tpu.dma_semaphore, #tpu.memory_space<semaphore_mem>>) src(%arg12 : memref<512x32xf32, #tpu.memory_space<vmem>>) dst(%dma_wait3A_365 : memref<512x32xf32, #tpu.memory_space<hbm>>)
      tpu.yield
    }) : () -> ()
    %run_scoped3A_36 = arith.constant 5 : i32
    "tpu.region"() ({
      %run_scoped3A_353 = tpu.sem_alloc : memref<!tpu.dma_semaphore, #tpu.memory_space<semaphore_mem>>
      %dma_start3A_354 = tpu.memref_slice %arg2[%run_scoped3A_36, %mul3A_2] : memref<26x16384xi32, #tpu.memory_space<hbm>> -> memref<1x512xi32, #tpu.memory_space<hbm>>
      %dma_start3A_355 = tpu.memref_squeeze %dma_start3A_354 : memref<1x512xi32, #tpu.memory_space<hbm>> -> memref<512xi32, #tpu.memory_space<hbm>>
      %dma_start3A_356 = tpu.memref_slice %arg2[%run_scoped3A_36, %mul3A_2] : memref<26x16384xi32, #tpu.memory_space<hbm>> -> memref<1x512xi32, #tpu.memory_space<hbm>>
      %dma_start3A_357 = tpu.memref_squeeze %dma_start3A_356 : memref<1x512xi32, #tpu.memory_space<hbm>> -> memref<512xi32, #tpu.memory_space<hbm>>
      tpu.enqueue_dma source(%dma_start3A_357 : memref<512xi32, #tpu.memory_space<hbm>>) target(%arg10 : memref<512xi32, #tpu.memory_space<vmem>>) target_semaphore(%run_scoped3A_353 : memref<!tpu.dma_semaphore, #tpu.memory_space<semaphore_mem>>)
      %dma_wait3A_358 = tpu.memref_slice %arg2[%run_scoped3A_36, %mul3A_2] : memref<26x16384xi32, #tpu.memory_space<hbm>> -> memref<1x512xi32, #tpu.memory_space<hbm>>
      %dma_wait3A_359 = tpu.memref_squeeze %dma_wait3A_358 : memref<1x512xi32, #tpu.memory_space<hbm>> -> memref<512xi32, #tpu.memory_space<hbm>>
      %dma_wait3A_360 = tpu.memref_slice %arg2[%run_scoped3A_36, %mul3A_2] : memref<26x16384xi32, #tpu.memory_space<hbm>> -> memref<1x512xi32, #tpu.memory_space<hbm>>
      %dma_wait3A_361 = tpu.memref_squeeze %dma_wait3A_360 : memref<1x512xi32, #tpu.memory_space<hbm>> -> memref<512xi32, #tpu.memory_space<hbm>>
      tpu.wait_dma2 semaphore(%run_scoped3A_353 : memref<!tpu.dma_semaphore, #tpu.memory_space<semaphore_mem>>) src(%dma_wait3A_361 : memref<512xi32, #tpu.memory_space<hbm>>) dst(%arg10 : memref<512xi32, #tpu.memory_space<vmem>>)
      tpu.yield
    }) : () -> ()
    %dma_start3A_37 = arith.constant 0 : i32
    %dma_start3A_38 = arith.constant 0 : i32
    %dma_start3A_39 = tpu.memref_slice %arg5[%dma_start3A_37, %dma_start3A_38] : memref<2600000x32xf32, #tpu.memory_space<hbm>> -> memref<2600000x32xf32, #tpu.memory_space<hbm>>
    tpu.enqueue_indirect_dma source(%dma_start3A_39 : memref<2600000x32xf32, #tpu.memory_space<hbm>>) target(%arg12 : memref<512x32xf32, #tpu.memory_space<vmem>>) offsets(%arg10 : memref<512xi32, #tpu.memory_space<vmem>>) semaphore(%arg20 : memref<!tpu.dma_semaphore, #tpu.memory_space<semaphore_mem>>)
    %dma_wait3A_40 = arith.constant 0 : i32
    %dma_wait3A_41 = arith.constant 0 : i32
    %dma_wait3A_42 = tpu.memref_slice %arg5[%dma_wait3A_40, %dma_wait3A_41] : memref<2600000x32xf32, #tpu.memory_space<hbm>> -> memref<2600000x32xf32, #tpu.memory_space<hbm>>
    tpu.wait_indirect_dma semaphore(%arg19 : memref<!tpu.dma_semaphore, #tpu.memory_space<semaphore_mem>>) src(%dma_wait3A_42 : memref<2600000x32xf32, #tpu.memory_space<hbm>>) dst(%arg11 : memref<512x32xf32, #tpu.memory_space<vmem>>)
    %run_scoped3A_43 = arith.constant 4 : i32
    "tpu.region"() ({
      %run_scoped3A_353 = tpu.sem_alloc : memref<!tpu.dma_semaphore, #tpu.memory_space<semaphore_mem>>
      %dma_start3A_354 = arith.constant 0 : i32
      %dma_start3A_355 = tpu.memref_slice %arg8[%mul3A_2, %run_scoped3A_43, %dma_start3A_354] : memref<16384x28x32xf32, #tpu.memory_space<hbm>> -> memref<512x1x32xf32, #tpu.memory_space<hbm>>
      %dma_start3A_356 = tpu.memref_squeeze %dma_start3A_355 : memref<512x1x32xf32, #tpu.memory_space<hbm>> -> memref<512x32xf32, #tpu.memory_space<hbm>>
      %dma_start3A_357 = arith.constant 0 : i32
      %dma_start3A_358 = tpu.memref_slice %arg8[%mul3A_2, %run_scoped3A_43, %dma_start3A_357] : memref<16384x28x32xf32, #tpu.memory_space<hbm>> -> memref<512x1x32xf32, #tpu.memory_space<hbm>>
      %dma_start3A_359 = tpu.memref_squeeze %dma_start3A_358 : memref<512x1x32xf32, #tpu.memory_space<hbm>> -> memref<512x32xf32, #tpu.memory_space<hbm>>
      tpu.enqueue_dma source(%arg11 : memref<512x32xf32, #tpu.memory_space<vmem>>) target(%dma_start3A_359 : memref<512x32xf32, #tpu.memory_space<hbm>>) target_semaphore(%run_scoped3A_353 : memref<!tpu.dma_semaphore, #tpu.memory_space<semaphore_mem>>)
      %dma_wait3A_360 = arith.constant 0 : i32
      %dma_wait3A_361 = tpu.memref_slice %arg8[%mul3A_2, %run_scoped3A_43, %dma_wait3A_360] : memref<16384x28x32xf32, #tpu.memory_space<hbm>> -> memref<512x1x32xf32, #tpu.memory_space<hbm>>
      %dma_wait3A_362 = tpu.memref_squeeze %dma_wait3A_361 : memref<512x1x32xf32, #tpu.memory_space<hbm>> -> memref<512x32xf32, #tpu.memory_space<hbm>>
      %dma_wait3A_363 = arith.constant 0 : i32
      %dma_wait3A_364 = tpu.memref_slice %arg8[%mul3A_2, %run_scoped3A_43, %dma_wait3A_363] : memref<16384x28x32xf32, #tpu.memory_space<hbm>> -> memref<512x1x32xf32, #tpu.memory_space<hbm>>
      %dma_wait3A_365 = tpu.memref_squeeze %dma_wait3A_364 : memref<512x1x32xf32, #tpu.memory_space<hbm>> -> memref<512x32xf32, #tpu.memory_space<hbm>>
      tpu.wait_dma2 semaphore(%run_scoped3A_353 : memref<!tpu.dma_semaphore, #tpu.memory_space<semaphore_mem>>) src(%arg11 : memref<512x32xf32, #tpu.memory_space<vmem>>) dst(%dma_wait3A_365 : memref<512x32xf32, #tpu.memory_space<hbm>>)
      tpu.yield
    }) : () -> ()
    %run_scoped3A_44 = arith.constant 6 : i32
    "tpu.region"() ({
      %run_scoped3A_353 = tpu.sem_alloc : memref<!tpu.dma_semaphore, #tpu.memory_space<semaphore_mem>>
      %dma_start3A_354 = tpu.memref_slice %arg2[%run_scoped3A_44, %mul3A_2] : memref<26x16384xi32, #tpu.memory_space<hbm>> -> memref<1x512xi32, #tpu.memory_space<hbm>>
      %dma_start3A_355 = tpu.memref_squeeze %dma_start3A_354 : memref<1x512xi32, #tpu.memory_space<hbm>> -> memref<512xi32, #tpu.memory_space<hbm>>
      %dma_start3A_356 = tpu.memref_slice %arg2[%run_scoped3A_44, %mul3A_2] : memref<26x16384xi32, #tpu.memory_space<hbm>> -> memref<1x512xi32, #tpu.memory_space<hbm>>
      %dma_start3A_357 = tpu.memref_squeeze %dma_start3A_356 : memref<1x512xi32, #tpu.memory_space<hbm>> -> memref<512xi32, #tpu.memory_space<hbm>>
      tpu.enqueue_dma source(%dma_start3A_357 : memref<512xi32, #tpu.memory_space<hbm>>) target(%arg9 : memref<512xi32, #tpu.memory_space<vmem>>) target_semaphore(%run_scoped3A_353 : memref<!tpu.dma_semaphore, #tpu.memory_space<semaphore_mem>>)
      %dma_wait3A_358 = tpu.memref_slice %arg2[%run_scoped3A_44, %mul3A_2] : memref<26x16384xi32, #tpu.memory_space<hbm>> -> memref<1x512xi32, #tpu.memory_space<hbm>>
      %dma_wait3A_359 = tpu.memref_squeeze %dma_wait3A_358 : memref<1x512xi32, #tpu.memory_space<hbm>> -> memref<512xi32, #tpu.memory_space<hbm>>
      %dma_wait3A_360 = tpu.memref_slice %arg2[%run_scoped3A_44, %mul3A_2] : memref<26x16384xi32, #tpu.memory_space<hbm>> -> memref<1x512xi32, #tpu.memory_space<hbm>>
      %dma_wait3A_361 = tpu.memref_squeeze %dma_wait3A_360 : memref<1x512xi32, #tpu.memory_space<hbm>> -> memref<512xi32, #tpu.memory_space<hbm>>
      tpu.wait_dma2 semaphore(%run_scoped3A_353 : memref<!tpu.dma_semaphore, #tpu.memory_space<semaphore_mem>>) src(%dma_wait3A_361 : memref<512xi32, #tpu.memory_space<hbm>>) dst(%arg9 : memref<512xi32, #tpu.memory_space<vmem>>)
      tpu.yield
    }) : () -> ()
    %dma_start3A_45 = arith.constant 0 : i32
    %dma_start3A_46 = arith.constant 0 : i32
    %dma_start3A_47 = tpu.memref_slice %arg5[%dma_start3A_45, %dma_start3A_46] : memref<2600000x32xf32, #tpu.memory_space<hbm>> -> memref<2600000x32xf32, #tpu.memory_space<hbm>>
    tpu.enqueue_indirect_dma source(%dma_start3A_47 : memref<2600000x32xf32, #tpu.memory_space<hbm>>) target(%arg11 : memref<512x32xf32, #tpu.memory_space<vmem>>) offsets(%arg9 : memref<512xi32, #tpu.memory_space<vmem>>) semaphore(%arg19 : memref<!tpu.dma_semaphore, #tpu.memory_space<semaphore_mem>>)
    %dma_wait3A_48 = arith.constant 0 : i32
    %dma_wait3A_49 = arith.constant 0 : i32
    %dma_wait3A_50 = tpu.memref_slice %arg5[%dma_wait3A_48, %dma_wait3A_49] : memref<2600000x32xf32, #tpu.memory_space<hbm>> -> memref<2600000x32xf32, #tpu.memory_space<hbm>>
    tpu.wait_indirect_dma semaphore(%arg20 : memref<!tpu.dma_semaphore, #tpu.memory_space<semaphore_mem>>) src(%dma_wait3A_50 : memref<2600000x32xf32, #tpu.memory_space<hbm>>) dst(%arg12 : memref<512x32xf32, #tpu.memory_space<vmem>>)
    %run_scoped3A_51 = arith.constant 5 : i32
    "tpu.region"() ({
      %run_scoped3A_353 = tpu.sem_alloc : memref<!tpu.dma_semaphore, #tpu.memory_space<semaphore_mem>>
      %dma_start3A_354 = arith.constant 0 : i32
      %dma_start3A_355 = tpu.memref_slice %arg8[%mul3A_2, %run_scoped3A_51, %dma_start3A_354] : memref<16384x28x32xf32, #tpu.memory_space<hbm>> -> memref<512x1x32xf32, #tpu.memory_space<hbm>>
      %dma_start3A_356 = tpu.memref_squeeze %dma_start3A_355 : memref<512x1x32xf32, #tpu.memory_space<hbm>> -> memref<512x32xf32, #tpu.memory_space<hbm>>
      %dma_start3A_357 = arith.constant 0 : i32
      %dma_start3A_358 = tpu.memref_slice %arg8[%mul3A_2, %run_scoped3A_51, %dma_start3A_357] : memref<16384x28x32xf32, #tpu.memory_space<hbm>> -> memref<512x1x32xf32, #tpu.memory_space<hbm>>
      %dma_start3A_359 = tpu.memref_squeeze %dma_start3A_358 : memref<512x1x32xf32, #tpu.memory_space<hbm>> -> memref<512x32xf32, #tpu.memory_space<hbm>>
      tpu.enqueue_dma source(%arg12 : memref<512x32xf32, #tpu.memory_space<vmem>>) target(%dma_start3A_359 : memref<512x32xf32, #tpu.memory_space<hbm>>) target_semaphore(%run_scoped3A_353 : memref<!tpu.dma_semaphore, #tpu.memory_space<semaphore_mem>>)
      %dma_wait3A_360 = arith.constant 0 : i32
      %dma_wait3A_361 = tpu.memref_slice %arg8[%mul3A_2, %run_scoped3A_51, %dma_wait3A_360] : memref<16384x28x32xf32, #tpu.memory_space<hbm>> -> memref<512x1x32xf32, #tpu.memory_space<hbm>>
      %dma_wait3A_362 = tpu.memref_squeeze %dma_wait3A_361 : memref<512x1x32xf32, #tpu.memory_space<hbm>> -> memref<512x32xf32, #tpu.memory_space<hbm>>
      %dma_wait3A_363 = arith.constant 0 : i32
      %dma_wait3A_364 = tpu.memref_slice %arg8[%mul3A_2, %run_scoped3A_51, %dma_wait3A_363] : memref<16384x28x32xf32, #tpu.memory_space<hbm>> -> memref<512x1x32xf32, #tpu.memory_space<hbm>>
      %dma_wait3A_365 = tpu.memref_squeeze %dma_wait3A_364 : memref<512x1x32xf32, #tpu.memory_space<hbm>> -> memref<512x32xf32, #tpu.memory_space<hbm>>
      tpu.wait_dma2 semaphore(%run_scoped3A_353 : memref<!tpu.dma_semaphore, #tpu.memory_space<semaphore_mem>>) src(%arg12 : memref<512x32xf32, #tpu.memory_space<vmem>>) dst(%dma_wait3A_365 : memref<512x32xf32, #tpu.memory_space<hbm>>)
      tpu.yield
    }) : () -> ()
    %run_scoped3A_52 = arith.constant 7 : i32
    "tpu.region"() ({
      %run_scoped3A_353 = tpu.sem_alloc : memref<!tpu.dma_semaphore, #tpu.memory_space<semaphore_mem>>
      %dma_start3A_354 = tpu.memref_slice %arg2[%run_scoped3A_52, %mul3A_2] : memref<26x16384xi32, #tpu.memory_space<hbm>> -> memref<1x512xi32, #tpu.memory_space<hbm>>
      %dma_start3A_355 = tpu.memref_squeeze %dma_start3A_354 : memref<1x512xi32, #tpu.memory_space<hbm>> -> memref<512xi32, #tpu.memory_space<hbm>>
      %dma_start3A_356 = tpu.memref_slice %arg2[%run_scoped3A_52, %mul3A_2] : memref<26x16384xi32, #tpu.memory_space<hbm>> -> memref<1x512xi32, #tpu.memory_space<hbm>>
      %dma_start3A_357 = tpu.memref_squeeze %dma_start3A_356 : memref<1x512xi32, #tpu.memory_space<hbm>> -> memref<512xi32, #tpu.memory_space<hbm>>
      tpu.enqueue_dma source(%dma_start3A_357 : memref<512xi32, #tpu.memory_space<hbm>>) target(%arg10 : memref<512xi32, #tpu.memory_space<vmem>>) target_semaphore(%run_scoped3A_353 : memref<!tpu.dma_semaphore, #tpu.memory_space<semaphore_mem>>)
      %dma_wait3A_358 = tpu.memref_slice %arg2[%run_scoped3A_52, %mul3A_2] : memref<26x16384xi32, #tpu.memory_space<hbm>> -> memref<1x512xi32, #tpu.memory_space<hbm>>
      %dma_wait3A_359 = tpu.memref_squeeze %dma_wait3A_358 : memref<1x512xi32, #tpu.memory_space<hbm>> -> memref<512xi32, #tpu.memory_space<hbm>>
      %dma_wait3A_360 = tpu.memref_slice %arg2[%run_scoped3A_52, %mul3A_2] : memref<26x16384xi32, #tpu.memory_space<hbm>> -> memref<1x512xi32, #tpu.memory_space<hbm>>
      %dma_wait3A_361 = tpu.memref_squeeze %dma_wait3A_360 : memref<1x512xi32, #tpu.memory_space<hbm>> -> memref<512xi32, #tpu.memory_space<hbm>>
      tpu.wait_dma2 semaphore(%run_scoped3A_353 : memref<!tpu.dma_semaphore, #tpu.memory_space<semaphore_mem>>) src(%dma_wait3A_361 : memref<512xi32, #tpu.memory_space<hbm>>) dst(%arg10 : memref<512xi32, #tpu.memory_space<vmem>>)
      tpu.yield
    }) : () -> ()
    %dma_start3A_53 = arith.constant 0 : i32
    %dma_start3A_54 = arith.constant 0 : i32
    %dma_start3A_55 = tpu.memref_slice %arg5[%dma_start3A_53, %dma_start3A_54] : memref<2600000x32xf32, #tpu.memory_space<hbm>> -> memref<2600000x32xf32, #tpu.memory_space<hbm>>
    tpu.enqueue_indirect_dma source(%dma_start3A_55 : memref<2600000x32xf32, #tpu.memory_space<hbm>>) target(%arg12 : memref<512x32xf32, #tpu.memory_space<vmem>>) offsets(%arg10 : memref<512xi32, #tpu.memory_space<vmem>>) semaphore(%arg20 : memref<!tpu.dma_semaphore, #tpu.memory_space<semaphore_mem>>)
    %dma_wait3A_56 = arith.constant 0 : i32
    %dma_wait3A_57 = arith.constant 0 : i32
    %dma_wait3A_58 = tpu.memref_slice %arg5[%dma_wait3A_56, %dma_wait3A_57] : memref<2600000x32xf32, #tpu.memory_space<hbm>> -> memref<2600000x32xf32, #tpu.memory_space<hbm>>
    tpu.wait_indirect_dma semaphore(%arg19 : memref<!tpu.dma_semaphore, #tpu.memory_space<semaphore_mem>>) src(%dma_wait3A_58 : memref<2600000x32xf32, #tpu.memory_space<hbm>>) dst(%arg11 : memref<512x32xf32, #tpu.memory_space<vmem>>)
    %run_scoped3A_59 = arith.constant 6 : i32
    "tpu.region"() ({
      %run_scoped3A_353 = tpu.sem_alloc : memref<!tpu.dma_semaphore, #tpu.memory_space<semaphore_mem>>
      %dma_start3A_354 = arith.constant 0 : i32
      %dma_start3A_355 = tpu.memref_slice %arg8[%mul3A_2, %run_scoped3A_59, %dma_start3A_354] : memref<16384x28x32xf32, #tpu.memory_space<hbm>> -> memref<512x1x32xf32, #tpu.memory_space<hbm>>
      %dma_start3A_356 = tpu.memref_squeeze %dma_start3A_355 : memref<512x1x32xf32, #tpu.memory_space<hbm>> -> memref<512x32xf32, #tpu.memory_space<hbm>>
      %dma_start3A_357 = arith.constant 0 : i32
      %dma_start3A_358 = tpu.memref_slice %arg8[%mul3A_2, %run_scoped3A_59, %dma_start3A_357] : memref<16384x28x32xf32, #tpu.memory_space<hbm>> -> memref<512x1x32xf32, #tpu.memory_space<hbm>>
      %dma_start3A_359 = tpu.memref_squeeze %dma_start3A_358 : memref<512x1x32xf32, #tpu.memory_space<hbm>> -> memref<512x32xf32, #tpu.memory_space<hbm>>
      tpu.enqueue_dma source(%arg11 : memref<512x32xf32, #tpu.memory_space<vmem>>) target(%dma_start3A_359 : memref<512x32xf32, #tpu.memory_space<hbm>>) target_semaphore(%run_scoped3A_353 : memref<!tpu.dma_semaphore, #tpu.memory_space<semaphore_mem>>)
      %dma_wait3A_360 = arith.constant 0 : i32
      %dma_wait3A_361 = tpu.memref_slice %arg8[%mul3A_2, %run_scoped3A_59, %dma_wait3A_360] : memref<16384x28x32xf32, #tpu.memory_space<hbm>> -> memref<512x1x32xf32, #tpu.memory_space<hbm>>
      %dma_wait3A_362 = tpu.memref_squeeze %dma_wait3A_361 : memref<512x1x32xf32, #tpu.memory_space<hbm>> -> memref<512x32xf32, #tpu.memory_space<hbm>>
      %dma_wait3A_363 = arith.constant 0 : i32
      %dma_wait3A_364 = tpu.memref_slice %arg8[%mul3A_2, %run_scoped3A_59, %dma_wait3A_363] : memref<16384x28x32xf32, #tpu.memory_space<hbm>> -> memref<512x1x32xf32, #tpu.memory_space<hbm>>
      %dma_wait3A_365 = tpu.memref_squeeze %dma_wait3A_364 : memref<512x1x32xf32, #tpu.memory_space<hbm>> -> memref<512x32xf32, #tpu.memory_space<hbm>>
      tpu.wait_dma2 semaphore(%run_scoped3A_353 : memref<!tpu.dma_semaphore, #tpu.memory_space<semaphore_mem>>) src(%arg11 : memref<512x32xf32, #tpu.memory_space<vmem>>) dst(%dma_wait3A_365 : memref<512x32xf32, #tpu.memory_space<hbm>>)
      tpu.yield
    }) : () -> ()
    %run_scoped3A_60 = arith.constant 8 : i32
    "tpu.region"() ({
      %run_scoped3A_353 = tpu.sem_alloc : memref<!tpu.dma_semaphore, #tpu.memory_space<semaphore_mem>>
      %dma_start3A_354 = tpu.memref_slice %arg2[%run_scoped3A_60, %mul3A_2] : memref<26x16384xi32, #tpu.memory_space<hbm>> -> memref<1x512xi32, #tpu.memory_space<hbm>>
      %dma_start3A_355 = tpu.memref_squeeze %dma_start3A_354 : memref<1x512xi32, #tpu.memory_space<hbm>> -> memref<512xi32, #tpu.memory_space<hbm>>
      %dma_start3A_356 = tpu.memref_slice %arg2[%run_scoped3A_60, %mul3A_2] : memref<26x16384xi32, #tpu.memory_space<hbm>> -> memref<1x512xi32, #tpu.memory_space<hbm>>
      %dma_start3A_357 = tpu.memref_squeeze %dma_start3A_356 : memref<1x512xi32, #tpu.memory_space<hbm>> -> memref<512xi32, #tpu.memory_space<hbm>>
      tpu.enqueue_dma source(%dma_start3A_357 : memref<512xi32, #tpu.memory_space<hbm>>) target(%arg9 : memref<512xi32, #tpu.memory_space<vmem>>) target_semaphore(%run_scoped3A_353 : memref<!tpu.dma_semaphore, #tpu.memory_space<semaphore_mem>>)
      %dma_wait3A_358 = tpu.memref_slice %arg2[%run_scoped3A_60, %mul3A_2] : memref<26x16384xi32, #tpu.memory_space<hbm>> -> memref<1x512xi32, #tpu.memory_space<hbm>>
      %dma_wait3A_359 = tpu.memref_squeeze %dma_wait3A_358 : memref<1x512xi32, #tpu.memory_space<hbm>> -> memref<512xi32, #tpu.memory_space<hbm>>
      %dma_wait3A_360 = tpu.memref_slice %arg2[%run_scoped3A_60, %mul3A_2] : memref<26x16384xi32, #tpu.memory_space<hbm>> -> memref<1x512xi32, #tpu.memory_space<hbm>>
      %dma_wait3A_361 = tpu.memref_squeeze %dma_wait3A_360 : memref<1x512xi32, #tpu.memory_space<hbm>> -> memref<512xi32, #tpu.memory_space<hbm>>
      tpu.wait_dma2 semaphore(%run_scoped3A_353 : memref<!tpu.dma_semaphore, #tpu.memory_space<semaphore_mem>>) src(%dma_wait3A_361 : memref<512xi32, #tpu.memory_space<hbm>>) dst(%arg9 : memref<512xi32, #tpu.memory_space<vmem>>)
      tpu.yield
    }) : () -> ()
    %dma_start3A_61 = arith.constant 0 : i32
    %dma_start3A_62 = arith.constant 0 : i32
    %dma_start3A_63 = tpu.memref_slice %arg5[%dma_start3A_61, %dma_start3A_62] : memref<2600000x32xf32, #tpu.memory_space<hbm>> -> memref<2600000x32xf32, #tpu.memory_space<hbm>>
    tpu.enqueue_indirect_dma source(%dma_start3A_63 : memref<2600000x32xf32, #tpu.memory_space<hbm>>) target(%arg11 : memref<512x32xf32, #tpu.memory_space<vmem>>) offsets(%arg9 : memref<512xi32, #tpu.memory_space<vmem>>) semaphore(%arg19 : memref<!tpu.dma_semaphore, #tpu.memory_space<semaphore_mem>>)
    %dma_wait3A_64 = arith.constant 0 : i32
    %dma_wait3A_65 = arith.constant 0 : i32
    %dma_wait3A_66 = tpu.memref_slice %arg5[%dma_wait3A_64, %dma_wait3A_65] : memref<2600000x32xf32, #tpu.memory_space<hbm>> -> memref<2600000x32xf32, #tpu.memory_space<hbm>>
    tpu.wait_indirect_dma semaphore(%arg20 : memref<!tpu.dma_semaphore, #tpu.memory_space<semaphore_mem>>) src(%dma_wait3A_66 : memref<2600000x32xf32, #tpu.memory_space<hbm>>) dst(%arg12 : memref<512x32xf32, #tpu.memory_space<vmem>>)
    %run_scoped3A_67 = arith.constant 7 : i32
    "tpu.region"() ({
      %run_scoped3A_353 = tpu.sem_alloc : memref<!tpu.dma_semaphore, #tpu.memory_space<semaphore_mem>>
      %dma_start3A_354 = arith.constant 0 : i32
      %dma_start3A_355 = tpu.memref_slice %arg8[%mul3A_2, %run_scoped3A_67, %dma_start3A_354] : memref<16384x28x32xf32, #tpu.memory_space<hbm>> -> memref<512x1x32xf32, #tpu.memory_space<hbm>>
      %dma_start3A_356 = tpu.memref_squeeze %dma_start3A_355 : memref<512x1x32xf32, #tpu.memory_space<hbm>> -> memref<512x32xf32, #tpu.memory_space<hbm>>
      %dma_start3A_357 = arith.constant 0 : i32
      %dma_start3A_358 = tpu.memref_slice %arg8[%mul3A_2, %run_scoped3A_67, %dma_start3A_357] : memref<16384x28x32xf32, #tpu.memory_space<hbm>> -> memref<512x1x32xf32, #tpu.memory_space<hbm>>
      %dma_start3A_359 = tpu.memref_squeeze %dma_start3A_358 : memref<512x1x32xf32, #tpu.memory_space<hbm>> -> memref<512x32xf32, #tpu.memory_space<hbm>>
      tpu.enqueue_dma source(%arg12 : memref<512x32xf32, #tpu.memory_space<vmem>>) target(%dma_start3A_359 : memref<512x32xf32, #tpu.memory_space<hbm>>) target_semaphore(%run_scoped3A_353 : memref<!tpu.dma_semaphore, #tpu.memory_space<semaphore_mem>>)
      %dma_wait3A_360 = arith.constant 0 : i32
      %dma_wait3A_361 = tpu.memref_slice %arg8[%mul3A_2, %run_scoped3A_67, %dma_wait3A_360] : memref<16384x28x32xf32, #tpu.memory_space<hbm>> -> memref<512x1x32xf32, #tpu.memory_space<hbm>>
      %dma_wait3A_362 = tpu.memref_squeeze %dma_wait3A_361 : memref<512x1x32xf32, #tpu.memory_space<hbm>> -> memref<512x32xf32, #tpu.memory_space<hbm>>
      %dma_wait3A_363 = arith.constant 0 : i32
      %dma_wait3A_364 = tpu.memref_slice %arg8[%mul3A_2, %run_scoped3A_67, %dma_wait3A_363] : memref<16384x28x32xf32, #tpu.memory_space<hbm>> -> memref<512x1x32xf32, #tpu.memory_space<hbm>>
      %dma_wait3A_365 = tpu.memref_squeeze %dma_wait3A_364 : memref<512x1x32xf32, #tpu.memory_space<hbm>> -> memref<512x32xf32, #tpu.memory_space<hbm>>
      tpu.wait_dma2 semaphore(%run_scoped3A_353 : memref<!tpu.dma_semaphore, #tpu.memory_space<semaphore_mem>>) src(%arg12 : memref<512x32xf32, #tpu.memory_space<vmem>>) dst(%dma_wait3A_365 : memref<512x32xf32, #tpu.memory_space<hbm>>)
      tpu.yield
    }) : () -> ()
    %run_scoped3A_68 = arith.constant 9 : i32
    "tpu.region"() ({
      %run_scoped3A_353 = tpu.sem_alloc : memref<!tpu.dma_semaphore, #tpu.memory_space<semaphore_mem>>
      %dma_start3A_354 = tpu.memref_slice %arg2[%run_scoped3A_68, %mul3A_2] : memref<26x16384xi32, #tpu.memory_space<hbm>> -> memref<1x512xi32, #tpu.memory_space<hbm>>
      %dma_start3A_355 = tpu.memref_squeeze %dma_start3A_354 : memref<1x512xi32, #tpu.memory_space<hbm>> -> memref<512xi32, #tpu.memory_space<hbm>>
      %dma_start3A_356 = tpu.memref_slice %arg2[%run_scoped3A_68, %mul3A_2] : memref<26x16384xi32, #tpu.memory_space<hbm>> -> memref<1x512xi32, #tpu.memory_space<hbm>>
      %dma_start3A_357 = tpu.memref_squeeze %dma_start3A_356 : memref<1x512xi32, #tpu.memory_space<hbm>> -> memref<512xi32, #tpu.memory_space<hbm>>
      tpu.enqueue_dma source(%dma_start3A_357 : memref<512xi32, #tpu.memory_space<hbm>>) target(%arg10 : memref<512xi32, #tpu.memory_space<vmem>>) target_semaphore(%run_scoped3A_353 : memref<!tpu.dma_semaphore, #tpu.memory_space<semaphore_mem>>)
      %dma_wait3A_358 = tpu.memref_slice %arg2[%run_scoped3A_68, %mul3A_2] : memref<26x16384xi32, #tpu.memory_space<hbm>> -> memref<1x512xi32, #tpu.memory_space<hbm>>
      %dma_wait3A_359 = tpu.memref_squeeze %dma_wait3A_358 : memref<1x512xi32, #tpu.memory_space<hbm>> -> memref<512xi32, #tpu.memory_space<hbm>>
      %dma_wait3A_360 = tpu.memref_slice %arg2[%run_scoped3A_68, %mul3A_2] : memref<26x16384xi32, #tpu.memory_space<hbm>> -> memref<1x512xi32, #tpu.memory_space<hbm>>
      %dma_wait3A_361 = tpu.memref_squeeze %dma_wait3A_360 : memref<1x512xi32, #tpu.memory_space<hbm>> -> memref<512xi32, #tpu.memory_space<hbm>>
      tpu.wait_dma2 semaphore(%run_scoped3A_353 : memref<!tpu.dma_semaphore, #tpu.memory_space<semaphore_mem>>) src(%dma_wait3A_361 : memref<512xi32, #tpu.memory_space<hbm>>) dst(%arg10 : memref<512xi32, #tpu.memory_space<vmem>>)
      tpu.yield
    }) : () -> ()
    %dma_start3A_69 = arith.constant 0 : i32
    %dma_start3A_70 = arith.constant 0 : i32
    %dma_start3A_71 = tpu.memref_slice %arg5[%dma_start3A_69, %dma_start3A_70] : memref<2600000x32xf32, #tpu.memory_space<hbm>> -> memref<2600000x32xf32, #tpu.memory_space<hbm>>
    tpu.enqueue_indirect_dma source(%dma_start3A_71 : memref<2600000x32xf32, #tpu.memory_space<hbm>>) target(%arg12 : memref<512x32xf32, #tpu.memory_space<vmem>>) offsets(%arg10 : memref<512xi32, #tpu.memory_space<vmem>>) semaphore(%arg20 : memref<!tpu.dma_semaphore, #tpu.memory_space<semaphore_mem>>)
    %dma_wait3A_72 = arith.constant 0 : i32
    %dma_wait3A_73 = arith.constant 0 : i32
    %dma_wait3A_74 = tpu.memref_slice %arg5[%dma_wait3A_72, %dma_wait3A_73] : memref<2600000x32xf32, #tpu.memory_space<hbm>> -> memref<2600000x32xf32, #tpu.memory_space<hbm>>
    tpu.wait_indirect_dma semaphore(%arg19 : memref<!tpu.dma_semaphore, #tpu.memory_space<semaphore_mem>>) src(%dma_wait3A_74 : memref<2600000x32xf32, #tpu.memory_space<hbm>>) dst(%arg11 : memref<512x32xf32, #tpu.memory_space<vmem>>)
    %run_scoped3A_75 = arith.constant 8 : i32
    "tpu.region"() ({
      %run_scoped3A_353 = tpu.sem_alloc : memref<!tpu.dma_semaphore, #tpu.memory_space<semaphore_mem>>
      %dma_start3A_354 = arith.constant 0 : i32
      %dma_start3A_355 = tpu.memref_slice %arg8[%mul3A_2, %run_scoped3A_75, %dma_start3A_354] : memref<16384x28x32xf32, #tpu.memory_space<hbm>> -> memref<512x1x32xf32, #tpu.memory_space<hbm>>
      %dma_start3A_356 = tpu.memref_squeeze %dma_start3A_355 : memref<512x1x32xf32, #tpu.memory_space<hbm>> -> memref<512x32xf32, #tpu.memory_space<hbm>>
      %dma_start3A_357 = arith.constant 0 : i32
      %dma_start3A_358 = tpu.memref_slice %arg8[%mul3A_2, %run_scoped3A_75, %dma_start3A_357] : memref<16384x28x32xf32, #tpu.memory_space<hbm>> -> memref<512x1x32xf32, #tpu.memory_space<hbm>>
      %dma_start3A_359 = tpu.memref_squeeze %dma_start3A_358 : memref<512x1x32xf32, #tpu.memory_space<hbm>> -> memref<512x32xf32, #tpu.memory_space<hbm>>
      tpu.enqueue_dma source(%arg11 : memref<512x32xf32, #tpu.memory_space<vmem>>) target(%dma_start3A_359 : memref<512x32xf32, #tpu.memory_space<hbm>>) target_semaphore(%run_scoped3A_353 : memref<!tpu.dma_semaphore, #tpu.memory_space<semaphore_mem>>)
      %dma_wait3A_360 = arith.constant 0 : i32
      %dma_wait3A_361 = tpu.memref_slice %arg8[%mul3A_2, %run_scoped3A_75, %dma_wait3A_360] : memref<16384x28x32xf32, #tpu.memory_space<hbm>> -> memref<512x1x32xf32, #tpu.memory_space<hbm>>
      %dma_wait3A_362 = tpu.memref_squeeze %dma_wait3A_361 : memref<512x1x32xf32, #tpu.memory_space<hbm>> -> memref<512x32xf32, #tpu.memory_space<hbm>>
      %dma_wait3A_363 = arith.constant 0 : i32
      %dma_wait3A_364 = tpu.memref_slice %arg8[%mul3A_2, %run_scoped3A_75, %dma_wait3A_363] : memref<16384x28x32xf32, #tpu.memory_space<hbm>> -> memref<512x1x32xf32, #tpu.memory_space<hbm>>
      %dma_wait3A_365 = tpu.memref_squeeze %dma_wait3A_364 : memref<512x1x32xf32, #tpu.memory_space<hbm>> -> memref<512x32xf32, #tpu.memory_space<hbm>>
      tpu.wait_dma2 semaphore(%run_scoped3A_353 : memref<!tpu.dma_semaphore, #tpu.memory_space<semaphore_mem>>) src(%arg11 : memref<512x32xf32, #tpu.memory_space<vmem>>) dst(%dma_wait3A_365 : memref<512x32xf32, #tpu.memory_space<hbm>>)
      tpu.yield
    }) : () -> ()
    %run_scoped3A_76 = arith.constant 10 : i32
    "tpu.region"() ({
      %run_scoped3A_353 = tpu.sem_alloc : memref<!tpu.dma_semaphore, #tpu.memory_space<semaphore_mem>>
      %dma_start3A_354 = tpu.memref_slice %arg2[%run_scoped3A_76, %mul3A_2] : memref<26x16384xi32, #tpu.memory_space<hbm>> -> memref<1x512xi32, #tpu.memory_space<hbm>>
      %dma_start3A_355 = tpu.memref_squeeze %dma_start3A_354 : memref<1x512xi32, #tpu.memory_space<hbm>> -> memref<512xi32, #tpu.memory_space<hbm>>
      %dma_start3A_356 = tpu.memref_slice %arg2[%run_scoped3A_76, %mul3A_2] : memref<26x16384xi32, #tpu.memory_space<hbm>> -> memref<1x512xi32, #tpu.memory_space<hbm>>
      %dma_start3A_357 = tpu.memref_squeeze %dma_start3A_356 : memref<1x512xi32, #tpu.memory_space<hbm>> -> memref<512xi32, #tpu.memory_space<hbm>>
      tpu.enqueue_dma source(%dma_start3A_357 : memref<512xi32, #tpu.memory_space<hbm>>) target(%arg9 : memref<512xi32, #tpu.memory_space<vmem>>) target_semaphore(%run_scoped3A_353 : memref<!tpu.dma_semaphore, #tpu.memory_space<semaphore_mem>>)
      %dma_wait3A_358 = tpu.memref_slice %arg2[%run_scoped3A_76, %mul3A_2] : memref<26x16384xi32, #tpu.memory_space<hbm>> -> memref<1x512xi32, #tpu.memory_space<hbm>>
      %dma_wait3A_359 = tpu.memref_squeeze %dma_wait3A_358 : memref<1x512xi32, #tpu.memory_space<hbm>> -> memref<512xi32, #tpu.memory_space<hbm>>
      %dma_wait3A_360 = tpu.memref_slice %arg2[%run_scoped3A_76, %mul3A_2] : memref<26x16384xi32, #tpu.memory_space<hbm>> -> memref<1x512xi32, #tpu.memory_space<hbm>>
      %dma_wait3A_361 = tpu.memref_squeeze %dma_wait3A_360 : memref<1x512xi32, #tpu.memory_space<hbm>> -> memref<512xi32, #tpu.memory_space<hbm>>
      tpu.wait_dma2 semaphore(%run_scoped3A_353 : memref<!tpu.dma_semaphore, #tpu.memory_space<semaphore_mem>>) src(%dma_wait3A_361 : memref<512xi32, #tpu.memory_space<hbm>>) dst(%arg9 : memref<512xi32, #tpu.memory_space<vmem>>)
      tpu.yield
    }) : () -> ()
    %dma_start3A_77 = arith.constant 0 : i32
    %dma_start3A_78 = arith.constant 0 : i32
    %dma_start3A_79 = tpu.memref_slice %arg5[%dma_start3A_77, %dma_start3A_78] : memref<2600000x32xf32, #tpu.memory_space<hbm>> -> memref<2600000x32xf32, #tpu.memory_space<hbm>>
    tpu.enqueue_indirect_dma source(%dma_start3A_79 : memref<2600000x32xf32, #tpu.memory_space<hbm>>) target(%arg11 : memref<512x32xf32, #tpu.memory_space<vmem>>) offsets(%arg9 : memref<512xi32, #tpu.memory_space<vmem>>) semaphore(%arg19 : memref<!tpu.dma_semaphore, #tpu.memory_space<semaphore_mem>>)
    %dma_wait3A_80 = arith.constant 0 : i32
    %dma_wait3A_81 = arith.constant 0 : i32
    %dma_wait3A_82 = tpu.memref_slice %arg5[%dma_wait3A_80, %dma_wait3A_81] : memref<2600000x32xf32, #tpu.memory_space<hbm>> -> memref<2600000x32xf32, #tpu.memory_space<hbm>>
    tpu.wait_indirect_dma semaphore(%arg20 : memref<!tpu.dma_semaphore, #tpu.memory_space<semaphore_mem>>) src(%dma_wait3A_82 : memref<2600000x32xf32, #tpu.memory_space<hbm>>) dst(%arg12 : memref<512x32xf32, #tpu.memory_space<vmem>>)
    %run_scoped3A_83 = arith.constant 9 : i32
    "tpu.region"() ({
      %run_scoped3A_353 = tpu.sem_alloc : memref<!tpu.dma_semaphore, #tpu.memory_space<semaphore_mem>>
      %dma_start3A_354 = arith.constant 0 : i32
      %dma_start3A_355 = tpu.memref_slice %arg8[%mul3A_2, %run_scoped3A_83, %dma_start3A_354] : memref<16384x28x32xf32, #tpu.memory_space<hbm>> -> memref<512x1x32xf32, #tpu.memory_space<hbm>>
      %dma_start3A_356 = tpu.memref_squeeze %dma_start3A_355 : memref<512x1x32xf32, #tpu.memory_space<hbm>> -> memref<512x32xf32, #tpu.memory_space<hbm>>
      %dma_start3A_357 = arith.constant 0 : i32
      %dma_start3A_358 = tpu.memref_slice %arg8[%mul3A_2, %run_scoped3A_83, %dma_start3A_357] : memref<16384x28x32xf32, #tpu.memory_space<hbm>> -> memref<512x1x32xf32, #tpu.memory_space<hbm>>
      %dma_start3A_359 = tpu.memref_squeeze %dma_start3A_358 : memref<512x1x32xf32, #tpu.memory_space<hbm>> -> memref<512x32xf32, #tpu.memory_space<hbm>>
      tpu.enqueue_dma source(%arg12 : memref<512x32xf32, #tpu.memory_space<vmem>>) target(%dma_start3A_359 : memref<512x32xf32, #tpu.memory_space<hbm>>) target_semaphore(%run_scoped3A_353 : memref<!tpu.dma_semaphore, #tpu.memory_space<semaphore_mem>>)
      %dma_wait3A_360 = arith.constant 0 : i32
      %dma_wait3A_361 = tpu.memref_slice %arg8[%mul3A_2, %run_scoped3A_83, %dma_wait3A_360] : memref<16384x28x32xf32, #tpu.memory_space<hbm>> -> memref<512x1x32xf32, #tpu.memory_space<hbm>>
      %dma_wait3A_362 = tpu.memref_squeeze %dma_wait3A_361 : memref<512x1x32xf32, #tpu.memory_space<hbm>> -> memref<512x32xf32, #tpu.memory_space<hbm>>
      %dma_wait3A_363 = arith.constant 0 : i32
      %dma_wait3A_364 = tpu.memref_slice %arg8[%mul3A_2, %run_scoped3A_83, %dma_wait3A_363] : memref<16384x28x32xf32, #tpu.memory_space<hbm>> -> memref<512x1x32xf32, #tpu.memory_space<hbm>>
      %dma_wait3A_365 = tpu.memref_squeeze %dma_wait3A_364 : memref<512x1x32xf32, #tpu.memory_space<hbm>> -> memref<512x32xf32, #tpu.memory_space<hbm>>
      tpu.wait_dma2 semaphore(%run_scoped3A_353 : memref<!tpu.dma_semaphore, #tpu.memory_space<semaphore_mem>>) src(%arg12 : memref<512x32xf32, #tpu.memory_space<vmem>>) dst(%dma_wait3A_365 : memref<512x32xf32, #tpu.memory_space<hbm>>)
      tpu.yield
    }) : () -> ()
    %run_scoped3A_84 = arith.constant 11 : i32
    "tpu.region"() ({
      %run_scoped3A_353 = tpu.sem_alloc : memref<!tpu.dma_semaphore, #tpu.memory_space<semaphore_mem>>
      %dma_start3A_354 = tpu.memref_slice %arg2[%run_scoped3A_84, %mul3A_2] : memref<26x16384xi32, #tpu.memory_space<hbm>> -> memref<1x512xi32, #tpu.memory_space<hbm>>
      %dma_start3A_355 = tpu.memref_squeeze %dma_start3A_354 : memref<1x512xi32, #tpu.memory_space<hbm>> -> memref<512xi32, #tpu.memory_space<hbm>>
      %dma_start3A_356 = tpu.memref_slice %arg2[%run_scoped3A_84, %mul3A_2] : memref<26x16384xi32, #tpu.memory_space<hbm>> -> memref<1x512xi32, #tpu.memory_space<hbm>>
      %dma_start3A_357 = tpu.memref_squeeze %dma_start3A_356 : memref<1x512xi32, #tpu.memory_space<hbm>> -> memref<512xi32, #tpu.memory_space<hbm>>
      tpu.enqueue_dma source(%dma_start3A_357 : memref<512xi32, #tpu.memory_space<hbm>>) target(%arg10 : memref<512xi32, #tpu.memory_space<vmem>>) target_semaphore(%run_scoped3A_353 : memref<!tpu.dma_semaphore, #tpu.memory_space<semaphore_mem>>)
      %dma_wait3A_358 = tpu.memref_slice %arg2[%run_scoped3A_84, %mul3A_2] : memref<26x16384xi32, #tpu.memory_space<hbm>> -> memref<1x512xi32, #tpu.memory_space<hbm>>
      %dma_wait3A_359 = tpu.memref_squeeze %dma_wait3A_358 : memref<1x512xi32, #tpu.memory_space<hbm>> -> memref<512xi32, #tpu.memory_space<hbm>>
      %dma_wait3A_360 = tpu.memref_slice %arg2[%run_scoped3A_84, %mul3A_2] : memref<26x16384xi32, #tpu.memory_space<hbm>> -> memref<1x512xi32, #tpu.memory_space<hbm>>
      %dma_wait3A_361 = tpu.memref_squeeze %dma_wait3A_360 : memref<1x512xi32, #tpu.memory_space<hbm>> -> memref<512xi32, #tpu.memory_space<hbm>>
      tpu.wait_dma2 semaphore(%run_scoped3A_353 : memref<!tpu.dma_semaphore, #tpu.memory_space<semaphore_mem>>) src(%dma_wait3A_361 : memref<512xi32, #tpu.memory_space<hbm>>) dst(%arg10 : memref<512xi32, #tpu.memory_space<vmem>>)
      tpu.yield
    }) : () -> ()
    %dma_start3A_85 = arith.constant 0 : i32
    %dma_start3A_86 = arith.constant 0 : i32
    %dma_start3A_87 = tpu.memref_slice %arg5[%dma_start3A_85, %dma_start3A_86] : memref<2600000x32xf32, #tpu.memory_space<hbm>> -> memref<2600000x32xf32, #tpu.memory_space<hbm>>
    tpu.enqueue_indirect_dma source(%dma_start3A_87 : memref<2600000x32xf32, #tpu.memory_space<hbm>>) target(%arg12 : memref<512x32xf32, #tpu.memory_space<vmem>>) offsets(%arg10 : memref<512xi32, #tpu.memory_space<vmem>>) semaphore(%arg20 : memref<!tpu.dma_semaphore, #tpu.memory_space<semaphore_mem>>)
    %dma_wait3A_88 = arith.constant 0 : i32
    %dma_wait3A_89 = arith.constant 0 : i32
    %dma_wait3A_90 = tpu.memref_slice %arg5[%dma_wait3A_88, %dma_wait3A_89] : memref<2600000x32xf32, #tpu.memory_space<hbm>> -> memref<2600000x32xf32, #tpu.memory_space<hbm>>
    tpu.wait_indirect_dma semaphore(%arg19 : memref<!tpu.dma_semaphore, #tpu.memory_space<semaphore_mem>>) src(%dma_wait3A_90 : memref<2600000x32xf32, #tpu.memory_space<hbm>>) dst(%arg11 : memref<512x32xf32, #tpu.memory_space<vmem>>)
    %run_scoped3A_91 = arith.constant 10 : i32
    "tpu.region"() ({
      %run_scoped3A_353 = tpu.sem_alloc : memref<!tpu.dma_semaphore, #tpu.memory_space<semaphore_mem>>
      %dma_start3A_354 = arith.constant 0 : i32
      %dma_start3A_355 = tpu.memref_slice %arg8[%mul3A_2, %run_scoped3A_91, %dma_start3A_354] : memref<16384x28x32xf32, #tpu.memory_space<hbm>> -> memref<512x1x32xf32, #tpu.memory_space<hbm>>
      %dma_start3A_356 = tpu.memref_squeeze %dma_start3A_355 : memref<512x1x32xf32, #tpu.memory_space<hbm>> -> memref<512x32xf32, #tpu.memory_space<hbm>>
      %dma_start3A_357 = arith.constant 0 : i32
      %dma_start3A_358 = tpu.memref_slice %arg8[%mul3A_2, %run_scoped3A_91, %dma_start3A_357] : memref<16384x28x32xf32, #tpu.memory_space<hbm>> -> memref<512x1x32xf32, #tpu.memory_space<hbm>>
      %dma_start3A_359 = tpu.memref_squeeze %dma_start3A_358 : memref<512x1x32xf32, #tpu.memory_space<hbm>> -> memref<512x32xf32, #tpu.memory_space<hbm>>
      tpu.enqueue_dma source(%arg11 : memref<512x32xf32, #tpu.memory_space<vmem>>) target(%dma_start3A_359 : memref<512x32xf32, #tpu.memory_space<hbm>>) target_semaphore(%run_scoped3A_353 : memref<!tpu.dma_semaphore, #tpu.memory_space<semaphore_mem>>)
      %dma_wait3A_360 = arith.constant 0 : i32
      %dma_wait3A_361 = tpu.memref_slice %arg8[%mul3A_2, %run_scoped3A_91, %dma_wait3A_360] : memref<16384x28x32xf32, #tpu.memory_space<hbm>> -> memref<512x1x32xf32, #tpu.memory_space<hbm>>
      %dma_wait3A_362 = tpu.memref_squeeze %dma_wait3A_361 : memref<512x1x32xf32, #tpu.memory_space<hbm>> -> memref<512x32xf32, #tpu.memory_space<hbm>>
      %dma_wait3A_363 = arith.constant 0 : i32
      %dma_wait3A_364 = tpu.memref_slice %arg8[%mul3A_2, %run_scoped3A_91, %dma_wait3A_363] : memref<16384x28x32xf32, #tpu.memory_space<hbm>> -> memref<512x1x32xf32, #tpu.memory_space<hbm>>
      %dma_wait3A_365 = tpu.memref_squeeze %dma_wait3A_364 : memref<512x1x32xf32, #tpu.memory_space<hbm>> -> memref<512x32xf32, #tpu.memory_space<hbm>>
      tpu.wait_dma2 semaphore(%run_scoped3A_353 : memref<!tpu.dma_semaphore, #tpu.memory_space<semaphore_mem>>) src(%arg11 : memref<512x32xf32, #tpu.memory_space<vmem>>) dst(%dma_wait3A_365 : memref<512x32xf32, #tpu.memory_space<hbm>>)
      tpu.yield
    }) : () -> ()
    %run_scoped3A_92 = arith.constant 12 : i32
    "tpu.region"() ({
      %run_scoped3A_353 = tpu.sem_alloc : memref<!tpu.dma_semaphore, #tpu.memory_space<semaphore_mem>>
      %dma_start3A_354 = tpu.memref_slice %arg2[%run_scoped3A_92, %mul3A_2] : memref<26x16384xi32, #tpu.memory_space<hbm>> -> memref<1x512xi32, #tpu.memory_space<hbm>>
      %dma_start3A_355 = tpu.memref_squeeze %dma_start3A_354 : memref<1x512xi32, #tpu.memory_space<hbm>> -> memref<512xi32, #tpu.memory_space<hbm>>
      %dma_start3A_356 = tpu.memref_slice %arg2[%run_scoped3A_92, %mul3A_2] : memref<26x16384xi32, #tpu.memory_space<hbm>> -> memref<1x512xi32, #tpu.memory_space<hbm>>
      %dma_start3A_357 = tpu.memref_squeeze %dma_start3A_356 : memref<1x512xi32, #tpu.memory_space<hbm>> -> memref<512xi32, #tpu.memory_space<hbm>>
      tpu.enqueue_dma source(%dma_start3A_357 : memref<512xi32, #tpu.memory_space<hbm>>) target(%arg9 : memref<512xi32, #tpu.memory_space<vmem>>) target_semaphore(%run_scoped3A_353 : memref<!tpu.dma_semaphore, #tpu.memory_space<semaphore_mem>>)
      %dma_wait3A_358 = tpu.memref_slice %arg2[%run_scoped3A_92, %mul3A_2] : memref<26x16384xi32, #tpu.memory_space<hbm>> -> memref<1x512xi32, #tpu.memory_space<hbm>>
      %dma_wait3A_359 = tpu.memref_squeeze %dma_wait3A_358 : memref<1x512xi32, #tpu.memory_space<hbm>> -> memref<512xi32, #tpu.memory_space<hbm>>
      %dma_wait3A_360 = tpu.memref_slice %arg2[%run_scoped3A_92, %mul3A_2] : memref<26x16384xi32, #tpu.memory_space<hbm>> -> memref<1x512xi32, #tpu.memory_space<hbm>>
      %dma_wait3A_361 = tpu.memref_squeeze %dma_wait3A_360 : memref<1x512xi32, #tpu.memory_space<hbm>> -> memref<512xi32, #tpu.memory_space<hbm>>
      tpu.wait_dma2 semaphore(%run_scoped3A_353 : memref<!tpu.dma_semaphore, #tpu.memory_space<semaphore_mem>>) src(%dma_wait3A_361 : memref<512xi32, #tpu.memory_space<hbm>>) dst(%arg9 : memref<512xi32, #tpu.memory_space<vmem>>)
      tpu.yield
    }) : () -> ()
    %dma_start3A_93 = arith.constant 0 : i32
    %dma_start3A_94 = arith.constant 0 : i32
    %dma_start3A_95 = tpu.memref_slice %arg5[%dma_start3A_93, %dma_start3A_94] : memref<2600000x32xf32, #tpu.memory_space<hbm>> -> memref<2600000x32xf32, #tpu.memory_space<hbm>>
    tpu.enqueue_indirect_dma source(%dma_start3A_95 : memref<2600000x32xf32, #tpu.memory_space<hbm>>) target(%arg11 : memref<512x32xf32, #tpu.memory_space<vmem>>) offsets(%arg9 : memref<512xi32, #tpu.memory_space<vmem>>) semaphore(%arg19 : memref<!tpu.dma_semaphore, #tpu.memory_space<semaphore_mem>>)
    %dma_wait3A_96 = arith.constant 0 : i32
    %dma_wait3A_97 = arith.constant 0 : i32
    %dma_wait3A_98 = tpu.memref_slice %arg5[%dma_wait3A_96, %dma_wait3A_97] : memref<2600000x32xf32, #tpu.memory_space<hbm>> -> memref<2600000x32xf32, #tpu.memory_space<hbm>>
    tpu.wait_indirect_dma semaphore(%arg20 : memref<!tpu.dma_semaphore, #tpu.memory_space<semaphore_mem>>) src(%dma_wait3A_98 : memref<2600000x32xf32, #tpu.memory_space<hbm>>) dst(%arg12 : memref<512x32xf32, #tpu.memory_space<vmem>>)
    %run_scoped3A_99 = arith.constant 11 : i32
    "tpu.region"() ({
      %run_scoped3A_353 = tpu.sem_alloc : memref<!tpu.dma_semaphore, #tpu.memory_space<semaphore_mem>>
      %dma_start3A_354 = arith.constant 0 : i32
      %dma_start3A_355 = tpu.memref_slice %arg8[%mul3A_2, %run_scoped3A_99, %dma_start3A_354] : memref<16384x28x32xf32, #tpu.memory_space<hbm>> -> memref<512x1x32xf32, #tpu.memory_space<hbm>>
      %dma_start3A_356 = tpu.memref_squeeze %dma_start3A_355 : memref<512x1x32xf32, #tpu.memory_space<hbm>> -> memref<512x32xf32, #tpu.memory_space<hbm>>
      %dma_start3A_357 = arith.constant 0 : i32
      %dma_start3A_358 = tpu.memref_slice %arg8[%mul3A_2, %run_scoped3A_99, %dma_start3A_357] : memref<16384x28x32xf32, #tpu.memory_space<hbm>> -> memref<512x1x32xf32, #tpu.memory_space<hbm>>
      %dma_start3A_359 = tpu.memref_squeeze %dma_start3A_358 : memref<512x1x32xf32, #tpu.memory_space<hbm>> -> memref<512x32xf32, #tpu.memory_space<hbm>>
      tpu.enqueue_dma source(%arg12 : memref<512x32xf32, #tpu.memory_space<vmem>>) target(%dma_start3A_359 : memref<512x32xf32, #tpu.memory_space<hbm>>) target_semaphore(%run_scoped3A_353 : memref<!tpu.dma_semaphore, #tpu.memory_space<semaphore_mem>>)
      %dma_wait3A_360 = arith.constant 0 : i32
      %dma_wait3A_361 = tpu.memref_slice %arg8[%mul3A_2, %run_scoped3A_99, %dma_wait3A_360] : memref<16384x28x32xf32, #tpu.memory_space<hbm>> -> memref<512x1x32xf32, #tpu.memory_space<hbm>>
      %dma_wait3A_362 = tpu.memref_squeeze %dma_wait3A_361 : memref<512x1x32xf32, #tpu.memory_space<hbm>> -> memref<512x32xf32, #tpu.memory_space<hbm>>
      %dma_wait3A_363 = arith.constant 0 : i32
      %dma_wait3A_364 = tpu.memref_slice %arg8[%mul3A_2, %run_scoped3A_99, %dma_wait3A_363] : memref<16384x28x32xf32, #tpu.memory_space<hbm>> -> memref<512x1x32xf32, #tpu.memory_space<hbm>>
      %dma_wait3A_365 = tpu.memref_squeeze %dma_wait3A_364 : memref<512x1x32xf32, #tpu.memory_space<hbm>> -> memref<512x32xf32, #tpu.memory_space<hbm>>
      tpu.wait_dma2 semaphore(%run_scoped3A_353 : memref<!tpu.dma_semaphore, #tpu.memory_space<semaphore_mem>>) src(%arg12 : memref<512x32xf32, #tpu.memory_space<vmem>>) dst(%dma_wait3A_365 : memref<512x32xf32, #tpu.memory_space<hbm>>)
      tpu.yield
    }) : () -> ()
    %run_scoped3A_100 = arith.constant 13 : i32
    "tpu.region"() ({
      %run_scoped3A_353 = tpu.sem_alloc : memref<!tpu.dma_semaphore, #tpu.memory_space<semaphore_mem>>
      %dma_start3A_354 = tpu.memref_slice %arg2[%run_scoped3A_100, %mul3A_2] : memref<26x16384xi32, #tpu.memory_space<hbm>> -> memref<1x512xi32, #tpu.memory_space<hbm>>
      %dma_start3A_355 = tpu.memref_squeeze %dma_start3A_354 : memref<1x512xi32, #tpu.memory_space<hbm>> -> memref<512xi32, #tpu.memory_space<hbm>>
      %dma_start3A_356 = tpu.memref_slice %arg2[%run_scoped3A_100, %mul3A_2] : memref<26x16384xi32, #tpu.memory_space<hbm>> -> memref<1x512xi32, #tpu.memory_space<hbm>>
      %dma_start3A_357 = tpu.memref_squeeze %dma_start3A_356 : memref<1x512xi32, #tpu.memory_space<hbm>> -> memref<512xi32, #tpu.memory_space<hbm>>
      tpu.enqueue_dma source(%dma_start3A_357 : memref<512xi32, #tpu.memory_space<hbm>>) target(%arg10 : memref<512xi32, #tpu.memory_space<vmem>>) target_semaphore(%run_scoped3A_353 : memref<!tpu.dma_semaphore, #tpu.memory_space<semaphore_mem>>)
      %dma_wait3A_358 = tpu.memref_slice %arg2[%run_scoped3A_100, %mul3A_2] : memref<26x16384xi32, #tpu.memory_space<hbm>> -> memref<1x512xi32, #tpu.memory_space<hbm>>
      %dma_wait3A_359 = tpu.memref_squeeze %dma_wait3A_358 : memref<1x512xi32, #tpu.memory_space<hbm>> -> memref<512xi32, #tpu.memory_space<hbm>>
      %dma_wait3A_360 = tpu.memref_slice %arg2[%run_scoped3A_100, %mul3A_2] : memref<26x16384xi32, #tpu.memory_space<hbm>> -> memref<1x512xi32, #tpu.memory_space<hbm>>
      %dma_wait3A_361 = tpu.memref_squeeze %dma_wait3A_360 : memref<1x512xi32, #tpu.memory_space<hbm>> -> memref<512xi32, #tpu.memory_space<hbm>>
      tpu.wait_dma2 semaphore(%run_scoped3A_353 : memref<!tpu.dma_semaphore, #tpu.memory_space<semaphore_mem>>) src(%dma_wait3A_361 : memref<512xi32, #tpu.memory_space<hbm>>) dst(%arg10 : memref<512xi32, #tpu.memory_space<vmem>>)
      tpu.yield
    }) : () -> ()
    %dma_start3A_101 = arith.constant 0 : i32
    %dma_start3A_102 = arith.constant 0 : i32
    %dma_start3A_103 = tpu.memref_slice %arg5[%dma_start3A_101, %dma_start3A_102] : memref<2600000x32xf32, #tpu.memory_space<hbm>> -> memref<2600000x32xf32, #tpu.memory_space<hbm>>
    tpu.enqueue_indirect_dma source(%dma_start3A_103 : memref<2600000x32xf32, #tpu.memory_space<hbm>>) target(%arg12 : memref<512x32xf32, #tpu.memory_space<vmem>>) offsets(%arg10 : memref<512xi32, #tpu.memory_space<vmem>>) semaphore(%arg20 : memref<!tpu.dma_semaphore, #tpu.memory_space<semaphore_mem>>)
    %dma_wait3A_104 = arith.constant 0 : i32
    %dma_wait3A_105 = arith.constant 0 : i32
    %dma_wait3A_106 = tpu.memref_slice %arg5[%dma_wait3A_104, %dma_wait3A_105] : memref<2600000x32xf32, #tpu.memory_space<hbm>> -> memref<2600000x32xf32, #tpu.memory_space<hbm>>
    tpu.wait_indirect_dma semaphore(%arg19 : memref<!tpu.dma_semaphore, #tpu.memory_space<semaphore_mem>>) src(%dma_wait3A_106 : memref<2600000x32xf32, #tpu.memory_space<hbm>>) dst(%arg11 : memref<512x32xf32, #tpu.memory_space<vmem>>)
    %run_scoped3A_107 = arith.constant 12 : i32
    "tpu.region"() ({
      %run_scoped3A_353 = tpu.sem_alloc : memref<!tpu.dma_semaphore, #tpu.memory_space<semaphore_mem>>
      %dma_start3A_354 = arith.constant 0 : i32
      %dma_start3A_355 = tpu.memref_slice %arg8[%mul3A_2, %run_scoped3A_107, %dma_start3A_354] : memref<16384x28x32xf32, #tpu.memory_space<hbm>> -> memref<512x1x32xf32, #tpu.memory_space<hbm>>
      %dma_start3A_356 = tpu.memref_squeeze %dma_start3A_355 : memref<512x1x32xf32, #tpu.memory_space<hbm>> -> memref<512x32xf32, #tpu.memory_space<hbm>>
      %dma_start3A_357 = arith.constant 0 : i32
      %dma_start3A_358 = tpu.memref_slice %arg8[%mul3A_2, %run_scoped3A_107, %dma_start3A_357] : memref<16384x28x32xf32, #tpu.memory_space<hbm>> -> memref<512x1x32xf32, #tpu.memory_space<hbm>>
      %dma_start3A_359 = tpu.memref_squeeze %dma_start3A_358 : memref<512x1x32xf32, #tpu.memory_space<hbm>> -> memref<512x32xf32, #tpu.memory_space<hbm>>
      tpu.enqueue_dma source(%arg11 : memref<512x32xf32, #tpu.memory_space<vmem>>) target(%dma_start3A_359 : memref<512x32xf32, #tpu.memory_space<hbm>>) target_semaphore(%run_scoped3A_353 : memref<!tpu.dma_semaphore, #tpu.memory_space<semaphore_mem>>)
      %dma_wait3A_360 = arith.constant 0 : i32
      %dma_wait3A_361 = tpu.memref_slice %arg8[%mul3A_2, %run_scoped3A_107, %dma_wait3A_360] : memref<16384x28x32xf32, #tpu.memory_space<hbm>> -> memref<512x1x32xf32, #tpu.memory_space<hbm>>
      %dma_wait3A_362 = tpu.memref_squeeze %dma_wait3A_361 : memref<512x1x32xf32, #tpu.memory_space<hbm>> -> memref<512x32xf32, #tpu.memory_space<hbm>>
      %dma_wait3A_363 = arith.constant 0 : i32
      %dma_wait3A_364 = tpu.memref_slice %arg8[%mul3A_2, %run_scoped3A_107, %dma_wait3A_363] : memref<16384x28x32xf32, #tpu.memory_space<hbm>> -> memref<512x1x32xf32, #tpu.memory_space<hbm>>
      %dma_wait3A_365 = tpu.memref_squeeze %dma_wait3A_364 : memref<512x1x32xf32, #tpu.memory_space<hbm>> -> memref<512x32xf32, #tpu.memory_space<hbm>>
      tpu.wait_dma2 semaphore(%run_scoped3A_353 : memref<!tpu.dma_semaphore, #tpu.memory_space<semaphore_mem>>) src(%arg11 : memref<512x32xf32, #tpu.memory_space<vmem>>) dst(%dma_wait3A_365 : memref<512x32xf32, #tpu.memory_space<hbm>>)
      tpu.yield
    }) : () -> ()
    %run_scoped3A_108 = arith.constant 14 : i32
    "tpu.region"() ({
      %run_scoped3A_353 = tpu.sem_alloc : memref<!tpu.dma_semaphore, #tpu.memory_space<semaphore_mem>>
      %dma_start3A_354 = tpu.memref_slice %arg2[%run_scoped3A_108, %mul3A_2] : memref<26x16384xi32, #tpu.memory_space<hbm>> -> memref<1x512xi32, #tpu.memory_space<hbm>>
      %dma_start3A_355 = tpu.memref_squeeze %dma_start3A_354 : memref<1x512xi32, #tpu.memory_space<hbm>> -> memref<512xi32, #tpu.memory_space<hbm>>
      %dma_start3A_356 = tpu.memref_slice %arg2[%run_scoped3A_108, %mul3A_2] : memref<26x16384xi32, #tpu.memory_space<hbm>> -> memref<1x512xi32, #tpu.memory_space<hbm>>
      %dma_start3A_357 = tpu.memref_squeeze %dma_start3A_356 : memref<1x512xi32, #tpu.memory_space<hbm>> -> memref<512xi32, #tpu.memory_space<hbm>>
      tpu.enqueue_dma source(%dma_start3A_357 : memref<512xi32, #tpu.memory_space<hbm>>) target(%arg9 : memref<512xi32, #tpu.memory_space<vmem>>) target_semaphore(%run_scoped3A_353 : memref<!tpu.dma_semaphore, #tpu.memory_space<semaphore_mem>>)
      %dma_wait3A_358 = tpu.memref_slice %arg2[%run_scoped3A_108, %mul3A_2] : memref<26x16384xi32, #tpu.memory_space<hbm>> -> memref<1x512xi32, #tpu.memory_space<hbm>>
      %dma_wait3A_359 = tpu.memref_squeeze %dma_wait3A_358 : memref<1x512xi32, #tpu.memory_space<hbm>> -> memref<512xi32, #tpu.memory_space<hbm>>
      %dma_wait3A_360 = tpu.memref_slice %arg2[%run_scoped3A_108, %mul3A_2] : memref<26x16384xi32, #tpu.memory_space<hbm>> -> memref<1x512xi32, #tpu.memory_space<hbm>>
      %dma_wait3A_361 = tpu.memref_squeeze %dma_wait3A_360 : memref<1x512xi32, #tpu.memory_space<hbm>> -> memref<512xi32, #tpu.memory_space<hbm>>
      tpu.wait_dma2 semaphore(%run_scoped3A_353 : memref<!tpu.dma_semaphore, #tpu.memory_space<semaphore_mem>>) src(%dma_wait3A_361 : memref<512xi32, #tpu.memory_space<hbm>>) dst(%arg9 : memref<512xi32, #tpu.memory_space<vmem>>)
      tpu.yield
    }) : () -> ()
    %dma_start3A_109 = arith.constant 0 : i32
    %dma_start3A_110 = arith.constant 0 : i32
    %dma_start3A_111 = tpu.memref_slice %arg5[%dma_start3A_109, %dma_start3A_110] : memref<2600000x32xf32, #tpu.memory_space<hbm>> -> memref<2600000x32xf32, #tpu.memory_space<hbm>>
    tpu.enqueue_indirect_dma source(%dma_start3A_111 : memref<2600000x32xf32, #tpu.memory_space<hbm>>) target(%arg11 : memref<512x32xf32, #tpu.memory_space<vmem>>) offsets(%arg9 : memref<512xi32, #tpu.memory_space<vmem>>) semaphore(%arg19 : memref<!tpu.dma_semaphore, #tpu.memory_space<semaphore_mem>>)
    %dma_wait3A_112 = arith.constant 0 : i32
    %dma_wait3A_113 = arith.constant 0 : i32
    %dma_wait3A_114 = tpu.memref_slice %arg5[%dma_wait3A_112, %dma_wait3A_113] : memref<2600000x32xf32, #tpu.memory_space<hbm>> -> memref<2600000x32xf32, #tpu.memory_space<hbm>>
    tpu.wait_indirect_dma semaphore(%arg20 : memref<!tpu.dma_semaphore, #tpu.memory_space<semaphore_mem>>) src(%dma_wait3A_114 : memref<2600000x32xf32, #tpu.memory_space<hbm>>) dst(%arg12 : memref<512x32xf32, #tpu.memory_space<vmem>>)
    %run_scoped3A_115 = arith.constant 13 : i32
    "tpu.region"() ({
      %run_scoped3A_353 = tpu.sem_alloc : memref<!tpu.dma_semaphore, #tpu.memory_space<semaphore_mem>>
      %dma_start3A_354 = arith.constant 0 : i32
      %dma_start3A_355 = tpu.memref_slice %arg8[%mul3A_2, %run_scoped3A_115, %dma_start3A_354] : memref<16384x28x32xf32, #tpu.memory_space<hbm>> -> memref<512x1x32xf32, #tpu.memory_space<hbm>>
      %dma_start3A_356 = tpu.memref_squeeze %dma_start3A_355 : memref<512x1x32xf32, #tpu.memory_space<hbm>> -> memref<512x32xf32, #tpu.memory_space<hbm>>
      %dma_start3A_357 = arith.constant 0 : i32
      %dma_start3A_358 = tpu.memref_slice %arg8[%mul3A_2, %run_scoped3A_115, %dma_start3A_357] : memref<16384x28x32xf32, #tpu.memory_space<hbm>> -> memref<512x1x32xf32, #tpu.memory_space<hbm>>
      %dma_start3A_359 = tpu.memref_squeeze %dma_start3A_358 : memref<512x1x32xf32, #tpu.memory_space<hbm>> -> memref<512x32xf32, #tpu.memory_space<hbm>>
      tpu.enqueue_dma source(%arg12 : memref<512x32xf32, #tpu.memory_space<vmem>>) target(%dma_start3A_359 : memref<512x32xf32, #tpu.memory_space<hbm>>) target_semaphore(%run_scoped3A_353 : memref<!tpu.dma_semaphore, #tpu.memory_space<semaphore_mem>>)
      %dma_wait3A_360 = arith.constant 0 : i32
      %dma_wait3A_361 = tpu.memref_slice %arg8[%mul3A_2, %run_scoped3A_115, %dma_wait3A_360] : memref<16384x28x32xf32, #tpu.memory_space<hbm>> -> memref<512x1x32xf32, #tpu.memory_space<hbm>>
      %dma_wait3A_362 = tpu.memref_squeeze %dma_wait3A_361 : memref<512x1x32xf32, #tpu.memory_space<hbm>> -> memref<512x32xf32, #tpu.memory_space<hbm>>
      %dma_wait3A_363 = arith.constant 0 : i32
      %dma_wait3A_364 = tpu.memref_slice %arg8[%mul3A_2, %run_scoped3A_115, %dma_wait3A_363] : memref<16384x28x32xf32, #tpu.memory_space<hbm>> -> memref<512x1x32xf32, #tpu.memory_space<hbm>>
      %dma_wait3A_365 = tpu.memref_squeeze %dma_wait3A_364 : memref<512x1x32xf32, #tpu.memory_space<hbm>> -> memref<512x32xf32, #tpu.memory_space<hbm>>
      tpu.wait_dma2 semaphore(%run_scoped3A_353 : memref<!tpu.dma_semaphore, #tpu.memory_space<semaphore_mem>>) src(%arg12 : memref<512x32xf32, #tpu.memory_space<vmem>>) dst(%dma_wait3A_365 : memref<512x32xf32, #tpu.memory_space<hbm>>)
      tpu.yield
    }) : () -> ()
    %run_scoped3A_116 = arith.constant 15 : i32
    "tpu.region"() ({
      %run_scoped3A_353 = tpu.sem_alloc : memref<!tpu.dma_semaphore, #tpu.memory_space<semaphore_mem>>
      %dma_start3A_354 = tpu.memref_slice %arg2[%run_scoped3A_116, %mul3A_2] : memref<26x16384xi32, #tpu.memory_space<hbm>> -> memref<1x512xi32, #tpu.memory_space<hbm>>
      %dma_start3A_355 = tpu.memref_squeeze %dma_start3A_354 : memref<1x512xi32, #tpu.memory_space<hbm>> -> memref<512xi32, #tpu.memory_space<hbm>>
      %dma_start3A_356 = tpu.memref_slice %arg2[%run_scoped3A_116, %mul3A_2] : memref<26x16384xi32, #tpu.memory_space<hbm>> -> memref<1x512xi32, #tpu.memory_space<hbm>>
      %dma_start3A_357 = tpu.memref_squeeze %dma_start3A_356 : memref<1x512xi32, #tpu.memory_space<hbm>> -> memref<512xi32, #tpu.memory_space<hbm>>
      tpu.enqueue_dma source(%dma_start3A_357 : memref<512xi32, #tpu.memory_space<hbm>>) target(%arg10 : memref<512xi32, #tpu.memory_space<vmem>>) target_semaphore(%run_scoped3A_353 : memref<!tpu.dma_semaphore, #tpu.memory_space<semaphore_mem>>)
      %dma_wait3A_358 = tpu.memref_slice %arg2[%run_scoped3A_116, %mul3A_2] : memref<26x16384xi32, #tpu.memory_space<hbm>> -> memref<1x512xi32, #tpu.memory_space<hbm>>
      %dma_wait3A_359 = tpu.memref_squeeze %dma_wait3A_358 : memref<1x512xi32, #tpu.memory_space<hbm>> -> memref<512xi32, #tpu.memory_space<hbm>>
      %dma_wait3A_360 = tpu.memref_slice %arg2[%run_scoped3A_116, %mul3A_2] : memref<26x16384xi32, #tpu.memory_space<hbm>> -> memref<1x512xi32, #tpu.memory_space<hbm>>
      %dma_wait3A_361 = tpu.memref_squeeze %dma_wait3A_360 : memref<1x512xi32, #tpu.memory_space<hbm>> -> memref<512xi32, #tpu.memory_space<hbm>>
      tpu.wait_dma2 semaphore(%run_scoped3A_353 : memref<!tpu.dma_semaphore, #tpu.memory_space<semaphore_mem>>) src(%dma_wait3A_361 : memref<512xi32, #tpu.memory_space<hbm>>) dst(%arg10 : memref<512xi32, #tpu.memory_space<vmem>>)
      tpu.yield
    }) : () -> ()
    %dma_start3A_117 = arith.constant 0 : i32
    %dma_start3A_118 = arith.constant 0 : i32
    %dma_start3A_119 = tpu.memref_slice %arg5[%dma_start3A_117, %dma_start3A_118] : memref<2600000x32xf32, #tpu.memory_space<hbm>> -> memref<2600000x32xf32, #tpu.memory_space<hbm>>
    tpu.enqueue_indirect_dma source(%dma_start3A_119 : memref<2600000x32xf32, #tpu.memory_space<hbm>>) target(%arg12 : memref<512x32xf32, #tpu.memory_space<vmem>>) offsets(%arg10 : memref<512xi32, #tpu.memory_space<vmem>>) semaphore(%arg20 : memref<!tpu.dma_semaphore, #tpu.memory_space<semaphore_mem>>)
    %dma_wait3A_120 = arith.constant 0 : i32
    %dma_wait3A_121 = arith.constant 0 : i32
    %dma_wait3A_122 = tpu.memref_slice %arg5[%dma_wait3A_120, %dma_wait3A_121] : memref<2600000x32xf32, #tpu.memory_space<hbm>> -> memref<2600000x32xf32, #tpu.memory_space<hbm>>
    tpu.wait_indirect_dma semaphore(%arg19 : memref<!tpu.dma_semaphore, #tpu.memory_space<semaphore_mem>>) src(%dma_wait3A_122 : memref<2600000x32xf32, #tpu.memory_space<hbm>>) dst(%arg11 : memref<512x32xf32, #tpu.memory_space<vmem>>)
    %run_scoped3A_123 = arith.constant 14 : i32
    "tpu.region"() ({
      %run_scoped3A_353 = tpu.sem_alloc : memref<!tpu.dma_semaphore, #tpu.memory_space<semaphore_mem>>
      %dma_start3A_354 = arith.constant 0 : i32
      %dma_start3A_355 = tpu.memref_slice %arg8[%mul3A_2, %run_scoped3A_123, %dma_start3A_354] : memref<16384x28x32xf32, #tpu.memory_space<hbm>> -> memref<512x1x32xf32, #tpu.memory_space<hbm>>
      %dma_start3A_356 = tpu.memref_squeeze %dma_start3A_355 : memref<512x1x32xf32, #tpu.memory_space<hbm>> -> memref<512x32xf32, #tpu.memory_space<hbm>>
      %dma_start3A_357 = arith.constant 0 : i32
      %dma_start3A_358 = tpu.memref_slice %arg8[%mul3A_2, %run_scoped3A_123, %dma_start3A_357] : memref<16384x28x32xf32, #tpu.memory_space<hbm>> -> memref<512x1x32xf32, #tpu.memory_space<hbm>>
      %dma_start3A_359 = tpu.memref_squeeze %dma_start3A_358 : memref<512x1x32xf32, #tpu.memory_space<hbm>> -> memref<512x32xf32, #tpu.memory_space<hbm>>
      tpu.enqueue_dma source(%arg11 : memref<512x32xf32, #tpu.memory_space<vmem>>) target(%dma_start3A_359 : memref<512x32xf32, #tpu.memory_space<hbm>>) target_semaphore(%run_scoped3A_353 : memref<!tpu.dma_semaphore, #tpu.memory_space<semaphore_mem>>)
      %dma_wait3A_360 = arith.constant 0 : i32
      %dma_wait3A_361 = tpu.memref_slice %arg8[%mul3A_2, %run_scoped3A_123, %dma_wait3A_360] : memref<16384x28x32xf32, #tpu.memory_space<hbm>> -> memref<512x1x32xf32, #tpu.memory_space<hbm>>
      %dma_wait3A_362 = tpu.memref_squeeze %dma_wait3A_361 : memref<512x1x32xf32, #tpu.memory_space<hbm>> -> memref<512x32xf32, #tpu.memory_space<hbm>>
      %dma_wait3A_363 = arith.constant 0 : i32
      %dma_wait3A_364 = tpu.memref_slice %arg8[%mul3A_2, %run_scoped3A_123, %dma_wait3A_363] : memref<16384x28x32xf32, #tpu.memory_space<hbm>> -> memref<512x1x32xf32, #tpu.memory_space<hbm>>
      %dma_wait3A_365 = tpu.memref_squeeze %dma_wait3A_364 : memref<512x1x32xf32, #tpu.memory_space<hbm>> -> memref<512x32xf32, #tpu.memory_space<hbm>>
      tpu.wait_dma2 semaphore(%run_scoped3A_353 : memref<!tpu.dma_semaphore, #tpu.memory_space<semaphore_mem>>) src(%arg11 : memref<512x32xf32, #tpu.memory_space<vmem>>) dst(%dma_wait3A_365 : memref<512x32xf32, #tpu.memory_space<hbm>>)
      tpu.yield
    }) : () -> ()
    %run_scoped3A_124 = arith.constant 16 : i32
    "tpu.region"() ({
      %run_scoped3A_353 = tpu.sem_alloc : memref<!tpu.dma_semaphore, #tpu.memory_space<semaphore_mem>>
      %dma_start3A_354 = tpu.memref_slice %arg2[%run_scoped3A_124, %mul3A_2] : memref<26x16384xi32, #tpu.memory_space<hbm>> -> memref<1x512xi32, #tpu.memory_space<hbm>>
      %dma_start3A_355 = tpu.memref_squeeze %dma_start3A_354 : memref<1x512xi32, #tpu.memory_space<hbm>> -> memref<512xi32, #tpu.memory_space<hbm>>
      %dma_start3A_356 = tpu.memref_slice %arg2[%run_scoped3A_124, %mul3A_2] : memref<26x16384xi32, #tpu.memory_space<hbm>> -> memref<1x512xi32, #tpu.memory_space<hbm>>
      %dma_start3A_357 = tpu.memref_squeeze %dma_start3A_356 : memref<1x512xi32, #tpu.memory_space<hbm>> -> memref<512xi32, #tpu.memory_space<hbm>>
      tpu.enqueue_dma source(%dma_start3A_357 : memref<512xi32, #tpu.memory_space<hbm>>) target(%arg9 : memref<512xi32, #tpu.memory_space<vmem>>) target_semaphore(%run_scoped3A_353 : memref<!tpu.dma_semaphore, #tpu.memory_space<semaphore_mem>>)
      %dma_wait3A_358 = tpu.memref_slice %arg2[%run_scoped3A_124, %mul3A_2] : memref<26x16384xi32, #tpu.memory_space<hbm>> -> memref<1x512xi32, #tpu.memory_space<hbm>>
      %dma_wait3A_359 = tpu.memref_squeeze %dma_wait3A_358 : memref<1x512xi32, #tpu.memory_space<hbm>> -> memref<512xi32, #tpu.memory_space<hbm>>
      %dma_wait3A_360 = tpu.memref_slice %arg2[%run_scoped3A_124, %mul3A_2] : memref<26x16384xi32, #tpu.memory_space<hbm>> -> memref<1x512xi32, #tpu.memory_space<hbm>>
      %dma_wait3A_361 = tpu.memref_squeeze %dma_wait3A_360 : memref<1x512xi32, #tpu.memory_space<hbm>> -> memref<512xi32, #tpu.memory_space<hbm>>
      tpu.wait_dma2 semaphore(%run_scoped3A_353 : memref<!tpu.dma_semaphore, #tpu.memory_space<semaphore_mem>>) src(%dma_wait3A_361 : memref<512xi32, #tpu.memory_space<hbm>>) dst(%arg9 : memref<512xi32, #tpu.memory_space<vmem>>)
      tpu.yield
    }) : () -> ()
    %dma_start3A_125 = arith.constant 0 : i32
    %dma_start3A_126 = arith.constant 0 : i32
    %dma_start3A_127 = tpu.memref_slice %arg5[%dma_start3A_125, %dma_start3A_126] : memref<2600000x32xf32, #tpu.memory_space<hbm>> -> memref<2600000x32xf32, #tpu.memory_space<hbm>>
    tpu.enqueue_indirect_dma source(%dma_start3A_127 : memref<2600000x32xf32, #tpu.memory_space<hbm>>) target(%arg11 : memref<512x32xf32, #tpu.memory_space<vmem>>) offsets(%arg9 : memref<512xi32, #tpu.memory_space<vmem>>) semaphore(%arg19 : memref<!tpu.dma_semaphore, #tpu.memory_space<semaphore_mem>>)
    %dma_wait3A_128 = arith.constant 0 : i32
    %dma_wait3A_129 = arith.constant 0 : i32
    %dma_wait3A_130 = tpu.memref_slice %arg5[%dma_wait3A_128, %dma_wait3A_129] : memref<2600000x32xf32, #tpu.memory_space<hbm>> -> memref<2600000x32xf32, #tpu.memory_space<hbm>>
    tpu.wait_indirect_dma semaphore(%arg20 : memref<!tpu.dma_semaphore, #tpu.memory_space<semaphore_mem>>) src(%dma_wait3A_130 : memref<2600000x32xf32, #tpu.memory_space<hbm>>) dst(%arg12 : memref<512x32xf32, #tpu.memory_space<vmem>>)
    %run_scoped3A_131 = arith.constant 15 : i32
    "tpu.region"() ({
      %run_scoped3A_353 = tpu.sem_alloc : memref<!tpu.dma_semaphore, #tpu.memory_space<semaphore_mem>>
      %dma_start3A_354 = arith.constant 0 : i32
      %dma_start3A_355 = tpu.memref_slice %arg8[%mul3A_2, %run_scoped3A_131, %dma_start3A_354] : memref<16384x28x32xf32, #tpu.memory_space<hbm>> -> memref<512x1x32xf32, #tpu.memory_space<hbm>>
      %dma_start3A_356 = tpu.memref_squeeze %dma_start3A_355 : memref<512x1x32xf32, #tpu.memory_space<hbm>> -> memref<512x32xf32, #tpu.memory_space<hbm>>
      %dma_start3A_357 = arith.constant 0 : i32
      %dma_start3A_358 = tpu.memref_slice %arg8[%mul3A_2, %run_scoped3A_131, %dma_start3A_357] : memref<16384x28x32xf32, #tpu.memory_space<hbm>> -> memref<512x1x32xf32, #tpu.memory_space<hbm>>
      %dma_start3A_359 = tpu.memref_squeeze %dma_start3A_358 : memref<512x1x32xf32, #tpu.memory_space<hbm>> -> memref<512x32xf32, #tpu.memory_space<hbm>>
      tpu.enqueue_dma source(%arg12 : memref<512x32xf32, #tpu.memory_space<vmem>>) target(%dma_start3A_359 : memref<512x32xf32, #tpu.memory_space<hbm>>) target_semaphore(%run_scoped3A_353 : memref<!tpu.dma_semaphore, #tpu.memory_space<semaphore_mem>>)
      %dma_wait3A_360 = arith.constant 0 : i32
      %dma_wait3A_361 = tpu.memref_slice %arg8[%mul3A_2, %run_scoped3A_131, %dma_wait3A_360] : memref<16384x28x32xf32, #tpu.memory_space<hbm>> -> memref<512x1x32xf32, #tpu.memory_space<hbm>>
      %dma_wait3A_362 = tpu.memref_squeeze %dma_wait3A_361 : memref<512x1x32xf32, #tpu.memory_space<hbm>> -> memref<512x32xf32, #tpu.memory_space<hbm>>
      %dma_wait3A_363 = arith.constant 0 : i32
      %dma_wait3A_364 = tpu.memref_slice %arg8[%mul3A_2, %run_scoped3A_131, %dma_wait3A_363] : memref<16384x28x32xf32, #tpu.memory_space<hbm>> -> memref<512x1x32xf32, #tpu.memory_space<hbm>>
      %dma_wait3A_365 = tpu.memref_squeeze %dma_wait3A_364 : memref<512x1x32xf32, #tpu.memory_space<hbm>> -> memref<512x32xf32, #tpu.memory_space<hbm>>
      tpu.wait_dma2 semaphore(%run_scoped3A_353 : memref<!tpu.dma_semaphore, #tpu.memory_space<semaphore_mem>>) src(%arg12 : memref<512x32xf32, #tpu.memory_space<vmem>>) dst(%dma_wait3A_365 : memref<512x32xf32, #tpu.memory_space<hbm>>)
      tpu.yield
    }) : () -> ()
    %run_scoped3A_132 = arith.constant 17 : i32
    "tpu.region"() ({
      %run_scoped3A_353 = tpu.sem_alloc : memref<!tpu.dma_semaphore, #tpu.memory_space<semaphore_mem>>
      %dma_start3A_354 = tpu.memref_slice %arg2[%run_scoped3A_132, %mul3A_2] : memref<26x16384xi32, #tpu.memory_space<hbm>> -> memref<1x512xi32, #tpu.memory_space<hbm>>
      %dma_start3A_355 = tpu.memref_squeeze %dma_start3A_354 : memref<1x512xi32, #tpu.memory_space<hbm>> -> memref<512xi32, #tpu.memory_space<hbm>>
      %dma_start3A_356 = tpu.memref_slice %arg2[%run_scoped3A_132, %mul3A_2] : memref<26x16384xi32, #tpu.memory_space<hbm>> -> memref<1x512xi32, #tpu.memory_space<hbm>>
      %dma_start3A_357 = tpu.memref_squeeze %dma_start3A_356 : memref<1x512xi32, #tpu.memory_space<hbm>> -> memref<512xi32, #tpu.memory_space<hbm>>
      tpu.enqueue_dma source(%dma_start3A_357 : memref<512xi32, #tpu.memory_space<hbm>>) target(%arg10 : memref<512xi32, #tpu.memory_space<vmem>>) target_semaphore(%run_scoped3A_353 : memref<!tpu.dma_semaphore, #tpu.memory_space<semaphore_mem>>)
      %dma_wait3A_358 = tpu.memref_slice %arg2[%run_scoped3A_132, %mul3A_2] : memref<26x16384xi32, #tpu.memory_space<hbm>> -> memref<1x512xi32, #tpu.memory_space<hbm>>
      %dma_wait3A_359 = tpu.memref_squeeze %dma_wait3A_358 : memref<1x512xi32, #tpu.memory_space<hbm>> -> memref<512xi32, #tpu.memory_space<hbm>>
      %dma_wait3A_360 = tpu.memref_slice %arg2[%run_scoped3A_132, %mul3A_2] : memref<26x16384xi32, #tpu.memory_space<hbm>> -> memref<1x512xi32, #tpu.memory_space<hbm>>
      %dma_wait3A_361 = tpu.memref_squeeze %dma_wait3A_360 : memref<1x512xi32, #tpu.memory_space<hbm>> -> memref<512xi32, #tpu.memory_space<hbm>>
      tpu.wait_dma2 semaphore(%run_scoped3A_353 : memref<!tpu.dma_semaphore, #tpu.memory_space<semaphore_mem>>) src(%dma_wait3A_361 : memref<512xi32, #tpu.memory_space<hbm>>) dst(%arg10 : memref<512xi32, #tpu.memory_space<vmem>>)
      tpu.yield
    }) : () -> ()
    %dma_start3A_133 = arith.constant 0 : i32
    %dma_start3A_134 = arith.constant 0 : i32
    %dma_start3A_135 = tpu.memref_slice %arg5[%dma_start3A_133, %dma_start3A_134] : memref<2600000x32xf32, #tpu.memory_space<hbm>> -> memref<2600000x32xf32, #tpu.memory_space<hbm>>
    tpu.enqueue_indirect_dma source(%dma_start3A_135 : memref<2600000x32xf32, #tpu.memory_space<hbm>>) target(%arg12 : memref<512x32xf32, #tpu.memory_space<vmem>>) offsets(%arg10 : memref<512xi32, #tpu.memory_space<vmem>>) semaphore(%arg20 : memref<!tpu.dma_semaphore, #tpu.memory_space<semaphore_mem>>)
    %dma_wait3A_136 = arith.constant 0 : i32
    %dma_wait3A_137 = arith.constant 0 : i32
    %dma_wait3A_138 = tpu.memref_slice %arg5[%dma_wait3A_136, %dma_wait3A_137] : memref<2600000x32xf32, #tpu.memory_space<hbm>> -> memref<2600000x32xf32, #tpu.memory_space<hbm>>
    tpu.wait_indirect_dma semaphore(%arg19 : memref<!tpu.dma_semaphore, #tpu.memory_space<semaphore_mem>>) src(%dma_wait3A_138 : memref<2600000x32xf32, #tpu.memory_space<hbm>>) dst(%arg11 : memref<512x32xf32, #tpu.memory_space<vmem>>)
    %run_scoped3A_139 = arith.constant 16 : i32
    "tpu.region"() ({
      %run_scoped3A_353 = tpu.sem_alloc : memref<!tpu.dma_semaphore, #tpu.memory_space<semaphore_mem>>
      %dma_start3A_354 = arith.constant 0 : i32
      %dma_start3A_355 = tpu.memref_slice %arg8[%mul3A_2, %run_scoped3A_139, %dma_start3A_354] : memref<16384x28x32xf32, #tpu.memory_space<hbm>> -> memref<512x1x32xf32, #tpu.memory_space<hbm>>
      %dma_start3A_356 = tpu.memref_squeeze %dma_start3A_355 : memref<512x1x32xf32, #tpu.memory_space<hbm>> -> memref<512x32xf32, #tpu.memory_space<hbm>>
      %dma_start3A_357 = arith.constant 0 : i32
      %dma_start3A_358 = tpu.memref_slice %arg8[%mul3A_2, %run_scoped3A_139, %dma_start3A_357] : memref<16384x28x32xf32, #tpu.memory_space<hbm>> -> memref<512x1x32xf32, #tpu.memory_space<hbm>>
      %dma_start3A_359 = tpu.memref_squeeze %dma_start3A_358 : memref<512x1x32xf32, #tpu.memory_space<hbm>> -> memref<512x32xf32, #tpu.memory_space<hbm>>
      tpu.enqueue_dma source(%arg11 : memref<512x32xf32, #tpu.memory_space<vmem>>) target(%dma_start3A_359 : memref<512x32xf32, #tpu.memory_space<hbm>>) target_semaphore(%run_scoped3A_353 : memref<!tpu.dma_semaphore, #tpu.memory_space<semaphore_mem>>)
      %dma_wait3A_360 = arith.constant 0 : i32
      %dma_wait3A_361 = tpu.memref_slice %arg8[%mul3A_2, %run_scoped3A_139, %dma_wait3A_360] : memref<16384x28x32xf32, #tpu.memory_space<hbm>> -> memref<512x1x32xf32, #tpu.memory_space<hbm>>
      %dma_wait3A_362 = tpu.memref_squeeze %dma_wait3A_361 : memref<512x1x32xf32, #tpu.memory_space<hbm>> -> memref<512x32xf32, #tpu.memory_space<hbm>>
      %dma_wait3A_363 = arith.constant 0 : i32
      %dma_wait3A_364 = tpu.memref_slice %arg8[%mul3A_2, %run_scoped3A_139, %dma_wait3A_363] : memref<16384x28x32xf32, #tpu.memory_space<hbm>> -> memref<512x1x32xf32, #tpu.memory_space<hbm>>
      %dma_wait3A_365 = tpu.memref_squeeze %dma_wait3A_364 : memref<512x1x32xf32, #tpu.memory_space<hbm>> -> memref<512x32xf32, #tpu.memory_space<hbm>>
      tpu.wait_dma2 semaphore(%run_scoped3A_353 : memref<!tpu.dma_semaphore, #tpu.memory_space<semaphore_mem>>) src(%arg11 : memref<512x32xf32, #tpu.memory_space<vmem>>) dst(%dma_wait3A_365 : memref<512x32xf32, #tpu.memory_space<hbm>>)
      tpu.yield
    }) : () -> ()
    %run_scoped3A_140 = arith.constant 18 : i32
    "tpu.region"() ({
      %run_scoped3A_353 = tpu.sem_alloc : memref<!tpu.dma_semaphore, #tpu.memory_space<semaphore_mem>>
      %dma_start3A_354 = tpu.memref_slice %arg2[%run_scoped3A_140, %mul3A_2] : memref<26x16384xi32, #tpu.memory_space<hbm>> -> memref<1x512xi32, #tpu.memory_space<hbm>>
      %dma_start3A_355 = tpu.memref_squeeze %dma_start3A_354 : memref<1x512xi32, #tpu.memory_space<hbm>> -> memref<512xi32, #tpu.memory_space<hbm>>
      %dma_start3A_356 = tpu.memref_slice %arg2[%run_scoped3A_140, %mul3A_2] : memref<26x16384xi32, #tpu.memory_space<hbm>> -> memref<1x512xi32, #tpu.memory_space<hbm>>
      %dma_start3A_357 = tpu.memref_squeeze %dma_start3A_356 : memref<1x512xi32, #tpu.memory_space<hbm>> -> memref<512xi32, #tpu.memory_space<hbm>>
      tpu.enqueue_dma source(%dma_start3A_357 : memref<512xi32, #tpu.memory_space<hbm>>) target(%arg9 : memref<512xi32, #tpu.memory_space<vmem>>) target_semaphore(%run_scoped3A_353 : memref<!tpu.dma_semaphore, #tpu.memory_space<semaphore_mem>>)
      %dma_wait3A_358 = tpu.memref_slice %arg2[%run_scoped3A_140, %mul3A_2] : memref<26x16384xi32, #tpu.memory_space<hbm>> -> memref<1x512xi32, #tpu.memory_space<hbm>>
      %dma_wait3A_359 = tpu.memref_squeeze %dma_wait3A_358 : memref<1x512xi32, #tpu.memory_space<hbm>> -> memref<512xi32, #tpu.memory_space<hbm>>
      %dma_wait3A_360 = tpu.memref_slice %arg2[%run_scoped3A_140, %mul3A_2] : memref<26x16384xi32, #tpu.memory_space<hbm>> -> memref<1x512xi32, #tpu.memory_space<hbm>>
      %dma_wait3A_361 = tpu.memref_squeeze %dma_wait3A_360 : memref<1x512xi32, #tpu.memory_space<hbm>> -> memref<512xi32, #tpu.memory_space<hbm>>
      tpu.wait_dma2 semaphore(%run_scoped3A_353 : memref<!tpu.dma_semaphore, #tpu.memory_space<semaphore_mem>>) src(%dma_wait3A_361 : memref<512xi32, #tpu.memory_space<hbm>>) dst(%arg9 : memref<512xi32, #tpu.memory_space<vmem>>)
      tpu.yield
    }) : () -> ()
    %dma_start3A_141 = arith.constant 0 : i32
    %dma_start3A_142 = arith.constant 0 : i32
    %dma_start3A_143 = tpu.memref_slice %arg5[%dma_start3A_141, %dma_start3A_142] : memref<2600000x32xf32, #tpu.memory_space<hbm>> -> memref<2600000x32xf32, #tpu.memory_space<hbm>>
    tpu.enqueue_indirect_dma source(%dma_start3A_143 : memref<2600000x32xf32, #tpu.memory_space<hbm>>) target(%arg11 : memref<512x32xf32, #tpu.memory_space<vmem>>) offsets(%arg9 : memref<512xi32, #tpu.memory_space<vmem>>) semaphore(%arg19 : memref<!tpu.dma_semaphore, #tpu.memory_space<semaphore_mem>>)
    %dma_wait3A_144 = arith.constant 0 : i32
    %dma_wait3A_145 = arith.constant 0 : i32
    %dma_wait3A_146 = tpu.memref_slice %arg5[%dma_wait3A_144, %dma_wait3A_145] : memref<2600000x32xf32, #tpu.memory_space<hbm>> -> memref<2600000x32xf32, #tpu.memory_space<hbm>>
    tpu.wait_indirect_dma semaphore(%arg20 : memref<!tpu.dma_semaphore, #tpu.memory_space<semaphore_mem>>) src(%dma_wait3A_146 : memref<2600000x32xf32, #tpu.memory_space<hbm>>) dst(%arg12 : memref<512x32xf32, #tpu.memory_space<vmem>>)
    %run_scoped3A_147 = arith.constant 17 : i32
    "tpu.region"() ({
      %run_scoped3A_353 = tpu.sem_alloc : memref<!tpu.dma_semaphore, #tpu.memory_space<semaphore_mem>>
      %dma_start3A_354 = arith.constant 0 : i32
      %dma_start3A_355 = tpu.memref_slice %arg8[%mul3A_2, %run_scoped3A_147, %dma_start3A_354] : memref<16384x28x32xf32, #tpu.memory_space<hbm>> -> memref<512x1x32xf32, #tpu.memory_space<hbm>>
      %dma_start3A_356 = tpu.memref_squeeze %dma_start3A_355 : memref<512x1x32xf32, #tpu.memory_space<hbm>> -> memref<512x32xf32, #tpu.memory_space<hbm>>
      %dma_start3A_357 = arith.constant 0 : i32
      %dma_start3A_358 = tpu.memref_slice %arg8[%mul3A_2, %run_scoped3A_147, %dma_start3A_357] : memref<16384x28x32xf32, #tpu.memory_space<hbm>> -> memref<512x1x32xf32, #tpu.memory_space<hbm>>
      %dma_start3A_359 = tpu.memref_squeeze %dma_start3A_358 : memref<512x1x32xf32, #tpu.memory_space<hbm>> -> memref<512x32xf32, #tpu.memory_space<hbm>>
      tpu.enqueue_dma source(%arg12 : memref<512x32xf32, #tpu.memory_space<vmem>>) target(%dma_start3A_359 : memref<512x32xf32, #tpu.memory_space<hbm>>) target_semaphore(%run_scoped3A_353 : memref<!tpu.dma_semaphore, #tpu.memory_space<semaphore_mem>>)
      %dma_wait3A_360 = arith.constant 0 : i32
      %dma_wait3A_361 = tpu.memref_slice %arg8[%mul3A_2, %run_scoped3A_147, %dma_wait3A_360] : memref<16384x28x32xf32, #tpu.memory_space<hbm>> -> memref<512x1x32xf32, #tpu.memory_space<hbm>>
      %dma_wait3A_362 = tpu.memref_squeeze %dma_wait3A_361 : memref<512x1x32xf32, #tpu.memory_space<hbm>> -> memref<512x32xf32, #tpu.memory_space<hbm>>
      %dma_wait3A_363 = arith.constant 0 : i32
      %dma_wait3A_364 = tpu.memref_slice %arg8[%mul3A_2, %run_scoped3A_147, %dma_wait3A_363] : memref<16384x28x32xf32, #tpu.memory_space<hbm>> -> memref<512x1x32xf32, #tpu.memory_space<hbm>>
      %dma_wait3A_365 = tpu.memref_squeeze %dma_wait3A_364 : memref<512x1x32xf32, #tpu.memory_space<hbm>> -> memref<512x32xf32, #tpu.memory_space<hbm>>
      tpu.wait_dma2 semaphore(%run_scoped3A_353 : memref<!tpu.dma_semaphore, #tpu.memory_space<semaphore_mem>>) src(%arg12 : memref<512x32xf32, #tpu.memory_space<vmem>>) dst(%dma_wait3A_365 : memref<512x32xf32, #tpu.memory_space<hbm>>)
      tpu.yield
    }) : () -> ()
    %run_scoped3A_148 = arith.constant 19 : i32
    "tpu.region"() ({
      %run_scoped3A_353 = tpu.sem_alloc : memref<!tpu.dma_semaphore, #tpu.memory_space<semaphore_mem>>
      %dma_start3A_354 = tpu.memref_slice %arg2[%run_scoped3A_148, %mul3A_2] : memref<26x16384xi32, #tpu.memory_space<hbm>> -> memref<1x512xi32, #tpu.memory_space<hbm>>
      %dma_start3A_355 = tpu.memref_squeeze %dma_start3A_354 : memref<1x512xi32, #tpu.memory_space<hbm>> -> memref<512xi32, #tpu.memory_space<hbm>>
      %dma_start3A_356 = tpu.memref_slice %arg2[%run_scoped3A_148, %mul3A_2] : memref<26x16384xi32, #tpu.memory_space<hbm>> -> memref<1x512xi32, #tpu.memory_space<hbm>>
      %dma_start3A_357 = tpu.memref_squeeze %dma_start3A_356 : memref<1x512xi32, #tpu.memory_space<hbm>> -> memref<512xi32, #tpu.memory_space<hbm>>
      tpu.enqueue_dma source(%dma_start3A_357 : memref<512xi32, #tpu.memory_space<hbm>>) target(%arg10 : memref<512xi32, #tpu.memory_space<vmem>>) target_semaphore(%run_scoped3A_353 : memref<!tpu.dma_semaphore, #tpu.memory_space<semaphore_mem>>)
      %dma_wait3A_358 = tpu.memref_slice %arg2[%run_scoped3A_148, %mul3A_2] : memref<26x16384xi32, #tpu.memory_space<hbm>> -> memref<1x512xi32, #tpu.memory_space<hbm>>
      %dma_wait3A_359 = tpu.memref_squeeze %dma_wait3A_358 : memref<1x512xi32, #tpu.memory_space<hbm>> -> memref<512xi32, #tpu.memory_space<hbm>>
      %dma_wait3A_360 = tpu.memref_slice %arg2[%run_scoped3A_148, %mul3A_2] : memref<26x16384xi32, #tpu.memory_space<hbm>> -> memref<1x512xi32, #tpu.memory_space<hbm>>
      %dma_wait3A_361 = tpu.memref_squeeze %dma_wait3A_360 : memref<1x512xi32, #tpu.memory_space<hbm>> -> memref<512xi32, #tpu.memory_space<hbm>>
      tpu.wait_dma2 semaphore(%run_scoped3A_353 : memref<!tpu.dma_semaphore, #tpu.memory_space<semaphore_mem>>) src(%dma_wait3A_361 : memref<512xi32, #tpu.memory_space<hbm>>) dst(%arg10 : memref<512xi32, #tpu.memory_space<vmem>>)
      tpu.yield
    }) : () -> ()
    %dma_start3A_149 = arith.constant 0 : i32
    %dma_start3A_150 = arith.constant 0 : i32
    %dma_start3A_151 = tpu.memref_slice %arg5[%dma_start3A_149, %dma_start3A_150] : memref<2600000x32xf32, #tpu.memory_space<hbm>> -> memref<2600000x32xf32, #tpu.memory_space<hbm>>
    tpu.enqueue_indirect_dma source(%dma_start3A_151 : memref<2600000x32xf32, #tpu.memory_space<hbm>>) target(%arg12 : memref<512x32xf32, #tpu.memory_space<vmem>>) offsets(%arg10 : memref<512xi32, #tpu.memory_space<vmem>>) semaphore(%arg20 : memref<!tpu.dma_semaphore, #tpu.memory_space<semaphore_mem>>)
    %dma_wait3A_152 = arith.constant 0 : i32
    %dma_wait3A_153 = arith.constant 0 : i32
    %dma_wait3A_154 = tpu.memref_slice %arg5[%dma_wait3A_152, %dma_wait3A_153] : memref<2600000x32xf32, #tpu.memory_space<hbm>> -> memref<2600000x32xf32, #tpu.memory_space<hbm>>
    tpu.wait_indirect_dma semaphore(%arg19 : memref<!tpu.dma_semaphore, #tpu.memory_space<semaphore_mem>>) src(%dma_wait3A_154 : memref<2600000x32xf32, #tpu.memory_space<hbm>>) dst(%arg11 : memref<512x32xf32, #tpu.memory_space<vmem>>)
    %run_scoped3A_155 = arith.constant 18 : i32
    "tpu.region"() ({
      %run_scoped3A_353 = tpu.sem_alloc : memref<!tpu.dma_semaphore, #tpu.memory_space<semaphore_mem>>
      %dma_start3A_354 = arith.constant 0 : i32
      %dma_start3A_355 = tpu.memref_slice %arg8[%mul3A_2, %run_scoped3A_155, %dma_start3A_354] : memref<16384x28x32xf32, #tpu.memory_space<hbm>> -> memref<512x1x32xf32, #tpu.memory_space<hbm>>
      %dma_start3A_356 = tpu.memref_squeeze %dma_start3A_355 : memref<512x1x32xf32, #tpu.memory_space<hbm>> -> memref<512x32xf32, #tpu.memory_space<hbm>>
      %dma_start3A_357 = arith.constant 0 : i32
      %dma_start3A_358 = tpu.memref_slice %arg8[%mul3A_2, %run_scoped3A_155, %dma_start3A_357] : memref<16384x28x32xf32, #tpu.memory_space<hbm>> -> memref<512x1x32xf32, #tpu.memory_space<hbm>>
      %dma_start3A_359 = tpu.memref_squeeze %dma_start3A_358 : memref<512x1x32xf32, #tpu.memory_space<hbm>> -> memref<512x32xf32, #tpu.memory_space<hbm>>
      tpu.enqueue_dma source(%arg11 : memref<512x32xf32, #tpu.memory_space<vmem>>) target(%dma_start3A_359 : memref<512x32xf32, #tpu.memory_space<hbm>>) target_semaphore(%run_scoped3A_353 : memref<!tpu.dma_semaphore, #tpu.memory_space<semaphore_mem>>)
      %dma_wait3A_360 = arith.constant 0 : i32
      %dma_wait3A_361 = tpu.memref_slice %arg8[%mul3A_2, %run_scoped3A_155, %dma_wait3A_360] : memref<16384x28x32xf32, #tpu.memory_space<hbm>> -> memref<512x1x32xf32, #tpu.memory_space<hbm>>
      %dma_wait3A_362 = tpu.memref_squeeze %dma_wait3A_361 : memref<512x1x32xf32, #tpu.memory_space<hbm>> -> memref<512x32xf32, #tpu.memory_space<hbm>>
      %dma_wait3A_363 = arith.constant 0 : i32
      %dma_wait3A_364 = tpu.memref_slice %arg8[%mul3A_2, %run_scoped3A_155, %dma_wait3A_363] : memref<16384x28x32xf32, #tpu.memory_space<hbm>> -> memref<512x1x32xf32, #tpu.memory_space<hbm>>
      %dma_wait3A_365 = tpu.memref_squeeze %dma_wait3A_364 : memref<512x1x32xf32, #tpu.memory_space<hbm>> -> memref<512x32xf32, #tpu.memory_space<hbm>>
      tpu.wait_dma2 semaphore(%run_scoped3A_353 : memref<!tpu.dma_semaphore, #tpu.memory_space<semaphore_mem>>) src(%arg11 : memref<512x32xf32, #tpu.memory_space<vmem>>) dst(%dma_wait3A_365 : memref<512x32xf32, #tpu.memory_space<hbm>>)
      tpu.yield
    }) : () -> ()
    %run_scoped3A_156 = arith.constant 20 : i32
    "tpu.region"() ({
      %run_scoped3A_353 = tpu.sem_alloc : memref<!tpu.dma_semaphore, #tpu.memory_space<semaphore_mem>>
      %dma_start3A_354 = tpu.memref_slice %arg2[%run_scoped3A_156, %mul3A_2] : memref<26x16384xi32, #tpu.memory_space<hbm>> -> memref<1x512xi32, #tpu.memory_space<hbm>>
      %dma_start3A_355 = tpu.memref_squeeze %dma_start3A_354 : memref<1x512xi32, #tpu.memory_space<hbm>> -> memref<512xi32, #tpu.memory_space<hbm>>
      %dma_start3A_356 = tpu.memref_slice %arg2[%run_scoped3A_156, %mul3A_2] : memref<26x16384xi32, #tpu.memory_space<hbm>> -> memref<1x512xi32, #tpu.memory_space<hbm>>
      %dma_start3A_357 = tpu.memref_squeeze %dma_start3A_356 : memref<1x512xi32, #tpu.memory_space<hbm>> -> memref<512xi32, #tpu.memory_space<hbm>>
      tpu.enqueue_dma source(%dma_start3A_357 : memref<512xi32, #tpu.memory_space<hbm>>) target(%arg9 : memref<512xi32, #tpu.memory_space<vmem>>) target_semaphore(%run_scoped3A_353 : memref<!tpu.dma_semaphore, #tpu.memory_space<semaphore_mem>>)
      %dma_wait3A_358 = tpu.memref_slice %arg2[%run_scoped3A_156, %mul3A_2] : memref<26x16384xi32, #tpu.memory_space<hbm>> -> memref<1x512xi32, #tpu.memory_space<hbm>>
      %dma_wait3A_359 = tpu.memref_squeeze %dma_wait3A_358 : memref<1x512xi32, #tpu.memory_space<hbm>> -> memref<512xi32, #tpu.memory_space<hbm>>
      %dma_wait3A_360 = tpu.memref_slice %arg2[%run_scoped3A_156, %mul3A_2] : memref<26x16384xi32, #tpu.memory_space<hbm>> -> memref<1x512xi32, #tpu.memory_space<hbm>>
      %dma_wait3A_361 = tpu.memref_squeeze %dma_wait3A_360 : memref<1x512xi32, #tpu.memory_space<hbm>> -> memref<512xi32, #tpu.memory_space<hbm>>
      tpu.wait_dma2 semaphore(%run_scoped3A_353 : memref<!tpu.dma_semaphore, #tpu.memory_space<semaphore_mem>>) src(%dma_wait3A_361 : memref<512xi32, #tpu.memory_space<hbm>>) dst(%arg9 : memref<512xi32, #tpu.memory_space<vmem>>)
      tpu.yield
    }) : () -> ()
    %dma_start3A_157 = arith.constant 0 : i32
    %dma_start3A_158 = arith.constant 0 : i32
    %dma_start3A_159 = tpu.memref_slice %arg5[%dma_start3A_157, %dma_start3A_158] : memref<2600000x32xf32, #tpu.memory_space<hbm>> -> memref<2600000x32xf32, #tpu.memory_space<hbm>>
    tpu.enqueue_indirect_dma source(%dma_start3A_159 : memref<2600000x32xf32, #tpu.memory_space<hbm>>) target(%arg11 : memref<512x32xf32, #tpu.memory_space<vmem>>) offsets(%arg9 : memref<512xi32, #tpu.memory_space<vmem>>) semaphore(%arg19 : memref<!tpu.dma_semaphore, #tpu.memory_space<semaphore_mem>>)
    %dma_wait3A_160 = arith.constant 0 : i32
    %dma_wait3A_161 = arith.constant 0 : i32
    %dma_wait3A_162 = tpu.memref_slice %arg5[%dma_wait3A_160, %dma_wait3A_161] : memref<2600000x32xf32, #tpu.memory_space<hbm>> -> memref<2600000x32xf32, #tpu.memory_space<hbm>>
    tpu.wait_indirect_dma semaphore(%arg20 : memref<!tpu.dma_semaphore, #tpu.memory_space<semaphore_mem>>) src(%dma_wait3A_162 : memref<2600000x32xf32, #tpu.memory_space<hbm>>) dst(%arg12 : memref<512x32xf32, #tpu.memory_space<vmem>>)
    %run_scoped3A_163 = arith.constant 19 : i32
    "tpu.region"() ({
      %run_scoped3A_353 = tpu.sem_alloc : memref<!tpu.dma_semaphore, #tpu.memory_space<semaphore_mem>>
      %dma_start3A_354 = arith.constant 0 : i32
      %dma_start3A_355 = tpu.memref_slice %arg8[%mul3A_2, %run_scoped3A_163, %dma_start3A_354] : memref<16384x28x32xf32, #tpu.memory_space<hbm>> -> memref<512x1x32xf32, #tpu.memory_space<hbm>>
      %dma_start3A_356 = tpu.memref_squeeze %dma_start3A_355 : memref<512x1x32xf32, #tpu.memory_space<hbm>> -> memref<512x32xf32, #tpu.memory_space<hbm>>
      %dma_start3A_357 = arith.constant 0 : i32
      %dma_start3A_358 = tpu.memref_slice %arg8[%mul3A_2, %run_scoped3A_163, %dma_start3A_357] : memref<16384x28x32xf32, #tpu.memory_space<hbm>> -> memref<512x1x32xf32, #tpu.memory_space<hbm>>
      %dma_start3A_359 = tpu.memref_squeeze %dma_start3A_358 : memref<512x1x32xf32, #tpu.memory_space<hbm>> -> memref<512x32xf32, #tpu.memory_space<hbm>>
      tpu.enqueue_dma source(%arg12 : memref<512x32xf32, #tpu.memory_space<vmem>>) target(%dma_start3A_359 : memref<512x32xf32, #tpu.memory_space<hbm>>) target_semaphore(%run_scoped3A_353 : memref<!tpu.dma_semaphore, #tpu.memory_space<semaphore_mem>>)
      %dma_wait3A_360 = arith.constant 0 : i32
      %dma_wait3A_361 = tpu.memref_slice %arg8[%mul3A_2, %run_scoped3A_163, %dma_wait3A_360] : memref<16384x28x32xf32, #tpu.memory_space<hbm>> -> memref<512x1x32xf32, #tpu.memory_space<hbm>>
      %dma_wait3A_362 = tpu.memref_squeeze %dma_wait3A_361 : memref<512x1x32xf32, #tpu.memory_space<hbm>> -> memref<512x32xf32, #tpu.memory_space<hbm>>
      %dma_wait3A_363 = arith.constant 0 : i32
      %dma_wait3A_364 = tpu.memref_slice %arg8[%mul3A_2, %run_scoped3A_163, %dma_wait3A_363] : memref<16384x28x32xf32, #tpu.memory_space<hbm>> -> memref<512x1x32xf32, #tpu.memory_space<hbm>>
      %dma_wait3A_365 = tpu.memref_squeeze %dma_wait3A_364 : memref<512x1x32xf32, #tpu.memory_space<hbm>> -> memref<512x32xf32, #tpu.memory_space<hbm>>
      tpu.wait_dma2 semaphore(%run_scoped3A_353 : memref<!tpu.dma_semaphore, #tpu.memory_space<semaphore_mem>>) src(%arg12 : memref<512x32xf32, #tpu.memory_space<vmem>>) dst(%dma_wait3A_365 : memref<512x32xf32, #tpu.memory_space<hbm>>)
      tpu.yield
    }) : () -> ()
    %run_scoped3A_164 = arith.constant 21 : i32
    "tpu.region"() ({
      %run_scoped3A_353 = tpu.sem_alloc : memref<!tpu.dma_semaphore, #tpu.memory_space<semaphore_mem>>
      %dma_start3A_354 = tpu.memref_slice %arg2[%run_scoped3A_164, %mul3A_2] : memref<26x16384xi32, #tpu.memory_space<hbm>> -> memref<1x512xi32, #tpu.memory_space<hbm>>
      %dma_start3A_355 = tpu.memref_squeeze %dma_start3A_354 : memref<1x512xi32, #tpu.memory_space<hbm>> -> memref<512xi32, #tpu.memory_space<hbm>>
      %dma_start3A_356 = tpu.memref_slice %arg2[%run_scoped3A_164, %mul3A_2] : memref<26x16384xi32, #tpu.memory_space<hbm>> -> memref<1x512xi32, #tpu.memory_space<hbm>>
      %dma_start3A_357 = tpu.memref_squeeze %dma_start3A_356 : memref<1x512xi32, #tpu.memory_space<hbm>> -> memref<512xi32, #tpu.memory_space<hbm>>
      tpu.enqueue_dma source(%dma_start3A_357 : memref<512xi32, #tpu.memory_space<hbm>>) target(%arg10 : memref<512xi32, #tpu.memory_space<vmem>>) target_semaphore(%run_scoped3A_353 : memref<!tpu.dma_semaphore, #tpu.memory_space<semaphore_mem>>)
      %dma_wait3A_358 = tpu.memref_slice %arg2[%run_scoped3A_164, %mul3A_2] : memref<26x16384xi32, #tpu.memory_space<hbm>> -> memref<1x512xi32, #tpu.memory_space<hbm>>
      %dma_wait3A_359 = tpu.memref_squeeze %dma_wait3A_358 : memref<1x512xi32, #tpu.memory_space<hbm>> -> memref<512xi32, #tpu.memory_space<hbm>>
      %dma_wait3A_360 = tpu.memref_slice %arg2[%run_scoped3A_164, %mul3A_2] : memref<26x16384xi32, #tpu.memory_space<hbm>> -> memref<1x512xi32, #tpu.memory_space<hbm>>
      %dma_wait3A_361 = tpu.memref_squeeze %dma_wait3A_360 : memref<1x512xi32, #tpu.memory_space<hbm>> -> memref<512xi32, #tpu.memory_space<hbm>>
      tpu.wait_dma2 semaphore(%run_scoped3A_353 : memref<!tpu.dma_semaphore, #tpu.memory_space<semaphore_mem>>) src(%dma_wait3A_361 : memref<512xi32, #tpu.memory_space<hbm>>) dst(%arg10 : memref<512xi32, #tpu.memory_space<vmem>>)
      tpu.yield
    }) : () -> ()
    %dma_start3A_165 = arith.constant 0 : i32
    %dma_start3A_166 = arith.constant 0 : i32
    %dma_start3A_167 = tpu.memref_slice %arg5[%dma_start3A_165, %dma_start3A_166] : memref<2600000x32xf32, #tpu.memory_space<hbm>> -> memref<2600000x32xf32, #tpu.memory_space<hbm>>
    tpu.enqueue_indirect_dma source(%dma_start3A_167 : memref<2600000x32xf32, #tpu.memory_space<hbm>>) target(%arg12 : memref<512x32xf32, #tpu.memory_space<vmem>>) offsets(%arg10 : memref<512xi32, #tpu.memory_space<vmem>>) semaphore(%arg20 : memref<!tpu.dma_semaphore, #tpu.memory_space<semaphore_mem>>)
    %dma_wait3A_168 = arith.constant 0 : i32
    %dma_wait3A_169 = arith.constant 0 : i32
    %dma_wait3A_170 = tpu.memref_slice %arg5[%dma_wait3A_168, %dma_wait3A_169] : memref<2600000x32xf32, #tpu.memory_space<hbm>> -> memref<2600000x32xf32, #tpu.memory_space<hbm>>
    tpu.wait_indirect_dma semaphore(%arg19 : memref<!tpu.dma_semaphore, #tpu.memory_space<semaphore_mem>>) src(%dma_wait3A_170 : memref<2600000x32xf32, #tpu.memory_space<hbm>>) dst(%arg11 : memref<512x32xf32, #tpu.memory_space<vmem>>)
    %run_scoped3A_171 = arith.constant 20 : i32
    "tpu.region"() ({
      %run_scoped3A_353 = tpu.sem_alloc : memref<!tpu.dma_semaphore, #tpu.memory_space<semaphore_mem>>
      %dma_start3A_354 = arith.constant 0 : i32
      %dma_start3A_355 = tpu.memref_slice %arg8[%mul3A_2, %run_scoped3A_171, %dma_start3A_354] : memref<16384x28x32xf32, #tpu.memory_space<hbm>> -> memref<512x1x32xf32, #tpu.memory_space<hbm>>
      %dma_start3A_356 = tpu.memref_squeeze %dma_start3A_355 : memref<512x1x32xf32, #tpu.memory_space<hbm>> -> memref<512x32xf32, #tpu.memory_space<hbm>>
      %dma_start3A_357 = arith.constant 0 : i32
      %dma_start3A_358 = tpu.memref_slice %arg8[%mul3A_2, %run_scoped3A_171, %dma_start3A_357] : memref<16384x28x32xf32, #tpu.memory_space<hbm>> -> memref<512x1x32xf32, #tpu.memory_space<hbm>>
      %dma_start3A_359 = tpu.memref_squeeze %dma_start3A_358 : memref<512x1x32xf32, #tpu.memory_space<hbm>> -> memref<512x32xf32, #tpu.memory_space<hbm>>
      tpu.enqueue_dma source(%arg11 : memref<512x32xf32, #tpu.memory_space<vmem>>) target(%dma_start3A_359 : memref<512x32xf32, #tpu.memory_space<hbm>>) target_semaphore(%run_scoped3A_353 : memref<!tpu.dma_semaphore, #tpu.memory_space<semaphore_mem>>)
      %dma_wait3A_360 = arith.constant 0 : i32
      %dma_wait3A_361 = tpu.memref_slice %arg8[%mul3A_2, %run_scoped3A_171, %dma_wait3A_360] : memref<16384x28x32xf32, #tpu.memory_space<hbm>> -> memref<512x1x32xf32, #tpu.memory_space<hbm>>
      %dma_wait3A_362 = tpu.memref_squeeze %dma_wait3A_361 : memref<512x1x32xf32, #tpu.memory_space<hbm>> -> memref<512x32xf32, #tpu.memory_space<hbm>>
      %dma_wait3A_363 = arith.constant 0 : i32
      %dma_wait3A_364 = tpu.memref_slice %arg8[%mul3A_2, %run_scoped3A_171, %dma_wait3A_363] : memref<16384x28x32xf32, #tpu.memory_space<hbm>> -> memref<512x1x32xf32, #tpu.memory_space<hbm>>
      %dma_wait3A_365 = tpu.memref_squeeze %dma_wait3A_364 : memref<512x1x32xf32, #tpu.memory_space<hbm>> -> memref<512x32xf32, #tpu.memory_space<hbm>>
      tpu.wait_dma2 semaphore(%run_scoped3A_353 : memref<!tpu.dma_semaphore, #tpu.memory_space<semaphore_mem>>) src(%arg11 : memref<512x32xf32, #tpu.memory_space<vmem>>) dst(%dma_wait3A_365 : memref<512x32xf32, #tpu.memory_space<hbm>>)
      tpu.yield
    }) : () -> ()
    %run_scoped3A_172 = arith.constant 22 : i32
    "tpu.region"() ({
      %run_scoped3A_353 = tpu.sem_alloc : memref<!tpu.dma_semaphore, #tpu.memory_space<semaphore_mem>>
      %dma_start3A_354 = tpu.memref_slice %arg2[%run_scoped3A_172, %mul3A_2] : memref<26x16384xi32, #tpu.memory_space<hbm>> -> memref<1x512xi32, #tpu.memory_space<hbm>>
      %dma_start3A_355 = tpu.memref_squeeze %dma_start3A_354 : memref<1x512xi32, #tpu.memory_space<hbm>> -> memref<512xi32, #tpu.memory_space<hbm>>
      %dma_start3A_356 = tpu.memref_slice %arg2[%run_scoped3A_172, %mul3A_2] : memref<26x16384xi32, #tpu.memory_space<hbm>> -> memref<1x512xi32, #tpu.memory_space<hbm>>
      %dma_start3A_357 = tpu.memref_squeeze %dma_start3A_356 : memref<1x512xi32, #tpu.memory_space<hbm>> -> memref<512xi32, #tpu.memory_space<hbm>>
      tpu.enqueue_dma source(%dma_start3A_357 : memref<512xi32, #tpu.memory_space<hbm>>) target(%arg9 : memref<512xi32, #tpu.memory_space<vmem>>) target_semaphore(%run_scoped3A_353 : memref<!tpu.dma_semaphore, #tpu.memory_space<semaphore_mem>>)
      %dma_wait3A_358 = tpu.memref_slice %arg2[%run_scoped3A_172, %mul3A_2] : memref<26x16384xi32, #tpu.memory_space<hbm>> -> memref<1x512xi32, #tpu.memory_space<hbm>>
      %dma_wait3A_359 = tpu.memref_squeeze %dma_wait3A_358 : memref<1x512xi32, #tpu.memory_space<hbm>> -> memref<512xi32, #tpu.memory_space<hbm>>
      %dma_wait3A_360 = tpu.memref_slice %arg2[%run_scoped3A_172, %mul3A_2] : memref<26x16384xi32, #tpu.memory_space<hbm>> -> memref<1x512xi32, #tpu.memory_space<hbm>>
      %dma_wait3A_361 = tpu.memref_squeeze %dma_wait3A_360 : memref<1x512xi32, #tpu.memory_space<hbm>> -> memref<512xi32, #tpu.memory_space<hbm>>
      tpu.wait_dma2 semaphore(%run_scoped3A_353 : memref<!tpu.dma_semaphore, #tpu.memory_space<semaphore_mem>>) src(%dma_wait3A_361 : memref<512xi32, #tpu.memory_space<hbm>>) dst(%arg9 : memref<512xi32, #tpu.memory_space<vmem>>)
      tpu.yield
    }) : () -> ()
    %dma_start3A_173 = arith.constant 0 : i32
    %dma_start3A_174 = arith.constant 0 : i32
    %dma_start3A_175 = tpu.memref_slice %arg5[%dma_start3A_173, %dma_start3A_174] : memref<2600000x32xf32, #tpu.memory_space<hbm>> -> memref<2600000x32xf32, #tpu.memory_space<hbm>>
    tpu.enqueue_indirect_dma source(%dma_start3A_175 : memref<2600000x32xf32, #tpu.memory_space<hbm>>) target(%arg11 : memref<512x32xf32, #tpu.memory_space<vmem>>) offsets(%arg9 : memref<512xi32, #tpu.memory_space<vmem>>) semaphore(%arg19 : memref<!tpu.dma_semaphore, #tpu.memory_space<semaphore_mem>>)
    %dma_wait3A_176 = arith.constant 0 : i32
    %dma_wait3A_177 = arith.constant 0 : i32
    %dma_wait3A_178 = tpu.memref_slice %arg5[%dma_wait3A_176, %dma_wait3A_177] : memref<2600000x32xf32, #tpu.memory_space<hbm>> -> memref<2600000x32xf32, #tpu.memory_space<hbm>>
    tpu.wait_indirect_dma semaphore(%arg20 : memref<!tpu.dma_semaphore, #tpu.memory_space<semaphore_mem>>) src(%dma_wait3A_178 : memref<2600000x32xf32, #tpu.memory_space<hbm>>) dst(%arg12 : memref<512x32xf32, #tpu.memory_space<vmem>>)
    %run_scoped3A_179 = arith.constant 21 : i32
    "tpu.region"() ({
      %run_scoped3A_353 = tpu.sem_alloc : memref<!tpu.dma_semaphore, #tpu.memory_space<semaphore_mem>>
      %dma_start3A_354 = arith.constant 0 : i32
      %dma_start3A_355 = tpu.memref_slice %arg8[%mul3A_2, %run_scoped3A_179, %dma_start3A_354] : memref<16384x28x32xf32, #tpu.memory_space<hbm>> -> memref<512x1x32xf32, #tpu.memory_space<hbm>>
      %dma_start3A_356 = tpu.memref_squeeze %dma_start3A_355 : memref<512x1x32xf32, #tpu.memory_space<hbm>> -> memref<512x32xf32, #tpu.memory_space<hbm>>
      %dma_start3A_357 = arith.constant 0 : i32
      %dma_start3A_358 = tpu.memref_slice %arg8[%mul3A_2, %run_scoped3A_179, %dma_start3A_357] : memref<16384x28x32xf32, #tpu.memory_space<hbm>> -> memref<512x1x32xf32, #tpu.memory_space<hbm>>
      %dma_start3A_359 = tpu.memref_squeeze %dma_start3A_358 : memref<512x1x32xf32, #tpu.memory_space<hbm>> -> memref<512x32xf32, #tpu.memory_space<hbm>>
      tpu.enqueue_dma source(%arg12 : memref<512x32xf32, #tpu.memory_space<vmem>>) target(%dma_start3A_359 : memref<512x32xf32, #tpu.memory_space<hbm>>) target_semaphore(%run_scoped3A_353 : memref<!tpu.dma_semaphore, #tpu.memory_space<semaphore_mem>>)
      %dma_wait3A_360 = arith.constant 0 : i32
      %dma_wait3A_361 = tpu.memref_slice %arg8[%mul3A_2, %run_scoped3A_179, %dma_wait3A_360] : memref<16384x28x32xf32, #tpu.memory_space<hbm>> -> memref<512x1x32xf32, #tpu.memory_space<hbm>>
      %dma_wait3A_362 = tpu.memref_squeeze %dma_wait3A_361 : memref<512x1x32xf32, #tpu.memory_space<hbm>> -> memref<512x32xf32, #tpu.memory_space<hbm>>
      %dma_wait3A_363 = arith.constant 0 : i32
      %dma_wait3A_364 = tpu.memref_slice %arg8[%mul3A_2, %run_scoped3A_179, %dma_wait3A_363] : memref<16384x28x32xf32, #tpu.memory_space<hbm>> -> memref<512x1x32xf32, #tpu.memory_space<hbm>>
      %dma_wait3A_365 = tpu.memref_squeeze %dma_wait3A_364 : memref<512x1x32xf32, #tpu.memory_space<hbm>> -> memref<512x32xf32, #tpu.memory_space<hbm>>
      tpu.wait_dma2 semaphore(%run_scoped3A_353 : memref<!tpu.dma_semaphore, #tpu.memory_space<semaphore_mem>>) src(%arg12 : memref<512x32xf32, #tpu.memory_space<vmem>>) dst(%dma_wait3A_365 : memref<512x32xf32, #tpu.memory_space<hbm>>)
      tpu.yield
    }) : () -> ()
    %run_scoped3A_180 = arith.constant 23 : i32
    "tpu.region"() ({
      %run_scoped3A_353 = tpu.sem_alloc : memref<!tpu.dma_semaphore, #tpu.memory_space<semaphore_mem>>
      %dma_start3A_354 = tpu.memref_slice %arg2[%run_scoped3A_180, %mul3A_2] : memref<26x16384xi32, #tpu.memory_space<hbm>> -> memref<1x512xi32, #tpu.memory_space<hbm>>
      %dma_start3A_355 = tpu.memref_squeeze %dma_start3A_354 : memref<1x512xi32, #tpu.memory_space<hbm>> -> memref<512xi32, #tpu.memory_space<hbm>>
      %dma_start3A_356 = tpu.memref_slice %arg2[%run_scoped3A_180, %mul3A_2] : memref<26x16384xi32, #tpu.memory_space<hbm>> -> memref<1x512xi32, #tpu.memory_space<hbm>>
      %dma_start3A_357 = tpu.memref_squeeze %dma_start3A_356 : memref<1x512xi32, #tpu.memory_space<hbm>> -> memref<512xi32, #tpu.memory_space<hbm>>
      tpu.enqueue_dma source(%dma_start3A_357 : memref<512xi32, #tpu.memory_space<hbm>>) target(%arg10 : memref<512xi32, #tpu.memory_space<vmem>>) target_semaphore(%run_scoped3A_353 : memref<!tpu.dma_semaphore, #tpu.memory_space<semaphore_mem>>)
      %dma_wait3A_358 = tpu.memref_slice %arg2[%run_scoped3A_180, %mul3A_2] : memref<26x16384xi32, #tpu.memory_space<hbm>> -> memref<1x512xi32, #tpu.memory_space<hbm>>
      %dma_wait3A_359 = tpu.memref_squeeze %dma_wait3A_358 : memref<1x512xi32, #tpu.memory_space<hbm>> -> memref<512xi32, #tpu.memory_space<hbm>>
      %dma_wait3A_360 = tpu.memref_slice %arg2[%run_scoped3A_180, %mul3A_2] : memref<26x16384xi32, #tpu.memory_space<hbm>> -> memref<1x512xi32, #tpu.memory_space<hbm>>
      %dma_wait3A_361 = tpu.memref_squeeze %dma_wait3A_360 : memref<1x512xi32, #tpu.memory_space<hbm>> -> memref<512xi32, #tpu.memory_space<hbm>>
      tpu.wait_dma2 semaphore(%run_scoped3A_353 : memref<!tpu.dma_semaphore, #tpu.memory_space<semaphore_mem>>) src(%dma_wait3A_361 : memref<512xi32, #tpu.memory_space<hbm>>) dst(%arg10 : memref<512xi32, #tpu.memory_space<vmem>>)
      tpu.yield
    }) : () -> ()
    %dma_start3A_181 = arith.constant 0 : i32
    %dma_start3A_182 = arith.constant 0 : i32
    %dma_start3A_183 = tpu.memref_slice %arg5[%dma_start3A_181, %dma_start3A_182] : memref<2600000x32xf32, #tpu.memory_space<hbm>> -> memref<2600000x32xf32, #tpu.memory_space<hbm>>
    tpu.enqueue_indirect_dma source(%dma_start3A_183 : memref<2600000x32xf32, #tpu.memory_space<hbm>>) target(%arg12 : memref<512x32xf32, #tpu.memory_space<vmem>>) offsets(%arg10 : memref<512xi32, #tpu.memory_space<vmem>>) semaphore(%arg20 : memref<!tpu.dma_semaphore, #tpu.memory_space<semaphore_mem>>)
    %dma_wait3A_184 = arith.constant 0 : i32
    %dma_wait3A_185 = arith.constant 0 : i32
    %dma_wait3A_186 = tpu.memref_slice %arg5[%dma_wait3A_184, %dma_wait3A_185] : memref<2600000x32xf32, #tpu.memory_space<hbm>> -> memref<2600000x32xf32, #tpu.memory_space<hbm>>
    tpu.wait_indirect_dma semaphore(%arg19 : memref<!tpu.dma_semaphore, #tpu.memory_space<semaphore_mem>>) src(%dma_wait3A_186 : memref<2600000x32xf32, #tpu.memory_space<hbm>>) dst(%arg11 : memref<512x32xf32, #tpu.memory_space<vmem>>)
    %run_scoped3A_187 = arith.constant 22 : i32
    "tpu.region"() ({
      %run_scoped3A_353 = tpu.sem_alloc : memref<!tpu.dma_semaphore, #tpu.memory_space<semaphore_mem>>
      %dma_start3A_354 = arith.constant 0 : i32
      %dma_start3A_355 = tpu.memref_slice %arg8[%mul3A_2, %run_scoped3A_187, %dma_start3A_354] : memref<16384x28x32xf32, #tpu.memory_space<hbm>> -> memref<512x1x32xf32, #tpu.memory_space<hbm>>
      %dma_start3A_356 = tpu.memref_squeeze %dma_start3A_355 : memref<512x1x32xf32, #tpu.memory_space<hbm>> -> memref<512x32xf32, #tpu.memory_space<hbm>>
      %dma_start3A_357 = arith.constant 0 : i32
      %dma_start3A_358 = tpu.memref_slice %arg8[%mul3A_2, %run_scoped3A_187, %dma_start3A_357] : memref<16384x28x32xf32, #tpu.memory_space<hbm>> -> memref<512x1x32xf32, #tpu.memory_space<hbm>>
      %dma_start3A_359 = tpu.memref_squeeze %dma_start3A_358 : memref<512x1x32xf32, #tpu.memory_space<hbm>> -> memref<512x32xf32, #tpu.memory_space<hbm>>
      tpu.enqueue_dma source(%arg11 : memref<512x32xf32, #tpu.memory_space<vmem>>) target(%dma_start3A_359 : memref<512x32xf32, #tpu.memory_space<hbm>>) target_semaphore(%run_scoped3A_353 : memref<!tpu.dma_semaphore, #tpu.memory_space<semaphore_mem>>)
      %dma_wait3A_360 = arith.constant 0 : i32
      %dma_wait3A_361 = tpu.memref_slice %arg8[%mul3A_2, %run_scoped3A_187, %dma_wait3A_360] : memref<16384x28x32xf32, #tpu.memory_space<hbm>> -> memref<512x1x32xf32, #tpu.memory_space<hbm>>
      %dma_wait3A_362 = tpu.memref_squeeze %dma_wait3A_361 : memref<512x1x32xf32, #tpu.memory_space<hbm>> -> memref<512x32xf32, #tpu.memory_space<hbm>>
      %dma_wait3A_363 = arith.constant 0 : i32
      %dma_wait3A_364 = tpu.memref_slice %arg8[%mul3A_2, %run_scoped3A_187, %dma_wait3A_363] : memref<16384x28x32xf32, #tpu.memory_space<hbm>> -> memref<512x1x32xf32, #tpu.memory_space<hbm>>
      %dma_wait3A_365 = tpu.memref_squeeze %dma_wait3A_364 : memref<512x1x32xf32, #tpu.memory_space<hbm>> -> memref<512x32xf32, #tpu.memory_space<hbm>>
      tpu.wait_dma2 semaphore(%run_scoped3A_353 : memref<!tpu.dma_semaphore, #tpu.memory_space<semaphore_mem>>) src(%arg11 : memref<512x32xf32, #tpu.memory_space<vmem>>) dst(%dma_wait3A_365 : memref<512x32xf32, #tpu.memory_space<hbm>>)
      tpu.yield
    }) : () -> ()
    %run_scoped3A_188 = arith.constant 24 : i32
    "tpu.region"() ({
      %run_scoped3A_353 = tpu.sem_alloc : memref<!tpu.dma_semaphore, #tpu.memory_space<semaphore_mem>>
      %dma_start3A_354 = tpu.memref_slice %arg2[%run_scoped3A_188, %mul3A_2] : memref<26x16384xi32, #tpu.memory_space<hbm>> -> memref<1x512xi32, #tpu.memory_space<hbm>>
      %dma_start3A_355 = tpu.memref_squeeze %dma_start3A_354 : memref<1x512xi32, #tpu.memory_space<hbm>> -> memref<512xi32, #tpu.memory_space<hbm>>
      %dma_start3A_356 = tpu.memref_slice %arg2[%run_scoped3A_188, %mul3A_2] : memref<26x16384xi32, #tpu.memory_space<hbm>> -> memref<1x512xi32, #tpu.memory_space<hbm>>
      %dma_start3A_357 = tpu.memref_squeeze %dma_start3A_356 : memref<1x512xi32, #tpu.memory_space<hbm>> -> memref<512xi32, #tpu.memory_space<hbm>>
      tpu.enqueue_dma source(%dma_start3A_357 : memref<512xi32, #tpu.memory_space<hbm>>) target(%arg9 : memref<512xi32, #tpu.memory_space<vmem>>) target_semaphore(%run_scoped3A_353 : memref<!tpu.dma_semaphore, #tpu.memory_space<semaphore_mem>>)
      %dma_wait3A_358 = tpu.memref_slice %arg2[%run_scoped3A_188, %mul3A_2] : memref<26x16384xi32, #tpu.memory_space<hbm>> -> memref<1x512xi32, #tpu.memory_space<hbm>>
      %dma_wait3A_359 = tpu.memref_squeeze %dma_wait3A_358 : memref<1x512xi32, #tpu.memory_space<hbm>> -> memref<512xi32, #tpu.memory_space<hbm>>
      %dma_wait3A_360 = tpu.memref_slice %arg2[%run_scoped3A_188, %mul3A_2] : memref<26x16384xi32, #tpu.memory_space<hbm>> -> memref<1x512xi32, #tpu.memory_space<hbm>>
      %dma_wait3A_361 = tpu.memref_squeeze %dma_wait3A_360 : memref<1x512xi32, #tpu.memory_space<hbm>> -> memref<512xi32, #tpu.memory_space<hbm>>
      tpu.wait_dma2 semaphore(%run_scoped3A_353 : memref<!tpu.dma_semaphore, #tpu.memory_space<semaphore_mem>>) src(%dma_wait3A_361 : memref<512xi32, #tpu.memory_space<hbm>>) dst(%arg9 : memref<512xi32, #tpu.memory_space<vmem>>)
      tpu.yield
    }) : () -> ()
    %dma_start3A_189 = arith.constant 0 : i32
    %dma_start3A_190 = arith.constant 0 : i32
    %dma_start3A_191 = tpu.memref_slice %arg5[%dma_start3A_189, %dma_start3A_190] : memref<2600000x32xf32, #tpu.memory_space<hbm>> -> memref<2600000x32xf32, #tpu.memory_space<hbm>>
    tpu.enqueue_indirect_dma source(%dma_start3A_191 : memref<2600000x32xf32, #tpu.memory_space<hbm>>) target(%arg11 : memref<512x32xf32, #tpu.memory_space<vmem>>) offsets(%arg9 : memref<512xi32, #tpu.memory_space<vmem>>) semaphore(%arg19 : memref<!tpu.dma_semaphore, #tpu.memory_space<semaphore_mem>>)
    %dma_wait3A_192 = arith.constant 0 : i32
    %dma_wait3A_193 = arith.constant 0 : i32
    %dma_wait3A_194 = tpu.memref_slice %arg5[%dma_wait3A_192, %dma_wait3A_193] : memref<2600000x32xf32, #tpu.memory_space<hbm>> -> memref<2600000x32xf32, #tpu.memory_space<hbm>>
    tpu.wait_indirect_dma semaphore(%arg20 : memref<!tpu.dma_semaphore, #tpu.memory_space<semaphore_mem>>) src(%dma_wait3A_194 : memref<2600000x32xf32, #tpu.memory_space<hbm>>) dst(%arg12 : memref<512x32xf32, #tpu.memory_space<vmem>>)
    %run_scoped3A_195 = arith.constant 23 : i32
    "tpu.region"() ({
      %run_scoped3A_353 = tpu.sem_alloc : memref<!tpu.dma_semaphore, #tpu.memory_space<semaphore_mem>>
      %dma_start3A_354 = arith.constant 0 : i32
      %dma_start3A_355 = tpu.memref_slice %arg8[%mul3A_2, %run_scoped3A_195, %dma_start3A_354] : memref<16384x28x32xf32, #tpu.memory_space<hbm>> -> memref<512x1x32xf32, #tpu.memory_space<hbm>>
      %dma_start3A_356 = tpu.memref_squeeze %dma_start3A_355 : memref<512x1x32xf32, #tpu.memory_space<hbm>> -> memref<512x32xf32, #tpu.memory_space<hbm>>
      %dma_start3A_357 = arith.constant 0 : i32
      %dma_start3A_358 = tpu.memref_slice %arg8[%mul3A_2, %run_scoped3A_195, %dma_start3A_357] : memref<16384x28x32xf32, #tpu.memory_space<hbm>> -> memref<512x1x32xf32, #tpu.memory_space<hbm>>
      %dma_start3A_359 = tpu.memref_squeeze %dma_start3A_358 : memref<512x1x32xf32, #tpu.memory_space<hbm>> -> memref<512x32xf32, #tpu.memory_space<hbm>>
      tpu.enqueue_dma source(%arg12 : memref<512x32xf32, #tpu.memory_space<vmem>>) target(%dma_start3A_359 : memref<512x32xf32, #tpu.memory_space<hbm>>) target_semaphore(%run_scoped3A_353 : memref<!tpu.dma_semaphore, #tpu.memory_space<semaphore_mem>>)
      %dma_wait3A_360 = arith.constant 0 : i32
      %dma_wait3A_361 = tpu.memref_slice %arg8[%mul3A_2, %run_scoped3A_195, %dma_wait3A_360] : memref<16384x28x32xf32, #tpu.memory_space<hbm>> -> memref<512x1x32xf32, #tpu.memory_space<hbm>>
      %dma_wait3A_362 = tpu.memref_squeeze %dma_wait3A_361 : memref<512x1x32xf32, #tpu.memory_space<hbm>> -> memref<512x32xf32, #tpu.memory_space<hbm>>
      %dma_wait3A_363 = arith.constant 0 : i32
      %dma_wait3A_364 = tpu.memref_slice %arg8[%mul3A_2, %run_scoped3A_195, %dma_wait3A_363] : memref<16384x28x32xf32, #tpu.memory_space<hbm>> -> memref<512x1x32xf32, #tpu.memory_space<hbm>>
      %dma_wait3A_365 = tpu.memref_squeeze %dma_wait3A_364 : memref<512x1x32xf32, #tpu.memory_space<hbm>> -> memref<512x32xf32, #tpu.memory_space<hbm>>
      tpu.wait_dma2 semaphore(%run_scoped3A_353 : memref<!tpu.dma_semaphore, #tpu.memory_space<semaphore_mem>>) src(%arg12 : memref<512x32xf32, #tpu.memory_space<vmem>>) dst(%dma_wait3A_365 : memref<512x32xf32, #tpu.memory_space<hbm>>)
      tpu.yield
    }) : () -> ()
    %run_scoped3A_196 = arith.constant 25 : i32
    "tpu.region"() ({
      %run_scoped3A_353 = tpu.sem_alloc : memref<!tpu.dma_semaphore, #tpu.memory_space<semaphore_mem>>
      %dma_start3A_354 = tpu.memref_slice %arg2[%run_scoped3A_196, %mul3A_2] : memref<26x16384xi32, #tpu.memory_space<hbm>> -> memref<1x512xi32, #tpu.memory_space<hbm>>
      %dma_start3A_355 = tpu.memref_squeeze %dma_start3A_354 : memref<1x512xi32, #tpu.memory_space<hbm>> -> memref<512xi32, #tpu.memory_space<hbm>>
      %dma_start3A_356 = tpu.memref_slice %arg2[%run_scoped3A_196, %mul3A_2] : memref<26x16384xi32, #tpu.memory_space<hbm>> -> memref<1x512xi32, #tpu.memory_space<hbm>>
      %dma_start3A_357 = tpu.memref_squeeze %dma_start3A_356 : memref<1x512xi32, #tpu.memory_space<hbm>> -> memref<512xi32, #tpu.memory_space<hbm>>
      tpu.enqueue_dma source(%dma_start3A_357 : memref<512xi32, #tpu.memory_space<hbm>>) target(%arg10 : memref<512xi32, #tpu.memory_space<vmem>>) target_semaphore(%run_scoped3A_353 : memref<!tpu.dma_semaphore, #tpu.memory_space<semaphore_mem>>)
      %dma_wait3A_358 = tpu.memref_slice %arg2[%run_scoped3A_196, %mul3A_2] : memref<26x16384xi32, #tpu.memory_space<hbm>> -> memref<1x512xi32, #tpu.memory_space<hbm>>
      %dma_wait3A_359 = tpu.memref_squeeze %dma_wait3A_358 : memref<1x512xi32, #tpu.memory_space<hbm>> -> memref<512xi32, #tpu.memory_space<hbm>>
      %dma_wait3A_360 = tpu.memref_slice %arg2[%run_scoped3A_196, %mul3A_2] : memref<26x16384xi32, #tpu.memory_space<hbm>> -> memref<1x512xi32, #tpu.memory_space<hbm>>
      %dma_wait3A_361 = tpu.memref_squeeze %dma_wait3A_360 : memref<1x512xi32, #tpu.memory_space<hbm>> -> memref<512xi32, #tpu.memory_space<hbm>>
      tpu.wait_dma2 semaphore(%run_scoped3A_353 : memref<!tpu.dma_semaphore, #tpu.memory_space<semaphore_mem>>) src(%dma_wait3A_361 : memref<512xi32, #tpu.memory_space<hbm>>) dst(%arg10 : memref<512xi32, #tpu.memory_space<vmem>>)
      tpu.yield
    }) : () -> ()
    %dma_start3A_197 = arith.constant 0 : i32
    %dma_start3A_198 = arith.constant 0 : i32
    %dma_start3A_199 = tpu.memref_slice %arg5[%dma_start3A_197, %dma_start3A_198] : memref<2600000x32xf32, #tpu.memory_space<hbm>> -> memref<2600000x32xf32, #tpu.memory_space<hbm>>
    tpu.enqueue_indirect_dma source(%dma_start3A_199 : memref<2600000x32xf32, #tpu.memory_space<hbm>>) target(%arg12 : memref<512x32xf32, #tpu.memory_space<vmem>>) offsets(%arg10 : memref<512xi32, #tpu.memory_space<vmem>>) semaphore(%arg20 : memref<!tpu.dma_semaphore, #tpu.memory_space<semaphore_mem>>)
    %dma_wait3A_200 = arith.constant 0 : i32
    %dma_wait3A_201 = arith.constant 0 : i32
    %dma_wait3A_202 = tpu.memref_slice %arg5[%dma_wait3A_200, %dma_wait3A_201] : memref<2600000x32xf32, #tpu.memory_space<hbm>> -> memref<2600000x32xf32, #tpu.memory_space<hbm>>
    tpu.wait_indirect_dma semaphore(%arg19 : memref<!tpu.dma_semaphore, #tpu.memory_space<semaphore_mem>>) src(%dma_wait3A_202 : memref<2600000x32xf32, #tpu.memory_space<hbm>>) dst(%arg11 : memref<512x32xf32, #tpu.memory_space<vmem>>)
    %run_scoped3A_203 = arith.constant 24 : i32
    "tpu.region"() ({
      %run_scoped3A_353 = tpu.sem_alloc : memref<!tpu.dma_semaphore, #tpu.memory_space<semaphore_mem>>
      %dma_start3A_354 = arith.constant 0 : i32
      %dma_start3A_355 = tpu.memref_slice %arg8[%mul3A_2, %run_scoped3A_203, %dma_start3A_354] : memref<16384x28x32xf32, #tpu.memory_space<hbm>> -> memref<512x1x32xf32, #tpu.memory_space<hbm>>
      %dma_start3A_356 = tpu.memref_squeeze %dma_start3A_355 : memref<512x1x32xf32, #tpu.memory_space<hbm>> -> memref<512x32xf32, #tpu.memory_space<hbm>>
      %dma_start3A_357 = arith.constant 0 : i32
      %dma_start3A_358 = tpu.memref_slice %arg8[%mul3A_2, %run_scoped3A_203, %dma_start3A_357] : memref<16384x28x32xf32, #tpu.memory_space<hbm>> -> memref<512x1x32xf32, #tpu.memory_space<hbm>>
      %dma_start3A_359 = tpu.memref_squeeze %dma_start3A_358 : memref<512x1x32xf32, #tpu.memory_space<hbm>> -> memref<512x32xf32, #tpu.memory_space<hbm>>
      tpu.enqueue_dma source(%arg11 : memref<512x32xf32, #tpu.memory_space<vmem>>) target(%dma_start3A_359 : memref<512x32xf32, #tpu.memory_space<hbm>>) target_semaphore(%run_scoped3A_353 : memref<!tpu.dma_semaphore, #tpu.memory_space<semaphore_mem>>)
      %dma_wait3A_360 = arith.constant 0 : i32
      %dma_wait3A_361 = tpu.memref_slice %arg8[%mul3A_2, %run_scoped3A_203, %dma_wait3A_360] : memref<16384x28x32xf32, #tpu.memory_space<hbm>> -> memref<512x1x32xf32, #tpu.memory_space<hbm>>
      %dma_wait3A_362 = tpu.memref_squeeze %dma_wait3A_361 : memref<512x1x32xf32, #tpu.memory_space<hbm>> -> memref<512x32xf32, #tpu.memory_space<hbm>>
      %dma_wait3A_363 = arith.constant 0 : i32
      %dma_wait3A_364 = tpu.memref_slice %arg8[%mul3A_2, %run_scoped3A_203, %dma_wait3A_363] : memref<16384x28x32xf32, #tpu.memory_space<hbm>> -> memref<512x1x32xf32, #tpu.memory_space<hbm>>
      %dma_wait3A_365 = tpu.memref_squeeze %dma_wait3A_364 : memref<512x1x32xf32, #tpu.memory_space<hbm>> -> memref<512x32xf32, #tpu.memory_space<hbm>>
      tpu.wait_dma2 semaphore(%run_scoped3A_353 : memref<!tpu.dma_semaphore, #tpu.memory_space<semaphore_mem>>) src(%arg11 : memref<512x32xf32, #tpu.memory_space<vmem>>) dst(%dma_wait3A_365 : memref<512x32xf32, #tpu.memory_space<hbm>>)
      tpu.yield
    }) : () -> ()
    %dma_wait3A_204 = arith.constant 0 : i32
    %dma_wait3A_205 = arith.constant 0 : i32
    %dma_wait3A_206 = tpu.memref_slice %arg5[%dma_wait3A_204, %dma_wait3A_205] : memref<2600000x32xf32, #tpu.memory_space<hbm>> -> memref<2600000x32xf32, #tpu.memory_space<hbm>>
    tpu.wait_indirect_dma semaphore(%arg20 : memref<!tpu.dma_semaphore, #tpu.memory_space<semaphore_mem>>) src(%dma_wait3A_206 : memref<2600000x32xf32, #tpu.memory_space<hbm>>) dst(%arg12 : memref<512x32xf32, #tpu.memory_space<vmem>>)
    %run_scoped3A_207 = arith.constant 25 : i32
    "tpu.region"() ({
      %run_scoped3A_353 = tpu.sem_alloc : memref<!tpu.dma_semaphore, #tpu.memory_space<semaphore_mem>>
      %dma_start3A_354 = arith.constant 0 : i32
      %dma_start3A_355 = tpu.memref_slice %arg8[%mul3A_2, %run_scoped3A_207, %dma_start3A_354] : memref<16384x28x32xf32, #tpu.memory_space<hbm>> -> memref<512x1x32xf32, #tpu.memory_space<hbm>>
      %dma_start3A_356 = tpu.memref_squeeze %dma_start3A_355 : memref<512x1x32xf32, #tpu.memory_space<hbm>> -> memref<512x32xf32, #tpu.memory_space<hbm>>
      %dma_start3A_357 = arith.constant 0 : i32
      %dma_start3A_358 = tpu.memref_slice %arg8[%mul3A_2, %run_scoped3A_207, %dma_start3A_357] : memref<16384x28x32xf32, #tpu.memory_space<hbm>> -> memref<512x1x32xf32, #tpu.memory_space<hbm>>
      %dma_start3A_359 = tpu.memref_squeeze %dma_start3A_358 : memref<512x1x32xf32, #tpu.memory_space<hbm>> -> memref<512x32xf32, #tpu.memory_space<hbm>>
      tpu.enqueue_dma source(%arg12 : memref<512x32xf32, #tpu.memory_space<vmem>>) target(%dma_start3A_359 : memref<512x32xf32, #tpu.memory_space<hbm>>) target_semaphore(%run_scoped3A_353 : memref<!tpu.dma_semaphore, #tpu.memory_space<semaphore_mem>>)
      %dma_wait3A_360 = arith.constant 0 : i32
      %dma_wait3A_361 = tpu.memref_slice %arg8[%mul3A_2, %run_scoped3A_207, %dma_wait3A_360] : memref<16384x28x32xf32, #tpu.memory_space<hbm>> -> memref<512x1x32xf32, #tpu.memory_space<hbm>>
      %dma_wait3A_362 = tpu.memref_squeeze %dma_wait3A_361 : memref<512x1x32xf32, #tpu.memory_space<hbm>> -> memref<512x32xf32, #tpu.memory_space<hbm>>
      %dma_wait3A_363 = arith.constant 0 : i32
      %dma_wait3A_364 = tpu.memref_slice %arg8[%mul3A_2, %run_scoped3A_207, %dma_wait3A_363] : memref<16384x28x32xf32, #tpu.memory_space<hbm>> -> memref<512x1x32xf32, #tpu.memory_space<hbm>>
      %dma_wait3A_365 = tpu.memref_squeeze %dma_wait3A_364 : memref<512x1x32xf32, #tpu.memory_space<hbm>> -> memref<512x32xf32, #tpu.memory_space<hbm>>
      tpu.wait_dma2 semaphore(%run_scoped3A_353 : memref<!tpu.dma_semaphore, #tpu.memory_space<semaphore_mem>>) src(%arg12 : memref<512x32xf32, #tpu.memory_space<vmem>>) dst(%dma_wait3A_365 : memref<512x32xf32, #tpu.memory_space<hbm>>)
      tpu.yield
    }) : () -> ()
    %iota3A = tpu.iota {dimensions = array<i32: 0>} : vector<16xi32>
    %ge3A = arith.constant 14 : i32
    %ge3A_208 = vector.broadcast %ge3A : i32 to vector<16xi32>
    %ge3A_209 = arith.cmpi sge, %iota3A, %ge3A_208 : vector<16xi32>
    %scan3A = arith.constant 0 : i32
    %scan3A_210 = arith.constant 0 : i32
    %scan3A_211 = arith.constant 16 : i32
    %scan3A_212 = arith.addi %scan3A_210, %scan3A_211 : i32
    %scan3A_213 = arith.constant 1 : i32
    %scan3A_214 = scf.for %scan3A_353 = %scan3A_210 to %scan3A_212 step %scan3A_213 iter_args(%scan3A_354 = %scan3A) -> (i32)  : i32 {
      %mul3A_355 = arith.constant 32 : i32
      %mul3A_356 = arith.muli %scan3A_353, %mul3A_355 : i32
      %add3A_357 = arith.addi %mul3A_2, %mul3A_356 : i32
      %mul3A_358 = arith.constant 50 : i32
      %mul3A_359 = arith.muli %add3A_357, %mul3A_358 : i32
      "tpu.region"() ({
        %run_scoped3A_375 = tpu.sem_alloc : memref<!tpu.dma_semaphore, #tpu.memory_space<semaphore_mem>>
        %dma_start3A_376 = tpu.memref_slice %arg3[%mul3A_359] : memref<819200xi32, #tpu.memory_space<hbm>> -> memref<1600xi32, #tpu.memory_space<hbm>>
        %dma_start3A_377 = tpu.memref_slice %arg3[%mul3A_359] : memref<819200xi32, #tpu.memory_space<hbm>> -> memref<1600xi32, #tpu.memory_space<hbm>>
        tpu.enqueue_dma source(%dma_start3A_377 : memref<1600xi32, #tpu.memory_space<hbm>>) target(%arg13 : memref<1600xi32, #tpu.memory_space<vmem>>) target_semaphore(%run_scoped3A_375 : memref<!tpu.dma_semaphore, #tpu.memory_space<semaphore_mem>>)
        %dma_wait3A_378 = tpu.memref_slice %arg3[%mul3A_359] : memref<819200xi32, #tpu.memory_space<hbm>> -> memref<1600xi32, #tpu.memory_space<hbm>>
        %dma_wait3A_379 = tpu.memref_slice %arg3[%mul3A_359] : memref<819200xi32, #tpu.memory_space<hbm>> -> memref<1600xi32, #tpu.memory_space<hbm>>
        tpu.wait_dma2 semaphore(%run_scoped3A_375 : memref<!tpu.dma_semaphore, #tpu.memory_space<semaphore_mem>>) src(%dma_wait3A_379 : memref<1600xi32, #tpu.memory_space<hbm>>) dst(%arg13 : memref<1600xi32, #tpu.memory_space<vmem>>)
        tpu.yield
      }) : () -> ()
      %dma_start3A_360 = arith.constant 0 : i32
      %dma_start3A_361 = arith.constant 0 : i32
      %dma_start3A_362 = tpu.memref_slice %arg6[%dma_start3A_360, %dma_start3A_361] : memref<100000x32xf32, #tpu.memory_space<hbm>> -> memref<100000x32xf32, #tpu.memory_space<hbm>>
      tpu.enqueue_indirect_dma source(%dma_start3A_362 : memref<100000x32xf32, #tpu.memory_space<hbm>>) target(%arg14 : memref<1600x32xf32, #tpu.memory_space<vmem>>) offsets(%arg13 : memref<1600xi32, #tpu.memory_space<vmem>>) semaphore(%arg21 : memref<!tpu.dma_semaphore, #tpu.memory_space<semaphore_mem>>)
      %dma_wait3A_363 = arith.constant 0 : i32
      %dma_wait3A_364 = arith.constant 0 : i32
      %dma_wait3A_365 = tpu.memref_slice %arg6[%dma_wait3A_363, %dma_wait3A_364] : memref<100000x32xf32, #tpu.memory_space<hbm>> -> memref<100000x32xf32, #tpu.memory_space<hbm>>
      tpu.wait_indirect_dma semaphore(%arg21 : memref<!tpu.dma_semaphore, #tpu.memory_space<semaphore_mem>>) src(%dma_wait3A_365 : memref<100000x32xf32, #tpu.memory_space<hbm>>) dst(%arg14 : memref<1600x32xf32, #tpu.memory_space<vmem>>)
      %scan3A_366 = arith.constant 0 : i32
      %scan3A_367 = arith.constant 0 : i32
      %scan3A_368 = arith.constant 32 : i32
      %scan3A_369 = arith.addi %scan3A_367, %scan3A_368 : i32
      %scan3A_370 = arith.constant 1 : i32
      %scan3A_371 = scf.for %scan3A_375 = %scan3A_367 to %scan3A_369 step %scan3A_370 iter_args(%scan3A_376 = %scan3A_366) -> (i32)  : i32 {
        %mul3A_377 = arith.constant 50 : i32
        %mul3A_378 = arith.muli %scan3A_375, %mul3A_377 : i32
        %broadcast_in_dim3A = arith.constant 0.000000e+00 : f32
        %broadcast_in_dim3A_379 = vector.broadcast %broadcast_in_dim3A : f32 to vector<16xf32>
        %broadcast_in_dim3A_380 = arith.constant 0.000000e+00 : f32
        %broadcast_in_dim3A_381 = vector.broadcast %broadcast_in_dim3A_380 : f32 to vector<16xf32>
        %broadcast_in_dim3A_382 = arith.constant 0.000000e+00 : f32
        %broadcast_in_dim3A_383 = vector.broadcast %broadcast_in_dim3A_382 : f32 to vector<16xf32>
        %broadcast_in_dim3A_384 = arith.constant 0.000000e+00 : f32
        %broadcast_in_dim3A_385 = vector.broadcast %broadcast_in_dim3A_384 : f32 to vector<16xf32>
        %add3A_386 = arith.constant 0 : i32
        %add3A_387 = arith.addi %mul3A_378, %add3A_386 : i32
        %get3A_388 = arith.index_cast %add3A_387 : i32 to index
        %get3A_389 = arith.constant 0 : index
        %get3A_390 = tpu.vector_load %arg14[%get3A_388, %get3A_389] {strides = array<i32>} : memref<1600x32xf32, #tpu.memory_space<vmem>>, vector<16xf32>,
        %add3A_391 = arith.addf %broadcast_in_dim3A_379, %get3A_390 : vector<16xf32>
        %add3A_392 = arith.constant 0 : i32
        %add3A_393 = arith.addi %mul3A_378, %add3A_392 : i32
        %get3A_394 = arith.index_cast %add3A_393 : i32 to index
        %get3A_395 = arith.constant 16 : index
        %get3A_396 = tpu.vector_load %arg14[%get3A_394, %get3A_395] {strides = array<i32>} : memref<1600x32xf32, #tpu.memory_space<vmem>>, vector<16xf32>,
        %add3A_397 = arith.addf %broadcast_in_dim3A_381, %get3A_396 : vector<16xf32>
        %add3A_398 = arith.constant 0 : i32
        %add3A_399 = arith.addi %mul3A_378, %add3A_398 : i32
        %add3A_400 = arith.constant 1 : i32
        %add3A_401 = arith.addi %add3A_399, %add3A_400 : i32
        %get3A_402 = arith.index_cast %add3A_401 : i32 to index
        %get3A_403 = arith.constant 0 : index
        %get3A_404 = tpu.vector_load %arg14[%get3A_402, %get3A_403] {strides = array<i32>} : memref<1600x32xf32, #tpu.memory_space<vmem>>, vector<16xf32>,
        %add3A_405 = arith.addf %broadcast_in_dim3A_383, %get3A_404 : vector<16xf32>
        %add3A_406 = arith.constant 0 : i32
        %add3A_407 = arith.addi %mul3A_378, %add3A_406 : i32
        %add3A_408 = arith.constant 1 : i32
        %add3A_409 = arith.addi %add3A_407, %add3A_408 : i32
        %get3A_410 = arith.index_cast %add3A_409 : i32 to index
        %get3A_411 = arith.constant 16 : index
        %get3A_412 = tpu.vector_load %arg14[%get3A_410, %get3A_411] {strides = array<i32>} : memref<1600x32xf32, #tpu.memory_space<vmem>>, vector<16xf32>,
        %add3A_413 = arith.addf %broadcast_in_dim3A_385, %get3A_412 : vector<16xf32>
        %add3A_414 = arith.constant 2 : i32
        %add3A_415 = arith.addi %mul3A_378, %add3A_414 : i32
        %get3A_416 = arith.index_cast %add3A_415 : i32 to index
        %get3A_417 = arith.constant 0 : index
        %get3A_418 = tpu.vector_load %arg14[%get3A_416, %get3A_417] {strides = array<i32>} : memref<1600x32xf32, #tpu.memory_space<vmem>>, vector<16xf32>,
        %add3A_419 = arith.addf %add3A_391, %get3A_418 : vector<16xf32>
        %add3A_420 = arith.constant 2 : i32
        %add3A_421 = arith.addi %mul3A_378, %add3A_420 : i32
        %get3A_422 = arith.index_cast %add3A_421 : i32 to index
        %get3A_423 = arith.constant 16 : index
        %get3A_424 = tpu.vector_load %arg14[%get3A_422, %get3A_423] {strides = array<i32>} : memref<1600x32xf32, #tpu.memory_space<vmem>>, vector<16xf32>,
        %add3A_425 = arith.addf %add3A_397, %get3A_424 : vector<16xf32>
        %add3A_426 = arith.constant 2 : i32
        %add3A_427 = arith.addi %mul3A_378, %add3A_426 : i32
        %add3A_428 = arith.constant 1 : i32
        %add3A_429 = arith.addi %add3A_427, %add3A_428 : i32
        %get3A_430 = arith.index_cast %add3A_429 : i32 to index
        %get3A_431 = arith.constant 0 : index
        %get3A_432 = tpu.vector_load %arg14[%get3A_430, %get3A_431] {strides = array<i32>} : memref<1600x32xf32, #tpu.memory_space<vmem>>, vector<16xf32>,
        %add3A_433 = arith.addf %add3A_405, %get3A_432 : vector<16xf32>
        %add3A_434 = arith.constant 2 : i32
        %add3A_435 = arith.addi %mul3A_378, %add3A_434 : i32
        %add3A_436 = arith.constant 1 : i32
        %add3A_437 = arith.addi %add3A_435, %add3A_436 : i32
        %get3A_438 = arith.index_cast %add3A_437 : i32 to index
        %get3A_439 = arith.constant 16 : index
        %get3A_440 = tpu.vector_load %arg14[%get3A_438, %get3A_439] {strides = array<i32>} : memref<1600x32xf32, #tpu.memory_space<vmem>>, vector<16xf32>,
        %add3A_441 = arith.addf %add3A_413, %get3A_440 : vector<16xf32>
        %add3A_442 = arith.constant 4 : i32
        %add3A_443 = arith.addi %mul3A_378, %add3A_442 : i32
        %get3A_444 = arith.index_cast %add3A_443 : i32 to index
        %get3A_445 = arith.constant 0 : index
        %get3A_446 = tpu.vector_load %arg14[%get3A_444, %get3A_445] {strides = array<i32>} : memref<1600x32xf32, #tpu.memory_space<vmem>>, vector<16xf32>,
        %add3A_447 = arith.addf %add3A_419, %get3A_446 : vector<16xf32>
        %add3A_448 = arith.constant 4 : i32
        %add3A_449 = arith.addi %mul3A_378, %add3A_448 : i32
        %get3A_450 = arith.index_cast %add3A_449 : i32 to index
        %get3A_451 = arith.constant 16 : index
        %get3A_452 = tpu.vector_load %arg14[%get3A_450, %get3A_451] {strides = array<i32>} : memref<1600x32xf32, #tpu.memory_space<vmem>>, vector<16xf32>,
        %add3A_453 = arith.addf %add3A_425, %get3A_452 : vector<16xf32>
        %add3A_454 = arith.constant 4 : i32
        %add3A_455 = arith.addi %mul3A_378, %add3A_454 : i32
        %add3A_456 = arith.constant 1 : i32
        %add3A_457 = arith.addi %add3A_455, %add3A_456 : i32
        %get3A_458 = arith.index_cast %add3A_457 : i32 to index
        %get3A_459 = arith.constant 0 : index
        %get3A_460 = tpu.vector_load %arg14[%get3A_458, %get3A_459] {strides = array<i32>} : memref<1600x32xf32, #tpu.memory_space<vmem>>, vector<16xf32>,
        %add3A_461 = arith.addf %add3A_433, %get3A_460 : vector<16xf32>
        %add3A_462 = arith.constant 4 : i32
        %add3A_463 = arith.addi %mul3A_378, %add3A_462 : i32
        %add3A_464 = arith.constant 1 : i32
        %add3A_465 = arith.addi %add3A_463, %add3A_464 : i32
        %get3A_466 = arith.index_cast %add3A_465 : i32 to index
        %get3A_467 = arith.constant 16 : index
        %get3A_468 = tpu.vector_load %arg14[%get3A_466, %get3A_467] {strides = array<i32>} : memref<1600x32xf32, #tpu.memory_space<vmem>>, vector<16xf32>,
        %add3A_469 = arith.addf %add3A_441, %get3A_468 : vector<16xf32>
        %add3A_470 = arith.constant 6 : i32
        %add3A_471 = arith.addi %mul3A_378, %add3A_470 : i32
        %get3A_472 = arith.index_cast %add3A_471 : i32 to index
        %get3A_473 = arith.constant 0 : index
        %get3A_474 = tpu.vector_load %arg14[%get3A_472, %get3A_473] {strides = array<i32>} : memref<1600x32xf32, #tpu.memory_space<vmem>>, vector<16xf32>,
        %add3A_475 = arith.addf %add3A_447, %get3A_474 : vector<16xf32>
        %add3A_476 = arith.constant 6 : i32
        %add3A_477 = arith.addi %mul3A_378, %add3A_476 : i32
        %get3A_478 = arith.index_cast %add3A_477 : i32 to index
        %get3A_479 = arith.constant 16 : index
        %get3A_480 = tpu.vector_load %arg14[%get3A_478, %get3A_479] {strides = array<i32>} : memref<1600x32xf32, #tpu.memory_space<vmem>>, vector<16xf32>,
        %add3A_481 = arith.addf %add3A_453, %get3A_480 : vector<16xf32>
        %add3A_482 = arith.constant 6 : i32
        %add3A_483 = arith.addi %mul3A_378, %add3A_482 : i32
        %add3A_484 = arith.constant 1 : i32
        %add3A_485 = arith.addi %add3A_483, %add3A_484 : i32
        %get3A_486 = arith.index_cast %add3A_485 : i32 to index
        %get3A_487 = arith.constant 0 : index
        %get3A_488 = tpu.vector_load %arg14[%get3A_486, %get3A_487] {strides = array<i32>} : memref<1600x32xf32, #tpu.memory_space<vmem>>, vector<16xf32>,
        %add3A_489 = arith.addf %add3A_461, %get3A_488 : vector<16xf32>
        %add3A_490 = arith.constant 6 : i32
        %add3A_491 = arith.addi %mul3A_378, %add3A_490 : i32
        %add3A_492 = arith.constant 1 : i32
        %add3A_493 = arith.addi %add3A_491, %add3A_492 : i32
        %get3A_494 = arith.index_cast %add3A_493 : i32 to index
        %get3A_495 = arith.constant 16 : index
        %get3A_496 = tpu.vector_load %arg14[%get3A_494, %get3A_495] {strides = array<i32>} : memref<1600x32xf32, #tpu.memory_space<vmem>>, vector<16xf32>,
        %add3A_497 = arith.addf %add3A_469, %get3A_496 : vector<16xf32>
        %add3A_498 = arith.constant 8 : i32
        %add3A_499 = arith.addi %mul3A_378, %add3A_498 : i32
        %get3A_500 = arith.index_cast %add3A_499 : i32 to index
        %get3A_501 = arith.constant 0 : index
        %get3A_502 = tpu.vector_load %arg14[%get3A_500, %get3A_501] {strides = array<i32>} : memref<1600x32xf32, #tpu.memory_space<vmem>>, vector<16xf32>,
        %add3A_503 = arith.addf %add3A_475, %get3A_502 : vector<16xf32>
        %add3A_504 = arith.constant 8 : i32
        %add3A_505 = arith.addi %mul3A_378, %add3A_504 : i32
        %get3A_506 = arith.index_cast %add3A_505 : i32 to index
        %get3A_507 = arith.constant 16 : index
        %get3A_508 = tpu.vector_load %arg14[%get3A_506, %get3A_507] {strides = array<i32>} : memref<1600x32xf32, #tpu.memory_space<vmem>>, vector<16xf32>,
        %add3A_509 = arith.addf %add3A_481, %get3A_508 : vector<16xf32>
        %add3A_510 = arith.constant 8 : i32
        %add3A_511 = arith.addi %mul3A_378, %add3A_510 : i32
        %add3A_512 = arith.constant 1 : i32
        %add3A_513 = arith.addi %add3A_511, %add3A_512 : i32
        %get3A_514 = arith.index_cast %add3A_513 : i32 to index
        %get3A_515 = arith.constant 0 : index
        %get3A_516 = tpu.vector_load %arg14[%get3A_514, %get3A_515] {strides = array<i32>} : memref<1600x32xf32, #tpu.memory_space<vmem>>, vector<16xf32>,
        %add3A_517 = arith.addf %add3A_489, %get3A_516 : vector<16xf32>
        %add3A_518 = arith.constant 8 : i32
        %add3A_519 = arith.addi %mul3A_378, %add3A_518 : i32
        %add3A_520 = arith.constant 1 : i32
        %add3A_521 = arith.addi %add3A_519, %add3A_520 : i32
        %get3A_522 = arith.index_cast %add3A_521 : i32 to index
        %get3A_523 = arith.constant 16 : index
        %get3A_524 = tpu.vector_load %arg14[%get3A_522, %get3A_523] {strides = array<i32>} : memref<1600x32xf32, #tpu.memory_space<vmem>>, vector<16xf32>,
        %add3A_525 = arith.addf %add3A_497, %get3A_524 : vector<16xf32>
        %add3A_526 = arith.constant 10 : i32
        %add3A_527 = arith.addi %mul3A_378, %add3A_526 : i32
        %get3A_528 = arith.index_cast %add3A_527 : i32 to index
        %get3A_529 = arith.constant 0 : index
        %get3A_530 = tpu.vector_load %arg14[%get3A_528, %get3A_529] {strides = array<i32>} : memref<1600x32xf32, #tpu.memory_space<vmem>>, vector<16xf32>,
        %add3A_531 = arith.addf %add3A_503, %get3A_530 : vector<16xf32>
        %add3A_532 = arith.constant 10 : i32
        %add3A_533 = arith.addi %mul3A_378, %add3A_532 : i32
        %get3A_534 = arith.index_cast %add3A_533 : i32 to index
        %get3A_535 = arith.constant 16 : index
        %get3A_536 = tpu.vector_load %arg14[%get3A_534, %get3A_535] {strides = array<i32>} : memref<1600x32xf32, #tpu.memory_space<vmem>>, vector<16xf32>,
        %add3A_537 = arith.addf %add3A_509, %get3A_536 : vector<16xf32>
        %add3A_538 = arith.constant 10 : i32
        %add3A_539 = arith.addi %mul3A_378, %add3A_538 : i32
        %add3A_540 = arith.constant 1 : i32
        %add3A_541 = arith.addi %add3A_539, %add3A_540 : i32
        %get3A_542 = arith.index_cast %add3A_541 : i32 to index
        %get3A_543 = arith.constant 0 : index
        %get3A_544 = tpu.vector_load %arg14[%get3A_542, %get3A_543] {strides = array<i32>} : memref<1600x32xf32, #tpu.memory_space<vmem>>, vector<16xf32>,
        %add3A_545 = arith.addf %add3A_517, %get3A_544 : vector<16xf32>
        %add3A_546 = arith.constant 10 : i32
        %add3A_547 = arith.addi %mul3A_378, %add3A_546 : i32
        %add3A_548 = arith.constant 1 : i32
        %add3A_549 = arith.addi %add3A_547, %add3A_548 : i32
        %get3A_550 = arith.index_cast %add3A_549 : i32 to index
        %get3A_551 = arith.constant 16 : index
        %get3A_552 = tpu.vector_load %arg14[%get3A_550, %get3A_551] {strides = array<i32>} : memref<1600x32xf32, #tpu.memory_space<vmem>>, vector<16xf32>,
        %add3A_553 = arith.addf %add3A_525, %get3A_552 : vector<16xf32>
        %add3A_554 = arith.constant 12 : i32
        %add3A_555 = arith.addi %mul3A_378, %add3A_554 : i32
        %get3A_556 = arith.index_cast %add3A_555 : i32 to index
        %get3A_557 = arith.constant 0 : index
        %get3A_558 = tpu.vector_load %arg14[%get3A_556, %get3A_557] {strides = array<i32>} : memref<1600x32xf32, #tpu.memory_space<vmem>>, vector<16xf32>,
        %add3A_559 = arith.addf %add3A_531, %get3A_558 : vector<16xf32>
        %add3A_560 = arith.constant 12 : i32
        %add3A_561 = arith.addi %mul3A_378, %add3A_560 : i32
        %get3A_562 = arith.index_cast %add3A_561 : i32 to index
        %get3A_563 = arith.constant 16 : index
        %get3A_564 = tpu.vector_load %arg14[%get3A_562, %get3A_563] {strides = array<i32>} : memref<1600x32xf32, #tpu.memory_space<vmem>>, vector<16xf32>,
        %add3A_565 = arith.addf %add3A_537, %get3A_564 : vector<16xf32>
        %add3A_566 = arith.constant 12 : i32
        %add3A_567 = arith.addi %mul3A_378, %add3A_566 : i32
        %add3A_568 = arith.constant 1 : i32
        %add3A_569 = arith.addi %add3A_567, %add3A_568 : i32
        %get3A_570 = arith.index_cast %add3A_569 : i32 to index
        %get3A_571 = arith.constant 0 : index
        %get3A_572 = tpu.vector_load %arg14[%get3A_570, %get3A_571] {strides = array<i32>} : memref<1600x32xf32, #tpu.memory_space<vmem>>, vector<16xf32>,
        %add3A_573 = arith.addf %add3A_545, %get3A_572 : vector<16xf32>
        %add3A_574 = arith.constant 12 : i32
        %add3A_575 = arith.addi %mul3A_378, %add3A_574 : i32
        %add3A_576 = arith.constant 1 : i32
        %add3A_577 = arith.addi %add3A_575, %add3A_576 : i32
        %get3A_578 = arith.index_cast %add3A_577 : i32 to index
        %get3A_579 = arith.constant 16 : index
        %get3A_580 = tpu.vector_load %arg14[%get3A_578, %get3A_579] {strides = array<i32>} : memref<1600x32xf32, #tpu.memory_space<vmem>>, vector<16xf32>,
        %add3A_581 = arith.addf %add3A_553, %get3A_580 : vector<16xf32>
        %add3A_582 = arith.constant 14 : i32
        %add3A_583 = arith.addi %mul3A_378, %add3A_582 : i32
        %get3A_584 = arith.index_cast %add3A_583 : i32 to index
        %get3A_585 = arith.constant 0 : index
        %get3A_586 = tpu.vector_load %arg14[%get3A_584, %get3A_585] {strides = array<i32>} : memref<1600x32xf32, #tpu.memory_space<vmem>>, vector<16xf32>,
        %add3A_587 = arith.addf %add3A_559, %get3A_586 : vector<16xf32>
        %add3A_588 = arith.constant 14 : i32
        %add3A_589 = arith.addi %mul3A_378, %add3A_588 : i32
        %get3A_590 = arith.index_cast %add3A_589 : i32 to index
        %get3A_591 = arith.constant 16 : index
        %get3A_592 = tpu.vector_load %arg14[%get3A_590, %get3A_591] {strides = array<i32>} : memref<1600x32xf32, #tpu.memory_space<vmem>>, vector<16xf32>,
        %add3A_593 = arith.addf %add3A_565, %get3A_592 : vector<16xf32>
        %add3A_594 = arith.constant 14 : i32
        %add3A_595 = arith.addi %mul3A_378, %add3A_594 : i32
        %add3A_596 = arith.constant 1 : i32
        %add3A_597 = arith.addi %add3A_595, %add3A_596 : i32
        %get3A_598 = arith.index_cast %add3A_597 : i32 to index
        %get3A_599 = arith.constant 0 : index
        %get3A_600 = tpu.vector_load %arg14[%get3A_598, %get3A_599] {strides = array<i32>} : memref<1600x32xf32, #tpu.memory_space<vmem>>, vector<16xf32>,
        %add3A_601 = arith.addf %add3A_573, %get3A_600 : vector<16xf32>
        %add3A_602 = arith.constant 14 : i32
        %add3A_603 = arith.addi %mul3A_378, %add3A_602 : i32
        %add3A_604 = arith.constant 1 : i32
        %add3A_605 = arith.addi %add3A_603, %add3A_604 : i32
        %get3A_606 = arith.index_cast %add3A_605 : i32 to index
        %get3A_607 = arith.constant 16 : index
        %get3A_608 = tpu.vector_load %arg14[%get3A_606, %get3A_607] {strides = array<i32>} : memref<1600x32xf32, #tpu.memory_space<vmem>>, vector<16xf32>,
        %add3A_609 = arith.addf %add3A_581, %get3A_608 : vector<16xf32>
        %add3A_610 = arith.constant 16 : i32
        %add3A_611 = arith.addi %mul3A_378, %add3A_610 : i32
        %get3A_612 = arith.index_cast %add3A_611 : i32 to index
        %get3A_613 = arith.constant 0 : index
        %get3A_614 = tpu.vector_load %arg14[%get3A_612, %get3A_613] {strides = array<i32>} : memref<1600x32xf32, #tpu.memory_space<vmem>>, vector<16xf32>,
        %add3A_615 = arith.addf %add3A_587, %get3A_614 : vector<16xf32>
        %add3A_616 = arith.constant 16 : i32
        %add3A_617 = arith.addi %mul3A_378, %add3A_616 : i32
        %get3A_618 = arith.index_cast %add3A_617 : i32 to index
        %get3A_619 = arith.constant 16 : index
        %get3A_620 = tpu.vector_load %arg14[%get3A_618, %get3A_619] {strides = array<i32>} : memref<1600x32xf32, #tpu.memory_space<vmem>>, vector<16xf32>,
        %add3A_621 = arith.addf %add3A_593, %get3A_620 : vector<16xf32>
        %add3A_622 = arith.constant 16 : i32
        %add3A_623 = arith.addi %mul3A_378, %add3A_622 : i32
        %add3A_624 = arith.constant 1 : i32
        %add3A_625 = arith.addi %add3A_623, %add3A_624 : i32
        %get3A_626 = arith.index_cast %add3A_625 : i32 to index
        %get3A_627 = arith.constant 0 : index
        %get3A_628 = tpu.vector_load %arg14[%get3A_626, %get3A_627] {strides = array<i32>} : memref<1600x32xf32, #tpu.memory_space<vmem>>, vector<16xf32>,
        %add3A_629 = arith.addf %add3A_601, %get3A_628 : vector<16xf32>
        %add3A_630 = arith.constant 16 : i32
        %add3A_631 = arith.addi %mul3A_378, %add3A_630 : i32
        %add3A_632 = arith.constant 1 : i32
        %add3A_633 = arith.addi %add3A_631, %add3A_632 : i32
        %get3A_634 = arith.index_cast %add3A_633 : i32 to index
        %get3A_635 = arith.constant 16 : index
        %get3A_636 = tpu.vector_load %arg14[%get3A_634, %get3A_635] {strides = array<i32>} : memref<1600x32xf32, #tpu.memory_space<vmem>>, vector<16xf32>,
        %add3A_637 = arith.addf %add3A_609, %get3A_636 : vector<16xf32>
        %add3A_638 = arith.constant 18 : i32
        %add3A_639 = arith.addi %mul3A_378, %add3A_638 : i32
        %get3A_640 = arith.index_cast %add3A_639 : i32 to index
        %get3A_641 = arith.constant 0 : index
        %get3A_642 = tpu.vector_load %arg14[%get3A_640, %get3A_641] {strides = array<i32>} : memref<1600x32xf32, #tpu.memory_space<vmem>>, vector<16xf32>,
        %add3A_643 = arith.addf %add3A_615, %get3A_642 : vector<16xf32>
        %add3A_644 = arith.constant 18 : i32
        %add3A_645 = arith.addi %mul3A_378, %add3A_644 : i32
        %get3A_646 = arith.index_cast %add3A_645 : i32 to index
        %get3A_647 = arith.constant 16 : index
        %get3A_648 = tpu.vector_load %arg14[%get3A_646, %get3A_647] {strides = array<i32>} : memref<1600x32xf32, #tpu.memory_space<vmem>>, vector<16xf32>,
        %add3A_649 = arith.addf %add3A_621, %get3A_648 : vector<16xf32>
        %add3A_650 = arith.constant 18 : i32
        %add3A_651 = arith.addi %mul3A_378, %add3A_650 : i32
        %add3A_652 = arith.constant 1 : i32
        %add3A_653 = arith.addi %add3A_651, %add3A_652 : i32
        %get3A_654 = arith.index_cast %add3A_653 : i32 to index
        %get3A_655 = arith.constant 0 : index
        %get3A_656 = tpu.vector_load %arg14[%get3A_654, %get3A_655] {strides = array<i32>} : memref<1600x32xf32, #tpu.memory_space<vmem>>, vector<16xf32>,
        %add3A_657 = arith.addf %add3A_629, %get3A_656 : vector<16xf32>
        %add3A_658 = arith.constant 18 : i32
        %add3A_659 = arith.addi %mul3A_378, %add3A_658 : i32
        %add3A_660 = arith.constant 1 : i32
        %add3A_661 = arith.addi %add3A_659, %add3A_660 : i32
        %get3A_662 = arith.index_cast %add3A_661 : i32 to index
        %get3A_663 = arith.constant 16 : index
        %get3A_664 = tpu.vector_load %arg14[%get3A_662, %get3A_663] {strides = array<i32>} : memref<1600x32xf32, #tpu.memory_space<vmem>>, vector<16xf32>,
        %add3A_665 = arith.addf %add3A_637, %get3A_664 : vector<16xf32>
        %add3A_666 = arith.constant 20 : i32
        %add3A_667 = arith.addi %mul3A_378, %add3A_666 : i32
        %get3A_668 = arith.index_cast %add3A_667 : i32 to index
        %get3A_669 = arith.constant 0 : index
        %get3A_670 = tpu.vector_load %arg14[%get3A_668, %get3A_669] {strides = array<i32>} : memref<1600x32xf32, #tpu.memory_space<vmem>>, vector<16xf32>,
        %add3A_671 = arith.addf %add3A_643, %get3A_670 : vector<16xf32>
        %add3A_672 = arith.constant 20 : i32
        %add3A_673 = arith.addi %mul3A_378, %add3A_672 : i32
        %get3A_674 = arith.index_cast %add3A_673 : i32 to index
        %get3A_675 = arith.constant 16 : index
        %get3A_676 = tpu.vector_load %arg14[%get3A_674, %get3A_675] {strides = array<i32>} : memref<1600x32xf32, #tpu.memory_space<vmem>>, vector<16xf32>,
        %add3A_677 = arith.addf %add3A_649, %get3A_676 : vector<16xf32>
        %add3A_678 = arith.constant 20 : i32
        %add3A_679 = arith.addi %mul3A_378, %add3A_678 : i32
        %add3A_680 = arith.constant 1 : i32
        %add3A_681 = arith.addi %add3A_679, %add3A_680 : i32
        %get3A_682 = arith.index_cast %add3A_681 : i32 to index
        %get3A_683 = arith.constant 0 : index
        %get3A_684 = tpu.vector_load %arg14[%get3A_682, %get3A_683] {strides = array<i32>} : memref<1600x32xf32, #tpu.memory_space<vmem>>, vector<16xf32>,
        %add3A_685 = arith.addf %add3A_657, %get3A_684 : vector<16xf32>
        %add3A_686 = arith.constant 20 : i32
        %add3A_687 = arith.addi %mul3A_378, %add3A_686 : i32
        %add3A_688 = arith.constant 1 : i32
        %add3A_689 = arith.addi %add3A_687, %add3A_688 : i32
        %get3A_690 = arith.index_cast %add3A_689 : i32 to index
        %get3A_691 = arith.constant 16 : index
        %get3A_692 = tpu.vector_load %arg14[%get3A_690, %get3A_691] {strides = array<i32>} : memref<1600x32xf32, #tpu.memory_space<vmem>>, vector<16xf32>,
        %add3A_693 = arith.addf %add3A_665, %get3A_692 : vector<16xf32>
        %add3A_694 = arith.constant 22 : i32
        %add3A_695 = arith.addi %mul3A_378, %add3A_694 : i32
        %get3A_696 = arith.index_cast %add3A_695 : i32 to index
        %get3A_697 = arith.constant 0 : index
        %get3A_698 = tpu.vector_load %arg14[%get3A_696, %get3A_697] {strides = array<i32>} : memref<1600x32xf32, #tpu.memory_space<vmem>>, vector<16xf32>,
        %add3A_699 = arith.addf %add3A_671, %get3A_698 : vector<16xf32>
        %add3A_700 = arith.constant 22 : i32
        %add3A_701 = arith.addi %mul3A_378, %add3A_700 : i32
        %get3A_702 = arith.index_cast %add3A_701 : i32 to index
        %get3A_703 = arith.constant 16 : index
        %get3A_704 = tpu.vector_load %arg14[%get3A_702, %get3A_703] {strides = array<i32>} : memref<1600x32xf32, #tpu.memory_space<vmem>>, vector<16xf32>,
        %add3A_705 = arith.addf %add3A_677, %get3A_704 : vector<16xf32>
        %add3A_706 = arith.constant 22 : i32
        %add3A_707 = arith.addi %mul3A_378, %add3A_706 : i32
        %add3A_708 = arith.constant 1 : i32
        %add3A_709 = arith.addi %add3A_707, %add3A_708 : i32
        %get3A_710 = arith.index_cast %add3A_709 : i32 to index
        %get3A_711 = arith.constant 0 : index
        %get3A_712 = tpu.vector_load %arg14[%get3A_710, %get3A_711] {strides = array<i32>} : memref<1600x32xf32, #tpu.memory_space<vmem>>, vector<16xf32>,
        %add3A_713 = arith.addf %add3A_685, %get3A_712 : vector<16xf32>
        %add3A_714 = arith.constant 22 : i32
        %add3A_715 = arith.addi %mul3A_378, %add3A_714 : i32
        %add3A_716 = arith.constant 1 : i32
        %add3A_717 = arith.addi %add3A_715, %add3A_716 : i32
        %get3A_718 = arith.index_cast %add3A_717 : i32 to index
        %get3A_719 = arith.constant 16 : index
        %get3A_720 = tpu.vector_load %arg14[%get3A_718, %get3A_719] {strides = array<i32>} : memref<1600x32xf32, #tpu.memory_space<vmem>>, vector<16xf32>,
        %add3A_721 = arith.addf %add3A_693, %get3A_720 : vector<16xf32>
        %add3A_722 = arith.constant 24 : i32
        %add3A_723 = arith.addi %mul3A_378, %add3A_722 : i32
        %get3A_724 = arith.index_cast %add3A_723 : i32 to index
        %get3A_725 = arith.constant 0 : index
        %get3A_726 = tpu.vector_load %arg14[%get3A_724, %get3A_725] {strides = array<i32>} : memref<1600x32xf32, #tpu.memory_space<vmem>>, vector<16xf32>,
        %add3A_727 = arith.addf %add3A_699, %get3A_726 : vector<16xf32>
        %add3A_728 = arith.constant 24 : i32
        %add3A_729 = arith.addi %mul3A_378, %add3A_728 : i32
        %get3A_730 = arith.index_cast %add3A_729 : i32 to index
        %get3A_731 = arith.constant 16 : index
        %get3A_732 = tpu.vector_load %arg14[%get3A_730, %get3A_731] {strides = array<i32>} : memref<1600x32xf32, #tpu.memory_space<vmem>>, vector<16xf32>,
        %add3A_733 = arith.addf %add3A_705, %get3A_732 : vector<16xf32>
        %add3A_734 = arith.constant 24 : i32
        %add3A_735 = arith.addi %mul3A_378, %add3A_734 : i32
        %add3A_736 = arith.constant 1 : i32
        %add3A_737 = arith.addi %add3A_735, %add3A_736 : i32
        %get3A_738 = arith.index_cast %add3A_737 : i32 to index
        %get3A_739 = arith.constant 0 : index
        %get3A_740 = tpu.vector_load %arg14[%get3A_738, %get3A_739] {strides = array<i32>} : memref<1600x32xf32, #tpu.memory_space<vmem>>, vector<16xf32>,
        %add3A_741 = arith.addf %add3A_713, %get3A_740 : vector<16xf32>
        %add3A_742 = arith.constant 24 : i32
        %add3A_743 = arith.addi %mul3A_378, %add3A_742 : i32
        %add3A_744 = arith.constant 1 : i32
        %add3A_745 = arith.addi %add3A_743, %add3A_744 : i32
        %get3A_746 = arith.index_cast %add3A_745 : i32 to index
        %get3A_747 = arith.constant 16 : index
        %get3A_748 = tpu.vector_load %arg14[%get3A_746, %get3A_747] {strides = array<i32>} : memref<1600x32xf32, #tpu.memory_space<vmem>>, vector<16xf32>,
        %add3A_749 = arith.addf %add3A_721, %get3A_748 : vector<16xf32>
        %add3A_750 = arith.constant 26 : i32
        %add3A_751 = arith.addi %mul3A_378, %add3A_750 : i32
        %get3A_752 = arith.index_cast %add3A_751 : i32 to index
        %get3A_753 = arith.constant 0 : index
        %get3A_754 = tpu.vector_load %arg14[%get3A_752, %get3A_753] {strides = array<i32>} : memref<1600x32xf32, #tpu.memory_space<vmem>>, vector<16xf32>,
        %add3A_755 = arith.addf %add3A_727, %get3A_754 : vector<16xf32>
        %add3A_756 = arith.constant 26 : i32
        %add3A_757 = arith.addi %mul3A_378, %add3A_756 : i32
        %get3A_758 = arith.index_cast %add3A_757 : i32 to index
        %get3A_759 = arith.constant 16 : index
        %get3A_760 = tpu.vector_load %arg14[%get3A_758, %get3A_759] {strides = array<i32>} : memref<1600x32xf32, #tpu.memory_space<vmem>>, vector<16xf32>,
        %add3A_761 = arith.addf %add3A_733, %get3A_760 : vector<16xf32>
        %add3A_762 = arith.constant 26 : i32
        %add3A_763 = arith.addi %mul3A_378, %add3A_762 : i32
        %add3A_764 = arith.constant 1 : i32
        %add3A_765 = arith.addi %add3A_763, %add3A_764 : i32
        %get3A_766 = arith.index_cast %add3A_765 : i32 to index
        %get3A_767 = arith.constant 0 : index
        %get3A_768 = tpu.vector_load %arg14[%get3A_766, %get3A_767] {strides = array<i32>} : memref<1600x32xf32, #tpu.memory_space<vmem>>, vector<16xf32>,
        %add3A_769 = arith.addf %add3A_741, %get3A_768 : vector<16xf32>
        %add3A_770 = arith.constant 26 : i32
        %add3A_771 = arith.addi %mul3A_378, %add3A_770 : i32
        %add3A_772 = arith.constant 1 : i32
        %add3A_773 = arith.addi %add3A_771, %add3A_772 : i32
        %get3A_774 = arith.index_cast %add3A_773 : i32 to index
        %get3A_775 = arith.constant 16 : index
        %get3A_776 = tpu.vector_load %arg14[%get3A_774, %get3A_775] {strides = array<i32>} : memref<1600x32xf32, #tpu.memory_space<vmem>>, vector<16xf32>,
        %add3A_777 = arith.addf %add3A_749, %get3A_776 : vector<16xf32>
        %add3A_778 = arith.constant 28 : i32
        %add3A_779 = arith.addi %mul3A_378, %add3A_778 : i32
        %get3A_780 = arith.index_cast %add3A_779 : i32 to index
        %get3A_781 = arith.constant 0 : index
        %get3A_782 = tpu.vector_load %arg14[%get3A_780, %get3A_781] {strides = array<i32>} : memref<1600x32xf32, #tpu.memory_space<vmem>>, vector<16xf32>,
        %add3A_783 = arith.addf %add3A_755, %get3A_782 : vector<16xf32>
        %add3A_784 = arith.constant 28 : i32
        %add3A_785 = arith.addi %mul3A_378, %add3A_784 : i32
        %get3A_786 = arith.index_cast %add3A_785 : i32 to index
        %get3A_787 = arith.constant 16 : index
        %get3A_788 = tpu.vector_load %arg14[%get3A_786, %get3A_787] {strides = array<i32>} : memref<1600x32xf32, #tpu.memory_space<vmem>>, vector<16xf32>,
        %add3A_789 = arith.addf %add3A_761, %get3A_788 : vector<16xf32>
        %add3A_790 = arith.constant 28 : i32
        %add3A_791 = arith.addi %mul3A_378, %add3A_790 : i32
        %add3A_792 = arith.constant 1 : i32
        %add3A_793 = arith.addi %add3A_791, %add3A_792 : i32
        %get3A_794 = arith.index_cast %add3A_793 : i32 to index
        %get3A_795 = arith.constant 0 : index
        %get3A_796 = tpu.vector_load %arg14[%get3A_794, %get3A_795] {strides = array<i32>} : memref<1600x32xf32, #tpu.memory_space<vmem>>, vector<16xf32>,
        %add3A_797 = arith.addf %add3A_769, %get3A_796 : vector<16xf32>
        %add3A_798 = arith.constant 28 : i32
        %add3A_799 = arith.addi %mul3A_378, %add3A_798 : i32
        %add3A_800 = arith.constant 1 : i32
        %add3A_801 = arith.addi %add3A_799, %add3A_800 : i32
        %get3A_802 = arith.index_cast %add3A_801 : i32 to index
        %get3A_803 = arith.constant 16 : index
        %get3A_804 = tpu.vector_load %arg14[%get3A_802, %get3A_803] {strides = array<i32>} : memref<1600x32xf32, #tpu.memory_space<vmem>>, vector<16xf32>,
        %add3A_805 = arith.addf %add3A_777, %get3A_804 : vector<16xf32>
        %add3A_806 = arith.constant 30 : i32
        %add3A_807 = arith.addi %mul3A_378, %add3A_806 : i32
        %get3A_808 = arith.index_cast %add3A_807 : i32 to index
        %get3A_809 = arith.constant 0 : index
        %get3A_810 = tpu.vector_load %arg14[%get3A_808, %get3A_809] {strides = array<i32>} : memref<1600x32xf32, #tpu.memory_space<vmem>>, vector<16xf32>,
        %add3A_811 = arith.addf %add3A_783, %get3A_810 : vector<16xf32>
        %add3A_812 = arith.constant 30 : i32
        %add3A_813 = arith.addi %mul3A_378, %add3A_812 : i32
        %get3A_814 = arith.index_cast %add3A_813 : i32 to index
        %get3A_815 = arith.constant 16 : index
        %get3A_816 = tpu.vector_load %arg14[%get3A_814, %get3A_815] {strides = array<i32>} : memref<1600x32xf32, #tpu.memory_space<vmem>>, vector<16xf32>,
        %add3A_817 = arith.addf %add3A_789, %get3A_816 : vector<16xf32>
        %add3A_818 = arith.constant 30 : i32
        %add3A_819 = arith.addi %mul3A_378, %add3A_818 : i32
        %add3A_820 = arith.constant 1 : i32
        %add3A_821 = arith.addi %add3A_819, %add3A_820 : i32
        %get3A_822 = arith.index_cast %add3A_821 : i32 to index
        %get3A_823 = arith.constant 0 : index
        %get3A_824 = tpu.vector_load %arg14[%get3A_822, %get3A_823] {strides = array<i32>} : memref<1600x32xf32, #tpu.memory_space<vmem>>, vector<16xf32>,
        %add3A_825 = arith.addf %add3A_797, %get3A_824 : vector<16xf32>
        %add3A_826 = arith.constant 30 : i32
        %add3A_827 = arith.addi %mul3A_378, %add3A_826 : i32
        %add3A_828 = arith.constant 1 : i32
        %add3A_829 = arith.addi %add3A_827, %add3A_828 : i32
        %get3A_830 = arith.index_cast %add3A_829 : i32 to index
        %get3A_831 = arith.constant 16 : index
        %get3A_832 = tpu.vector_load %arg14[%get3A_830, %get3A_831] {strides = array<i32>} : memref<1600x32xf32, #tpu.memory_space<vmem>>, vector<16xf32>,
        %add3A_833 = arith.addf %add3A_805, %get3A_832 : vector<16xf32>
        %add3A_834 = arith.constant 32 : i32
        %add3A_835 = arith.addi %mul3A_378, %add3A_834 : i32
        %get3A_836 = arith.index_cast %add3A_835 : i32 to index
        %get3A_837 = arith.constant 0 : index
        %get3A_838 = tpu.vector_load %arg14[%get3A_836, %get3A_837] {strides = array<i32>} : memref<1600x32xf32, #tpu.memory_space<vmem>>, vector<16xf32>,
        %add3A_839 = arith.addf %add3A_811, %get3A_838 : vector<16xf32>
        %add3A_840 = arith.constant 32 : i32
        %add3A_841 = arith.addi %mul3A_378, %add3A_840 : i32
        %get3A_842 = arith.index_cast %add3A_841 : i32 to index
        %get3A_843 = arith.constant 16 : index
        %get3A_844 = tpu.vector_load %arg14[%get3A_842, %get3A_843] {strides = array<i32>} : memref<1600x32xf32, #tpu.memory_space<vmem>>, vector<16xf32>,
        %add3A_845 = arith.addf %add3A_817, %get3A_844 : vector<16xf32>
        %add3A_846 = arith.constant 32 : i32
        %add3A_847 = arith.addi %mul3A_378, %add3A_846 : i32
        %add3A_848 = arith.constant 1 : i32
        %add3A_849 = arith.addi %add3A_847, %add3A_848 : i32
        %get3A_850 = arith.index_cast %add3A_849 : i32 to index
        %get3A_851 = arith.constant 0 : index
        %get3A_852 = tpu.vector_load %arg14[%get3A_850, %get3A_851] {strides = array<i32>} : memref<1600x32xf32, #tpu.memory_space<vmem>>, vector<16xf32>,
        %add3A_853 = arith.addf %add3A_825, %get3A_852 : vector<16xf32>
        %add3A_854 = arith.constant 32 : i32
        %add3A_855 = arith.addi %mul3A_378, %add3A_854 : i32
        %add3A_856 = arith.constant 1 : i32
        %add3A_857 = arith.addi %add3A_855, %add3A_856 : i32
        %get3A_858 = arith.index_cast %add3A_857 : i32 to index
        %get3A_859 = arith.constant 16 : index
        %get3A_860 = tpu.vector_load %arg14[%get3A_858, %get3A_859] {strides = array<i32>} : memref<1600x32xf32, #tpu.memory_space<vmem>>, vector<16xf32>,
        %add3A_861 = arith.addf %add3A_833, %get3A_860 : vector<16xf32>
        %add3A_862 = arith.constant 34 : i32
        %add3A_863 = arith.addi %mul3A_378, %add3A_862 : i32
        %get3A_864 = arith.index_cast %add3A_863 : i32 to index
        %get3A_865 = arith.constant 0 : index
        %get3A_866 = tpu.vector_load %arg14[%get3A_864, %get3A_865] {strides = array<i32>} : memref<1600x32xf32, #tpu.memory_space<vmem>>, vector<16xf32>,
        %add3A_867 = arith.addf %add3A_839, %get3A_866 : vector<16xf32>
        %add3A_868 = arith.constant 34 : i32
        %add3A_869 = arith.addi %mul3A_378, %add3A_868 : i32
        %get3A_870 = arith.index_cast %add3A_869 : i32 to index
        %get3A_871 = arith.constant 16 : index
        %get3A_872 = tpu.vector_load %arg14[%get3A_870, %get3A_871] {strides = array<i32>} : memref<1600x32xf32, #tpu.memory_space<vmem>>, vector<16xf32>,
        %add3A_873 = arith.addf %add3A_845, %get3A_872 : vector<16xf32>
        %add3A_874 = arith.constant 34 : i32
        %add3A_875 = arith.addi %mul3A_378, %add3A_874 : i32
        %add3A_876 = arith.constant 1 : i32
        %add3A_877 = arith.addi %add3A_875, %add3A_876 : i32
        %get3A_878 = arith.index_cast %add3A_877 : i32 to index
        %get3A_879 = arith.constant 0 : index
        %get3A_880 = tpu.vector_load %arg14[%get3A_878, %get3A_879] {strides = array<i32>} : memref<1600x32xf32, #tpu.memory_space<vmem>>, vector<16xf32>,
        %add3A_881 = arith.addf %add3A_853, %get3A_880 : vector<16xf32>
        %add3A_882 = arith.constant 34 : i32
        %add3A_883 = arith.addi %mul3A_378, %add3A_882 : i32
        %add3A_884 = arith.constant 1 : i32
        %add3A_885 = arith.addi %add3A_883, %add3A_884 : i32
        %get3A_886 = arith.index_cast %add3A_885 : i32 to index
        %get3A_887 = arith.constant 16 : index
        %get3A_888 = tpu.vector_load %arg14[%get3A_886, %get3A_887] {strides = array<i32>} : memref<1600x32xf32, #tpu.memory_space<vmem>>, vector<16xf32>,
        %add3A_889 = arith.addf %add3A_861, %get3A_888 : vector<16xf32>
        %add3A_890 = arith.constant 36 : i32
        %add3A_891 = arith.addi %mul3A_378, %add3A_890 : i32
        %get3A_892 = arith.index_cast %add3A_891 : i32 to index
        %get3A_893 = arith.constant 0 : index
        %get3A_894 = tpu.vector_load %arg14[%get3A_892, %get3A_893] {strides = array<i32>} : memref<1600x32xf32, #tpu.memory_space<vmem>>, vector<16xf32>,
        %add3A_895 = arith.addf %add3A_867, %get3A_894 : vector<16xf32>
        %add3A_896 = arith.constant 36 : i32
        %add3A_897 = arith.addi %mul3A_378, %add3A_896 : i32
        %get3A_898 = arith.index_cast %add3A_897 : i32 to index
        %get3A_899 = arith.constant 16 : index
        %get3A_900 = tpu.vector_load %arg14[%get3A_898, %get3A_899] {strides = array<i32>} : memref<1600x32xf32, #tpu.memory_space<vmem>>, vector<16xf32>,
        %add3A_901 = arith.addf %add3A_873, %get3A_900 : vector<16xf32>
        %add3A_902 = arith.constant 36 : i32
        %add3A_903 = arith.addi %mul3A_378, %add3A_902 : i32
        %add3A_904 = arith.constant 1 : i32
        %add3A_905 = arith.addi %add3A_903, %add3A_904 : i32
        %get3A_906 = arith.index_cast %add3A_905 : i32 to index
        %get3A_907 = arith.constant 0 : index
        %get3A_908 = tpu.vector_load %arg14[%get3A_906, %get3A_907] {strides = array<i32>} : memref<1600x32xf32, #tpu.memory_space<vmem>>, vector<16xf32>,
        %add3A_909 = arith.addf %add3A_881, %get3A_908 : vector<16xf32>
        %add3A_910 = arith.constant 36 : i32
        %add3A_911 = arith.addi %mul3A_378, %add3A_910 : i32
        %add3A_912 = arith.constant 1 : i32
        %add3A_913 = arith.addi %add3A_911, %add3A_912 : i32
        %get3A_914 = arith.index_cast %add3A_913 : i32 to index
        %get3A_915 = arith.constant 16 : index
        %get3A_916 = tpu.vector_load %arg14[%get3A_914, %get3A_915] {strides = array<i32>} : memref<1600x32xf32, #tpu.memory_space<vmem>>, vector<16xf32>,
        %add3A_917 = arith.addf %add3A_889, %get3A_916 : vector<16xf32>
        %add3A_918 = arith.constant 38 : i32
        %add3A_919 = arith.addi %mul3A_378, %add3A_918 : i32
        %get3A_920 = arith.index_cast %add3A_919 : i32 to index
        %get3A_921 = arith.constant 0 : index
        %get3A_922 = tpu.vector_load %arg14[%get3A_920, %get3A_921] {strides = array<i32>} : memref<1600x32xf32, #tpu.memory_space<vmem>>, vector<16xf32>,
        %add3A_923 = arith.addf %add3A_895, %get3A_922 : vector<16xf32>
        %add3A_924 = arith.constant 38 : i32
        %add3A_925 = arith.addi %mul3A_378, %add3A_924 : i32
        %get3A_926 = arith.index_cast %add3A_925 : i32 to index
        %get3A_927 = arith.constant 16 : index
        %get3A_928 = tpu.vector_load %arg14[%get3A_926, %get3A_927] {strides = array<i32>} : memref<1600x32xf32, #tpu.memory_space<vmem>>, vector<16xf32>,
        %add3A_929 = arith.addf %add3A_901, %get3A_928 : vector<16xf32>
        %add3A_930 = arith.constant 38 : i32
        %add3A_931 = arith.addi %mul3A_378, %add3A_930 : i32
        %add3A_932 = arith.constant 1 : i32
        %add3A_933 = arith.addi %add3A_931, %add3A_932 : i32
        %get3A_934 = arith.index_cast %add3A_933 : i32 to index
        %get3A_935 = arith.constant 0 : index
        %get3A_936 = tpu.vector_load %arg14[%get3A_934, %get3A_935] {strides = array<i32>} : memref<1600x32xf32, #tpu.memory_space<vmem>>, vector<16xf32>,
        %add3A_937 = arith.addf %add3A_909, %get3A_936 : vector<16xf32>
        %add3A_938 = arith.constant 38 : i32
        %add3A_939 = arith.addi %mul3A_378, %add3A_938 : i32
        %add3A_940 = arith.constant 1 : i32
        %add3A_941 = arith.addi %add3A_939, %add3A_940 : i32
        %get3A_942 = arith.index_cast %add3A_941 : i32 to index
        %get3A_943 = arith.constant 16 : index
        %get3A_944 = tpu.vector_load %arg14[%get3A_942, %get3A_943] {strides = array<i32>} : memref<1600x32xf32, #tpu.memory_space<vmem>>, vector<16xf32>,
        %add3A_945 = arith.addf %add3A_917, %get3A_944 : vector<16xf32>
        %add3A_946 = arith.constant 40 : i32
        %add3A_947 = arith.addi %mul3A_378, %add3A_946 : i32
        %get3A_948 = arith.index_cast %add3A_947 : i32 to index
        %get3A_949 = arith.constant 0 : index
        %get3A_950 = tpu.vector_load %arg14[%get3A_948, %get3A_949] {strides = array<i32>} : memref<1600x32xf32, #tpu.memory_space<vmem>>, vector<16xf32>,
        %add3A_951 = arith.addf %add3A_923, %get3A_950 : vector<16xf32>
        %add3A_952 = arith.constant 40 : i32
        %add3A_953 = arith.addi %mul3A_378, %add3A_952 : i32
        %get3A_954 = arith.index_cast %add3A_953 : i32 to index
        %get3A_955 = arith.constant 16 : index
        %get3A_956 = tpu.vector_load %arg14[%get3A_954, %get3A_955] {strides = array<i32>} : memref<1600x32xf32, #tpu.memory_space<vmem>>, vector<16xf32>,
        %add3A_957 = arith.addf %add3A_929, %get3A_956 : vector<16xf32>
        %add3A_958 = arith.constant 40 : i32
        %add3A_959 = arith.addi %mul3A_378, %add3A_958 : i32
        %add3A_960 = arith.constant 1 : i32
        %add3A_961 = arith.addi %add3A_959, %add3A_960 : i32
        %get3A_962 = arith.index_cast %add3A_961 : i32 to index
        %get3A_963 = arith.constant 0 : index
        %get3A_964 = tpu.vector_load %arg14[%get3A_962, %get3A_963] {strides = array<i32>} : memref<1600x32xf32, #tpu.memory_space<vmem>>, vector<16xf32>,
        %add3A_965 = arith.addf %add3A_937, %get3A_964 : vector<16xf32>
        %add3A_966 = arith.constant 40 : i32
        %add3A_967 = arith.addi %mul3A_378, %add3A_966 : i32
        %add3A_968 = arith.constant 1 : i32
        %add3A_969 = arith.addi %add3A_967, %add3A_968 : i32
        %get3A_970 = arith.index_cast %add3A_969 : i32 to index
        %get3A_971 = arith.constant 16 : index
        %get3A_972 = tpu.vector_load %arg14[%get3A_970, %get3A_971] {strides = array<i32>} : memref<1600x32xf32, #tpu.memory_space<vmem>>, vector<16xf32>,
        %add3A_973 = arith.addf %add3A_945, %get3A_972 : vector<16xf32>
        %add3A_974 = arith.constant 42 : i32
        %add3A_975 = arith.addi %mul3A_378, %add3A_974 : i32
        %get3A_976 = arith.index_cast %add3A_975 : i32 to index
        %get3A_977 = arith.constant 0 : index
        %get3A_978 = tpu.vector_load %arg14[%get3A_976, %get3A_977] {strides = array<i32>} : memref<1600x32xf32, #tpu.memory_space<vmem>>, vector<16xf32>,
        %add3A_979 = arith.addf %add3A_951, %get3A_978 : vector<16xf32>
        %add3A_980 = arith.constant 42 : i32
        %add3A_981 = arith.addi %mul3A_378, %add3A_980 : i32
        %get3A_982 = arith.index_cast %add3A_981 : i32 to index
        %get3A_983 = arith.constant 16 : index
        %get3A_984 = tpu.vector_load %arg14[%get3A_982, %get3A_983] {strides = array<i32>} : memref<1600x32xf32, #tpu.memory_space<vmem>>, vector<16xf32>,
        %add3A_985 = arith.addf %add3A_957, %get3A_984 : vector<16xf32>
        %add3A_986 = arith.constant 42 : i32
        %add3A_987 = arith.addi %mul3A_378, %add3A_986 : i32
        %add3A_988 = arith.constant 1 : i32
        %add3A_989 = arith.addi %add3A_987, %add3A_988 : i32
        %get3A_990 = arith.index_cast %add3A_989 : i32 to index
        %get3A_991 = arith.constant 0 : index
        %get3A_992 = tpu.vector_load %arg14[%get3A_990, %get3A_991] {strides = array<i32>} : memref<1600x32xf32, #tpu.memory_space<vmem>>, vector<16xf32>,
        %add3A_993 = arith.addf %add3A_965, %get3A_992 : vector<16xf32>
        %add3A_994 = arith.constant 42 : i32
        %add3A_995 = arith.addi %mul3A_378, %add3A_994 : i32
        %add3A_996 = arith.constant 1 : i32
        %add3A_997 = arith.addi %add3A_995, %add3A_996 : i32
        %get3A_998 = arith.index_cast %add3A_997 : i32 to index
        %get3A_999 = arith.constant 16 : index
        %get3A_1000 = tpu.vector_load %arg14[%get3A_998, %get3A_999] {strides = array<i32>} : memref<1600x32xf32, #tpu.memory_space<vmem>>, vector<16xf32>,
        %add3A_1001 = arith.addf %add3A_973, %get3A_1000 : vector<16xf32>
        %add3A_1002 = arith.constant 44 : i32
        %add3A_1003 = arith.addi %mul3A_378, %add3A_1002 : i32
        %get3A_1004 = arith.index_cast %add3A_1003 : i32 to index
        %get3A_1005 = arith.constant 0 : index
        %get3A_1006 = tpu.vector_load %arg14[%get3A_1004, %get3A_1005] {strides = array<i32>} : memref<1600x32xf32, #tpu.memory_space<vmem>>, vector<16xf32>,
        %add3A_1007 = arith.addf %add3A_979, %get3A_1006 : vector<16xf32>
        %add3A_1008 = arith.constant 44 : i32
        %add3A_1009 = arith.addi %mul3A_378, %add3A_1008 : i32
        %get3A_1010 = arith.index_cast %add3A_1009 : i32 to index
        %get3A_1011 = arith.constant 16 : index
        %get3A_1012 = tpu.vector_load %arg14[%get3A_1010, %get3A_1011] {strides = array<i32>} : memref<1600x32xf32, #tpu.memory_space<vmem>>, vector<16xf32>,
        %add3A_1013 = arith.addf %add3A_985, %get3A_1012 : vector<16xf32>
        %add3A_1014 = arith.constant 44 : i32
        %add3A_1015 = arith.addi %mul3A_378, %add3A_1014 : i32
        %add3A_1016 = arith.constant 1 : i32
        %add3A_1017 = arith.addi %add3A_1015, %add3A_1016 : i32
        %get3A_1018 = arith.index_cast %add3A_1017 : i32 to index
        %get3A_1019 = arith.constant 0 : index
        %get3A_1020 = tpu.vector_load %arg14[%get3A_1018, %get3A_1019] {strides = array<i32>} : memref<1600x32xf32, #tpu.memory_space<vmem>>, vector<16xf32>,
        %add3A_1021 = arith.addf %add3A_993, %get3A_1020 : vector<16xf32>
        %add3A_1022 = arith.constant 44 : i32
        %add3A_1023 = arith.addi %mul3A_378, %add3A_1022 : i32
        %add3A_1024 = arith.constant 1 : i32
        %add3A_1025 = arith.addi %add3A_1023, %add3A_1024 : i32
        %get3A_1026 = arith.index_cast %add3A_1025 : i32 to index
        %get3A_1027 = arith.constant 16 : index
        %get3A_1028 = tpu.vector_load %arg14[%get3A_1026, %get3A_1027] {strides = array<i32>} : memref<1600x32xf32, #tpu.memory_space<vmem>>, vector<16xf32>,
        %add3A_1029 = arith.addf %add3A_1001, %get3A_1028 : vector<16xf32>
        %add3A_1030 = arith.constant 46 : i32
        %add3A_1031 = arith.addi %mul3A_378, %add3A_1030 : i32
        %get3A_1032 = arith.index_cast %add3A_1031 : i32 to index
        %get3A_1033 = arith.constant 0 : index
        %get3A_1034 = tpu.vector_load %arg14[%get3A_1032, %get3A_1033] {strides = array<i32>} : memref<1600x32xf32, #tpu.memory_space<vmem>>, vector<16xf32>,
        %add3A_1035 = arith.addf %add3A_1007, %get3A_1034 : vector<16xf32>
        %add3A_1036 = arith.constant 46 : i32
        %add3A_1037 = arith.addi %mul3A_378, %add3A_1036 : i32
        %get3A_1038 = arith.index_cast %add3A_1037 : i32 to index
        %get3A_1039 = arith.constant 16 : index
        %get3A_1040 = tpu.vector_load %arg14[%get3A_1038, %get3A_1039] {strides = array<i32>} : memref<1600x32xf32, #tpu.memory_space<vmem>>, vector<16xf32>,
        %add3A_1041 = arith.addf %add3A_1013, %get3A_1040 : vector<16xf32>
        %add3A_1042 = arith.constant 46 : i32
        %add3A_1043 = arith.addi %mul3A_378, %add3A_1042 : i32
        %add3A_1044 = arith.constant 1 : i32
        %add3A_1045 = arith.addi %add3A_1043, %add3A_1044 : i32
        %get3A_1046 = arith.index_cast %add3A_1045 : i32 to index
        %get3A_1047 = arith.constant 0 : index
        %get3A_1048 = tpu.vector_load %arg14[%get3A_1046, %get3A_1047] {strides = array<i32>} : memref<1600x32xf32, #tpu.memory_space<vmem>>, vector<16xf32>,
        %add3A_1049 = arith.addf %add3A_1021, %get3A_1048 : vector<16xf32>
        %add3A_1050 = arith.constant 46 : i32
        %add3A_1051 = arith.addi %mul3A_378, %add3A_1050 : i32
        %add3A_1052 = arith.constant 1 : i32
        %add3A_1053 = arith.addi %add3A_1051, %add3A_1052 : i32
        %get3A_1054 = arith.index_cast %add3A_1053 : i32 to index
        %get3A_1055 = arith.constant 16 : index
        %get3A_1056 = tpu.vector_load %arg14[%get3A_1054, %get3A_1055] {strides = array<i32>} : memref<1600x32xf32, #tpu.memory_space<vmem>>, vector<16xf32>,
        %add3A_1057 = arith.addf %add3A_1029, %get3A_1056 : vector<16xf32>
        %add3A_1058 = arith.constant 48 : i32
        %add3A_1059 = arith.addi %mul3A_378, %add3A_1058 : i32
        %get3A_1060 = arith.index_cast %add3A_1059 : i32 to index
        %get3A_1061 = arith.constant 0 : index
        %get3A_1062 = tpu.vector_load %arg14[%get3A_1060, %get3A_1061] {strides = array<i32>} : memref<1600x32xf32, #tpu.memory_space<vmem>>, vector<16xf32>,
        %add3A_1063 = arith.addf %add3A_1035, %get3A_1062 : vector<16xf32>
        %add3A_1064 = arith.constant 48 : i32
        %add3A_1065 = arith.addi %mul3A_378, %add3A_1064 : i32
        %get3A_1066 = arith.index_cast %add3A_1065 : i32 to index
        %get3A_1067 = arith.constant 16 : index
        %get3A_1068 = tpu.vector_load %arg14[%get3A_1066, %get3A_1067] {strides = array<i32>} : memref<1600x32xf32, #tpu.memory_space<vmem>>, vector<16xf32>,
        %add3A_1069 = arith.addf %add3A_1041, %get3A_1068 : vector<16xf32>
        %add3A_1070 = arith.constant 48 : i32
        %add3A_1071 = arith.addi %mul3A_378, %add3A_1070 : i32
        %add3A_1072 = arith.constant 1 : i32
        %add3A_1073 = arith.addi %add3A_1071, %add3A_1072 : i32
        %get3A_1074 = arith.index_cast %add3A_1073 : i32 to index
        %get3A_1075 = arith.constant 0 : index
        %get3A_1076 = tpu.vector_load %arg14[%get3A_1074, %get3A_1075] {strides = array<i32>} : memref<1600x32xf32, #tpu.memory_space<vmem>>, vector<16xf32>,
        %add3A_1077 = arith.addf %add3A_1049, %get3A_1076 : vector<16xf32>
        %add3A_1078 = arith.constant 48 : i32
        %add3A_1079 = arith.addi %mul3A_378, %add3A_1078 : i32
        %add3A_1080 = arith.constant 1 : i32
        %add3A_1081 = arith.addi %add3A_1079, %add3A_1080 : i32
        %get3A_1082 = arith.index_cast %add3A_1081 : i32 to index
        %get3A_1083 = arith.constant 16 : index
        %get3A_1084 = tpu.vector_load %arg14[%get3A_1082, %get3A_1083] {strides = array<i32>} : memref<1600x32xf32, #tpu.memory_space<vmem>>, vector<16xf32>,
        %add3A_1085 = arith.addf %add3A_1057, %get3A_1084 : vector<16xf32>
        %add3A_1086 = arith.addf %add3A_1063, %add3A_1077 : vector<16xf32>
        %add3A_1087 = arith.addf %add3A_1069, %add3A_1085 : vector<16xf32>
        %get3A_1088 = arith.index_cast %mul3A_378 : i32 to index
        %get3A_1089 = tpu.vector_load %arg13[%get3A_1088] {strides = array<i32>} : memref<1600xi32, #tpu.memory_space<vmem>>, vector<16xi32>,
        %ne3A = arith.constant 0 : i32
        %ne3A_1090 = vector.broadcast %ne3A : i32 to vector<16xi32>
        %ne3A_1091 = arith.cmpi ne, %get3A_1089, %ne3A_1090 : vector<16xi32>
        %add3A_1092 = arith.constant 16 : i32
        %add3A_1093 = arith.addi %mul3A_378, %add3A_1092 : i32
        %get3A_1094 = arith.index_cast %add3A_1093 : i32 to index
        %get3A_1095 = tpu.vector_load %arg13[%get3A_1094] {strides = array<i32>} : memref<1600xi32, #tpu.memory_space<vmem>>, vector<16xi32>,
        %ne3A_1096 = arith.constant 0 : i32
        %ne3A_1097 = vector.broadcast %ne3A_1096 : i32 to vector<16xi32>
        %ne3A_1098 = arith.cmpi ne, %get3A_1095, %ne3A_1097 : vector<16xi32>
        %add3A_1099 = arith.constant 32 : i32
        %add3A_1100 = arith.addi %mul3A_378, %add3A_1099 : i32
        %get3A_1101 = arith.index_cast %add3A_1100 : i32 to index
        %get3A_1102 = tpu.vector_load %arg13[%get3A_1101] {strides = array<i32>} : memref<1600xi32, #tpu.memory_space<vmem>>, vector<16xi32>,
        %ne3A_1103 = arith.constant 0 : i32
        %ne3A_1104 = vector.broadcast %ne3A_1103 : i32 to vector<16xi32>
        %ne3A_1105 = arith.cmpi ne, %get3A_1102, %ne3A_1104 : vector<16xi32>
        %add3A_1106 = arith.constant 34 : i32
        %add3A_1107 = arith.addi %mul3A_378, %add3A_1106 : i32
        %get3A_1108 = arith.index_cast %add3A_1107 : i32 to index
        %get3A_1109 = tpu.vector_load %arg13[%get3A_1108] {strides = array<i32>} : memref<1600xi32, #tpu.memory_space<vmem>>, vector<16xi32>,
        %ne3A_1110 = arith.constant 0 : i32
        %ne3A_1111 = vector.broadcast %ne3A_1110 : i32 to vector<16xi32>
        %ne3A_1112 = arith.cmpi ne, %get3A_1109, %ne3A_1111 : vector<16xi32>
        %and3A = arith.andi %ne3A_1112, %ge3A_209 : vector<16xi1>
        %all_reduce_population_count3A = tpu.all_reduce %ne3A_1091 {dim = 0 : i64, kind = #tpu.reduction_kind<sum>} : vector<16xi1> -> vector<16xi32>
        %all_reduce_population_count3A_1113 = tpu.all_reduce %ne3A_1098 {dim = 0 : i64, kind = #tpu.reduction_kind<sum>} : vector<16xi1> -> vector<16xi32>
        %add3A_1114 = arith.addi %all_reduce_population_count3A, %all_reduce_population_count3A_1113 : vector<16xi32>
        %all_reduce_population_count3A_1115 = tpu.all_reduce %ne3A_1105 {dim = 0 : i64, kind = #tpu.reduction_kind<sum>} : vector<16xi1> -> vector<16xi32>
        %add3A_1116 = arith.addi %add3A_1114, %all_reduce_population_count3A_1115 : vector<16xi32>
        %all_reduce_population_count3A_1117 = tpu.all_reduce %and3A {dim = 0 : i64, kind = #tpu.reduction_kind<sum>} : vector<16xi1> -> vector<16xi32>
        %add3A_1118 = arith.addi %add3A_1116, %all_reduce_population_count3A_1117 : vector<16xi32>
        %convert_element_type3A = arith.sitofp %add3A_1118 : vector<16xi32> to vector<16xf32>
        %max3A = arith.constant 1.000000e+00 : f32
        %max3A_1119 = vector.broadcast %max3A : f32 to vector<16xf32>
        %max3A_1120 = arith.maximumf %convert_element_type3A, %max3A_1119 : vector<16xf32>
        %div3A = arith.constant 1.000000e+00 : f32
        %div3A_1121 = vector.broadcast %div3A : f32 to vector<16xf32>
        %div3A_1122 = arith.divf %div3A_1121, %max3A_1120 : vector<16xf32>
        %mul3A_1123 = arith.mulf %add3A_1086, %div3A_1122 : vector<16xf32>
        %swap3A = arith.index_cast %scan3A_375 : i32 to index
        %swap3A_1124 = arith.constant 0 : index
        %swap3A_1125 = tpu.vector_load %arg15[%swap3A, %swap3A_1124] {strides = array<i32>} : memref<32x32xf32, #tpu.memory_space<vmem>>, vector<16xf32>,
        tpu.vector_store %arg15[%swap3A, %swap3A_1124], %mul3A_1123 {strides = array<i32>} : memref<32x32xf32, #tpu.memory_space<vmem>>, vector<16xf32>,
        %mul3A_1126 = arith.mulf %add3A_1087, %div3A_1122 : vector<16xf32>
        %swap3A_1127 = arith.index_cast %scan3A_375 : i32 to index
        %swap3A_1128 = arith.constant 16 : index
        %swap3A_1129 = tpu.vector_load %arg15[%swap3A_1127, %swap3A_1128] {strides = array<i32>} : memref<32x32xf32, #tpu.memory_space<vmem>>, vector<16xf32>,
        tpu.vector_store %arg15[%swap3A_1127, %swap3A_1128], %mul3A_1126 {strides = array<i32>} : memref<32x32xf32, #tpu.memory_space<vmem>>, vector<16xf32>,
        %scan3A_1130 = arith.constant 0 : i32
        scf.yield %scan3A_1130 : i32
      }
      %scan3A_372 = arith.constant 32 : i32
      %run_scoped3A_373 = arith.constant 26 : i32
      "tpu.region"() ({
        %run_scoped3A_375 = tpu.sem_alloc : memref<!tpu.dma_semaphore, #tpu.memory_space<semaphore_mem>>
        %dma_start3A_376 = arith.constant 0 : i32
        %dma_start3A_377 = tpu.memref_slice %arg8[%add3A_357, %run_scoped3A_373, %dma_start3A_376] : memref<16384x28x32xf32, #tpu.memory_space<hbm>> -> memref<32x1x32xf32, #tpu.memory_space<hbm>>
        %dma_start3A_378 = tpu.memref_squeeze %dma_start3A_377 : memref<32x1x32xf32, #tpu.memory_space<hbm>> -> memref<32x32xf32, #tpu.memory_space<hbm>>
        %dma_start3A_379 = arith.constant 0 : i32
        %dma_start3A_380 = tpu.memref_slice %arg8[%add3A_357, %run_scoped3A_373, %dma_start3A_379] : memref<16384x28x32xf32, #tpu.memory_space<hbm>> -> memref<32x1x32xf32, #tpu.memory_space<hbm>>
        %dma_start3A_381 = tpu.memref_squeeze %dma_start3A_380 : memref<32x1x32xf32, #tpu.memory_space<hbm>> -> memref<32x32xf32, #tpu.memory_space<hbm>>
        tpu.enqueue_dma source(%arg15 : memref<32x32xf32, #tpu.memory_space<vmem>>) target(%dma_start3A_381 : memref<32x32xf32, #tpu.memory_space<hbm>>) target_semaphore(%run_scoped3A_375 : memref<!tpu.dma_semaphore, #tpu.memory_space<semaphore_mem>>)
        %dma_wait3A_382 = arith.constant 0 : i32
        %dma_wait3A_383 = tpu.memref_slice %arg8[%add3A_357, %run_scoped3A_373, %dma_wait3A_382] : memref<16384x28x32xf32, #tpu.memory_space<hbm>> -> memref<32x1x32xf32, #tpu.memory_space<hbm>>
        %dma_wait3A_384 = tpu.memref_squeeze %dma_wait3A_383 : memref<32x1x32xf32, #tpu.memory_space<hbm>> -> memref<32x32xf32, #tpu.memory_space<hbm>>
        %dma_wait3A_385 = arith.constant 0 : i32
        %dma_wait3A_386 = tpu.memref_slice %arg8[%add3A_357, %run_scoped3A_373, %dma_wait3A_385] : memref<16384x28x32xf32, #tpu.memory_space<hbm>> -> memref<32x1x32xf32, #tpu.memory_space<hbm>>
        %dma_wait3A_387 = tpu.memref_squeeze %dma_wait3A_386 : memref<32x1x32xf32, #tpu.memory_space<hbm>> -> memref<32x32xf32, #tpu.memory_space<hbm>>
        tpu.wait_dma2 semaphore(%run_scoped3A_375 : memref<!tpu.dma_semaphore, #tpu.memory_space<semaphore_mem>>) src(%arg15 : memref<32x32xf32, #tpu.memory_space<vmem>>) dst(%dma_wait3A_387 : memref<32x32xf32, #tpu.memory_space<hbm>>)
        tpu.yield
      }) : () -> ()
      %scan3A_374 = arith.constant 0 : i32
      scf.yield %scan3A_374 : i32
    }
    %scan3A_215 = arith.constant 16 : i32
    "tpu.region"() ({
      %run_scoped3A_353 = tpu.sem_alloc : memref<!tpu.dma_semaphore, #tpu.memory_space<semaphore_mem>>
      tpu.enqueue_dma source(%arg7 : memref<16x32xf32, #tpu.memory_space<hbm>>) target(%arg18 : memref<16x32xf32, #tpu.memory_space<vmem>>) target_semaphore(%run_scoped3A_353 : memref<!tpu.dma_semaphore, #tpu.memory_space<semaphore_mem>>)
      tpu.wait_dma2 semaphore(%run_scoped3A_353 : memref<!tpu.dma_semaphore, #tpu.memory_space<semaphore_mem>>) src(%arg7 : memref<16x32xf32, #tpu.memory_space<hbm>>) dst(%arg18 : memref<16x32xf32, #tpu.memory_space<vmem>>)
      tpu.yield
    }) : () -> ()
    %mul3A_216 = arith.constant 16 : i32
    %mul3A_217 = arith.muli %mul3A_2, %mul3A_216 : i32
    "tpu.region"() ({
      %run_scoped3A_353 = tpu.sem_alloc : memref<!tpu.dma_semaphore, #tpu.memory_space<semaphore_mem>>
      %dma_start3A_354 = tpu.memref_slice %arg4[%mul3A_217] : memref<262144xf32, #tpu.memory_space<hbm>> -> memref<8192xf32, #tpu.memory_space<hbm>>
      %dma_start3A_355 = tpu.memref_slice %arg4[%mul3A_217] : memref<262144xf32, #tpu.memory_space<hbm>> -> memref<8192xf32, #tpu.memory_space<hbm>>
      tpu.enqueue_dma source(%dma_start3A_355 : memref<8192xf32, #tpu.memory_space<hbm>>) target(%arg16 : memref<8192xf32, #tpu.memory_space<vmem>>) target_semaphore(%run_scoped3A_353 : memref<!tpu.dma_semaphore, #tpu.memory_space<semaphore_mem>>)
      %dma_wait3A_356 = tpu.memref_slice %arg4[%mul3A_217] : memref<262144xf32, #tpu.memory_space<hbm>> -> memref<8192xf32, #tpu.memory_space<hbm>>
      %dma_wait3A_357 = tpu.memref_slice %arg4[%mul3A_217] : memref<262144xf32, #tpu.memory_space<hbm>> -> memref<8192xf32, #tpu.memory_space<hbm>>
      tpu.wait_dma2 semaphore(%run_scoped3A_353 : memref<!tpu.dma_semaphore, #tpu.memory_space<semaphore_mem>>) src(%dma_wait3A_357 : memref<8192xf32, #tpu.memory_space<hbm>>) dst(%arg16 : memref<8192xf32, #tpu.memory_space<vmem>>)
      tpu.yield
    }) : () -> ()
    %get3A = arith.constant 0 : i32
    %get3A_218 = arith.index_cast %get3A : i32 to index
    %get3A_219 = arith.constant 0 : index
    %get3A_220 = tpu.vector_load %arg18[%get3A_218, %get3A_219] {strides = array<i32>} : memref<16x32xf32, #tpu.memory_space<vmem>>, vector<16xf32>,
    %get3A_221 = arith.constant 1 : i32
    %get3A_222 = arith.index_cast %get3A_221 : i32 to index
    %get3A_223 = arith.constant 0 : index
    %get3A_224 = tpu.vector_load %arg18[%get3A_222, %get3A_223] {strides = array<i32>} : memref<16x32xf32, #tpu.memory_space<vmem>>, vector<16xf32>,
    %get3A_225 = arith.constant 2 : i32
    %get3A_226 = arith.index_cast %get3A_225 : i32 to index
    %get3A_227 = arith.constant 0 : index
    %get3A_228 = tpu.vector_load %arg18[%get3A_226, %get3A_227] {strides = array<i32>} : memref<16x32xf32, #tpu.memory_space<vmem>>, vector<16xf32>,
    %get3A_229 = arith.constant 3 : i32
    %get3A_230 = arith.index_cast %get3A_229 : i32 to index
    %get3A_231 = arith.constant 0 : index
    %get3A_232 = tpu.vector_load %arg18[%get3A_230, %get3A_231] {strides = array<i32>} : memref<16x32xf32, #tpu.memory_space<vmem>>, vector<16xf32>,
    %get3A_233 = arith.constant 4 : i32
    %get3A_234 = arith.index_cast %get3A_233 : i32 to index
    %get3A_235 = arith.constant 0 : index
    %get3A_236 = tpu.vector_load %arg18[%get3A_234, %get3A_235] {strides = array<i32>} : memref<16x32xf32, #tpu.memory_space<vmem>>, vector<16xf32>,
    %get3A_237 = arith.constant 5 : i32
    %get3A_238 = arith.index_cast %get3A_237 : i32 to index
    %get3A_239 = arith.constant 0 : index
    %get3A_240 = tpu.vector_load %arg18[%get3A_238, %get3A_239] {strides = array<i32>} : memref<16x32xf32, #tpu.memory_space<vmem>>, vector<16xf32>,
    %get3A_241 = arith.constant 6 : i32
    %get3A_242 = arith.index_cast %get3A_241 : i32 to index
    %get3A_243 = arith.constant 0 : index
    %get3A_244 = tpu.vector_load %arg18[%get3A_242, %get3A_243] {strides = array<i32>} : memref<16x32xf32, #tpu.memory_space<vmem>>, vector<16xf32>,
    %get3A_245 = arith.constant 7 : i32
    %get3A_246 = arith.index_cast %get3A_245 : i32 to index
    %get3A_247 = arith.constant 0 : index
    %get3A_248 = tpu.vector_load %arg18[%get3A_246, %get3A_247] {strides = array<i32>} : memref<16x32xf32, #tpu.memory_space<vmem>>, vector<16xf32>,
    %get3A_249 = arith.constant 8 : i32
    %get3A_250 = arith.index_cast %get3A_249 : i32 to index
    %get3A_251 = arith.constant 0 : index
    %get3A_252 = tpu.vector_load %arg18[%get3A_250, %get3A_251] {strides = array<i32>} : memref<16x32xf32, #tpu.memory_space<vmem>>, vector<16xf32>,
    %get3A_253 = arith.constant 9 : i32
    %get3A_254 = arith.index_cast %get3A_253 : i32 to index
    %get3A_255 = arith.constant 0 : index
    %get3A_256 = tpu.vector_load %arg18[%get3A_254, %get3A_255] {strides = array<i32>} : memref<16x32xf32, #tpu.memory_space<vmem>>, vector<16xf32>,
    %get3A_257 = arith.constant 10 : i32
    %get3A_258 = arith.index_cast %get3A_257 : i32 to index
    %get3A_259 = arith.constant 0 : index
    %get3A_260 = tpu.vector_load %arg18[%get3A_258, %get3A_259] {strides = array<i32>} : memref<16x32xf32, #tpu.memory_space<vmem>>, vector<16xf32>,
    %get3A_261 = arith.constant 11 : i32
    %get3A_262 = arith.index_cast %get3A_261 : i32 to index
    %get3A_263 = arith.constant 0 : index
    %get3A_264 = tpu.vector_load %arg18[%get3A_262, %get3A_263] {strides = array<i32>} : memref<16x32xf32, #tpu.memory_space<vmem>>, vector<16xf32>,
    %get3A_265 = arith.constant 12 : i32
    %get3A_266 = arith.index_cast %get3A_265 : i32 to index
    %get3A_267 = arith.constant 0 : index
    %get3A_268 = tpu.vector_load %arg18[%get3A_266, %get3A_267] {strides = array<i32>} : memref<16x32xf32, #tpu.memory_space<vmem>>, vector<16xf32>,
    %get3A_269 = arith.constant 13 : i32
    %get3A_270 = arith.index_cast %get3A_269 : i32 to index
    %get3A_271 = arith.constant 0 : index
    %get3A_272 = tpu.vector_load %arg18[%get3A_270, %get3A_271] {strides = array<i32>} : memref<16x32xf32, #tpu.memory_space<vmem>>, vector<16xf32>,
    %get3A_273 = arith.constant 14 : i32
    %get3A_274 = arith.index_cast %get3A_273 : i32 to index
    %get3A_275 = arith.constant 0 : index
    %get3A_276 = tpu.vector_load %arg18[%get3A_274, %get3A_275] {strides = array<i32>} : memref<16x32xf32, #tpu.memory_space<vmem>>, vector<16xf32>,
    %get3A_277 = arith.constant 15 : i32
    %get3A_278 = arith.index_cast %get3A_277 : i32 to index
    %get3A_279 = arith.constant 0 : index
    %get3A_280 = tpu.vector_load %arg18[%get3A_278, %get3A_279] {strides = array<i32>} : memref<16x32xf32, #tpu.memory_space<vmem>>, vector<16xf32>,
    %get3A_281 = arith.constant 0 : i32
    %get3A_282 = arith.index_cast %get3A_281 : i32 to index
    %get3A_283 = arith.constant 16 : index
    %get3A_284 = tpu.vector_load %arg18[%get3A_282, %get3A_283] {strides = array<i32>} : memref<16x32xf32, #tpu.memory_space<vmem>>, vector<16xf32>,
    %get3A_285 = arith.constant 1 : i32
    %get3A_286 = arith.index_cast %get3A_285 : i32 to index
    %get3A_287 = arith.constant 16 : index
    %get3A_288 = tpu.vector_load %arg18[%get3A_286, %get3A_287] {strides = array<i32>} : memref<16x32xf32, #tpu.memory_space<vmem>>, vector<16xf32>,
    %get3A_289 = arith.constant 2 : i32
    %get3A_290 = arith.index_cast %get3A_289 : i32 to index
    %get3A_291 = arith.constant 16 : index
    %get3A_292 = tpu.vector_load %arg18[%get3A_290, %get3A_291] {strides = array<i32>} : memref<16x32xf32, #tpu.memory_space<vmem>>, vector<16xf32>,
    %get3A_293 = arith.constant 3 : i32
    %get3A_294 = arith.index_cast %get3A_293 : i32 to index
    %get3A_295 = arith.constant 16 : index
    %get3A_296 = tpu.vector_load %arg18[%get3A_294, %get3A_295] {strides = array<i32>} : memref<16x32xf32, #tpu.memory_space<vmem>>, vector<16xf32>,
    %get3A_297 = arith.constant 4 : i32
    %get3A_298 = arith.index_cast %get3A_297 : i32 to index
    %get3A_299 = arith.constant 16 : index
    %get3A_300 = tpu.vector_load %arg18[%get3A_298, %get3A_299] {strides = array<i32>} : memref<16x32xf32, #tpu.memory_space<vmem>>, vector<16xf32>,
    %get3A_301 = arith.constant 5 : i32
    %get3A_302 = arith.index_cast %get3A_301 : i32 to index
    %get3A_303 = arith.constant 16 : index
    %get3A_304 = tpu.vector_load %arg18[%get3A_302, %get3A_303] {strides = array<i32>} : memref<16x32xf32, #tpu.memory_space<vmem>>, vector<16xf32>,
    %get3A_305 = arith.constant 6 : i32
    %get3A_306 = arith.index_cast %get3A_305 : i32 to index
    %get3A_307 = arith.constant 16 : index
    %get3A_308 = tpu.vector_load %arg18[%get3A_306, %get3A_307] {strides = array<i32>} : memref<16x32xf32, #tpu.memory_space<vmem>>, vector<16xf32>,
    %get3A_309 = arith.constant 7 : i32
    %get3A_310 = arith.index_cast %get3A_309 : i32 to index
    %get3A_311 = arith.constant 16 : index
    %get3A_312 = tpu.vector_load %arg18[%get3A_310, %get3A_311] {strides = array<i32>} : memref<16x32xf32, #tpu.memory_space<vmem>>, vector<16xf32>,
    %get3A_313 = arith.constant 8 : i32
    %get3A_314 = arith.index_cast %get3A_313 : i32 to index
    %get3A_315 = arith.constant 16 : index
    %get3A_316 = tpu.vector_load %arg18[%get3A_314, %get3A_315] {strides = array<i32>} : memref<16x32xf32, #tpu.memory_space<vmem>>, vector<16xf32>,
    %get3A_317 = arith.constant 9 : i32
    %get3A_318 = arith.index_cast %get3A_317 : i32 to index
    %get3A_319 = arith.constant 16 : index
    %get3A_320 = tpu.vector_load %arg18[%get3A_318, %get3A_319] {strides = array<i32>} : memref<16x32xf32, #tpu.memory_space<vmem>>, vector<16xf32>,
    %get3A_321 = arith.constant 10 : i32
    %get3A_322 = arith.index_cast %get3A_321 : i32 to index
    %get3A_323 = arith.constant 16 : index
    %get3A_324 = tpu.vector_load %arg18[%get3A_322, %get3A_323] {strides = array<i32>} : memref<16x32xf32, #tpu.memory_space<vmem>>, vector<16xf32>,
    %get3A_325 = arith.constant 11 : i32
    %get3A_326 = arith.index_cast %get3A_325 : i32 to index
    %get3A_327 = arith.constant 16 : index
    %get3A_328 = tpu.vector_load %arg18[%get3A_326, %get3A_327] {strides = array<i32>} : memref<16x32xf32, #tpu.memory_space<vmem>>, vector<16xf32>,
    %get3A_329 = arith.constant 12 : i32
    %get3A_330 = arith.index_cast %get3A_329 : i32 to index
    %get3A_331 = arith.constant 16 : index
    %get3A_332 = tpu.vector_load %arg18[%get3A_330, %get3A_331] {strides = array<i32>} : memref<16x32xf32, #tpu.memory_space<vmem>>, vector<16xf32>,
    %get3A_333 = arith.constant 13 : i32
    %get3A_334 = arith.index_cast %get3A_333 : i32 to index
    %get3A_335 = arith.constant 16 : index
    %get3A_336 = tpu.vector_load %arg18[%get3A_334, %get3A_335] {strides = array<i32>} : memref<16x32xf32, #tpu.memory_space<vmem>>, vector<16xf32>,
    %get3A_337 = arith.constant 14 : i32
    %get3A_338 = arith.index_cast %get3A_337 : i32 to index
    %get3A_339 = arith.constant 16 : index
    %get3A_340 = tpu.vector_load %arg18[%get3A_338, %get3A_339] {strides = array<i32>} : memref<16x32xf32, #tpu.memory_space<vmem>>, vector<16xf32>,
    %get3A_341 = arith.constant 15 : i32
    %get3A_342 = arith.index_cast %get3A_341 : i32 to index
    %get3A_343 = arith.constant 16 : index
    %get3A_344 = tpu.vector_load %arg18[%get3A_342, %get3A_343] {strides = array<i32>} : memref<16x32xf32, #tpu.memory_space<vmem>>, vector<16xf32>,
    %scan3A_345 = arith.constant 0 : i32
    %scan3A_346 = arith.constant 0 : i32
    %scan3A_347 = arith.constant 512 : i32
    %scan3A_348 = arith.addi %scan3A_346, %scan3A_347 : i32
    %scan3A_349 = arith.constant 1 : i32
    %scan3A_350 = scf.for %scan3A_353 = %scan3A_346 to %scan3A_348 step %scan3A_349 iter_args(%scan3A_354 = %scan3A_345) -> (i32)  : i32 {
      %broadcast_in_dim3A = arith.constant 0.000000e+00 : f32
      %broadcast_in_dim3A_355 = vector.broadcast %broadcast_in_dim3A : f32 to vector<16xf32>
      %broadcast_in_dim3A_356 = arith.constant 0.000000e+00 : f32
      %broadcast_in_dim3A_357 = vector.broadcast %broadcast_in_dim3A_356 : f32 to vector<16xf32>
      %mul3A_358 = arith.constant 16 : i32
      %mul3A_359 = arith.muli %scan3A_353, %mul3A_358 : i32
      %add3A_360 = arith.constant 0 : i32
      %add3A_361 = arith.addi %mul3A_359, %add3A_360 : i32
      %broadcast_in_dim3A_362 = vector.broadcast %add3A_361 : i32 to vector<16xi32>
      %gather3A = tpu.vector_load_idx %arg16[%broadcast_in_dim3A_362] : memref<8192xf32, #tpu.memory_space<vmem>>[vector<16xi32>], vector<16xf32>,
      %mul3A_363 = arith.mulf %gather3A, %get3A_220 : vector<16xf32>
      %add3A_364 = arith.addf %broadcast_in_dim3A_355, %mul3A_363 : vector<16xf32>
      %mul3A_365 = arith.mulf %gather3A, %get3A_284 : vector<16xf32>
      %add3A_366 = arith.addf %broadcast_in_dim3A_357, %mul3A_365 : vector<16xf32>
      %add3A_367 = arith.constant 1 : i32
      %add3A_368 = arith.addi %mul3A_359, %add3A_367 : i32
      %broadcast_in_dim3A_369 = vector.broadcast %add3A_368 : i32 to vector<16xi32>
      %gather3A_370 = tpu.vector_load_idx %arg16[%broadcast_in_dim3A_369] : memref<8192xf32, #tpu.memory_space<vmem>>[vector<16xi32>], vector<16xf32>,
      %mul3A_371 = arith.mulf %gather3A_370, %get3A_224 : vector<16xf32>
      %add3A_372 = arith.addf %add3A_364, %mul3A_371 : vector<16xf32>
      %mul3A_373 = arith.mulf %gather3A_370, %get3A_288 : vector<16xf32>
      %add3A_374 = arith.addf %add3A_366, %mul3A_373 : vector<16xf32>
      %add3A_375 = arith.constant 2 : i32
      %add3A_376 = arith.addi %mul3A_359, %add3A_375 : i32
      %broadcast_in_dim3A_377 = vector.broadcast %add3A_376 : i32 to vector<16xi32>
      %gather3A_378 = tpu.vector_load_idx %arg16[%broadcast_in_dim3A_377] : memref<8192xf32, #tpu.memory_space<vmem>>[vector<16xi32>], vector<16xf32>,
      %mul3A_379 = arith.mulf %gather3A_378, %get3A_228 : vector<16xf32>
      %add3A_380 = arith.addf %add3A_372, %mul3A_379 : vector<16xf32>
      %mul3A_381 = arith.mulf %gather3A_378, %get3A_292 : vector<16xf32>
      %add3A_382 = arith.addf %add3A_374, %mul3A_381 : vector<16xf32>
      %add3A_383 = arith.constant 3 : i32
      %add3A_384 = arith.addi %mul3A_359, %add3A_383 : i32
      %broadcast_in_dim3A_385 = vector.broadcast %add3A_384 : i32 to vector<16xi32>
      %gather3A_386 = tpu.vector_load_idx %arg16[%broadcast_in_dim3A_385] : memref<8192xf32, #tpu.memory_space<vmem>>[vector<16xi32>], vector<16xf32>,
      %mul3A_387 = arith.mulf %gather3A_386, %get3A_232 : vector<16xf32>
      %add3A_388 = arith.addf %add3A_380, %mul3A_387 : vector<16xf32>
      %mul3A_389 = arith.mulf %gather3A_386, %get3A_296 : vector<16xf32>
      %add3A_390 = arith.addf %add3A_382, %mul3A_389 : vector<16xf32>
      %add3A_391 = arith.constant 4 : i32
      %add3A_392 = arith.addi %mul3A_359, %add3A_391 : i32
      %broadcast_in_dim3A_393 = vector.broadcast %add3A_392 : i32 to vector<16xi32>
      %gather3A_394 = tpu.vector_load_idx %arg16[%broadcast_in_dim3A_393] : memref<8192xf32, #tpu.memory_space<vmem>>[vector<16xi32>], vector<16xf32>,
      %mul3A_395 = arith.mulf %gather3A_394, %get3A_236 : vector<16xf32>
      %add3A_396 = arith.addf %add3A_388, %mul3A_395 : vector<16xf32>
      %mul3A_397 = arith.mulf %gather3A_394, %get3A_300 : vector<16xf32>
      %add3A_398 = arith.addf %add3A_390, %mul3A_397 : vector<16xf32>
      %add3A_399 = arith.constant 5 : i32
      %add3A_400 = arith.addi %mul3A_359, %add3A_399 : i32
      %broadcast_in_dim3A_401 = vector.broadcast %add3A_400 : i32 to vector<16xi32>
      %gather3A_402 = tpu.vector_load_idx %arg16[%broadcast_in_dim3A_401] : memref<8192xf32, #tpu.memory_space<vmem>>[vector<16xi32>], vector<16xf32>,
      %mul3A_403 = arith.mulf %gather3A_402, %get3A_240 : vector<16xf32>
      %add3A_404 = arith.addf %add3A_396, %mul3A_403 : vector<16xf32>
      %mul3A_405 = arith.mulf %gather3A_402, %get3A_304 : vector<16xf32>
      %add3A_406 = arith.addf %add3A_398, %mul3A_405 : vector<16xf32>
      %add3A_407 = arith.constant 6 : i32
      %add3A_408 = arith.addi %mul3A_359, %add3A_407 : i32
      %broadcast_in_dim3A_409 = vector.broadcast %add3A_408 : i32 to vector<16xi32>
      %gather3A_410 = tpu.vector_load_idx %arg16[%broadcast_in_dim3A_409] : memref<8192xf32, #tpu.memory_space<vmem>>[vector<16xi32>], vector<16xf32>,
      %mul3A_411 = arith.mulf %gather3A_410, %get3A_244 : vector<16xf32>
      %add3A_412 = arith.addf %add3A_404, %mul3A_411 : vector<16xf32>
      %mul3A_413 = arith.mulf %gather3A_410, %get3A_308 : vector<16xf32>
      %add3A_414 = arith.addf %add3A_406, %mul3A_413 : vector<16xf32>
      %add3A_415 = arith.constant 7 : i32
      %add3A_416 = arith.addi %mul3A_359, %add3A_415 : i32
      %broadcast_in_dim3A_417 = vector.broadcast %add3A_416 : i32 to vector<16xi32>
      %gather3A_418 = tpu.vector_load_idx %arg16[%broadcast_in_dim3A_417] : memref<8192xf32, #tpu.memory_space<vmem>>[vector<16xi32>], vector<16xf32>,
      %mul3A_419 = arith.mulf %gather3A_418, %get3A_248 : vector<16xf32>
      %add3A_420 = arith.addf %add3A_412, %mul3A_419 : vector<16xf32>
      %mul3A_421 = arith.mulf %gather3A_418, %get3A_312 : vector<16xf32>
      %add3A_422 = arith.addf %add3A_414, %mul3A_421 : vector<16xf32>
      %add3A_423 = arith.constant 8 : i32
      %add3A_424 = arith.addi %mul3A_359, %add3A_423 : i32
      %broadcast_in_dim3A_425 = vector.broadcast %add3A_424 : i32 to vector<16xi32>
      %gather3A_426 = tpu.vector_load_idx %arg16[%broadcast_in_dim3A_425] : memref<8192xf32, #tpu.memory_space<vmem>>[vector<16xi32>], vector<16xf32>,
      %mul3A_427 = arith.mulf %gather3A_426, %get3A_252 : vector<16xf32>
      %add3A_428 = arith.addf %add3A_420, %mul3A_427 : vector<16xf32>
      %mul3A_429 = arith.mulf %gather3A_426, %get3A_316 : vector<16xf32>
      %add3A_430 = arith.addf %add3A_422, %mul3A_429 : vector<16xf32>
      %add3A_431 = arith.constant 9 : i32
      %add3A_432 = arith.addi %mul3A_359, %add3A_431 : i32
      %broadcast_in_dim3A_433 = vector.broadcast %add3A_432 : i32 to vector<16xi32>
      %gather3A_434 = tpu.vector_load_idx %arg16[%broadcast_in_dim3A_433] : memref<8192xf32, #tpu.memory_space<vmem>>[vector<16xi32>], vector<16xf32>,
      %mul3A_435 = arith.mulf %gather3A_434, %get3A_256 : vector<16xf32>
      %add3A_436 = arith.addf %add3A_428, %mul3A_435 : vector<16xf32>
      %mul3A_437 = arith.mulf %gather3A_434, %get3A_320 : vector<16xf32>
      %add3A_438 = arith.addf %add3A_430, %mul3A_437 : vector<16xf32>
      %add3A_439 = arith.constant 10 : i32
      %add3A_440 = arith.addi %mul3A_359, %add3A_439 : i32
      %broadcast_in_dim3A_441 = vector.broadcast %add3A_440 : i32 to vector<16xi32>
      %gather3A_442 = tpu.vector_load_idx %arg16[%broadcast_in_dim3A_441] : memref<8192xf32, #tpu.memory_space<vmem>>[vector<16xi32>], vector<16xf32>,
      %mul3A_443 = arith.mulf %gather3A_442, %get3A_260 : vector<16xf32>
      %add3A_444 = arith.addf %add3A_436, %mul3A_443 : vector<16xf32>
      %mul3A_445 = arith.mulf %gather3A_442, %get3A_324 : vector<16xf32>
      %add3A_446 = arith.addf %add3A_438, %mul3A_445 : vector<16xf32>
      %add3A_447 = arith.constant 11 : i32
      %add3A_448 = arith.addi %mul3A_359, %add3A_447 : i32
      %broadcast_in_dim3A_449 = vector.broadcast %add3A_448 : i32 to vector<16xi32>
      %gather3A_450 = tpu.vector_load_idx %arg16[%broadcast_in_dim3A_449] : memref<8192xf32, #tpu.memory_space<vmem>>[vector<16xi32>], vector<16xf32>,
      %mul3A_451 = arith.mulf %gather3A_450, %get3A_264 : vector<16xf32>
      %add3A_452 = arith.addf %add3A_444, %mul3A_451 : vector<16xf32>
      %mul3A_453 = arith.mulf %gather3A_450, %get3A_328 : vector<16xf32>
      %add3A_454 = arith.addf %add3A_446, %mul3A_453 : vector<16xf32>
      %add3A_455 = arith.constant 12 : i32
      %add3A_456 = arith.addi %mul3A_359, %add3A_455 : i32
      %broadcast_in_dim3A_457 = vector.broadcast %add3A_456 : i32 to vector<16xi32>
      %gather3A_458 = tpu.vector_load_idx %arg16[%broadcast_in_dim3A_457] : memref<8192xf32, #tpu.memory_space<vmem>>[vector<16xi32>], vector<16xf32>,
      %mul3A_459 = arith.mulf %gather3A_458, %get3A_268 : vector<16xf32>
      %add3A_460 = arith.addf %add3A_452, %mul3A_459 : vector<16xf32>
      %mul3A_461 = arith.mulf %gather3A_458, %get3A_332 : vector<16xf32>
      %add3A_462 = arith.addf %add3A_454, %mul3A_461 : vector<16xf32>
      %add3A_463 = arith.constant 13 : i32
      %add3A_464 = arith.addi %mul3A_359, %add3A_463 : i32
      %broadcast_in_dim3A_465 = vector.broadcast %add3A_464 : i32 to vector<16xi32>
      %gather3A_466 = tpu.vector_load_idx %arg16[%broadcast_in_dim3A_465] : memref<8192xf32, #tpu.memory_space<vmem>>[vector<16xi32>], vector<16xf32>,
      %mul3A_467 = arith.mulf %gather3A_466, %get3A_272 : vector<16xf32>
      %add3A_468 = arith.addf %add3A_460, %mul3A_467 : vector<16xf32>
      %mul3A_469 = arith.mulf %gather3A_466, %get3A_336 : vector<16xf32>
      %add3A_470 = arith.addf %add3A_462, %mul3A_469 : vector<16xf32>
      %add3A_471 = arith.constant 14 : i32
      %add3A_472 = arith.addi %mul3A_359, %add3A_471 : i32
      %broadcast_in_dim3A_473 = vector.broadcast %add3A_472 : i32 to vector<16xi32>
      %gather3A_474 = tpu.vector_load_idx %arg16[%broadcast_in_dim3A_473] : memref<8192xf32, #tpu.memory_space<vmem>>[vector<16xi32>], vector<16xf32>,
      %mul3A_475 = arith.mulf %gather3A_474, %get3A_276 : vector<16xf32>
      %add3A_476 = arith.addf %add3A_468, %mul3A_475 : vector<16xf32>
      %mul3A_477 = arith.mulf %gather3A_474, %get3A_340 : vector<16xf32>
      %add3A_478 = arith.addf %add3A_470, %mul3A_477 : vector<16xf32>
      %add3A_479 = arith.constant 15 : i32
      %add3A_480 = arith.addi %mul3A_359, %add3A_479 : i32
      %broadcast_in_dim3A_481 = vector.broadcast %add3A_480 : i32 to vector<16xi32>
      %gather3A_482 = tpu.vector_load_idx %arg16[%broadcast_in_dim3A_481] : memref<8192xf32, #tpu.memory_space<vmem>>[vector<16xi32>], vector<16xf32>,
      %mul3A_483 = arith.mulf %gather3A_482, %get3A_280 : vector<16xf32>
      %add3A_484 = arith.addf %add3A_476, %mul3A_483 : vector<16xf32>
      %mul3A_485 = arith.mulf %gather3A_482, %get3A_344 : vector<16xf32>
      %add3A_486 = arith.addf %add3A_478, %mul3A_485 : vector<16xf32>
      %swap3A = arith.index_cast %scan3A_353 : i32 to index
      %swap3A_487 = arith.constant 0 : index
      %swap3A_488 = tpu.vector_load %arg17[%swap3A, %swap3A_487] {strides = array<i32>} : memref<512x32xf32, #tpu.memory_space<vmem>>, vector<16xf32>,
      tpu.vector_store %arg17[%swap3A, %swap3A_487], %add3A_484 {strides = array<i32>} : memref<512x32xf32, #tpu.memory_space<vmem>>, vector<16xf32>,
      %swap3A_489 = arith.index_cast %scan3A_353 : i32 to index
      %swap3A_490 = arith.constant 16 : index
      %swap3A_491 = tpu.vector_load %arg17[%swap3A_489, %swap3A_490] {strides = array<i32>} : memref<512x32xf32, #tpu.memory_space<vmem>>, vector<16xf32>,
      tpu.vector_store %arg17[%swap3A_489, %swap3A_490], %add3A_486 {strides = array<i32>} : memref<512x32xf32, #tpu.memory_space<vmem>>, vector<16xf32>,
      %scan3A_492 = arith.constant 0 : i32
      scf.yield %scan3A_492 : i32
    }
    %scan3A_351 = arith.constant 512 : i32
    %run_scoped3A_352 = arith.constant 27 : i32
    "tpu.region"() ({
      %run_scoped3A_353 = tpu.sem_alloc : memref<!tpu.dma_semaphore, #tpu.memory_space<semaphore_mem>>
      %dma_start3A_354 = arith.constant 0 : i32
      %dma_start3A_355 = tpu.memref_slice %arg8[%mul3A_2, %run_scoped3A_352, %dma_start3A_354] : memref<16384x28x32xf32, #tpu.memory_space<hbm>> -> memref<512x1x32xf32, #tpu.memory_space<hbm>>
      %dma_start3A_356 = tpu.memref_squeeze %dma_start3A_355 : memref<512x1x32xf32, #tpu.memory_space<hbm>> -> memref<512x32xf32, #tpu.memory_space<hbm>>
      %dma_start3A_357 = arith.constant 0 : i32
      %dma_start3A_358 = tpu.memref_slice %arg8[%mul3A_2, %run_scoped3A_352, %dma_start3A_357] : memref<16384x28x32xf32, #tpu.memory_space<hbm>> -> memref<512x1x32xf32, #tpu.memory_space<hbm>>
      %dma_start3A_359 = tpu.memref_squeeze %dma_start3A_358 : memref<512x1x32xf32, #tpu.memory_space<hbm>> -> memref<512x32xf32, #tpu.memory_space<hbm>>
      tpu.enqueue_dma source(%arg17 : memref<512x32xf32, #tpu.memory_space<vmem>>) target(%dma_start3A_359 : memref<512x32xf32, #tpu.memory_space<hbm>>) target_semaphore(%run_scoped3A_353 : memref<!tpu.dma_semaphore, #tpu.memory_space<semaphore_mem>>)
      %dma_wait3A_360 = arith.constant 0 : i32
      %dma_wait3A_361 = tpu.memref_slice %arg8[%mul3A_2, %run_scoped3A_352, %dma_wait3A_360] : memref<16384x28x32xf32, #tpu.memory_space<hbm>> -> memref<512x1x32xf32, #tpu.memory_space<hbm>>
      %dma_wait3A_362 = tpu.memref_squeeze %dma_wait3A_361 : memref<512x1x32xf32, #tpu.memory_space<hbm>> -> memref<512x32xf32, #tpu.memory_space<hbm>>
      %dma_wait3A_363 = arith.constant 0 : i32
      %dma_wait3A_364 = tpu.memref_slice %arg8[%mul3A_2, %run_scoped3A_352, %dma_wait3A_363] : memref<16384x28x32xf32, #tpu.memory_space<hbm>> -> memref<512x1x32xf32, #tpu.memory_space<hbm>>
      %dma_wait3A_365 = tpu.memref_squeeze %dma_wait3A_364 : memref<512x1x32xf32, #tpu.memory_space<hbm>> -> memref<512x32xf32, #tpu.memory_space<hbm>>
      tpu.wait_dma2 semaphore(%run_scoped3A_353 : memref<!tpu.dma_semaphore, #tpu.memory_space<semaphore_mem>>) src(%arg17 : memref<512x32xf32, #tpu.memory_space<vmem>>) dst(%dma_wait3A_365 : memref<512x32xf32, #tpu.memory_space<hbm>>)
      tpu.yield
    }) : () -> ()
    return
  }
}

</mosaic_0001>

<sc_bundles>
// kernel: kernel.3.cloned.1.call-start
scs
__scs_entry_jumppad:
0x0: {  	(pc) =	sbr.rel $0x88, $3  }
0x1: {  	(tag) =	ssettag $0x0;
	lr =	simm.s32 $0x1  }
0x2: {  	[smem:$0x3F9B] =	sst lr;
	_ =	strace $0xD0000000  }
0x3: {  	_ = 	snop  }
0x4: {  	_ = 	snop  }
0x5: {  	_ = 	snop  }
0x6: {  	_ = 	snop  }
0x7: {  	_ = 	snop  }
__scs_overlays_trampoline_lowered:
0x8: {  	[smem:$0x3FAA] =	sst s0  }
0x9: {  	[smem:$0x3FAB] =	sst s1  }
0xa: {  	[smem:$0x3FAC] =	sst s2  }
0xb: {  	[smem:$0x3FAD] =	sst s3  }
0xc: {  	[smem:$0x3FAE] =	sst s4  }
0xd: {  	[smem:$0x3FAF] =	sst s5  }
0xe: {  	[smem:$0x3FB0] =	sst s6  }
0xf: {  	[smem:$0x3FB1] =	sst s7  }
0x10: {  	[smem:$0x3FB2] =	sst s8  }
0x11: {  	[smem:$0x3FB3] =	sst s9;
	s0 =	simm.s32 @!p0 $0x0  }
0x12: {  	s1 =	sld [smem:$0x3F99];
	s0 =	simm.s32 @p0 $0x1  }
0x13: {  	[smem:$0x3FB4] =	sst s0;
	s0 =	simm.s32 @!p1 $0x0  }
0x14: {  	s2 =	sld [smem:$0x3F98];
	s0 =	simm.s32 @p1 $0x1  }
0x15: {  	[smem:$0x3FB5] =	sst s0;
	s0 =	simm.s32 @!p2 $0x0  }
0x16: {  	s3 =	sld [smem:$0x3FDB];
	s0 =	simm.s32 @p2 $0x1  }
0x17: {  	s4 =	simm.s32 $0x1BF5;
	[smem:$0x3FB7] =	sst s0  }
0x18: {  	s0 =	sld [smem:$0x3F9A];
	_ =	swait.ge [sflag:s4], $0x0  }
0x19: {  	s7 =	sld [smem:$0x3F9B]  }
0x1a: {  	s8 =	sadd.s32 $0xFFFFE003, lr  }
0x1b: {  	s9 =	sadd.s32 $0xFFFFFEF7, lr;
	s5 =	simm.s32 $0xFFFFFFFF;
	p2 =	slt.u32 s8, $0xFFFFF086  }
0x1c: {  	p1 =	slt.u32 s9, $0xF7A;
	s5 =	simm.s32 @!p2 $0x0  }
0x1d: {  	s5 =	simm.s32 @p1 $0x1;
	p0 =	seq.s32 s7, s2  }
0x1e: {  	s7 =	smul.u32 @!p0 $0xF7A, s2;
	p2 =	seq.s32 @!p0 s5, $0x0  }
0x1f: {  	s9 =	smul.u32 $0xF7A, s1;
	s8 =	simm.s32 @!p0 $0x1BF5;
	p2 =	por !p2, p0  }
0x20: {  	[sflag:s8] =	ssyncset.s32 @!p0 $0xFFFFF086;
	s6 =	sadd.s32 @!p0 s3, s7;
	s7 =	simm.s32 @!p0 $0x108  }
0x21: {  	s3 =	sadd.s32 s3, s9;
	s6 =	sadd.s32 @!p0 $0x88, s6;
	s7 =	simm.s32 @p2 $0x1082  }
0x22: {  	[simem:s7], [sflag:s8] =	dma.local @!p0 [hbm:s6], $0xF7A  }
0x23: {  	s9 =	sor.u32 $0xD0000000, s2;
	s6 =	simm.s32 $0x108;
	_ =	swait.ge @!p0 [sflag:s8], $0x0  }
0x24: {  	s3 =	sadd.s32 $0x88, s3;
	s6 =	simm.s32 @!p1 $0x1082;
	[sflag:s4] =	ssyncset.s32 $0xFFFFF086  }
0x25: {  	[simem:s6], [sflag:s4] =	dma.local [hbm:s3], $0xF7A  }
0x26: {  	[smem:$0x3F9B] =	sst s1;
	(tag) =	ssettag s2;
	_ =	strace s9  }
0x27: {  	s1 =	sld [smem:$0x3FAB]  }
0x28: {  	s2 =	sld [smem:$0x3FAC]  }
0x29: {  	s4 =	sld [smem:$0x3FAE]  }
0x2a: {  	p0 =	seq.s32 s5, $0x0;
	s5 =	sld [smem:$0x3FAF]  }
0x2b: {  	s6 =	sld [smem:$0x3FB0]  }
0x2c: {  	s7 =	sld [smem:$0x3FB1]  }
0x2d: {  	s3 =	simm.s32 $0x108;
	s8 =	sld [smem:$0x3FB2]  }
0x2e: {  	s3 =	simm.s32 @!p0 $0x1082;
	s9 =	sld [smem:$0x3FB3]  }
0x2f: {  	lr =	sadd.s32 s0, s3;
	s0 =	sld [smem:$0x3FAA]  }
0x30: {  	s3 =	sld [smem:$0x3FAD]  }
0x31: {  	[smem:$0x3FB6] =	sst s10  }
0x32: {  	s10 =	sld [smem:$0x3FB4];
	_ =	sdelay $0x3  }
0x33: {  	p0 =	seq.s32 s10, $0x1;
	s10 =	sld [smem:$0x3FB6];
	_ =	sdelay $0x3  }
0x34: {  	[smem:$0x3FB6] =	sst s10  }
0x35: {  	s10 =	sld [smem:$0x3FB5];
	_ =	sdelay $0x3  }
0x36: {  	p1 =	seq.s32 s10, $0x1;
	s10 =	sld [smem:$0x3FB6];
	_ =	sdelay $0x3  }
0x37: {  	[smem:$0x3FB6] =	sst s10  }
0x38: {  	s10 =	sld [smem:$0x3FB7]  }
0x39: {  	_ = 	snop;
	(pc) =	sbr.ind lr, $3  }
0x3a: {  	_ = 	snop  }
0x3b: {  	_ = 	snop  }
0x3c: {  	p2 =	seq.s32 s10, $0x1;
	s10 =	sld [smem:$0x3FB6]  }
0x3d: {  	_ =	shalt  }
0x3e: {  	_ =	shalt  }
0x3f: {  	_ =	shalt  }
0x40: {  	_ =	shalt  }
0x41: {  	_ =	shalt  }
0x42: {  	_ =	shalt  }
0x43: {  	_ =	shalt  }
0x44: {  	_ =	shalt  }
0x45: {  	_ =	shalt  }
0x46: {  	_ =	shalt  }
0x47: {  	_ =	shalt  }
0x48: {  	_ =	shalt  }
0x49: {  	_ =	shalt  }
0x4a: {  	_ =	shalt  }
0x4b: {  	_ =	shalt  }
0x4c: {  	_ =	shalt  }
0x4d: {  	_ =	shalt  }
0x4e: {  	_ =	shalt  }
0x4f: {  	_ =	shalt  }
0x50: {  	_ =	shalt  }
0x51: {  	_ =	shalt  }
0x52: {  	_ =	shalt  }
0x53: {  	_ =	shalt  }
0x54: {  	_ =	shalt  }
0x55: {  	_ =	shalt  }
0x56: {  	_ =	shalt  }
0x57: {  	_ =	shalt  }
0x58: {  	_ =	shalt  }
0x59: {  	_ =	shalt  }
0x5a: {  	_ =	shalt  }
0x5b: {  	_ =	shalt  }
0x5c: {  	_ =	shalt  }
0x5d: {  	_ =	shalt  }
0x5e: {  	_ =	shalt  }
0x5f: {  	_ =	shalt  }
0x60: {  	_ =	shalt  }
0x61: {  	_ =	shalt  }
0x62: {  	_ =	shalt  }
0x63: {  	_ =	shalt  }
0x64: {  	_ =	shalt  }
0x65: {  	_ =	shalt  }
0x66: {  	_ =	shalt  }
0x67: {  	_ =	shalt  }
0x68: {  	_ =	shalt  }
0x69: {  	_ =	shalt  }
0x6a: {  	_ =	shalt  }
0x6b: {  	_ =	shalt  }
0x6c: {  	_ =	shalt  }
0x6d: {  	_ =	shalt  }
0x6e: {  	_ =	shalt  }
0x6f: {  	_ =	shalt  }
0x70: {  	_ =	shalt  }
0x71: {  	_ =	shalt  }
0x72: {  	_ =	shalt  }
0x73: {  	_ =	shalt  }
0x74: {  	_ =	shalt  }
0x75: {  	_ =	shalt  }
0x76: {  	_ =	shalt  }
0x77: {  	_ =	shalt  }
0x78: {  	_ =	shalt  }
0x79: {  	_ =	shalt  }
0x7a: {  	_ =	shalt  }
0x7b: {  	_ =	shalt  }
0x7c: {  	_ =	shalt  }
0x7d: {  	_ =	shalt  }
0x7e: {  	_ =	shalt  }
0x7f: {  	_ =	shalt  }
0x80: {  	_ =	shalt  }
0x81: {  	_ =	shalt  }
0x82: {  	_ =	shalt  }
0x83: {  	_ =	shalt  }
0x84: {  	_ =	shalt  }
0x85: {  	_ =	shalt  }
0x86: {  	_ =	shalt  }
0x87: {  	_ =	shalt  }
.Lfunc_end0:
.L_simem_size_0:
called_computation.2_lowered:
.L_overlay_start_0:
0x88: {  	s2 =	sld [smem:$0x3FD9]  }
0x89: {  	s3 =	sld [smem:$0x3FFE];
	_ =	sdelay $0x1  }
0x8a: {  	s1 =	srdreg.scid  }
0x8b: {  	s0 =	sand.u32 $0x1, s1  }
0x8c: {  	s17 =	sshll.u32 s0, $0xA;
	s2 =	sadd.s32 s3, s2  }
0x8d: {  	s2 =	sadd.s32 s2, s17  }
0x8e: {  	[smem:$0x3FC2] =	sst s2  }
0x8f: {  	_ = 	snop  }
0x90: {  	s2 =	sld [smem:$0x3FD0];
	(tm) =	ssettm $0x1  }
0x91: {  	s18 =	sld [smem:$0x3FFB];
	_ =	sdelay $0x3  }
0x92: {  	_ =	strace s18  }
0x93: {  	s3 =	sld [smem:$0x3FFC];
	_ =	sdelay $0x3  }
0x94: {  	_ =	strace s3  }
0x95: {  	s3 =	sld [smem:$0x3FFD];
	_ =	sdelay $0x3  }
0x96: {  	_ =	strace s3  }
0x97: {  	_ =	strace $0x8FFFFFFF  }
0x98: {  	s19 =	sld [smem:$0x3FDB];
	_ =	sdelay $0x1  }
0x99: {  	s4 =	simm.s32 $_scs_section_size  }
0x9a: {  	s5 =	simm.s32 $_size__tile_overlayer_lowered;
	s6 =	simm.s32 $_tile_overlayer_lowered  }
0x9b: {  	s22 =	simm.s32 $0x1BFF;
	s21 =	sshll.u32 s6, $0x1;
	s3 =	sadd.s32 s4, s19  }
0x9c: {  	s7 =	simm.s32 $0x0;
	s20 =	sshll.u32 s5, $0x1;
	s5 =	sadd.s32 s21, s3  }
0x9d: {  	[timem:s7], [sflag:s22] =	dma.local [hbm:s5], s20  }
0x9e: {  	_ =	swait.ge [sflag:s22], s20  }
0x9f: {  	s4 =	ssub.s32 $0x0, s20;
	[sflag:s22] =	ssyncset.done $0x0  }
0xa0: {  	[sflag:s22] =	ssyncadd.s32 s4;
	_ =	sdelay $0x1  }
0xa1: {  	s23 =	simm.s32 $0x1B8B  }
0xa2: {  	_ =	swait.ge [sflag:s23], $0x1  }
0xa3: {  	[sflag:s23] =	ssyncset.done $0x0  }
0xa4: {  	s25 =	simm.s32 $0x1B8E;
	s24 =	sld [smem:$0x3FFE];
	[sflag:s23] =	ssyncadd.s32 $0xFFFFFFFF  }
0xa5: {  	s26 =	simm.s32 $execute0_lowered;
	[smem:$0x3FD2] =	sst s25  }
0xa6: {  	s5 =	sshll.u32 s26, $0x1;
	_ =	strace $0x80000046;
	[dreg:$0x1] =	wrdreg $0xFFFFFFFF  }
0xa7: {  	s28 =	simm.s32 $_size_execute0_lowered;
	s3 =	sadd.s32 s3, s5;
	[dreg:$0x0] =	wrdreg $0x0  }
0xa8: {  	s5 =	sshll.u32 s28, $0x1;
	[dreg:$0x2] =	wrdreg s3  }
0xa9: {  	[dreg:$0x3] =	wrdreg s5  }
0xaa: {  	[dreg:$0x4] =	wrdreg $0xC0  }
0xab: {  	_ =	task [dreg:s7], $0x5FFFF  }
0xac: {  	[dreg:$0x1] =	wrdreg $0xFFFFFFFF  }
0xad: {  	[dreg:$0x0] =	wrdreg $0x60  }
0xae: {  	[dreg:$0x2] =	wrdreg s24  }
0xaf: {  	[dreg:$0x3] =	wrdreg s2  }
0xb0: {  	[dreg:$0x4] =	wrdreg $0x9  }
0xb1: {  	_ =	task.clear_ibuf [dreg:s7], $0x5FFFF;
	_ =	strace $0x90000046  }
0xb2: {  	s29 =	simm.s32 $0x9;
	_ =	strace $0x80000048  }
0xb3: {  	_ =	swait.ge [sflag:s29], $0x1  }
0xb4: {  	[sflag:s29] =	ssyncadd.s32 $0xFFFFFFFF  }
0xb5: {  	_ =	strace $0x90000048  }
0xb6: {  	_ =	sfence  }
0xb7: {  	s30 =	sld [smem:$0x0];
	_ =	sdelay $0x2  }
0xb8: {  	s31 =	sshll.u32 s1, $0xD;
	s1 =	sshrl.u32 s1, $0x2  }
0xb9: {  	s3 =	sand.u32 $0x4000, s31;
	s1 =	sadd.s32 s1, s30  }
0xba: {  	s0 =	sor.u32 s3, s0;
	s1 =	sshll.u32 s1, $0x11  }
0xbb: {  	s0 =	sor.u32 s1, s0  }
0xbc: {  	s0 =	sadd.s32 $0x8F2B, s0  }
0xbd: {  	[sflag:s0] =	ssyncadd.remote.s32 $0x1  }
0xbe: {  	_ =	sfence.sel $0xFFFF  }
0xbf: {  	[dreg:$0x0] =	wrdreg $0xFFFFFFFF;
	(pc) =	sbr.abs _section_cstart, $3  }
0xc0: {  	[dreg:$0x1] =	wrdreg $0xFFFFFFFF  }
0xc1: {  	_ =	task.clear_ibuf [dreg:s7], $0x2FFFF;
	_ =	strace $0x9FFFFFFF  }
0xc2: {  	(tm) =	ssettm $0x7FFFFFFF  }
0xc3: {  	_ =	shalt  }
tec
execute0_lowered:
.L_overlay_start_1:
0x0: {  	(tag) =	ssettag $0x1  }
0x1: {  	s3 =	srdreg.scid;
	s4 =	stileid.u32  }
0x2: {  	s0 =	rddreg [dreg:$0x0];
	s6 =	sand.u32 $0x1, s3;
	s10 =	sshll.u32 s4, $0x1  }
0x3: {  	s1 =	rddreg [dreg:$0x1];
	s2 =	simm.s32 $0x0;
	s7 =	sor.u32 s6, s10  }
0x4: {  	[smem:$0x7FF] =	sst s2;
	s4 =	sadd.s32 $0x27ADE00, s0;
	s3 =	sshll.u32 s7, $0x6  }
0x5: {  	s5 =	sadd.s32 $0x1A00, s0;
	s11 =	sshll.u32 s7, $0xA;
	s8 =	sadd.s32 s3, s0  }
0x6: {  	s3 =	sadd.s32 $0x63600, s0;
	s11 =	sadd.s32 s11, s0;
	s0 =	sadd.s32 $0x91600, s0  }
0x7: {  	_ =	strace $0x80000047;
	[dreg:$0x3] =	wrdreg s0;
	s13 =	sadd.s32 $0x84600, s8  }
0x8: {  	s14 =	sadd.s32 $0x84E00, s8;
	[dreg:$0x4] =	wrdreg s13  }
0x9: {  	s15 =	sadd.s32 $0x85600, s8;
	[dreg:$0x5] =	wrdreg s14  }
0xa: {  	s16 =	sadd.s32 $0x85E00, s8;
	[dreg:$0x6] =	wrdreg s15  }
0xb: {  	s17 =	sadd.s32 $0x86600, s8;
	[dreg:$0x7] =	wrdreg s16  }
0xc: {  	s18 =	sadd.s32 $0x86E00, s8;
	[dreg:$0x8] =	wrdreg s17  }
0xd: {  	s19 =	sadd.s32 $0x87600, s8;
	[dreg:$0x9] =	wrdreg s18  }
0xe: {  	s20 =	sadd.s32 $0x87E00, s8;
	[dreg:$0xa] =	wrdreg s19  }
0xf: {  	s21 =	sadd.s32 $0x88600, s8;
	[dreg:$0xb] =	wrdreg s20  }
0x10: {  	s22 =	sadd.s32 $0x88E00, s8;
	[dreg:$0xc] =	wrdreg s21  }
0x11: {  	s23 =	sadd.s32 $0x89600, s8;
	[dreg:$0xd] =	wrdreg s22  }
0x12: {  	s24 =	sadd.s32 $0x89E00, s8;
	[dreg:$0xe] =	wrdreg s23  }
0x13: {  	s6 =	ssub.s32 $0x2, s6;
	s25 =	sadd.s32 $0x8A600, s8;
	[dreg:$0xf] =	wrdreg s24  }
0x14: {  	s9 =	smul.u32 $0xE000, s7;
	s26 =	sadd.s32 $0x8AE00, s8;
	[dreg:$0x10] =	wrdreg s25  }
0x15: {  	s12 =	sshrl.u32 s6, $0x1;
	s31 =	sadd.s32 $0x8B600, s8;
	[dreg:$0x11] =	wrdreg s26  }
0x16: {  	s10 =	sadd.s32 s1, s9;
	s9 =	sadd.s32 $0x8BE00, s8;
	[dreg:$0x12] =	wrdreg s31  }
0x17: {  	s0 =	ssub.s32 s6, s12;
	s12 =	sadd.s32 $0x8C600, s8;
	[dreg:$0x13] =	wrdreg s9  }
0x18: {  	[dreg:$0x14] =	wrdreg s12;
	s13 =	sadd.s32 $0x8CE00, s8  }
0x19: {  	s14 =	sadd.s32 $0x8D600, s8;
	[dreg:$0x15] =	wrdreg s13  }
0x1a: {  	s15 =	sadd.s32 $0x8DE00, s8;
	[dreg:$0x16] =	wrdreg s14  }
0x1b: {  	s16 =	sadd.s32 $0x8E600, s8;
	[dreg:$0x17] =	wrdreg s15  }
0x1c: {  	s17 =	sadd.s32 $0x8EE00, s8;
	[dreg:$0x18] =	wrdreg s16  }
0x1d: {  	s18 =	sadd.s32 $0x8F600, s8;
	[dreg:$0x19] =	wrdreg s17  }
0x1e: {  	s19 =	sadd.s32 $0x8FE00, s8;
	[dreg:$0x1a] =	wrdreg s18  }
0x1f: {  	s20 =	sadd.s32 $0x90600, s8;
	[dreg:$0x1b] =	wrdreg s19  }
0x20: {  	s21 =	sadd.s32 $0x90E00, s8;
	[dreg:$0x1c] =	wrdreg s20  }
0x21: {  	s22 =	sadd.s32 $0x7C600, s11;
	[dreg:$0x1d] =	wrdreg s21  }
0x22: {  	s0 =	smax.u32 s0, $0x1;
	[dreg:$0x1e] =	wrdreg s22  }
0x23: {  	s23 =	sadd.s32 $0x4, s10;
	[dreg:$0x1f] =	wrdreg s0  }
0x24: {  	s24 =	sadd.s32 $0x8, s10;
	[smem:$0x7E5] =	sst s23  }
0x25: {  	s25 =	sadd.s32 $0xC, s10;
	[smem:$0x7E6] =	sst s24  }
0x26: {  	s26 =	sadd.s32 $0x10, s10;
	[smem:$0x7E7] =	sst s25  }
0x27: {  	s31 =	sadd.s32 $0x14, s10;
	[smem:$0x7E8] =	sst s26  }
0x28: {  	s9 =	sadd.s32 $0x68, s1;
	s1 =	sadd.s32 $0x18, s10;
	[smem:$0x7E9] =	sst s31  }
0x29: {  	s6 =	sadd.s32 $0x1C, s10;
	[smem:$0x7EA] =	sst s1  }
0x2a: {  	s8 =	sadd.s32 $0x20, s10;
	[smem:$0x7EB] =	sst s6  }
0x2b: {  	s11 =	sadd.s32 $0x24, s10;
	[smem:$0x7EC] =	sst s8  }
0x2c: {  	s12 =	sadd.s32 $0x28, s10;
	[smem:$0x7ED] =	sst s11  }
0x2d: {  	[smem:$0x7EE] =	sst s12;
	s13 =	sadd.s32 $0x2C, s10  }
0x2e: {  	s14 =	sadd.s32 $0x30, s10;
	[smem:$0x7EF] =	sst s13  }
0x2f: {  	s15 =	sadd.s32 $0x34, s10;
	[smem:$0x7F0] =	sst s14  }
0x30: {  	s16 =	sadd.s32 $0x38, s10;
	[smem:$0x7F1] =	sst s15  }
0x31: {  	s17 =	sadd.s32 $0x3C, s10;
	[smem:$0x7F2] =	sst s16  }
0x32: {  	s18 =	sadd.s32 $0x40, s10;
	[smem:$0x7F3] =	sst s17  }
0x33: {  	s19 =	sadd.s32 $0x44, s10;
	[smem:$0x7F4] =	sst s18  }
0x34: {  	s20 =	sadd.s32 $0x48, s10;
	[smem:$0x7F5] =	sst s19  }
0x35: {  	s21 =	sadd.s32 $0x4C, s10;
	[smem:$0x7F6] =	sst s20  }
0x36: {  	s22 =	sadd.s32 $0x50, s10;
	[smem:$0x7F7] =	sst s21  }
0x37: {  	s23 =	sadd.s32 $0x54, s10;
	[smem:$0x7F8] =	sst s22  }
0x38: {  	s24 =	sadd.s32 $0x58, s10;
	[smem:$0x7F9] =	sst s23  }
0x39: {  	s28 =	simm.s32 $0x15240;
	s25 =	sadd.s32 $0x5C, s10;
	[smem:$0x7FA] =	sst s24  }
0x3a: {  	s29 =	simm.s32 $0x15640;
	s26 =	sadd.s32 $0x60, s10;
	[smem:$0x7FB] =	sst s25  }
0x3b: {  	s30 =	simm.s32 $0x0;
	s31 =	sadd.s32 $0x64, s10;
	[smem:$0x7FC] =	sst s26  }
0x3c: {  	s7 =	sshll.u32 s7, $0x9;
	[smem:$0x7FD] =	sst s31;
	s14 =	sadd.s32 $0x6C, s10  }
0x3d: {  	s15 =	simm.s32 $0x4;
	s16 =	simm.s32 $0x200;
	s17 =	simm.s32 $0x400  }
0x3e: {  	s18 =	simm.s32 $0x4400;
	s19 =	simm.s32 $0x1;
	s20 =	simm.s32 $0x20  }
0x3f: {  	v0 =	vimm.s32 $0x0;
	vm1 =	vcmask $0x300;
	s21 =	simm.s32 $0x380;
	s22 =	simm.s32 $0x2;
	s23 =	simm.s32 $0x8400  }
0x40: {  	vm0 =	vcmask $0x3F38;
	v0 =	vsel vm1, $0x3, v0;
	s24 =	simm.s32 $0x640;
	s25 =	simm.s32 $0x8A40;
	s26 =	simm.s32 $0x3  }
.LBB2_1:
0x41: {  	s0 =	rddreg [dreg:$0x4]  }
0x42: {  	[tilespmem:s2], [sflag:$0x4] =	stream.linear.gather [hbm4b:s0+s2], $0x200, $0x38;
	[tilespmem:$0x1B840] =	vst v63  }
0x43: {  	_ =	swait.ge [sflag:s15], $0x200  }
0x44: {  	[sflag:s15] =	ssyncset.done $0x0  }
0x45: {  	[sflag:s15] =	ssyncadd.s32 $0xFFFFFE00  }
0x46: {  	[tilespmem:s17], [sflag:$0x1] =	stream.indirect.gather [hbm4b:s4+s16], $0x20, s2, s16, $0xb8;
	[tilespmem:$0x1B840] =	vst v63  }
0x47: {  	s12 =	rddreg [dreg:$0x5]  }
0x48: {  	[tilespmem:s16], [sflag:$0x4] =	stream.linear.gather [hbm4b:s12+s2], $0x200, $0x38;
	[tilespmem:$0x1B840] =	vst v63  }
0x49: {  	_ =	swait.ge [sflag:s15], $0x200  }
0x4a: {  	[sflag:s15] =	ssyncset.done $0x0  }
0x4b: {  	[sflag:s15] =	ssyncadd.s32 $0xFFFFFE00  }
0x4c: {  	[tilespmem:s18], [sflag:$0x2] =	stream.indirect.gather [hbm4b:s4+s16], $0x20, s16, s16, $0xb8;
	[tilespmem:$0x1B840] =	vst v63  }
0x4d: {  	_ =	swait.ge [sflag:s19], $0x4000  }
0x4e: {  	[sflag:s19] =	ssyncset.done $0x0  }
0x4f: {  	[sflag:s19] =	ssyncadd.s32 $0xFFFFC000  }
0x50: {  	[hbm4b:s10+s20] =	stream.strided.scatter [tilespmem:s17], [sflag:$0x4], $0x4000, s21, s20, $0x38;
	[tilespmem:$0x1B840] =	vst v63  }
0x51: {  	_ =	swait.ge [sflag:s15], $0x4000  }
0x52: {  	[sflag:s15] =	ssyncset.done $0x0  }
0x53: {  	s13 =	rddreg [dreg:$0x6];
	[sflag:s15] =	ssyncadd.s32 $0xFFFFC000  }
0x54: {  	[tilespmem:s2], [sflag:$0x4] =	stream.linear.gather [hbm4b:s13+s2], $0x200, $0x38;
	[tilespmem:$0x1B840] =	vst v63  }
0x55: {  	_ =	swait.ge [sflag:s15], $0x200  }
0x56: {  	[sflag:s15] =	ssyncset.done $0x0  }
0x57: {  	[sflag:s15] =	ssyncadd.s32 $0xFFFFFE00  }
0x58: {  	[tilespmem:s17], [sflag:$0x1] =	stream.indirect.gather [hbm4b:s4+s16], $0x20, s2, s16, $0xb8;
	[tilespmem:$0x1B840] =	vst v63  }
0x59: {  	_ =	swait.ge [sflag:s22], $0x4000  }
0x5a: {  	s1 =	sld [smem:$0x7E5]  }
0x5b: {  	[sflag:s22] =	ssyncset.done $0x0  }
0x5c: {  	[sflag:s22] =	ssyncadd.s32 $0xFFFFC000  }
0x5d: {  	[hbm4b:s1+s20] =	stream.strided.scatter [tilespmem:s18], [sflag:$0x4], $0x4000, s21, s20, $0x38;
	[tilespmem:$0x1B840] =	vst v63  }
0x5e: {  	_ =	swait.ge [sflag:s15], $0x4000  }
0x5f: {  	[sflag:s15] =	ssyncset.done $0x0  }
0x60: {  	s6 =	rddreg [dreg:$0x7];
	[sflag:s15] =	ssyncadd.s32 $0xFFFFC000  }
0x61: {  	[tilespmem:s16], [sflag:$0x4] =	stream.linear.gather [hbm4b:s6+s2], $0x200, $0x38;
	[tilespmem:$0x1B840] =	vst v63  }
0x62: {  	_ =	swait.ge [sflag:s15], $0x200  }
0x63: {  	[sflag:s15] =	ssyncset.done $0x0  }
0x64: {  	[sflag:s15] =	ssyncadd.s32 $0xFFFFFE00  }
0x65: {  	[tilespmem:s18], [sflag:$0x2] =	stream.indirect.gather [hbm4b:s4+s16], $0x20, s16, s16, $0xb8;
	[tilespmem:$0x1B840] =	vst v63  }
0x66: {  	_ =	swait.ge [sflag:s19], $0x4000  }
0x67: {  	s8 =	sld [smem:$0x7E6]  }
0x68: {  	[sflag:s19] =	ssyncset.done $0x0  }
0x69: {  	[sflag:s19] =	ssyncadd.s32 $0xFFFFC000  }
0x6a: {  	[hbm4b:s8+s20] =	stream.strided.scatter [tilespmem:s17], [sflag:$0x4], $0x4000, s21, s20, $0x38;
	[tilespmem:$0x1B840] =	vst v63  }
0x6b: {  	_ =	swait.ge [sflag:s15], $0x4000  }
0x6c: {  	[sflag:s15] =	ssyncset.done $0x0  }
0x6d: {  	s11 =	rddreg [dreg:$0x8];
	[sflag:s15] =	ssyncadd.s32 $0xFFFFC000  }
0x6e: {  	[tilespmem:s2], [sflag:$0x4] =	stream.linear.gather [hbm4b:s11+s2], $0x200, $0x38;
	[tilespmem:$0x1B840] =	vst v63  }
0x6f: {  	_ =	swait.ge [sflag:s15], $0x200  }
0x70: {  	[sflag:s15] =	ssyncset.done $0x0  }
0x71: {  	[sflag:s15] =	ssyncadd.s32 $0xFFFFFE00  }
0x72: {  	[tilespmem:s17], [sflag:$0x1] =	stream.indirect.gather [hbm4b:s4+s16], $0x20, s2, s16, $0xb8;
	[tilespmem:$0x1B840] =	vst v63  }
0x73: {  	_ =	swait.ge [sflag:s22], $0x4000  }
0x74: {  	s12 =	sld [smem:$0x7E7]  }
0x75: {  	[sflag:s22] =	ssyncset.done $0x0  }
0x76: {  	[sflag:s22] =	ssyncadd.s32 $0xFFFFC000  }
0x77: {  	[hbm4b:s12+s20] =	stream.strided.scatter [tilespmem:s18], [sflag:$0x4], $0x4000, s21, s20, $0x38;
	[tilespmem:$0x1B840] =	vst v63  }
0x78: {  	_ =	swait.ge [sflag:s15], $0x4000  }
0x79: {  	[sflag:s15] =	ssyncset.done $0x0  }
0x7a: {  	s13 =	rddreg [dreg:$0x9];
	[sflag:s15] =	ssyncadd.s32 $0xFFFFC000  }
0x7b: {  	[tilespmem:s16], [sflag:$0x4] =	stream.linear.gather [hbm4b:s13+s2], $0x200, $0x38;
	[tilespmem:$0x1B840] =	vst v63  }
0x7c: {  	_ =	swait.ge [sflag:s15], $0x200  }
0x7d: {  	[sflag:s15] =	ssyncset.done $0x0  }
0x7e: {  	[sflag:s15] =	ssyncadd.s32 $0xFFFFFE00  }
0x7f: {  	[tilespmem:s18], [sflag:$0x2] =	stream.indirect.gather [hbm4b:s4+s16], $0x20, s16, s16, $0xb8;
	[tilespmem:$0x1B840] =	vst v63  }
0x80: {  	_ =	swait.ge [sflag:s19], $0x4000  }
0x81: {  	s1 =	sld [smem:$0x7E8]  }
0x82: {  	[sflag:s19] =	ssyncset.done $0x0  }
0x83: {  	[sflag:s19] =	ssyncadd.s32 $0xFFFFC000  }
0x84: {  	[hbm4b:s1+s20] =	stream.strided.scatter [tilespmem:s17], [sflag:$0x4], $0x4000, s21, s20, $0x38;
	[tilespmem:$0x1B840] =	vst v63  }
0x85: {  	_ =	swait.ge [sflag:s15], $0x4000  }
0x86: {  	[sflag:s15] =	ssyncset.done $0x0  }
0x87: {  	s6 =	rddreg [dreg:$0xa];
	[sflag:s15] =	ssyncadd.s32 $0xFFFFC000  }
0x88: {  	[tilespmem:s2], [sflag:$0x4] =	stream.linear.gather [hbm4b:s6+s2], $0x200, $0x38;
	[tilespmem:$0x1B840] =	vst v63  }
0x89: {  	_ =	swait.ge [sflag:s15], $0x200  }
0x8a: {  	[sflag:s15] =	ssyncset.done $0x0  }
0x8b: {  	[sflag:s15] =	ssyncadd.s32 $0xFFFFFE00  }
0x8c: {  	[tilespmem:s17], [sflag:$0x1] =	stream.indirect.gather [hbm4b:s4+s16], $0x20, s2, s16, $0xb8;
	[tilespmem:$0x1B840] =	vst v63  }
0x8d: {  	_ =	swait.ge [sflag:s22], $0x4000  }
0x8e: {  	s8 =	sld [smem:$0x7E9]  }
0x8f: {  	[sflag:s22] =	ssyncset.done $0x0  }
0x90: {  	[sflag:s22] =	ssyncadd.s32 $0xFFFFC000  }
0x91: {  	[hbm4b:s8+s20] =	stream.strided.scatter [tilespmem:s18], [sflag:$0x4], $0x4000, s21, s20, $0x38;
	[tilespmem:$0x1B840] =	vst v63  }
0x92: {  	_ =	swait.ge [sflag:s15], $0x4000  }
0x93: {  	[sflag:s15] =	ssyncset.done $0x0  }
0x94: {  	s11 =	rddreg [dreg:$0xb];
	[sflag:s15] =	ssyncadd.s32 $0xFFFFC000  }
0x95: {  	[tilespmem:s16], [sflag:$0x4] =	stream.linear.gather [hbm4b:s11+s2], $0x200, $0x38;
	[tilespmem:$0x1B840] =	vst v63  }
0x96: {  	_ =	swait.ge [sflag:s15], $0x200  }
0x97: {  	[sflag:s15] =	ssyncset.done $0x0  }
0x98: {  	[sflag:s15] =	ssyncadd.s32 $0xFFFFFE00  }
0x99: {  	[tilespmem:s18], [sflag:$0x2] =	stream.indirect.gather [hbm4b:s4+s16], $0x20, s16, s16, $0xb8;
	[tilespmem:$0x1B840] =	vst v63  }
0x9a: {  	_ =	swait.ge [sflag:s19], $0x4000  }
0x9b: {  	s12 =	sld [smem:$0x7EA]  }
0x9c: {  	[sflag:s19] =	ssyncset.done $0x0  }
0x9d: {  	[sflag:s19] =	ssyncadd.s32 $0xFFFFC000  }
0x9e: {  	[hbm4b:s12+s20] =	stream.strided.scatter [tilespmem:s17], [sflag:$0x4], $0x4000, s21, s20, $0x38;
	[tilespmem:$0x1B840] =	vst v63  }
0x9f: {  	_ =	swait.ge [sflag:s15], $0x4000  }
0xa0: {  	[sflag:s15] =	ssyncset.done $0x0  }
0xa1: {  	s13 =	rddreg [dreg:$0xc];
	[sflag:s15] =	ssyncadd.s32 $0xFFFFC000  }
0xa2: {  	[tilespmem:s2], [sflag:$0x4] =	stream.linear.gather [hbm4b:s13+s2], $0x200, $0x38;
	[tilespmem:$0x1B840] =	vst v63  }
0xa3: {  	_ =	swait.ge [sflag:s15], $0x200  }
0xa4: {  	[sflag:s15] =	ssyncset.done $0x0  }
0xa5: {  	[sflag:s15] =	ssyncadd.s32 $0xFFFFFE00  }
0xa6: {  	[tilespmem:s17], [sflag:$0x1] =	stream.indirect.gather [hbm4b:s4+s16], $0x20, s2, s16, $0xb8;
	[tilespmem:$0x1B840] =	vst v63  }
0xa7: {  	_ =	swait.ge [sflag:s22], $0x4000  }
0xa8: {  	s1 =	sld [smem:$0x7EB]  }
0xa9: {  	[sflag:s22] =	ssyncset.done $0x0  }
0xaa: {  	[sflag:s22] =	ssyncadd.s32 $0xFFFFC000  }
0xab: {  	[hbm4b:s1+s20] =	stream.strided.scatter [tilespmem:s18], [sflag:$0x4], $0x4000, s21, s20, $0x38;
	[tilespmem:$0x1B840] =	vst v63  }
0xac: {  	_ =	swait.ge [sflag:s15], $0x4000  }
0xad: {  	[sflag:s15] =	ssyncset.done $0x0  }
0xae: {  	s6 =	rddreg [dreg:$0xd];
	[sflag:s15] =	ssyncadd.s32 $0xFFFFC000  }
0xaf: {  	[tilespmem:s16], [sflag:$0x4] =	stream.linear.gather [hbm4b:s6+s2], $0x200, $0x38;
	[tilespmem:$0x1B840] =	vst v63  }
0xb0: {  	_ =	swait.ge [sflag:s15], $0x200  }
0xb1: {  	[sflag:s15] =	ssyncset.done $0x0  }
0xb2: {  	[sflag:s15] =	ssyncadd.s32 $0xFFFFFE00  }
0xb3: {  	[tilespmem:s18], [sflag:$0x2] =	stream.indirect.gather [hbm4b:s4+s16], $0x20, s16, s16, $0xb8;
	[tilespmem:$0x1B840] =	vst v63  }
0xb4: {  	_ =	swait.ge [sflag:s19], $0x4000  }
0xb5: {  	s8 =	sld [smem:$0x7EC]  }
0xb6: {  	[sflag:s19] =	ssyncset.done $0x0  }
0xb7: {  	[sflag:s19] =	ssyncadd.s32 $0xFFFFC000  }
0xb8: {  	[hbm4b:s8+s20] =	stream.strided.scatter [tilespmem:s17], [sflag:$0x4], $0x4000, s21, s20, $0x38;
	[tilespmem:$0x1B840] =	vst v63  }
0xb9: {  	_ =	swait.ge [sflag:s15], $0x4000  }
0xba: {  	[sflag:s15] =	ssyncset.done $0x0  }
0xbb: {  	s11 =	rddreg [dreg:$0xe];
	[sflag:s15] =	ssyncadd.s32 $0xFFFFC000  }
0xbc: {  	[tilespmem:s2], [sflag:$0x4] =	stream.linear.gather [hbm4b:s11+s2], $0x200, $0x38;
	[tilespmem:$0x1B840] =	vst v63  }
0xbd: {  	_ =	swait.ge [sflag:s15], $0x200  }
0xbe: {  	[sflag:s15] =	ssyncset.done $0x0  }
0xbf: {  	[sflag:s15] =	ssyncadd.s32 $0xFFFFFE00  }
0xc0: {  	[tilespmem:s17], [sflag:$0x1] =	stream.indirect.gather [hbm4b:s4+s16], $0x20, s2, s16, $0xb8;
	[tilespmem:$0x1B840] =	vst v63  }
0xc1: {  	_ =	swait.ge [sflag:s22], $0x4000  }
0xc2: {  	s12 =	sld [smem:$0x7ED]  }
0xc3: {  	[sflag:s22] =	ssyncset.done $0x0  }
0xc4: {  	[sflag:s22] =	ssyncadd.s32 $0xFFFFC000  }
0xc5: {  	[hbm4b:s12+s20] =	stream.strided.scatter [tilespmem:s18], [sflag:$0x4], $0x4000, s21, s20, $0x38;
	[tilespmem:$0x1B840] =	vst v63  }
0xc6: {  	_ =	swait.ge [sflag:s15], $0x4000  }
0xc7: {  	[sflag:s15] =	ssyncset.done $0x0  }
0xc8: {  	s13 =	rddreg [dreg:$0xf];
	[sflag:s15] =	ssyncadd.s32 $0xFFFFC000  }
0xc9: {  	[tilespmem:s16], [sflag:$0x4] =	stream.linear.gather [hbm4b:s13+s2], $0x200, $0x38;
	[tilespmem:$0x1B840] =	vst v63  }
0xca: {  	_ =	swait.ge [sflag:s15], $0x200  }
0xcb: {  	[sflag:s15] =	ssyncset.done $0x0  }
0xcc: {  	[sflag:s15] =	ssyncadd.s32 $0xFFFFFE00  }
0xcd: {  	[tilespmem:s18], [sflag:$0x2] =	stream.indirect.gather [hbm4b:s4+s16], $0x20, s16, s16, $0xb8;
	[tilespmem:$0x1B840] =	vst v63  }
0xce: {  	_ =	swait.ge [sflag:s19], $0x4000  }
0xcf: {  	s1 =	sld [smem:$0x7EE]  }
0xd0: {  	[sflag:s19] =	ssyncset.done $0x0  }
0xd1: {  	[sflag:s19] =	ssyncadd.s32 $0xFFFFC000  }
0xd2: {  	[hbm4b:s1+s20] =	stream.strided.scatter [tilespmem:s17], [sflag:$0x4], $0x4000, s21, s20, $0x38;
	[tilespmem:$0x1B840] =	vst v63  }
0xd3: {  	_ =	swait.ge [sflag:s15], $0x4000  }
0xd4: {  	[sflag:s15] =	ssyncset.done $0x0  }
0xd5: {  	s6 =	rddreg [dreg:$0x10];
	[sflag:s15] =	ssyncadd.s32 $0xFFFFC000  }
0xd6: {  	[tilespmem:s2], [sflag:$0x4] =	stream.linear.gather [hbm4b:s6+s2], $0x200, $0x38;
	[tilespmem:$0x1B840] =	vst v63  }
0xd7: {  	_ =	swait.ge [sflag:s15], $0x200  }
0xd8: {  	[sflag:s15] =	ssyncset.done $0x0  }
0xd9: {  	[sflag:s15] =	ssyncadd.s32 $0xFFFFFE00  }
0xda: {  	[tilespmem:s17], [sflag:$0x1] =	stream.indirect.gather [hbm4b:s4+s16], $0x20, s2, s16, $0xb8;
	[tilespmem:$0x1B840] =	vst v63  }
0xdb: {  	_ =	swait.ge [sflag:s22], $0x4000  }
0xdc: {  	s8 =	sld [smem:$0x7EF]  }
0xdd: {  	[sflag:s22] =	ssyncset.done $0x0  }
0xde: {  	[sflag:s22] =	ssyncadd.s32 $0xFFFFC000  }
0xdf: {  	[hbm4b:s8+s20] =	stream.strided.scatter [tilespmem:s18], [sflag:$0x4], $0x4000, s21, s20, $0x38;
	[tilespmem:$0x1B840] =	vst v63  }
0xe0: {  	_ =	swait.ge [sflag:s15], $0x4000  }
0xe1: {  	[sflag:s15] =	ssyncset.done $0x0  }
0xe2: {  	s11 =	rddreg [dreg:$0x11];
	[sflag:s15] =	ssyncadd.s32 $0xFFFFC000  }
0xe3: {  	[tilespmem:s16], [sflag:$0x4] =	stream.linear.gather [hbm4b:s11+s2], $0x200, $0x38;
	[tilespmem:$0x1B840] =	vst v63  }
0xe4: {  	_ =	swait.ge [sflag:s15], $0x200  }
0xe5: {  	[sflag:s15] =	ssyncset.done $0x0  }
0xe6: {  	[sflag:s15] =	ssyncadd.s32 $0xFFFFFE00  }
0xe7: {  	[tilespmem:s18], [sflag:$0x2] =	stream.indirect.gather [hbm4b:s4+s16], $0x20, s16, s16, $0xb8;
	[tilespmem:$0x1B840] =	vst v63  }
0xe8: {  	_ =	swait.ge [sflag:s19], $0x4000  }
0xe9: {  	s12 =	sld [smem:$0x7F0]  }
0xea: {  	[sflag:s19] =	ssyncset.done $0x0  }
0xeb: {  	[sflag:s19] =	ssyncadd.s32 $0xFFFFC000  }
0xec: {  	[hbm4b:s12+s20] =	stream.strided.scatter [tilespmem:s17], [sflag:$0x4], $0x4000, s21, s20, $0x38;
	[tilespmem:$0x1B840] =	vst v63  }
0xed: {  	_ =	swait.ge [sflag:s15], $0x4000  }
0xee: {  	[sflag:s15] =	ssyncset.done $0x0  }
0xef: {  	s13 =	rddreg [dreg:$0x12];
	[sflag:s15] =	ssyncadd.s32 $0xFFFFC000  }
0xf0: {  	[tilespmem:s2], [sflag:$0x4] =	stream.linear.gather [hbm4b:s13+s2], $0x200, $0x38;
	[tilespmem:$0x1B840] =	vst v63  }
0xf1: {  	_ =	swait.ge [sflag:s15], $0x200  }
0xf2: {  	[sflag:s15] =	ssyncset.done $0x0  }
0xf3: {  	[sflag:s15] =	ssyncadd.s32 $0xFFFFFE00  }
0xf4: {  	[tilespmem:s17], [sflag:$0x1] =	stream.indirect.gather [hbm4b:s4+s16], $0x20, s2, s16, $0xb8;
	[tilespmem:$0x1B840] =	vst v63  }
0xf5: {  	_ =	swait.ge [sflag:s22], $0x4000  }
0xf6: {  	s1 =	sld [smem:$0x7F1]  }
0xf7: {  	[sflag:s22] =	ssyncset.done $0x0  }
0xf8: {  	[sflag:s22] =	ssyncadd.s32 $0xFFFFC000  }
0xf9: {  	[hbm4b:s1+s20] =	stream.strided.scatter [tilespmem:s18], [sflag:$0x4], $0x4000, s21, s20, $0x38;
	[tilespmem:$0x1B840] =	vst v63  }
0xfa: {  	_ =	swait.ge [sflag:s15], $0x4000  }
0xfb: {  	[sflag:s15] =	ssyncset.done $0x0  }
0xfc: {  	s6 =	rddreg [dreg:$0x13];
	[sflag:s15] =	ssyncadd.s32 $0xFFFFC000  }
0xfd: {  	[tilespmem:s16], [sflag:$0x4] =	stream.linear.gather [hbm4b:s6+s2], $0x200, $0x38;
	[tilespmem:$0x1B840] =	vst v63  }
0xfe: {  	_ =	swait.ge [sflag:s15], $0x200  }
0xff: {  	[sflag:s15] =	ssyncset.done $0x0  }
0x100: {  	[sflag:s15] =	ssyncadd.s32 $0xFFFFFE00  }
0x101: {  	[tilespmem:s18], [sflag:$0x2] =	stream.indirect.gather [hbm4b:s4+s16], $0x20, s16, s16, $0xb8;
	[tilespmem:$0x1B840] =	vst v63  }
0x102: {  	_ =	swait.ge [sflag:s19], $0x4000  }
0x103: {  	s8 =	sld [smem:$0x7F2]  }
0x104: {  	[sflag:s19] =	ssyncset.done $0x0  }
0x105: {  	[sflag:s19] =	ssyncadd.s32 $0xFFFFC000  }
0x106: {  	[hbm4b:s8+s20] =	stream.strided.scatter [tilespmem:s17], [sflag:$0x4], $0x4000, s21, s20, $0x38;
	[tilespmem:$0x1B840] =	vst v63  }
0x107: {  	_ =	swait.ge [sflag:s15], $0x4000  }
0x108: {  	[sflag:s15] =	ssyncset.done $0x0  }
0x109: {  	s11 =	rddreg [dreg:$0x14];
	[sflag:s15] =	ssyncadd.s32 $0xFFFFC000  }
0x10a: {  	[tilespmem:s2], [sflag:$0x4] =	stream.linear.gather [hbm4b:s11+s2], $0x200, $0x38;
	[tilespmem:$0x1B840] =	vst v63  }
0x10b: {  	_ =	swait.ge [sflag:s15], $0x200  }
0x10c: {  	[sflag:s15] =	ssyncset.done $0x0  }
0x10d: {  	[sflag:s15] =	ssyncadd.s32 $0xFFFFFE00  }
0x10e: {  	[tilespmem:s17], [sflag:$0x1] =	stream.indirect.gather [hbm4b:s4+s16], $0x20, s2, s16, $0xb8;
	[tilespmem:$0x1B840] =	vst v63  }
0x10f: {  	_ =	swait.ge [sflag:s22], $0x4000  }
0x110: {  	s12 =	sld [smem:$0x7F3]  }
0x111: {  	[sflag:s22] =	ssyncset.done $0x0  }
0x112: {  	[sflag:s22] =	ssyncadd.s32 $0xFFFFC000  }
0x113: {  	[hbm4b:s12+s20] =	stream.strided.scatter [tilespmem:s18], [sflag:$0x4], $0x4000, s21, s20, $0x38;
	[tilespmem:$0x1B840] =	vst v63  }
0x114: {  	_ =	swait.ge [sflag:s15], $0x4000  }
0x115: {  	[sflag:s15] =	ssyncset.done $0x0  }
0x116: {  	s13 =	rddreg [dreg:$0x15];
	[sflag:s15] =	ssyncadd.s32 $0xFFFFC000  }
0x117: {  	[tilespmem:s16], [sflag:$0x4] =	stream.linear.gather [hbm4b:s13+s2], $0x200, $0x38;
	[tilespmem:$0x1B840] =	vst v63  }
0x118: {  	_ =	swait.ge [sflag:s15], $0x200  }
0x119: {  	[sflag:s15] =	ssyncset.done $0x0  }
0x11a: {  	[sflag:s15] =	ssyncadd.s32 $0xFFFFFE00  }
0x11b: {  	[tilespmem:s18], [sflag:$0x2] =	stream.indirect.gather [hbm4b:s4+s16], $0x20, s16, s16, $0xb8;
	[tilespmem:$0x1B840] =	vst v63  }
0x11c: {  	_ =	swait.ge [sflag:s19], $0x4000  }
0x11d: {  	s1 =	sld [smem:$0x7F4]  }
0x11e: {  	[sflag:s19] =	ssyncset.done $0x0  }
0x11f: {  	[sflag:s19] =	ssyncadd.s32 $0xFFFFC000  }
0x120: {  	[hbm4b:s1+s20] =	stream.strided.scatter [tilespmem:s17], [sflag:$0x4], $0x4000, s21, s20, $0x38;
	[tilespmem:$0x1B840] =	vst v63  }
0x121: {  	_ =	swait.ge [sflag:s15], $0x4000  }
0x122: {  	[sflag:s15] =	ssyncset.done $0x0  }
0x123: {  	s6 =	rddreg [dreg:$0x16];
	[sflag:s15] =	ssyncadd.s32 $0xFFFFC000  }
0x124: {  	[tilespmem:s2], [sflag:$0x4] =	stream.linear.gather [hbm4b:s6+s2], $0x200, $0x38;
	[tilespmem:$0x1B840] =	vst v63  }
0x125: {  	_ =	swait.ge [sflag:s15], $0x200  }
0x126: {  	[sflag:s15] =	ssyncset.done $0x0  }
0x127: {  	[sflag:s15] =	ssyncadd.s32 $0xFFFFFE00  }
0x128: {  	[tilespmem:s17], [sflag:$0x1] =	stream.indirect.gather [hbm4b:s4+s16], $0x20, s2, s16, $0xb8;
	[tilespmem:$0x1B840] =	vst v63  }
0x129: {  	_ =	swait.ge [sflag:s22], $0x4000  }
0x12a: {  	s8 =	sld [smem:$0x7F5]  }
0x12b: {  	[sflag:s22] =	ssyncset.done $0x0  }
0x12c: {  	[sflag:s22] =	ssyncadd.s32 $0xFFFFC000  }
0x12d: {  	[hbm4b:s8+s20] =	stream.strided.scatter [tilespmem:s18], [sflag:$0x4], $0x4000, s21, s20, $0x38;
	[tilespmem:$0x1B840] =	vst v63  }
0x12e: {  	_ =	swait.ge [sflag:s15], $0x4000  }
0x12f: {  	[sflag:s15] =	ssyncset.done $0x0  }
0x130: {  	s11 =	rddreg [dreg:$0x17];
	[sflag:s15] =	ssyncadd.s32 $0xFFFFC000  }
0x131: {  	[tilespmem:s16], [sflag:$0x4] =	stream.linear.gather [hbm4b:s11+s2], $0x200, $0x38;
	[tilespmem:$0x1B840] =	vst v63  }
0x132: {  	_ =	swait.ge [sflag:s15], $0x200  }
0x133: {  	[sflag:s15] =	ssyncset.done $0x0  }
0x134: {  	[sflag:s15] =	ssyncadd.s32 $0xFFFFFE00  }
0x135: {  	[tilespmem:s18], [sflag:$0x2] =	stream.indirect.gather [hbm4b:s4+s16], $0x20, s16, s16, $0xb8;
	[tilespmem:$0x1B840] =	vst v63  }
0x136: {  	_ =	swait.ge [sflag:s19], $0x4000  }
0x137: {  	s12 =	sld [smem:$0x7F6]  }
0x138: {  	[sflag:s19] =	ssyncset.done $0x0  }
0x139: {  	[sflag:s19] =	ssyncadd.s32 $0xFFFFC000  }
0x13a: {  	[hbm4b:s12+s20] =	stream.strided.scatter [tilespmem:s17], [sflag:$0x4], $0x4000, s21, s20, $0x38;
	[tilespmem:$0x1B840] =	vst v63  }
0x13b: {  	_ =	swait.ge [sflag:s15], $0x4000  }
0x13c: {  	[sflag:s15] =	ssyncset.done $0x0  }
0x13d: {  	s13 =	rddreg [dreg:$0x18];
	[sflag:s15] =	ssyncadd.s32 $0xFFFFC000  }
0x13e: {  	[tilespmem:s2], [sflag:$0x4] =	stream.linear.gather [hbm4b:s13+s2], $0x200, $0x38;
	[tilespmem:$0x1B840] =	vst v63  }
0x13f: {  	_ =	swait.ge [sflag:s15], $0x200  }
0x140: {  	[sflag:s15] =	ssyncset.done $0x0  }
0x141: {  	[sflag:s15] =	ssyncadd.s32 $0xFFFFFE00  }
0x142: {  	[tilespmem:s17], [sflag:$0x1] =	stream.indirect.gather [hbm4b:s4+s16], $0x20, s2, s16, $0xb8;
	[tilespmem:$0x1B840] =	vst v63  }
0x143: {  	_ =	swait.ge [sflag:s22], $0x4000  }
0x144: {  	s1 =	sld [smem:$0x7F7]  }
0x145: {  	[sflag:s22] =	ssyncset.done $0x0  }
0x146: {  	[sflag:s22] =	ssyncadd.s32 $0xFFFFC000  }
0x147: {  	[hbm4b:s1+s20] =	stream.strided.scatter [tilespmem:s18], [sflag:$0x4], $0x4000, s21, s20, $0x38;
	[tilespmem:$0x1B840] =	vst v63  }
0x148: {  	_ =	swait.ge [sflag:s15], $0x4000  }
0x149: {  	[sflag:s15] =	ssyncset.done $0x0  }
0x14a: {  	s6 =	rddreg [dreg:$0x19];
	[sflag:s15] =	ssyncadd.s32 $0xFFFFC000  }
0x14b: {  	[tilespmem:s16], [sflag:$0x4] =	stream.linear.gather [hbm4b:s6+s2], $0x200, $0x38;
	[tilespmem:$0x1B840] =	vst v63  }
0x14c: {  	_ =	swait.ge [sflag:s15], $0x200  }
0x14d: {  	[sflag:s15] =	ssyncset.done $0x0  }
0x14e: {  	[sflag:s15] =	ssyncadd.s32 $0xFFFFFE00  }
0x14f: {  	[tilespmem:s18], [sflag:$0x2] =	stream.indirect.gather [hbm4b:s4+s16], $0x20, s16, s16, $0xb8;
	[tilespmem:$0x1B840] =	vst v63  }
0x150: {  	_ =	swait.ge [sflag:s19], $0x4000  }
0x151: {  	s8 =	sld [smem:$0x7F8]  }
0x152: {  	[sflag:s19] =	ssyncset.done $0x0  }
0x153: {  	[sflag:s19] =	ssyncadd.s32 $0xFFFFC000  }
0x154: {  	[hbm4b:s8+s20] =	stream.strided.scatter [tilespmem:s17], [sflag:$0x4], $0x4000, s21, s20, $0x38;
	[tilespmem:$0x1B840] =	vst v63  }
0x155: {  	_ =	swait.ge [sflag:s15], $0x4000  }
0x156: {  	[sflag:s15] =	ssyncset.done $0x0  }
0x157: {  	s11 =	rddreg [dreg:$0x1a];
	[sflag:s15] =	ssyncadd.s32 $0xFFFFC000  }
0x158: {  	[tilespmem:s2], [sflag:$0x4] =	stream.linear.gather [hbm4b:s11+s2], $0x200, $0x38;
	[tilespmem:$0x1B840] =	vst v63  }
0x159: {  	_ =	swait.ge [sflag:s15], $0x200  }
0x15a: {  	[sflag:s15] =	ssyncset.done $0x0  }
0x15b: {  	[sflag:s15] =	ssyncadd.s32 $0xFFFFFE00  }
0x15c: {  	[tilespmem:s17], [sflag:$0x1] =	stream.indirect.gather [hbm4b:s4+s16], $0x20, s2, s16, $0xb8;
	[tilespmem:$0x1B840] =	vst v63  }
0x15d: {  	_ =	swait.ge [sflag:s22], $0x4000  }
0x15e: {  	s12 =	sld [smem:$0x7F9]  }
0x15f: {  	[sflag:s22] =	ssyncset.done $0x0  }
0x160: {  	[sflag:s22] =	ssyncadd.s32 $0xFFFFC000  }
0x161: {  	[hbm4b:s12+s20] =	stream.strided.scatter [tilespmem:s18], [sflag:$0x4], $0x4000, s21, s20, $0x38;
	[tilespmem:$0x1B840] =	vst v63  }
0x162: {  	_ =	swait.ge [sflag:s15], $0x4000  }
0x163: {  	[sflag:s15] =	ssyncset.done $0x0  }
0x164: {  	s13 =	rddreg [dreg:$0x1b];
	[sflag:s15] =	ssyncadd.s32 $0xFFFFC000  }
0x165: {  	[tilespmem:s16], [sflag:$0x4] =	stream.linear.gather [hbm4b:s13+s2], $0x200, $0x38;
	[tilespmem:$0x1B840] =	vst v63  }
0x166: {  	_ =	swait.ge [sflag:s15], $0x200  }
0x167: {  	[sflag:s15] =	ssyncset.done $0x0  }
0x168: {  	[sflag:s15] =	ssyncadd.s32 $0xFFFFFE00  }
0x169: {  	[tilespmem:s18], [sflag:$0x2] =	stream.indirect.gather [hbm4b:s4+s16], $0x20, s16, s16, $0xb8;
	[tilespmem:$0x1B840] =	vst v63  }
0x16a: {  	_ =	swait.ge [sflag:s19], $0x4000  }
0x16b: {  	s1 =	sld [smem:$0x7FA]  }
0x16c: {  	[sflag:s19] =	ssyncset.done $0x0  }
0x16d: {  	[sflag:s19] =	ssyncadd.s32 $0xFFFFC000  }
0x16e: {  	[hbm4b:s1+s20] =	stream.strided.scatter [tilespmem:s17], [sflag:$0x4], $0x4000, s21, s20, $0x38;
	[tilespmem:$0x1B840] =	vst v63  }
0x16f: {  	_ =	swait.ge [sflag:s15], $0x4000  }
0x170: {  	[sflag:s15] =	ssyncset.done $0x0  }
0x171: {  	s6 =	rddreg [dreg:$0x1c];
	[sflag:s15] =	ssyncadd.s32 $0xFFFFC000  }
0x172: {  	[tilespmem:s2], [sflag:$0x4] =	stream.linear.gather [hbm4b:s6+s2], $0x200, $0x38;
	[tilespmem:$0x1B840] =	vst v63  }
0x173: {  	_ =	swait.ge [sflag:s15], $0x200  }
0x174: {  	[sflag:s15] =	ssyncset.done $0x0  }
0x175: {  	[sflag:s15] =	ssyncadd.s32 $0xFFFFFE00  }
0x176: {  	[tilespmem:s17], [sflag:$0x1] =	stream.indirect.gather [hbm4b:s4+s16], $0x20, s2, s16, $0xb8;
	[tilespmem:$0x1B840] =	vst v63  }
0x177: {  	_ =	swait.ge [sflag:s22], $0x4000  }
0x178: {  	s8 =	sld [smem:$0x7FB]  }
0x179: {  	[sflag:s22] =	ssyncset.done $0x0  }
0x17a: {  	[sflag:s22] =	ssyncadd.s32 $0xFFFFC000  }
0x17b: {  	[hbm4b:s8+s20] =	stream.strided.scatter [tilespmem:s18], [sflag:$0x4], $0x4000, s21, s20, $0x38;
	[tilespmem:$0x1B840] =	vst v63  }
0x17c: {  	_ =	swait.ge [sflag:s15], $0x4000  }
0x17d: {  	[sflag:s15] =	ssyncset.done $0x0  }
0x17e: {  	s11 =	rddreg [dreg:$0x1d];
	[sflag:s15] =	ssyncadd.s32 $0xFFFFC000  }
0x17f: {  	[tilespmem:s16], [sflag:$0x4] =	stream.linear.gather [hbm4b:s11+s2], $0x200, $0x38;
	[tilespmem:$0x1B840] =	vst v63  }
0x180: {  	_ =	swait.ge [sflag:s15], $0x200  }
0x181: {  	[sflag:s15] =	ssyncset.done $0x0  }
0x182: {  	[sflag:s15] =	ssyncadd.s32 $0xFFFFFE00  }
0x183: {  	[tilespmem:s18], [sflag:$0x2] =	stream.indirect.gather [hbm4b:s4+s16], $0x20, s16, s16, $0xb8;
	[tilespmem:$0x1B840] =	vst v63  }
0x184: {  	_ =	swait.ge [sflag:s19], $0x4000  }
0x185: {  	s12 =	sld [smem:$0x7FC]  }
0x186: {  	[sflag:s19] =	ssyncset.done $0x0  }
0x187: {  	[sflag:s19] =	ssyncadd.s32 $0xFFFFC000  }
0x188: {  	[hbm4b:s12+s20] =	stream.strided.scatter [tilespmem:s17], [sflag:$0x4], $0x4000, s21, s20, $0x38;
	[tilespmem:$0x1B840] =	vst v63  }
0x189: {  	_ =	swait.ge [sflag:s15], $0x4000  }
0x18a: {  	[sflag:s15] =	ssyncset.done $0x0  }
0x18b: {  	[sflag:s15] =	ssyncadd.s32 $0xFFFFC000  }
0x18c: {  	_ =	swait.ge [sflag:s22], $0x4000  }
0x18d: {  	s13 =	sld [smem:$0x7FD]  }
0x18e: {  	[sflag:s22] =	ssyncset.done $0x0  }
0x18f: {  	[sflag:s22] =	ssyncadd.s32 $0xFFFFC000  }
0x190: {  	[hbm4b:s13+s20] =	stream.strided.scatter [tilespmem:s18], [sflag:$0x4], $0x4000, s21, s20, $0x38;
	[tilespmem:$0x1B840] =	vst v63  }
0x191: {  	_ =	swait.ge [sflag:s15], $0x4000  }
0x192: {  	[sflag:s15] =	ssyncset.done $0x0  }
0x193: {  	s31 =	simm.s32 $0x0;
	[sflag:s15] =	ssyncadd.s32 $0xFFFFC000  }
.LBB2_2:
0x194: {  	s0 =	sshll.u32 s31, $0x5  }
0x195: {  	s0 =	sadd.s32 s7, s0  }
0x196: {  	s1 =	smul.u32 $0x32, s0;
	_ =	sdelay $0x1  }
0x197: {  	s1 =	sshrl.u32 s1, $0x3  }
0x198: {  	s1 =	sadd.s32 s3, s1  }
0x199: {  	[tilespmem:s23], [sflag:$0x4] =	stream.linear.gather [hbm4b:s1+s2], $0x640, $0x38;
	[tilespmem:$0x1B840] =	vst v63  }
0x19a: {  	_ =	swait.ge [sflag:s15], $0x640  }
0x19b: {  	[sflag:s15] =	ssyncset.done $0x0  }
0x19c: {  	[sflag:s15] =	ssyncadd.s32 $0xFFFFF9C0  }
0x19d: {  	[tilespmem:s25], [sflag:$0x3] =	stream.indirect.gather [hbm4b:s5+s24], $0x20, s23, s24, $0xb8;
	[tilespmem:$0x1B840] =	vst v63  }
0x19e: {  	_ =	swait.ge [sflag:s26], $0xC800  }
0x19f: {  	s6 =	simm.s32 $0x15250;
	s8 =	simm.s32 $0x8D60;
	[sflag:s26] =	ssyncset.done $0x0  }
0x1a0: {  	s11 =	simm.s32 $0x8422;
	s1 =	simm.s32 $0x20;
	[sflag:s26] =	ssyncadd.s32 $0xFFFF3800  }
.LBB2_3:
0x1a1: {  	v1 =	vld [tilespmem:s8+$0xFFFFFCE0]  }
0x1a2: {  	v2 =	vld [tilespmem:s8+$0xFFFFFCF0]  }
0x1a3: {  	v3 =	vld [tilespmem:s8+$0xFFFFFD00]  }
0x1a4: {  	v4 =	vld [tilespmem:s8+$0xFFFFFD10]  }
0x1a5: {  	v5 =	vld [tilespmem:s8+$0xFFFFFD20]  }
0x1a6: {  	v6 =	vld [tilespmem:s8+$0xFFFFFD30]  }
0x1a7: {  	v7 =	vld [tilespmem:s8+$0xFFFFFD40]  }
0x1a8: {  	v8 =	vld [tilespmem:s8+$0xFFFFFD50]  }
0x1a9: {  	v9 =	vld [tilespmem:s8+$0xFFFFFD60]  }
0x1aa: {  	v10 =	vld [tilespmem:s8+$0xFFFFFD70]  }
0x1ab: {  	v11 =	vld [tilespmem:s8+$0xFFFFFD80]  }
0x1ac: {  	v12 =	vld [tilespmem:s8+$0xFFFFFD90]  }
0x1ad: {  	v13 =	vld [tilespmem:s8+$0xFFFFFDA0]  }
0x1ae: {  	v14 =	vld [tilespmem:s8+$0xFFFFFDB0]  }
0x1af: {  	v15 =	vld [tilespmem:s8+$0xFFFFFDC0]  }
0x1b0: {  	v16 =	vld [tilespmem:s8+$0xFFFFFDD0]  }
0x1b1: {  	v17 =	vld [tilespmem:s8+$0xFFFFFDE0]  }
0x1b2: {  	v18 =	vld [tilespmem:s8+$0xFFFFFDF0]  }
0x1b3: {  	v19 =	vld [tilespmem:s8+$0xFFFFFE00]  }
0x1b4: {  	v20 =	vld [tilespmem:s8+$0xFFFFFE10]  }
0x1b5: {  	v21 =	vld [tilespmem:s8+$0xFFFFFE20]  }
0x1b6: {  	v22 =	vld [tilespmem:s8+$0xFFFFFE30]  }
0x1b7: {  	v23 =	vld [tilespmem:s8+$0xFFFFFE40]  }
0x1b8: {  	v24 =	vld [tilespmem:s8+$0xFFFFFE50]  }
0x1b9: {  	v25 =	vld [tilespmem:s8+$0xFFFFFE60]  }
0x1ba: {  	v26 =	vld [tilespmem:s8+$0xFFFFFE70]  }
0x1bb: {  	v27 =	vld [tilespmem:s8+$0xFFFFFE80]  }
0x1bc: {  	v28 =	vld [tilespmem:s8+$0xFFFFFE90]  }
0x1bd: {  	v29 =	vld [tilespmem:s8+$0xFFFFFEA0]  }
0x1be: {  	v30 =	vld [tilespmem:s8+$0xFFFFFEB0]  }
0x1bf: {  	v31 =	vld [tilespmem:s8+$0xFFFFFEC0]  }
0x1c0: {  	v32 =	vld [tilespmem:s8+$0xFFFFFED0]  }
0x1c1: {  	v33 =	vld [tilespmem:s8+$0xFFFFFEE0]  }
0x1c2: {  	v34 =	vld [tilespmem:s8+$0xFFFFFEF0]  }
0x1c3: {  	v35 =	vld [tilespmem:s8+$0xFFFFFF00]  }
0x1c4: {  	v36 =	vld [tilespmem:s8+$0xFFFFFF10]  }
0x1c5: {  	v37 =	vld [tilespmem:s8+$0xFFFFFF20]  }
0x1c6: {  	v38 =	vld [tilespmem:s8+$0xFFFFFF30]  }
0x1c7: {  	v39 =	vld [tilespmem:s8+$0xFFFFFF40]  }
0x1c8: {  	v40 =	vld [tilespmem:s8+$0xFFFFFF50]  }
0x1c9: {  	v41 =	vld [tilespmem:s8+$0xFFFFFF60]  }
0x1ca: {  	v42 =	vld [tilespmem:s8+$0xFFFFFF70]  }
0x1cb: {  	v43 =	vld [tilespmem:s8+$0xFFFFFF80]  }
0x1cc: {  	v44 =	vld [tilespmem:s8+$0xFFFFFF90]  }
0x1cd: {  	v45 =	vld [tilespmem:s8+$0xFFFFFFA0]  }
0x1ce: {  	v46 =	vld [tilespmem:s8+$0xFFFFFFB0]  }
0x1cf: {  	v47 =	vld [tilespmem:s8+$0xFFFFFFC0]  }
0x1d0: {  	v48 =	vld [tilespmem:s8+$0xFFFFFFD0]  }
0x1d1: {  	v49 =	vld [tilespmem:s8+$0xFFFFFFE0]  }
0x1d2: {  	v50 =	vld [tilespmem:s8+$0xFFFFFFF0]  }
0x1d3: {  	v51 =	vld [tilespmem:s8+$0x0]  }
0x1d4: {  	v52 =	vld [tilespmem:s8+$0x10]  }
0x1d5: {  	v53 =	vld [tilespmem:s8+$0x20]  }
0x1d6: {  	v54 =	vld [tilespmem:s8+$0x30]  }
0x1d7: {  	v55 =	vld [tilespmem:s8+$0x40]  }
0x1d8: {  	v56 =	vld [tilespmem:s8+$0x50]  }
0x1d9: {  	v57 =	vld [tilespmem:s8+$0x60]  }
0x1da: {  	v58 =	vld [tilespmem:s8+$0x70]  }
0x1db: {  	v59 =	vld [tilespmem:s8+$0x150];
	v3 =	vadd.f32 $0.0e+00, v3  }
0x1dc: {  	v60 =	vld [tilespmem:s8+$0x160];
	v1 =	vadd.f32 $0.0e+00, v1;
	v2 =	vadd.f32 $0.0e+00, v2  }
0x1dd: {  	v61 =	vld [tilespmem:s8+$0x170];
	v4 =	vadd.f32 $0.0e+00, v4;
	v3 =	vadd.f32 v7, v3  }
0x1de: {  	v62 =	vld [tilespmem:s8+$0x180];
	v1 =	vadd.f32 v5, v1;
	v2 =	vadd.f32 v6, v2  }
0x1df: {  	v63 =	vld [tilespmem:s8+$0x190];
	v4 =	vadd.f32 v8, v4;
	v3 =	vadd.f32 v11, v3  }
0x1e0: {  	v5 =	vld [tilespmem:s8+$0x80];
	v1 =	vadd.f32 v9, v1;
	v2 =	vadd.f32 v10, v2  }
0x1e1: {  	v6 =	vld [tilespmem:s8+$0x90];
	v4 =	vadd.f32 v12, v4;
	v3 =	vadd.f32 v15, v3  }
0x1e2: {  	v7 =	vld [tilespmem:s8+$0xA0];
	v1 =	vadd.f32 v13, v1;
	v2 =	vadd.f32 v14, v2  }
0x1e3: {  	v8 =	vld [tilespmem:s8+$0xB0];
	v4 =	vadd.f32 v16, v4;
	v3 =	vadd.f32 v19, v3  }
0x1e4: {  	v9 =	vld [tilespmem:s8+$0xC0];
	v1 =	vadd.f32 v17, v1;
	v2 =	vadd.f32 v18, v2  }
0x1e5: {  	v10 =	vld [tilespmem:s8+$0xD0];
	v4 =	vadd.f32 v20, v4;
	v3 =	vadd.f32 v23, v3  }
0x1e6: {  	v11 =	vld [tilespmem:s8+$0xE0];
	v1 =	vadd.f32 v21, v1;
	v2 =	vadd.f32 v22, v2  }
0x1e7: {  	v12 =	vld [tilespmem:s8+$0xF0];
	v4 =	vadd.f32 v24, v4;
	v3 =	vadd.f32 v27, v3  }
0x1e8: {  	v13 =	vld [tilespmem:s8+$0x100];
	v1 =	vadd.f32 v25, v1;
	v2 =	vadd.f32 v26, v2  }
0x1e9: {  	v14 =	vld [tilespmem:s8+$0x110];
	v4 =	vadd.f32 v28, v4;
	v3 =	vadd.f32 v31, v3  }
0x1ea: {  	v15 =	vld [tilespmem:s8+$0x120];
	v1 =	vadd.f32 v29, v1;
	v2 =	vadd.f32 v30, v2  }
0x1eb: {  	v16 =	vld [tilespmem:s8+$0x130];
	v4 =	vadd.f32 v32, v4;
	v3 =	vadd.f32 v35, v3  }
0x1ec: {  	v17 =	vld [tilespmem:s8+$0x140];
	v1 =	vadd.f32 v33, v1;
	v2 =	vadd.f32 v34, v2  }
0x1ed: {  	v4 =	vadd.f32 v36, v4;
	v33 =	vld [tilespmem:s8+$0x1A0];
	v3 =	vadd.f32 v39, v3  }
0x1ee: {  	v34 =	vld [tilespmem:s8+$0x1B0];
	v1 =	vadd.f32 v37, v1;
	v2 =	vadd.f32 v38, v2  }
0x1ef: {  	v35 =	vld [tilespmem:s8+$0x1C0];
	v4 =	vadd.f32 v40, v4;
	v3 =	vadd.f32 v43, v3  }
0x1f0: {  	s12 =	sadd.s32 $0xFFFFFFE0, s1;
	s13 =	sadd.s32 $0xFFFFFFF0, s1;
	v36 =	vld [tilespmem:s8+$0x1D0];
	v1 =	vadd.f32 v41, v1;
	v2 =	vadd.f32 v42, v2  }
0x1f1: {  	s13 =	sand.u32 $0xFF8, s13;
	s12 =	sand.u32 $0x6, s12;
	v37 =	vld [tilespmem:s8+$0x1E0];
	v4 =	vadd.f32 v44, v4;
	v3 =	vadd.f32 v47, v3  }
0x1f2: {  	s13 =	sor.u32 s12, s13;
	v43 =	vld [tilespmem:s11+$0xFFFFFFDE];
	v1 =	vadd.f32 v45, v1;
	v2 =	vadd.f32 v46, v2  }
0x1f3: {  	v42 =	vld [tilespmem:s13+$0x8400];
	s13 =	sand.u32 $0xFF8, s1;
	v4 =	vadd.f32 v48, v4;
	v3 =	vadd.f32 v51, v3  }
0x1f4: {  	v38 =	vld [tilespmem:s8+$0x1F0];
	s12 =	sor.u32 s12, s13;
	v1 =	vadd.f32 v49, v1;
	v2 =	vadd.f32 v50, v2  }
0x1f5: {  	v44 =	vld [tilespmem:s12+$0x8400];
	v4 =	vadd.f32 v52, v4;
	v3 =	vadd.f32 v55, v3  }
0x1f6: {  	v45 =	vld [tilespmem:s11+$0x0];
	v1 =	vadd.f32 v53, v1;
	v2 =	vadd.f32 v54, v2  }
0x1f7: {  	v39 =	vld [tilespmem:s8+$0x200];
	vm1 =	vne.s32 v43, $0x0;
	v4 =	vadd.f32 v56, v4;
	v3 =	vadd.f32 v5, v3  }
0x1f8: {  	v40 =	vld [tilespmem:s8+$0x210];
	vm2 =	vne.s32 v42, $0x0;
	v1 =	vadd.f32 v57, v1;
	v2 =	vadd.f32 v58, v2  }
0x1f9: {  	v41 =	vld [tilespmem:s8+$0x220];
	v51 =	vmpcnt.ones.xlane vm2;
	v4 =	vadd.f32 v6, v4;
	v3 =	vadd.f32 v9, v3  }
0x1fa: {  	v46 =	vld [tilespmem:s8+$0x230];
	vm3 =	vne.s32 v44, $0x0;
	v1 =	vadd.f32 v7, v1;
	v2 =	vadd.f32 v8, v2  }
0x1fb: {  	v47 =	vld [tilespmem:s8+$0x240];
	vm4 =	vne.s32 v45, $0x0;
	v4 =	vadd.f32 v10, v4;
	v3 =	vadd.f32 v13, v3  }
0x1fc: {  	v48 =	vld [tilespmem:s8+$0x250];
	v6 =	vmpcnt.ones.xlane vm1;
	v1 =	vadd.f32 v11, v1;
	v2 =	vadd.f32 v12, v2  }
0x1fd: {  	v49 =	vld [tilespmem:s8+$0x260];
	vm1 =	vmand vm4, vm0;
	v4 =	vadd.f32 v14, v4;
	v3 =	vadd.f32 v17, v3  }
0x1fe: {  	v50 =	vld [tilespmem:s8+$0x270];
	v53 =	vmpcnt.ones.xlane vm3;
	v1 =	vadd.f32 v15, v1;
	v2 =	vadd.f32 v16, v2  }
0x1ff: {  	v52 =	vld [tilespmem:s8+$0x280];
	v55 =	vmpcnt.ones.xlane vm1;
	v4 =	vadd.f32 v59, v4;
	v3 =	vadd.f32 v62, v3  }
0x200: {  	v54 =	vld [tilespmem:s8+$0x290];
	v6 =	vadd.s32 v6, v51;
	v1 =	vadd.f32 v60, v1;
	v2 =	vadd.f32 v61, v2  }
0x201: {  	v56 =	vld [tilespmem:s8+$0x2A0];
	v6 =	vadd.s32 v53, v6;
	v4 =	vadd.f32 v63, v4;
	v3 =	vadd.f32 v35, v3  }
0x202: {  	v57 =	vld [tilespmem:s8+$0x2B0];
	v6 =	vadd.s32 v55, v6;
	v1 =	vadd.f32 v33, v1;
	v2 =	vadd.f32 v34, v2  }
0x203: {  	v58 =	vld [tilespmem:s8+$0x2C0];
	v6 =	vcvt.s32.f32 v6;
	v4 =	vadd.f32 v36, v4;
	v3 =	vadd.f32 v39, v3  }
0x204: {  	v59 =	vld [tilespmem:s8+$0x2D0];
	v1 =	vadd.f32 v37, v1;
	v2 =	vadd.f32 v38, v2  }
0x205: {  	v6 =	vmax.f32 v6, $1.000000000e+00;
	v60 =	vld [tilespmem:s8+$0x2E0];
	v4 =	vadd.f32 v40, v4;
	v3 =	vadd.f32 v47, v3  }
0x206: {  	(erf) = vrcp.f32 v6;
	v62 =	vld [tilespmem:s8+$0x300];
	v1 =	vadd.f32 v41, v1;
	v2 =	vadd.f32 v46, v2  }
0x207: {  	v61 =	vld [tilespmem:s8+$0x2F0];
	v4 =	vadd.f32 v48, v4;
	v3 =	vadd.f32 v52, v3  }
0x208: {  	v63 =	vld [tilespmem:s8+$0x310];
	v1 =	vadd.f32 v49, v1;
	v2 =	vadd.f32 v50, v2  }
0x209: {  	v4 =	vadd.f32 v54, v4;
	v3 =	vadd.f32 v58, v3  }
0x20a: {  	v1 =	vadd.f32 v56, v1;
	v2 =	vadd.f32 v57, v2  }
0x20b: {  	v4 =	vadd.f32 v59, v4;
	v3 =	vadd.f32 v62, v3  }
0x20c: {  	v1 =	vadd.f32 v60, v1  }
0x20d: {  	v2 =	vadd.f32 v61, v2;
	v4 =	vadd.f32 v63, v4  }
0x20e: {  	p0 =	sne.s32 s1, $0x62E;
	v1 =	vadd.f32 v3, v1  }
.Ltmp0:
0x20f: {  	v2 =	vadd.f32 v4, v2;
	v3 =	vpop (erf);
	(pc) =	sbr.rel @p0 .LBB2_3-.Ltmp0, $4  }
0x210: {  	v1 =	vmul.f32 v3, v1  }
0x211: {  	v2 =	vmul.f32 v3, v2  }
0x212: {  	s1 =	sadd.s32 $0x32, s1;
	[tilespmem:s6+$0xFFFFFFF0] =	vst v1  }
0x213: {  	s11 =	sadd.s32 $0x32, s11;
	s8 =	sadd.s32 $0x640, s8;
	[tilespmem:s6+$0x0] =	vst v2;
	s6 =	sadd.s32 $0x20, s6  }
0x214: {  	s0 =	smul.u32 $0x70, s0;
	s31 =	sadd.s32 $0x1, s31  }
0x215: {  	p0 =	sne.s32 s31, $0x10  }
.Ltmp1:
0x216: {  	s0 =	sadd.s32 s0, s9;
	(pc) =	sbr.rel @p0 .LBB2_2-.Ltmp1, $4  }
0x217: {  	[hbm4b:s0+s20] =	stream.strided.scatter [tilespmem:s28], [sflag:$0x4], $0x400, s21, s20, $0x38;
	[tilespmem:$0x1B840] =	vst v63  }
0x218: {  	_ =	swait.ge [sflag:s15], $0x400  }
0x219: {  	[sflag:s15] =	ssyncset.done $0x0  }
0x21a: {  	[sflag:s15] =	ssyncadd.s32 $0xFFFFFC00  }
0x21b: {  	s0 =	rddreg [dreg:$0x3];
	s1 =	simm.s32 $0x1B640  }
0x21c: {  	[tilespmem:s1], [sflag:$0x4] =	stream.linear.gather [hbm4b:s0+s2], $0x200, $0x38;
	[tilespmem:$0x1B840] =	vst v63  }
0x21d: {  	_ =	swait.ge [sflag:s15], $0x200  }
0x21e: {  	[sflag:s15] =	ssyncset.done $0x0  }
0x21f: {  	s13 =	rddreg [dreg:$0x1e];
	[sflag:s15] =	ssyncadd.s32 $0xFFFFFE00  }
0x220: {  	[tilespmem:s29], [sflag:$0x4] =	stream.linear.gather [hbm4b:s13+s2], $0x2000, $0x38;
	[tilespmem:$0x1B840] =	vst v63  }
0x221: {  	_ =	swait.ge [sflag:s15], $0x2000  }
0x222: {  	[sflag:s15] =	ssyncset.done $0x0  }
0x223: {  	[sflag:s15] =	ssyncadd.s32 $0xFFFFE000  }
0x224: {  	v15 =	vld [tilespmem:$0x1B640]  }
0x225: {  	v14 =	vld [tilespmem:$0x1B660]  }
0x226: {  	v13 =	vld [tilespmem:$0x1B680]  }
0x227: {  	v12 =	vld [tilespmem:$0x1B6A0]  }
0x228: {  	v11 =	vld [tilespmem:$0x1B6C0]  }
0x229: {  	s6 =	simm.s32 $0xE;
	s8 =	simm.s32 $0xD;
	s11 =	simm.s32 $0xC;
	v10 =	vld [tilespmem:$0x1B6E0]  }
0x22a: {  	s12 =	simm.s32 $0xB;
	s1 =	simm.s32 $0xF;
	v2 =	vmov s6;
	s6 =	simm.s32 $0x0;
	v3 =	vmov s8;
	v16 =	vmov s11;
	v9 =	vld [tilespmem:$0x1B700]  }
0x22b: {  	v17 =	vmov s12;
	s8 =	simm.s32 $0x8;
	v1 =	vmov s1;
	v4 =	vmov s6;
	v8 =	vld [tilespmem:$0x1B720]  }
0x22c: {  	v20 =	vmov s8;
	v22 =	vshrl.u32 v2, $0x3;
	v4 =	vshrl.u32 v4, $0x3;
	v7 =	vld [tilespmem:$0x1B740]  }
0x22d: {  	v25 =	vshrl.u32 v3, $0x3;
	v26 =	vshrl.u32 v16, $0x3;
	v21 =	vshll.u32 v4, v0;
	v6 =	vld [tilespmem:$0x1B760]  }
0x22e: {  	v27 =	vshrl.u32 v17, $0x3;
	v1 =	vshrl.u32 v1, $0x3;
	s13 =	simm.s32 $0xA;
	v23 =	vbroadcast v21, $0x0;
	v5 =	vld [tilespmem:$0x1B780]  }
0x22f: {  	v24 =	vshll.u32 v1, v0;
	v2 =	vadd.s32 $0x1, v21;
	v18 =	vmov s13;
	v4 =	vld [tilespmem:$0x1B7A0]  }
0x230: {  	s6 =	simm.s32 $0x9;
	v16 =	vadd.s32 $0x2, v21;
	v28 =	vshrl.u32 v18, $0x3;
	v18 =	vbroadcast v2, $0x0;
	v1 =	vld [tilespmem:$0x1B7C0]  }
0x231: {  	v19 =	vmov s6;
	v20 =	vshrl.u32 v20, $0x3;
	v29 =	vbroadcast v16, $0x0;
	v2 =	vld [tilespmem:$0x1B7E0]  }
0x232: {  	v22 =	vshll.u32 v22, v0;
	v25 =	vshll.u32 v25, v0;
	v26 =	vshll.u32 v26, v0;
	v3 =	vld [tilespmem:$0x1B800]  }
0x233: {  	v27 =	vshll.u32 v27, v0;
	v19 =	vshrl.u32 v19, $0x3;
	v17 =	vadd.s32 $0x3, v21;
	v16 =	vld [tilespmem:$0x1B650]  }
0x234: {  	v30 =	vadd.s32 $0x4, v21;
	v31 =	vbroadcast v17, $0x0;
	v17 =	vadd.s32 $0x5, v21;
	v23 =	vld.idx.msk [tilespmem:v23+s29+$0x0], $0xffff  }
0x235: {  	v33 =	vadd.s32 $0x6, v21;
	v21 =	vadd.s32 $0x7, v21;
	v32 =	vbroadcast v17, $0x0;
	v17 =	vld [tilespmem:$0x1B670]  }
0x236: {  	v20 =	vshll.u32 v20, v0;
	v30 =	vbroadcast v30, $0x0;
	v34 =	vbroadcast v21, $0x0;
	v21 =	vld.idx.msk [tilespmem:v18+s29+$0x0], $0xffff  }
0x237: {  	v27 =	vadd.s32 $0x3, v27;
	v26 =	vadd.s32 $0x4, v26;
	v19 =	vshll.u32 v19, v0;
	v29 =	vld.idx.msk [tilespmem:v29+s29+$0x0], $0xffff  }
0x238: {  	v35 =	vbroadcast v20, $0x0;
	v38 =	vbroadcast v27, $0x0;
	v19 =	vadd.s32 $0x1, v19;
	v18 =	vld [tilespmem:$0x1B690]  }
0x239: {  	v36 =	vbroadcast v19, $0x0;
	v28 =	vshll.u32 v28, v0;
	v19 =	vld [tilespmem:$0x1B6B0];
	v37 =	vmul.f32 v23, v16  }
0x23a: {  	v33 =	vbroadcast v33, $0x0;
	v20 =	vadd.s32 $0x2, v28;
	v31 =	vld.idx.msk [tilespmem:v31+s29+$0x0], $0xffff;
	v23 =	vmul.f32 v23, v15  }
0x23b: {  	v28 =	vbroadcast v20, $0x0;
	v20 =	vld [tilespmem:$0x1B6D0];
	v27 =	vadd.f32 $0.0e+00, v37;
	v50 =	vmul.f32 v21, v17  }
0x23c: {  	v39 =	vbroadcast v26, $0x0;
	v30 =	vld.idx.msk [tilespmem:v30+s29+$0x0], $0xffff;
	v23 =	vadd.f32 $0.0e+00, v23;
	v26 =	vmul.f32 v21, v14  }
0x23d: {  	v40 =	vadd.s32 $0x6, v22;
	v32 =	vld.idx.msk [tilespmem:v32+s29+$0x0], $0xffff;
	v51 =	vmul.f32 v29, v18;
	v27 =	vadd.f32 v50, v27  }
0x23e: {  	v25 =	vadd.s32 $0x5, v25;
	v21 =	vld [tilespmem:$0x1B6F0];
	v23 =	vadd.f32 v26, v23;
	v26 =	vmul.f32 v29, v13  }
0x23f: {  	s12 =	simm.s32 $0x1E;
	v41 =	vbroadcast v25, $0x0;
	v22 =	vld [tilespmem:$0x1B710];
	v25 =	vadd.f32 v51, v27;
	v27 =	vmul.f32 v31, v19  }
0x240: {  	v54 =	vmov s12;
	s8 =	simm.s32 $0x1B;
	v29 =	vld.idx.msk [tilespmem:v33+s29+$0x0], $0xffff;
	v26 =	vadd.f32 v26, v23;
	v31 =	vmul.f32 v31, v12  }
0x241: {  	v46 =	vmov s8;
	v34 =	vld.idx.msk [tilespmem:v34+s29+$0x0], $0xffff;
	v25 =	vadd.f32 v27, v25;
	v27 =	vmul.f32 v30, v20  }
0x242: {  	v24 =	vadd.s32 $0x7, v24;
	v23 =	vld [tilespmem:$0x1B730];
	v26 =	vadd.f32 v31, v26;
	v30 =	vmul.f32 v30, v11  }
0x243: {  	s12 =	simm.s32 $0x19;
	v52 =	vbroadcast v24, $0x0;
	v24 =	vld [tilespmem:$0x1B750];
	v53 =	vmul.f32 v32, v21;
	v27 =	vadd.f32 v27, v25  }
0x244: {  	s6 =	simm.s32 $0x1C;
	v58 =	vmov s12;
	v35 =	vld.idx.msk [tilespmem:v35+s29+$0x0], $0xffff;
	v26 =	vadd.f32 v30, v26;
	v30 =	vmul.f32 v32, v10  }
0x245: {  	v43 =	vmov s6;
	s6 =	simm.s32 $0x10;
	v36 =	vld.idx.msk [tilespmem:v36+s29+$0x0], $0xffff;
	v55 =	vmul.f32 v29, v22;
	v27 =	vadd.f32 v53, v27  }
0x246: {  	v48 =	vmov s6;
	v29 =	vmul.f32 v29, v9;
	v25 =	vld [tilespmem:$0x1B770];
	v30 =	vadd.f32 v30, v26  }
0x247: {  	v45 =	vld.idx.msk [tilespmem:v28+s29+$0x0], $0xffff;
	v33 =	vbroadcast v40, $0x0;
	v44 =	vmul.f32 v34, v23;
	v40 =	vadd.f32 v55, v27  }
0x248: {  	v43 =	vshrl.u32 v43, $0x3;
	v26 =	vld [tilespmem:$0x1B790];
	v28 =	vadd.f32 v29, v30;
	v29 =	vmul.f32 v34, v8  }
0x249: {  	s13 =	simm.s32 $0x1D;
	v43 =	vshll.u32 v43, v0;
	v38 =	vld.idx.msk [tilespmem:v38+s29+$0x0], $0xffff;
	v57 =	vmul.f32 v35, v24;
	v30 =	vadd.f32 v44, v40  }
0x24a: {  	s11 =	simm.s32 $0x1F;
	v42 =	vmov s13;
	v35 =	vmul.f32 v35, v7;
	v27 =	vld [tilespmem:$0x1B7B0];
	v29 =	vadd.f32 v29, v28  }
0x24b: {  	v39 =	vld.idx.msk [tilespmem:v39+s29+$0x0], $0xffff;
	v31 =	vmov s11;
	v59 =	vmul.f32 v36, v25;
	v30 =	vadd.f32 v57, v30  }
0x24c: {  	v31 =	vshrl.u32 v31, $0x3;
	v36 =	vmul.f32 v36, v6;
	v28 =	vld [tilespmem:$0x1B7D0];
	v35 =	vadd.f32 v35, v29  }
0x24d: {  	v41 =	vld.idx.msk [tilespmem:v41+s29+$0x0], $0xffff;
	v49 =	vshll.u32 v31, v0;
	v60 =	vmul.f32 v45, v26;
	v31 =	vadd.f32 v59, v30  }
0x24e: {  	s13 =	simm.s32 $0x18;
	v43 =	vadd.s32 $0x4, v43;
	v62 =	vmul.f32 v45, v5;
	v29 =	vld [tilespmem:$0x1B7F0];
	v61 =	vadd.f32 v36, v35  }
0x24f: {  	v47 =	vmov s13;
	v33 =	vld.idx.msk [tilespmem:v33+s29+$0x0], $0xffff;
	v63 =	vmul.f32 v38, v27;
	v40 =	vadd.f32 v60, v31  }
0x250: {  	v43 =	vbroadcast v43, $0x0;
	v45 =	vmul.f32 v38, v4;
	v30 =	vld [tilespmem:$0x1B810];
	v32 =	vadd.f32 v62, v61  }
0x251: {  	v37 =	vld.idx.msk [tilespmem:v52+s29+$0x0], $0xffff;
	v50 =	vshrl.u32 v54, $0x3;
	v51 =	vmul.f32 v39, v28;
	v40 =	vadd.f32 v63, v40  }
0x252: {  	v54 =	vmul.f32 v41, v2;
	s11 =	simm.s32 $0x1A;
	v39 =	vmul.f32 v39, v1;
	v31 =	vld [tilespmem:$0x1B830];
	v35 =	vadd.f32 v45, v32  }
0x253: {  	v56 =	vmov s11;
	v52 =	vmul.f32 v41, v29;
	v32 =	vld [tilespmem:$0x1B820];
	v40 =	vadd.f32 v51, v40  }
0x254: {  	v53 =	vshrl.u32 v48, $0x3;
	v34 =	vshrl.u32 v56, $0x3;
	v35 =	vadd.f32 v39, v35  }
0x255: {  	v44 =	vshrl.u32 v58, $0x3;
	v55 =	vmul.f32 v33, v30;
	v40 =	vadd.f32 v52, v40  }
0x256: {  	v41 =	vshll.u32 v53, v0;
	v33 =	vmul.f32 v33, v3;
	v35 =	vadd.f32 v54, v35  }
0x257: {  	v39 =	vbroadcast v41, $0x0;
	v56 =	vmul.f32 v37, v31;
	v40 =	vadd.f32 v55, v40  }
0x258: {  	v57 =	vadd.s32 $0x1, v41;
	v58 =	vmul.f32 v37, v32;
	v33 =	vadd.f32 v33, v35  }
0x259: {  	v34 =	vshll.u32 v34, v0;
	v60 =	vbroadcast v57, $0x0;
	v40 =	vadd.f32 v56, v40  }
0x25a: {  	s31 =	simm.s32 $0x17650;
	v34 =	vadd.s32 $0x2, v34;
	v45 =	vadd.s32 $0x2, v41;
	v33 =	vadd.f32 v58, v33  }
0x25b: {  	v44 =	vshll.u32 v44, v0;
	v34 =	vbroadcast v34, $0x0;
	v59 =	vbroadcast v45, $0x0;
	[tilespmem:s31+$0x0] =	vst v40  }
0x25c: {  	v44 =	vadd.s32 $0x1, v44;
	v38 =	vshrl.u32 v46, $0x3;
	v61 =	vadd.s32 $0x3, v41;
	[tilespmem:s31+$0xFFFFFFF0] =	vst v33  }
0x25d: {  	v36 =	vshrl.u32 v42, $0x3;
	v38 =	vshll.u32 v38, v0;
	v42 =	vbroadcast v61, $0x0;
	v39 =	vld.idx.msk [tilespmem:v39+s29+$0x0], $0xffff  }
0x25e: {  	v44 =	vbroadcast v44, $0x0;
	v38 =	vadd.s32 $0x3, v38;
	v62 =	vadd.s32 $0x4, v41  }
0x25f: {  	v36 =	vshll.u32 v36, v0;
	v38 =	vbroadcast v38, $0x0;
	v46 =	vbroadcast v62, $0x0;
	v45 =	vld.idx.msk [tilespmem:v60+s29+$0x0], $0xffff  }
0x260: {  	v36 =	vadd.s32 $0x5, v36;
	v53 =	vshll.u32 v50, v0;
	v52 =	vadd.s32 $0x5, v41  }
0x261: {  	v36 =	vbroadcast v36, $0x0;
	v63 =	vshrl.u32 v47, $0x3;
	v55 =	vbroadcast v52, $0x0;
	v37 =	vld.idx.msk [tilespmem:v59+s29+$0x0], $0xffff  }
0x262: {  	v47 =	vadd.s32 $0x6, v53;
	v54 =	vadd.s32 $0x6, v41;
	v57 =	vmul.f32 v39, v16  }
0x263: {  	v41 =	vadd.s32 $0x7, v41;
	v56 =	vbroadcast v54, $0x0;
	v42 =	vld.idx.msk [tilespmem:v42+s29+$0x0], $0xffff;
	v39 =	vmul.f32 v39, v15  }
0x264: {  	v41 =	vbroadcast v41, $0x0;
	v58 =	vmul.f32 v45, v17;
	v48 =	vadd.f32 $0.0e+00, v57  }
0x265: {  	v47 =	vbroadcast v47, $0x0;
	v46 =	vld.idx.msk [tilespmem:v46+s29+$0x0], $0xffff;
	v45 =	vmul.f32 v45, v14;
	v39 =	vadd.f32 $0.0e+00, v39  }
0x266: {  	v35 =	vshll.u32 v63, v0;
	v59 =	vmul.f32 v37, v18;
	v48 =	vadd.f32 v58, v48  }
0x267: {  	s13 =	simm.s32 $0x2C;
	v35 =	vbroadcast v35, $0x0;
	v33 =	vld.idx.msk [tilespmem:v55+s29+$0x0], $0xffff;
	v37 =	vmul.f32 v37, v13;
	v39 =	vadd.f32 v45, v39  }
0x268: {  	s8 =	simm.s32 $0x2F;
	v51 =	vmov s13;
	v61 =	vmul.f32 v42, v19;
	v48 =	vadd.f32 v59, v48  }
0x269: {  	v63 =	vmov s8;
	v40 =	vld.idx.msk [tilespmem:v56+s29+$0x0], $0xffff;
	v62 =	vmul.f32 v42, v12;
	v37 =	vadd.f32 v37, v39  }
0x26a: {  	s12 =	simm.s32 $0x2D;
	v60 =	vadd.s32 $0x7, v49;
	v41 =	vld.idx.msk [tilespmem:v41+s29+$0x0], $0xffff;
	v53 =	vmul.f32 v46, v20;
	v52 =	vadd.f32 v61, v48  }
0x26b: {  	v49 =	vmov s12;
	v44 =	vld.idx.msk [tilespmem:v44+s29+$0x0], $0xffff;
	v54 =	vmul.f32 v46, v11;
	v37 =	vadd.f32 v62, v37  }
0x26c: {  	v50 =	vbroadcast v60, $0x0;
	v55 =	vmul.f32 v33, v21;
	v45 =	vadd.f32 v53, v52  }
0x26d: {  	s11 =	simm.s32 $0x2E;
	v35 =	vld.idx.msk [tilespmem:v35+s29+$0x0], $0xffff;
	v42 =	vshrl.u32 v63, $0x3;
	v33 =	vmul.f32 v33, v10;
	v37 =	vadd.f32 v54, v37  }
0x26e: {  	v46 =	vmov s11;
	v57 =	vmul.f32 v40, v22;
	v56 =	vadd.f32 v55, v45  }
0x26f: {  	v60 =	vmul.f32 v41, v8;
	v58 =	vmul.f32 v40, v9;
	v33 =	vadd.f32 v33, v37  }
0x270: {  	s6 =	simm.s32 $0x2B;
	s8 =	simm.s32 $0x2A;
	v63 =	vmul.f32 v44, v25;
	v59 =	vmul.f32 v41, v23;
	v39 =	vadd.f32 v57, v56  }
0x271: {  	v34 =	vld.idx.msk [tilespmem:v34+s29+$0x0], $0xffff;
	v40 =	vmov s8;
	v48 =	vmov s6;
	v33 =	vadd.f32 v58, v33  }
0x272: {  	s11 =	simm.s32 $0x29;
	v61 =	vmul.f32 v35, v24;
	v62 =	vld.idx.msk [tilespmem:v38+s29+$0x0], $0xffff;
	v35 =	vmul.f32 v35, v7;
	v39 =	vadd.f32 v59, v39  }
0x273: {  	s13 =	simm.s32 $0x20;
	s12 =	simm.s32 $0x28;
	v38 =	vshrl.u32 v46, $0x3;
	v52 =	vmov s11;
	v55 =	vld.idx.msk [tilespmem:v43+s29+$0x0], $0xffff;
	v37 =	vadd.f32 v60, v33  }
0x274: {  	v53 =	vmov s12;
	v54 =	vmov s13;
	v39 =	vadd.f32 v61, v39  }
0x275: {  	v46 =	vshrl.u32 v54, $0x3;
	v56 =	vmul.f32 v44, v6;
	v35 =	vadd.f32 v35, v37  }
0x276: {  	v57 =	vmul.f32 v34, v26;
	v58 =	vmul.f32 v34, v5;
	v41 =	vadd.f32 v63, v39  }
0x277: {  	v34 =	vshrl.u32 v48, $0x3;
	v33 =	vshll.u32 v42, v0;
	v39 =	vld.idx.msk [tilespmem:v36+s29+$0x0], $0xffff;
	v42 =	vadd.f32 v56, v35  }
0x278: {  	v59 =	vmul.f32 v62, v27;
	v45 =	vmul.f32 v55, v1;
	v43 =	vadd.f32 v57, v41  }
0x279: {  	v37 =	vshrl.u32 v49, $0x3;
	v61 =	vmul.f32 v62, v4;
	v60 =	vadd.f32 v58, v42;
	v42 =	vld.idx.msk [tilespmem:v47+s29+$0x0], $0xffff  }
0x27a: {  	v36 =	vshrl.u32 v51, $0x3;
	v63 =	vmul.f32 v55, v28;
	v62 =	vadd.f32 v59, v43  }
0x27b: {  	v35 =	vshrl.u32 v40, $0x3;
	v40 =	vld.idx.msk [tilespmem:v50+s29+$0x0], $0xffff;
	v41 =	vshrl.u32 v52, $0x3;
	v44 =	vadd.f32 v61, v60  }
0x27c: {  	s0 =	simm.s32 $0x3F;
	v43 =	vshrl.u32 v53, $0x3;
	v48 =	vmul.f32 v39, v29;
	v47 =	vadd.f32 v63, v62  }
.LBB2_6:
0x27d: {  	p0 =	sne.s32 s0, $0x1FFF;
	v46 =	vshll.u32 v46, v0;
	v44 =	vadd.f32 v45, v44;
	v39 =	vmul.f32 v39, v2  }
0x27e: {  	v45 =	vadd.s32 $0x2, v46;
	v47 =	vadd.f32 v48, v47;
	v48 =	vmul.f32 v42, v30  }
0x27f: {  	v49 =	vadd.s32 $0x1, v46;
	v42 =	vmul.f32 v42, v3;
	v39 =	vadd.f32 v39, v44  }
0x280: {  	v44 =	vbroadcast v46, $0x0;
	v47 =	vadd.f32 v48, v47;
	v48 =	vmul.f32 v40, v31  }
0x281: {  	v45 =	vbroadcast v45, $0x0;
	v40 =	vmul.f32 v40, v32;
	v39 =	vadd.f32 v42, v39  }
0x282: {  	v42 =	vbroadcast v49, $0x0;
	v49 =	vadd.s32 $0x3, v46;
	v47 =	vadd.f32 v48, v47  }
0x283: {  	s31 =	sadd.s32 $0x20, s31;
	v48 =	vbroadcast v49, $0x0;
	v49 =	vadd.s32 $0x4, v46;
	v39 =	vadd.f32 v40, v39  }
0x284: {  	v38 =	vshll.u32 v38, v0;
	v40 =	vbroadcast v49, $0x0;
	v49 =	vadd.s32 $0x5, v46;
	[tilespmem:s31+$0x0] =	vst v47  }
0x285: {  	v37 =	vshll.u32 v37, v0;
	v47 =	vbroadcast v49, $0x0;
	v49 =	vadd.s32 $0x6, v46;
	[tilespmem:s31+$0xFFFFFFF0] =	vst v39  }
0x286: {  	v36 =	vshll.u32 v36, v0;
	v46 =	vadd.s32 $0x7, v46;
	v39 =	vld.idx.msk [tilespmem:v44+s29+$0x0], $0xffff;
	v44 =	vbroadcast v49, $0x0  }
0x287: {  	v43 =	vshll.u32 v43, v0;
	v41 =	vshll.u32 v41, v0;
	v46 =	vbroadcast v46, $0x0;
	v45 =	vld.idx.msk [tilespmem:v45+s29+$0x0], $0xffff  }
0x288: {  	v35 =	vshll.u32 v35, v0;
	v43 =	vbroadcast v43, $0x0;
	v41 =	vadd.s32 $0x1, v41;
	v42 =	vld.idx.msk [tilespmem:v42+s29+$0x0], $0xffff  }
0x289: {  	v34 =	vshll.u32 v34, v0;
	v35 =	vadd.s32 $0x2, v35;
	v41 =	vbroadcast v41, $0x0;
	v48 =	vld.idx.msk [tilespmem:v48+s29+$0x0], $0xffff  }
0x28a: {  	v34 =	vadd.s32 $0x3, v34;
	v36 =	vadd.s32 $0x4, v36;
	v35 =	vbroadcast v35, $0x0;
	v40 =	vld.idx.msk [tilespmem:v40+s29+$0x0], $0xffff  }
0x28b: {  	v38 =	vadd.s32 $0x6, v38;
	v34 =	vbroadcast v34, $0x0;
	v36 =	vbroadcast v36, $0x0;
	v47 =	vld.idx.msk [tilespmem:v47+s29+$0x0], $0xffff  }
0x28c: {  	v37 =	vadd.s32 $0x5, v37;
	v49 =	vmul.f32 v39, v15;
	v39 =	vmul.f32 v39, v16;
	v44 =	vld.idx.msk [tilespmem:v44+s29+$0x0], $0xffff  }
0x28d: {  	v33 =	vadd.s32 $0x7, v33;
	v37 =	vbroadcast v37, $0x0;
	v38 =	vbroadcast v38, $0x0;
	v46 =	vld.idx.msk [tilespmem:v46+s29+$0x0], $0xffff  }
0x28e: {  	v49 =	vadd.f32 $0.0e+00, v49;
	v39 =	vadd.f32 $0.0e+00, v39;
	v50 =	vmul.f32 v42, v17;
	v43 =	vld.idx.msk [tilespmem:v43+s29+$0x0], $0xffff  }
0x28f: {  	v33 =	vbroadcast v33, $0x0;
	v42 =	vmul.f32 v42, v14;
	v41 =	vld.idx.msk [tilespmem:v41+s29+$0x0], $0xffff  }
0x290: {  	v39 =	vadd.f32 v50, v39;
	v50 =	vmul.f32 v45, v18;
	v35 =	vld.idx.msk [tilespmem:v35+s29+$0x0], $0xffff  }
0x291: {  	v42 =	vadd.f32 v42, v49;
	v45 =	vmul.f32 v45, v13;
	v49 =	vld.idx.msk [tilespmem:v34+s29+$0x0], $0xffff  }
0x292: {  	v34 =	vadd.f32 v50, v39;
	v50 =	vmul.f32 v48, v19;
	v51 =	vld.idx.msk [tilespmem:v36+s29+$0x0], $0xffff  }
0x293: {  	v36 =	vadd.f32 v45, v42;
	v45 =	vmul.f32 v48, v12;
	v39 =	vld.idx.msk [tilespmem:v37+s29+$0x0], $0xffff  }
0x294: {  	v48 =	vmul.f32 v40, v20;
	v37 =	vmov s0;
	v34 =	vadd.f32 v50, v34;
	v42 =	vld.idx.msk [tilespmem:v38+s29+$0x0], $0xffff  }
0x295: {  	s1 =	sadd.s32 $0xFFFFFFFF, s0;
	v37 =	vshrl.u32 v37, $0x3;
	v36 =	vadd.f32 v45, v36;
	v38 =	vmul.f32 v40, v11;
	v40 =	vld.idx.msk [tilespmem:v33+s29+$0x0], $0xffff  }
0x296: {  	s6 =	sadd.s32 $0xFFFFFFFE, s0;
	v45 =	vmov s1;
	v33 =	vadd.f32 v48, v34;
	v34 =	vmul.f32 v47, v21  }
0x297: {  	s1 =	sadd.s32 $0xFFFFFFFD, s0;
	v48 =	vmov s6;
	v36 =	vadd.f32 v38, v36;
	v38 =	vmul.f32 v47, v10  }
0x298: {  	s6 =	sadd.s32 $0xFFFFFFFC, s0;
	v47 =	vmov s1;
	v33 =	vadd.f32 v34, v33;
	v34 =	vmul.f32 v44, v22  }
0x299: {  	s1 =	sadd.s32 $0xFFFFFFFB, s0;
	v50 =	vmov s6;
	v36 =	vadd.f32 v38, v36;
	v38 =	vmul.f32 v44, v9  }
0x29a: {  	s6 =	sadd.s32 $0xFFFFFFFA, s0;
	v44 =	vmov s1;
	v33 =	vadd.f32 v34, v33;
	v34 =	vmul.f32 v46, v23  }
0x29b: {  	v52 =	vmov s6;
	s1 =	sadd.s32 $0xFFFFFFF9, s0;
	v36 =	vadd.f32 v38, v36;
	v38 =	vmul.f32 v46, v8  }
0x29c: {  	v53 =	vmul.f32 v43, v24;
	s6 =	sadd.s32 $0xFFFFFFF1, s0;
	v46 =	vmov s1;
	v34 =	vadd.f32 v34, v33  }
0x29d: {  	v43 =	vmul.f32 v43, v7;
	v54 =	vmov s6;
	v36 =	vadd.f32 v38, v36  }
0x29e: {  	v33 =	vshll.u32 v37, v0;
	v34 =	vadd.f32 v53, v34;
	v53 =	vmul.f32 v41, v25  }
0x29f: {  	v38 =	vshrl.u32 v45, $0x3;
	v41 =	vmul.f32 v41, v6;
	v43 =	vadd.f32 v43, v36  }
0x2a0: {  	v37 =	vshrl.u32 v48, $0x3;
	v48 =	vmul.f32 v35, v26;
	v45 =	vadd.f32 v53, v34  }
0x2a1: {  	v36 =	vshrl.u32 v47, $0x3;
	v41 =	vadd.f32 v41, v43;
	v43 =	vmul.f32 v35, v5  }
.Ltmp2:
0x2a2: {  	v47 =	vmul.f32 v49, v27;
	v34 =	vshrl.u32 v50, $0x3;
	v45 =	vadd.f32 v48, v45;
	(pc) =	sbr.rel @p0 .LBB2_6-.Ltmp2, $4  }
0x2a3: {  	v35 =	vshrl.u32 v44, $0x3;
	v48 =	vmul.f32 v49, v4;
	v44 =	vadd.f32 v43, v41  }
0x2a4: {  	v49 =	vmul.f32 v51, v28;
	v41 =	vshrl.u32 v52, $0x3;
	v47 =	vadd.f32 v47, v45  }
0x2a5: {  	v43 =	vshrl.u32 v46, $0x3;
	v45 =	vmul.f32 v51, v1;
	v44 =	vadd.f32 v48, v44  }
0x2a6: {  	s0 =	sadd.s32 $0x10, s0;
	v46 =	vshrl.u32 v54, $0x3;
	v48 =	vmul.f32 v39, v29;
	v47 =	vadd.f32 v49, v47  }
0x2a7: {  	v44 =	vadd.f32 v45, v44;
	v39 =	vmul.f32 v39, v2  }
0x2a8: {  	v55 =	vmul.f32 v42, v30;
	v54 =	vadd.f32 v48, v47  }
0x2a9: {  	v46 =	vshll.u32 v46, v0;
	v56 =	vmul.f32 v42, v3;
	v39 =	vadd.f32 v39, v44  }
0x2aa: {  	v58 =	vmul.f32 v40, v31;
	v57 =	vbroadcast v46, $0x0;
	v45 =	vadd.f32 v55, v54  }
0x2ab: {  	v60 =	vmul.f32 v40, v32;
	v59 =	vadd.s32 $0x1, v46;
	v39 =	vadd.f32 v56, v39  }
0x2ac: {  	v61 =	vbroadcast v59, $0x0;
	v45 =	vadd.f32 v58, v45  }
0x2ad: {  	s0 =	sadd.s32 $0x20, s31;
	v62 =	vadd.s32 $0x2, v46;
	v39 =	vadd.f32 v60, v39  }
0x2ae: {  	v63 =	vbroadcast v62, $0x0;
	[tilespmem:s0+$0x0] =	vst v45  }
0x2af: {  	v51 =	vadd.s32 $0x3, v46;
	[tilespmem:s0+$0xFFFFFFF0] =	vst v39  }
0x2b0: {  	v52 =	vbroadcast v51, $0x0;
	v44 =	vld.idx.msk [tilespmem:v57+s29+$0x0], $0xffff  }
0x2b1: {  	v53 =	vadd.s32 $0x4, v46  }
0x2b2: {  	v45 =	vbroadcast v53, $0x0;
	v42 =	vld.idx.msk [tilespmem:v61+s29+$0x0], $0xffff  }
0x2b3: {  	v38 =	vshll.u32 v38, v0;
	v37 =	vshll.u32 v37, v0;
	v54 =	vadd.s32 $0x5, v46  }
0x2b4: {  	v36 =	vshll.u32 v36, v0;
	v43 =	vshll.u32 v43, v0;
	v47 =	vbroadcast v54, $0x0;
	v40 =	vld.idx.msk [tilespmem:v63+s29+$0x0], $0xffff  }
0x2b5: {  	v43 =	vbroadcast v43, $0x0;
	v55 =	vadd.s32 $0x6, v46;
	v16 =	vmul.f32 v44, v16  }
0x2b6: {  	v41 =	vshll.u32 v41, v0;
	v48 =	vbroadcast v55, $0x0;
	v39 =	vld.idx.msk [tilespmem:v52+s29+$0x0], $0xffff;
	v15 =	vmul.f32 v44, v15  }
0x2b7: {  	v46 =	vadd.s32 $0x7, v46;
	v17 =	vmul.f32 v42, v17;
	v16 =	vadd.f32 $0.0e+00, v16  }
0x2b8: {  	v46 =	vbroadcast v46, $0x0;
	v56 =	vld.idx.msk [tilespmem:v45+s29+$0x0], $0xffff;
	v14 =	vmul.f32 v42, v14;
	v15 =	vadd.f32 $0.0e+00, v15  }
0x2b9: {  	v41 =	vadd.s32 $0x1, v41;
	v57 =	vmul.f32 v40, v18;
	v16 =	vadd.f32 v17, v16  }
0x2ba: {  	v58 =	vshll.u32 v35, v0;
	v59 =	vld.idx.msk [tilespmem:v47+s29+$0x0], $0xffff;
	v13 =	vmul.f32 v40, v13;
	v14 =	vadd.f32 v14, v15  }
0x2bb: {  	v60 =	vbroadcast v41, $0x0;
	v61 =	vmul.f32 v39, v19;
	v16 =	vadd.f32 v57, v16  }
0x2bc: {  	v63 =	vshll.u32 v34, v0;
	v62 =	vld.idx.msk [tilespmem:v48+s29+$0x0], $0xffff;
	v12 =	vmul.f32 v39, v12;
	v13 =	vadd.f32 v13, v14  }
0x2bd: {  	v18 =	vadd.s32 $0x2, v58;
	v34 =	vmul.f32 v56, v20;
	v16 =	vadd.f32 v61, v16  }
0x2be: {  	v39 =	vld.idx.msk [tilespmem:v46+s29+$0x0], $0xffff;
	v18 =	vbroadcast v18, $0x0;
	v11 =	vmul.f32 v56, v11;
	v12 =	vadd.f32 v12, v13  }
0x2bf: {  	v40 =	vadd.s32 $0x3, v63;
	v42 =	vmul.f32 v59, v21;
	v41 =	vadd.f32 v34, v16  }
0x2c0: {  	v43 =	vld.idx.msk [tilespmem:v43+s29+$0x0], $0xffff;
	v10 =	vmul.f32 v59, v10;
	v13 =	vbroadcast v40, $0x0;
	v11 =	vadd.f32 v11, v12  }
0x2c1: {  	v44 =	vadd.s32 $0x4, v36;
	v45 =	vmul.f32 v62, v22;
	v14 =	vadd.f32 v42, v41  }
0x2c2: {  	v9 =	vmul.f32 v62, v9;
	v15 =	vld.idx.msk [tilespmem:v60+s29+$0x0], $0xffff;
	v12 =	vbroadcast v44, $0x0;
	v10 =	vadd.f32 v10, v11  }
0x2c3: {  	v46 =	vadd.s32 $0x5, v37;
	v47 =	vmul.f32 v39, v23;
	v14 =	vadd.f32 v45, v14  }
0x2c4: {  	v8 =	vmul.f32 v39, v8;
	v18 =	vld.idx.msk [tilespmem:v18+s29+$0x0], $0xffff;
	v11 =	vbroadcast v46, $0x0;
	v9 =	vadd.f32 v9, v10  }
0x2c5: {  	v48 =	vadd.s32 $0x6, v38;
	v49 =	vmul.f32 v43, v24;
	v14 =	vadd.f32 v47, v14  }
0x2c6: {  	v7 =	vmul.f32 v43, v7;
	v10 =	vbroadcast v48, $0x0;
	v13 =	vld.idx.msk [tilespmem:v13+s29+$0x0], $0xffff;
	v8 =	vadd.f32 v8, v9  }
0x2c7: {  	v50 =	vadd.s32 $0x7, v33;
	v51 =	vmul.f32 v15, v25;
	v14 =	vadd.f32 v49, v14  }
0x2c8: {  	v6 =	vmul.f32 v15, v6;
	v9 =	vbroadcast v50, $0x0;
	v12 =	vld.idx.msk [tilespmem:v12+s29+$0x0], $0xffff;
	v7 =	vadd.f32 v7, v8  }
0x2c9: {  	v53 =	vmul.f32 v18, v26;
	v52 =	vadd.f32 v51, v14  }
0x2ca: {  	v5 =	vmul.f32 v18, v5;
	v11 =	vld.idx.msk [tilespmem:v11+s29+$0x0], $0xffff;
	v6 =	vadd.f32 v6, v7  }
0x2cb: {  	v55 =	vmul.f32 v13, v27;
	v54 =	vadd.f32 v53, v52  }
0x2cc: {  	v4 =	vmul.f32 v13, v4;
	v10 =	vld.idx.msk [tilespmem:v10+s29+$0x0], $0xffff;
	v5 =	vadd.f32 v5, v6  }
0x2cd: {  	v57 =	vmul.f32 v12, v28;
	v56 =	vadd.f32 v55, v54  }
0x2ce: {  	v1 =	vmul.f32 v12, v1;
	v58 =	vld.idx.msk [tilespmem:v9+s29+$0x0], $0xffff;
	v4 =	vadd.f32 v4, v5  }
0x2cf: {  	v60 =	vmul.f32 v11, v29;
	v59 =	vadd.f32 v57, v56  }
0x2d0: {  	v2 =	vmul.f32 v11, v2;
	v1 =	vadd.f32 v1, v4  }
0x2d1: {  	v62 =	vmul.f32 v10, v30;
	v61 =	vadd.f32 v60, v59  }
0x2d2: {  	v1 =	vadd.f32 v2, v1;
	v2 =	vmul.f32 v10, v3  }
0x2d3: {  	v63 =	vmul.f32 v58, v31;
	v3 =	vadd.f32 v62, v61  }
0x2d4: {  	v1 =	vadd.f32 v2, v1;
	v2 =	vmul.f32 v58, v32  }
0x2d5: {  	v3 =	vadd.f32 v63, v3  }
0x2d6: {  	s0 =	sadd.s32 $0x20, s0;
	v1 =	vadd.f32 v2, v1  }
0x2d7: {  	[tilespmem:s0+$0x0] =	vst v3  }
0x2d8: {  	s13 =	simm.s32 $0x17640;
	[tilespmem:s0+$0xFFFFFFF0] =	vst v1  }
0x2d9: {  	[hbm4b:s14+s20] =	stream.strided.scatter [tilespmem:s13], [sflag:$0x4], $0x4000, s21, s20, $0x38;
	[tilespmem:$0x1B840] =	vst v63  }
0x2da: {  	_ =	swait.ge [sflag:s15], $0x4000  }
0x2db: {  	s30 =	sadd.s32 $0x1, s30;
	s31 =	rddreg [dreg:$0x1f]  }
0x2dc: {  	p0 =	sne.s32 s30, s31  }
.Ltmp3:
0x2dd: {  	_ = 	snop;
	(pc) =	sbr.rel @p0 .LBB2_1-.Ltmp3, $3  }
0x2de: {  	_ =	sdelay $0x1  }
0x2df: {  	[sflag:s15] =	ssyncset.done $0x0  }
0x2e0: {  	[sflag:s15] =	ssyncadd.s32 $0xFFFFC000  }
0x2e1: {  	_ =	sfence.sel $0x180000  }
0x2e2: {  	[bflag:$0x0] =	sbarrier.arrive $0xFFFF  }
0x2e3: {  	_ =	strace $0x90000047  }
0x2e4: {  	s0 =	stileid.u32;
	[bflag:$0x2] =	sbarrier.arrive $0xFFFF  }
0x2e5: {  	p0 =	sne.s32 s0, $0x0;
	s0 =	rddreg [dreg:$0x2]  }
0x2e6: {  	s0 =	sadd.s32 @!p0 $0x100000, s0  }
0x2e7: {  	[sflag:s0] =	ssyncadd.tile.s32 @!p0 $0x1;
	_ =	shalt  }
.Lfunc_end2:
_tile_overlayer_lowered:
.L_overlay_start_2:
0x2e8: {  	(tag) =	ssettag $0x2  }
0x2e9: {  	s0 =	rddreg [dreg:$0x0];
	s2 =	stileid.u32  }
0x2ea: {  	s1 =	rddreg [dreg:$0x1];
	p0 =	sne.s32 s2, $0x0  }
0x2eb: {  	s3 =	rddreg [dreg:$0x2];
	[bflag:$0x3] =	sbarrier.arrive $0xFFFF;
	s2 =	simm.s32 @!p0 $0x1C04  }
0x2ec: {  	[timem:s3], [sflag:s2] =	dma.local @!p0 [hbm:s0], s1  }
0x2ed: {  	s0 =	simm.s32 @!p0 $0x4  }
0x2ee: {  	_ =	swait.ge @!p0 [sflag:s0], s1  }
0x2ef: {  	s1 =	ssub.s32 @!p0 $0x0, s1;
	[sflag:s0] =	ssyncset.done @!p0 $0x0  }
0x2f0: {  	[sflag:s0] =	ssyncadd.s32 @!p0 s1  }
0x2f1: {  	[bflag:$0x3] =	sbarrier.arrive $0xFFFF  }
0x2f2: {  	_ =	shalt  }

// kernel: sparse-core-data-format-call.1.cloned.1.call-start
scs
called_computation.1_lowered:
.L_overlay_start_0:
0x0: {  	s1 =	sld [smem:$0x3FD9]  }
0x1: {  	s2 =	sld [smem:$0x3FFE];
	_ =	sdelay $0x1  }
0x2: {  	s3 =	srdreg.scid  }
0x3: {  	s0 =	sand.u32 $0x1, s3  }
0x4: {  	s17 =	sshll.u32 s0, $0xA;
	s1 =	sadd.s32 s2, s1  }
0x5: {  	s1 =	sadd.s32 s1, s17  }
0x6: {  	[smem:$0x3FC2] =	sst s1  }
0x7: {  	_ = 	snop  }
0x8: {  	(tm) =	ssettm $0x1  }
0x9: {  	s18 =	sld [smem:$0x3FFB];
	_ =	sdelay $0x3  }
0xa: {  	_ =	strace s18  }
0xb: {  	s1 =	sld [smem:$0x3FFC];
	_ =	sdelay $0x3  }
0xc: {  	_ =	strace s1  }
0xd: {  	s1 =	sld [smem:$0x3FFD];
	_ =	sdelay $0x3  }
0xe: {  	_ =	strace s1  }
0xf: {  	_ =	strace $0x8FFFFFFF  }
0x10: {  	s19 =	sld [smem:$0x3FDB];
	_ =	sdelay $0x1  }
0x11: {  	s20 =	simm.s32 $_scs_section_size  }
0x12: {  	s4 =	simm.s32 $_size__tile_overlayer_lowered;
	s5 =	simm.s32 $_tile_overlayer_lowered  }
0x13: {  	s23 =	simm.s32 $0x1BFF;
	s22 =	sshll.u32 s5, $0x1;
	s1 =	sadd.s32 s20, s19  }
0x14: {  	s6 =	simm.s32 $0x0;
	s21 =	sshll.u32 s4, $0x1;
	s4 =	sadd.s32 s22, s1  }
0x15: {  	[timem:s6], [sflag:s23] =	dma.local [hbm:s4], s21  }
0x16: {  	_ =	swait.ge [sflag:s23], s21  }
0x17: {  	s2 =	ssub.s32 $0x0, s21;
	[sflag:s23] =	ssyncset.done $0x0  }
0x18: {  	[sflag:s23] =	ssyncadd.s32 s2;
	_ =	sdelay $0x1  }
0x19: {  	s24 =	simm.s32 $0x1B8B  }
0x1a: {  	_ =	swait.ge [sflag:s24], $0x1  }
0x1b: {  	[sflag:s24] =	ssyncset.done $0x0  }
0x1c: {  	s26 =	simm.s32 $0x1B8E;
	s25 =	sld [smem:$0x3FFE];
	[sflag:s24] =	ssyncadd.s32 $0xFFFFFFFF  }
0x1d: {  	s27 =	simm.s32 $execute0_lowered;
	[smem:$0x3FD2] =	sst s26  }
0x1e: {  	s4 =	sshll.u32 s27, $0x1;
	_ =	strace $0x80000049;
	[dreg:$0x1] =	wrdreg $0xFFFFFFFF  }
0x1f: {  	s28 =	simm.s32 $_size_execute0_lowered;
	s1 =	sadd.s32 s1, s4;
	[dreg:$0x0] =	wrdreg $0x0  }
0x20: {  	s4 =	sshll.u32 s28, $0x1;
	[dreg:$0x2] =	wrdreg s1  }
0x21: {  	[dreg:$0x3] =	wrdreg s4  }
0x22: {  	[dreg:$0x4] =	wrdreg $0xC0  }
0x23: {  	_ =	task [dreg:s6], $0x5FFFF  }
0x24: {  	[dreg:$0x1] =	wrdreg $0xFFFFFFFF  }
0x25: {  	[dreg:$0x0] =	wrdreg $0x60  }
0x26: {  	[dreg:$0x2] =	wrdreg s25  }
0x27: {  	[dreg:$0x3] =	wrdreg $0x9  }
0x28: {  	_ =	task.clear_ibuf [dreg:s6], $0x4FFFF;
	_ =	strace $0x90000049  }
0x29: {  	s29 =	simm.s32 $0x9;
	_ =	strace $0x8000004B  }
0x2a: {  	_ =	swait.ge [sflag:s29], $0x1  }
0x2b: {  	[sflag:s29] =	ssyncadd.s32 $0xFFFFFFFF  }
0x2c: {  	_ =	strace $0x9000004B  }
0x2d: {  	_ =	sfence  }
0x2e: {  	s30 =	sld [smem:$0x0];
	_ =	sdelay $0x2  }
0x2f: {  	s31 =	sshll.u32 s3, $0xD;
	s3 =	sshrl.u32 s3, $0x2  }
0x30: {  	s2 =	sand.u32 $0x4000, s31;
	s1 =	sadd.s32 s3, s30  }
0x31: {  	s0 =	sor.u32 s2, s0;
	s1 =	sshll.u32 s1, $0x11  }
0x32: {  	s0 =	sor.u32 s1, s0  }
0x33: {  	s0 =	sadd.s32 $0x8F2B, s0  }
0x34: {  	[sflag:s0] =	ssyncadd.remote.s32 $0x1  }
0x35: {  	_ =	sfence.sel $0xFFFF  }
0x36: {  	[dreg:$0x0] =	wrdreg $0xFFFFFFFF;
	(pc) =	sbr.abs _section_cstart, $3  }
0x37: {  	[dreg:$0x1] =	wrdreg $0xFFFFFFFF  }
0x38: {  	_ =	task.clear_ibuf [dreg:s6], $0x2FFFF;
	_ =	strace $0x9FFFFFFF  }
0x39: {  	(tm) =	ssettm $0x7FFFFFFF  }
tec
execute0_lowered:
.L_overlay_start_1:
0x0: {  	(tag) =	ssettag $0x1  }
0x1: {  	s0 =	srdreg.scid  }
0x2: {  	s1 =	sshll.u32 s0, $0x4  }
0x3: {  	s0 =	stileid.u32;
	s1 =	sand.u32 $0x10, s1  }
0x4: {  	s1 =	sor.u32 s0, s1  }
0x5: {  	s6 =	rddreg [dreg:$0x0];
	s7 =	simm.s32 $0x2;
	s2 =	sshll.u32 s1, $0x7  }
0x6: {  	s12 =	simm.s32 $0x0;
	s8 =	simm.s32 $0x20000;
	s1 =	ssub.s32 $0x4000, s2  }
0x7: {  	s13 =	simm.s32 $0x0;
	s9 =	simm.s32 $0x0;
	s3 =	sand.u32 $0xF80, s1  }
0x8: {  	s11 =	simm.s32 $0x0;
	p0 =	sne.s32 s3, $0x0;
	s3 =	simm.s32 $0x1  }
.Ltmp0:
0x9: {  	s4 =	sshrl.u32 s1, $0xC;
	s3 =	simm.s32 @!p0 $0x0;
	(pc) =	sbr.rel .LBB1_1-.Ltmp0, $4  }
0xa: {  	s5 =	sadd.s32 $0x1800, s6;
	s1 =	rddreg [dreg:$0x1];
	s4 =	sadd.s32 s3, s4  }
0xb: {  	_ =	strace $0x8000004A;
	s3 =	simm.s32 $0x1;
	s4 =	smul.u32 $0x1C, s4  }
0xc: {  	s6 =	sadd.s32 $0x801800, s6;
	s10 =	smov.u32 s2;
	[sflag:s3] =	ssyncpa.u1 $0x0  }
0xd: {  	p0 =	por $0x0, $0x0;
	[sflag:s7] =	ssyncpa.u1 $0x0;
	s7 =	sor.u32 $0x1, s4  }
.LBB1_4:
0xe: {  	s16 =	sshll.u32 s13, $0x3;
	s17 =	sand.u32 $0x78, s13  }
0xf: {  	s30 =	sand.u32 $0xF800, s13;
	s12 =	sshll.u32 s12, $0x10;
	s16 =	sand.u32 $0x3C00, s16  }
0x10: {  	s31 =	sand.u32 $0x7, s13;
	s16 =	sor.u32 s17, s16;
	s17 =	sadd.s32 s6, s30  }
0x11: {  	s13 =	sshll.u32 s31, $0x12;
	s16 =	sshrl.u32 s16, $0x3;
	s12 =	sadd.s32 s12, s17  }
0x12: {  	[tilespmem:s15+$0x0 ss:$0x81] =	vst.msk $0xffff, v0;
	s13 =	sor.u32 $0x400, s13;
	s12 =	sadd.s32 s16, s12  }
0x13: {  	[hbm4b:s12+s13] =	stream.strided.scatter [tilespmem:s14], [sflag:$0x2], $0x1000, s8, s13, $0x20;
	[tilespmem:$0x4040] =	vst v63  }
.LBB1_5:
0x14: {  	s14 =	sadd.s32 $0x1, s9  }
0x15: {  	s12 =	sadd.s32 $0x1000, s10;
	s16 =	smov.u32 s10;
	p2 =	sgt.s32 s14, $0x1B  }
0x16: {  	s16 =	smov.u32 @p2 s12  }
0x17: {  	s14 =	simm.s32 @p2 $0x0;
	p2 =	sgt.s32 s16, $0x3FFF  }
0x18: {  	s16 =	smov.u32 @p2 s2;
	p2 =	sne.s32 s11, s7  }
.Ltmp1:
0x19: {  	p1 =	slt.u32 s11, $0x2;
	(pc) =	sbr.rel @!p2 .LBB1_6-.Ltmp1, $4  }
0x1a: {  	s15 =	simm.s32 @!p1 $0x2  }
0x1b: {  	s13 =	smov.u32 s10;
	p0 =	por !p0, !p0;
	_ =	swait.ge @!p1 [sflag:s15], $0x1000  }
0x1c: {  	s12 =	smov.u32 s9;
	[sflag:s15] =	ssyncset.done @!p1 $0x0;
	s9 =	smov.u32 s14  }
0x1d: {  	s11 =	sadd.s32 $0x1, s11;
	[sflag:s15] =	ssyncadd.s32 @!p1 $0xFFFFF000;
	s10 =	smov.u32 s16  }
.LBB1_1:
0x1e: {  	p1 =	sge.u32 s11, s4  }
0x1f: {  	s31 =	sadd.s32 $0xFFFFFFFF, s11;
	s14 =	sxor.u32 @!p1 $0xFFFFFFFF, s11  }
0x20: {  	s15 =	sshll.u32 @!p1 s10, $0x9;
	s16 =	sshll.u32 @!p1 s9, $0x4;
	s17 =	simm.s32 @!p1 $0x1000  }
0x21: {  	s14 =	sshll.u32 @!p1 s14, $0xC;
	s16 =	sand.u32 @!p1 $0x1F0, s16;
	s15 =	sadd.s32 @!p1 s5, s15  }
0x22: {  	s14 =	sand.u32 @!p1 $0x1000, s14;
	s15 =	sadd.s32 @!p1 s16, s15;
	s16 =	simm.s32 @!p1 $0x20  }
0x23: {  	[tilespmem:s14], [sflag:$0x1] =	stream.strided.gather @!p1 [hbm4b:s15+s16], $0x1000, s17, s16, $0x38;
	[tilespmem:$0x4040] =	vst v63  }
0x24: {  	p1 =	sge.u32 s31, s4  }
.Ltmp2:
0x25: {  	_ = 	snop;
	(pc) =	sbr.rel @p1 .LBB1_5-.Ltmp2, $1  }
0x26: {  	_ =	sdelay $0x3  }
0x27: {  	s14 =	simm.s32 $0x1  }
0x28: {  	_ =	swait.ge [sflag:s3], $0x1000;
	s14 =	simm.s32 @!p0 $0x0  }
0x29: {  	[sflag:s3] =	ssyncset.done $0x0;
	s15 =	sshll.u32 s14, $0xC  }
0x2a: {  	[sflag:s3] =	ssyncadd.s32 $0xFFFFF000;
	s18 =	sor.u32 $0x10, s15  }
0x2b: {  	s14 =	smul.u32 $0x4080, s14;
	v1 =	vld [tilespmem:s18+$0x0]  }
0x2c: {  	s30 =	sand.u32 $0x1, s11;
	v0 =	vld [tilespmem:s18+$0xFFFFFFF0]  }
0x2d: {  	s15 =	smul.u32 $0x4080, s30;
	s14 =	sshrl.u32 s14, $0x2  }
0x2e: {  	s16 =	sor.u32 $0x2000, s14  }
0x2f: {  	s31 =	sshrl.u32 s15, $0x2;
	s15 =	sadd.s32 $0x0, s16  }
0x30: {  	s17 =	simm.s32 $0x4;
	s18 =	sadd.s32 $0x20, s18;
	s14 =	sor.u32 $0x2000, s31;
	[tilespmem:s15+$0x810 ss:$0x81] =	vst.msk $0xffff, v1  }
.LBB1_3:
0x31: {  	v1 =	vld [tilespmem:s18+$0x0];
	p1 =	sne.s32 s17, $0x1FC;
	[tilespmem:s15+$0x0 ss:$0x81] =	vst.msk $0xffff, v0;
	s15 =	smov.u32 s17;
	s17 =	sadd.s32 $0x4, s17  }
.Ltmp3:
0x32: {  	v0 =	vld [tilespmem:s18+$0xFFFFFFF0];
	(pc) =	sbr.rel @p1 .LBB1_3-.Ltmp3, $4  }
0x33: {  	_ = 	snop  }
0x34: {  	s15 =	sshra.s32 s15, $0x2  }
0x35: {  	s15 =	sadd.s32 s15, s16  }
0x36: {  	s18 =	sadd.s32 $0x20, s18;
	[tilespmem:s15+$0x810 ss:$0x81] =	vst.msk $0xffff, v1  }
.Ltmp4:
0x37: {  	_ = 	snop;
	(pc) =	sbr.rel .LBB1_4-.Ltmp4, $1  }
0x38: {  	_ =	sdelay $0x3  }
.LBB1_6:
0x39: {  	_ =	sfence.sel $0x180000  }
0x3a: {  	s2 =	simm.s32 $0x1;
	[bflag:$0x0] =	sbarrier.arrive $0xFFFF  }
0x3b: {  	s31 =	simm.s32 $0x2;
	[sflag:s2] =	ssyncpa.u1 $0x1  }
0x3c: {  	[sflag:s31] =	ssyncpa.u1 $0x1  }
0x3d: {  	p0 =	sne.s32 s0, $0x0;
	_ =	strace $0x9000004A  }
0x3e: {  	s0 =	sadd.s32 @!p0 $0x100000, s1;
	[bflag:$0x2] =	sbarrier.arrive $0xFFFF  }
0x3f: {  	[sflag:s0] =	ssyncadd.tile.s32 @!p0 $0x1;
	_ =	shalt  }
.Lfunc_end1:
_tile_overlayer_lowered:
.L_overlay_start_2:
0x40: {  	(tag) =	ssettag $0x2  }
0x41: {  	s0 =	rddreg [dreg:$0x0];
	s2 =	stileid.u32  }
0x42: {  	s1 =	rddreg [dreg:$0x1];
	p0 =	sne.s32 s2, $0x0  }
0x43: {  	s3 =	rddreg [dreg:$0x2];
	[bflag:$0x3] =	sbarrier.arrive $0xFFFF;
	s2 =	simm.s32 @!p0 $0x1C01  }
0x44: {  	[timem:s3], [sflag:s2] =	dma.local @!p0 [hbm:s0], s1  }
0x45: {  	s0 =	simm.s32 @!p0 $0x1  }
0x46: {  	_ =	swait.ge @!p0 [sflag:s0], s1  }
0x47: {  	s1 =	ssub.s32 @!p0 $0x0, s1;
	[sflag:s0] =	ssyncset.done @!p0 $0x0  }
0x48: {  	[sflag:s0] =	ssyncadd.s32 @!p0 s1  }
0x49: {  	[bflag:$0x3] =	sbarrier.arrive $0xFFFF  }
0x4a: {  	_ =	shalt  }

// kernel: sparse-core-data-format-call.cloned.1.call-start
scs
called_computation_lowered:
.L_overlay_start_0:
0x0: {  	s2 =	sld [smem:$0x3FD9]  }
0x1: {  	s3 =	sld [smem:$0x3FFE];
	_ =	sdelay $0x1  }
0x2: {  	s1 =	srdreg.scid  }
0x3: {  	s0 =	sand.u32 $0x1, s1  }
0x4: {  	s18 =	sshll.u32 s0, $0xA;
	s2 =	sadd.s32 s3, s2  }
0x5: {  	s2 =	sadd.s32 s2, s18  }
0x6: {  	[smem:$0x3FC2] =	sst s2  }
0x7: {  	_ = 	snop  }
0x8: {  	s2 =	sld [smem:$0x3FD0];
	(tm) =	ssettm $0x1  }
0x9: {  	s19 =	sld [smem:$0x3FFB];
	_ =	sdelay $0x3  }
0xa: {  	_ =	strace s19  }
0xb: {  	s3 =	sld [smem:$0x3FFC];
	_ =	sdelay $0x3  }
0xc: {  	_ =	strace s3  }
0xd: {  	s3 =	sld [smem:$0x3FFD];
	_ =	sdelay $0x3  }
0xe: {  	_ =	strace s3  }
0xf: {  	_ =	strace $0x8FFFFFFF  }
0x10: {  	s20 =	sld [smem:$0x3FDB];
	_ =	sdelay $0x1  }
0x11: {  	s4 =	simm.s32 $_scs_section_size  }
0x12: {  	s5 =	simm.s32 $_size__tile_overlayer_lowered;
	s6 =	simm.s32 $_tile_overlayer_lowered  }
0x13: {  	s23 =	simm.s32 $0x1BFF;
	s22 =	sshll.u32 s6, $0x1;
	s3 =	sadd.s32 s4, s20  }
0x14: {  	s7 =	simm.s32 $0x0;
	s21 =	sshll.u32 s5, $0x1;
	s5 =	sadd.s32 s22, s3  }
0x15: {  	[timem:s7], [sflag:s23] =	dma.local [hbm:s5], s21  }
0x16: {  	_ =	swait.ge [sflag:s23], s21  }
0x17: {  	s4 =	ssub.s32 $0x0, s21;
	[sflag:s23] =	ssyncset.done $0x0  }
0x18: {  	[sflag:s23] =	ssyncadd.s32 s4;
	_ =	sdelay $0x1  }
0x19: {  	s24 =	simm.s32 $0x1B8B  }
0x1a: {  	_ =	swait.ge [sflag:s24], $0x1  }
0x1b: {  	[sflag:s24] =	ssyncset.done $0x0  }
0x1c: {  	s26 =	simm.s32 $0x1B8E;
	s25 =	sld [smem:$0x3FFE];
	[sflag:s24] =	ssyncadd.s32 $0xFFFFFFFF  }
0x1d: {  	s27 =	simm.s32 $execute0_lowered;
	[smem:$0x3FD2] =	sst s26  }
0x1e: {  	s5 =	sshll.u32 s27, $0x1;
	_ =	strace $0x8000004C;
	[dreg:$0x1] =	wrdreg $0xFFFFFFFF  }
0x1f: {  	s28 =	simm.s32 $_size_execute0_lowered;
	s3 =	sadd.s32 s3, s5;
	[dreg:$0x0] =	wrdreg $0x0  }
0x20: {  	s5 =	sshll.u32 s28, $0x1;
	[dreg:$0x2] =	wrdreg s3  }
0x21: {  	[dreg:$0x3] =	wrdreg s5  }
0x22: {  	[dreg:$0x4] =	wrdreg $0xC0  }
0x23: {  	_ =	task [dreg:s7], $0x5FFFF  }
0x24: {  	[dreg:$0x1] =	wrdreg $0xFFFFFFFF  }
0x25: {  	[dreg:$0x0] =	wrdreg $0x60  }
0x26: {  	[dreg:$0x2] =	wrdreg s25  }
0x27: {  	[dreg:$0x3] =	wrdreg s2  }
0x28: {  	[dreg:$0x4] =	wrdreg $0x9  }
0x29: {  	_ =	task.clear_ibuf [dreg:s7], $0x5FFFF;
	_ =	strace $0x9000004C  }
0x2a: {  	s29 =	simm.s32 $0x9;
	_ =	strace $0x8000004E  }
0x2b: {  	_ =	swait.ge [sflag:s29], $0x1  }
0x2c: {  	[sflag:s29] =	ssyncadd.s32 $0xFFFFFFFF  }
0x2d: {  	_ =	strace $0x9000004E  }
0x2e: {  	_ =	sfence  }
0x2f: {  	s30 =	sld [smem:$0x0];
	_ =	sdelay $0x2  }
0x30: {  	s31 =	sshll.u32 s1, $0xD;
	s1 =	sshrl.u32 s1, $0x2  }
0x31: {  	s3 =	sand.u32 $0x4000, s31;
	s1 =	sadd.s32 s1, s30  }
0x32: {  	s0 =	sor.u32 s3, s0;
	s1 =	sshll.u32 s1, $0x11  }
0x33: {  	s0 =	sor.u32 s1, s0  }
0x34: {  	s0 =	sadd.s32 $0x8F2B, s0  }
0x35: {  	[sflag:s0] =	ssyncadd.remote.s32 $0x1  }
0x36: {  	_ =	sfence.sel $0xFFFF  }
0x37: {  	[dreg:$0x0] =	wrdreg $0xFFFFFFFF;
	(pc) =	sbr.abs _section_cstart, $3  }
0x38: {  	[dreg:$0x1] =	wrdreg $0xFFFFFFFF  }
0x39: {  	_ =	task.clear_ibuf [dreg:s7], $0x2FFFF;
	_ =	strace $0x9FFFFFFF  }
0x3a: {  	(tm) =	ssettm $0x7FFFFFFF  }
0x3b: {  	_ =	shalt  }
tec
execute0_lowered:
.L_overlay_start_1:
0x0: {  	(tag) =	ssettag $0x1  }
0x1: {  	s0 =	srdreg.scid  }
0x2: {  	s1 =	sshll.u32 s0, $0x4  }
0x3: {  	s0 =	stileid.u32;
	s1 =	sand.u32 $0x10, s1  }
0x4: {  	s1 =	sor.u32 s0, s1  }
0x5: {  	s6 =	rddreg [dreg:$0x0];
	s4 =	simm.s32 $0x1;
	s2 =	sshll.u32 s1, $0x7  }
0x6: {  	s7 =	simm.s32 $0x2;
	s13 =	simm.s32 $0x0;
	s1 =	ssub.s32 $0x4000, s2  }
0x7: {  	s8 =	simm.s32 $0x1C00;
	s12 =	simm.s32 $0x0;
	s3 =	sand.u32 $0xF80, s1  }
0x8: {  	s10 =	simm.s32 $0x0;
	s5 =	sshrl.u32 s1, $0xC;
	p0 =	sne.s32 s3, $0x0  }
.Ltmp0:
0x9: {  	s1 =	rddreg [dreg:$0x2];
	s4 =	simm.s32 @!p0 $0x0;
	(pc) =	sbr.rel .LBB1_1-.Ltmp0, $4  }
0xa: {  	s11 =	simm.s32 $0x0;
	s3 =	rddreg [dreg:$0x1];
	s5 =	sadd.s32 s4, s5  }
0xb: {  	_ =	strace $0x8000004D;
	s4 =	simm.s32 $0x1;
	s5 =	smul.u32 $0x7, s5  }
0xc: {  	s6 =	sadd.s32 $0x801800, s6;
	s9 =	smov.u32 s2;
	[sflag:s4] =	ssyncpa.u1 $0x0  }
0xd: {  	p0 =	por $0x0, $0x0;
	[sflag:s7] =	ssyncpa.u1 $0x0;
	s7 =	sadd.s32 $0x1, s5  }
.LBB1_4:
0xe: {  	s19 =	sshrl.u32 s13, $0x3  }
0xf: {  	s20 =	sshll.u32 s12, $0x3;
	s19 =	smul.u32 $0x1C00, s19  }
0x10: {  	v5 =	vld [tilespmem:s17+$0xFFFFFFD0];
	[tilespmem:s16+$0x2040 ss:$0x81] =	vst.msk $0xffff, v4;
	s26 =	sshll.u32 s13, $0x7;
	s20 =	sand.u32 $0xFFFFFC00, s20  }
0x11: {  	v58 =	vld [tilespmem:s17+$0xFFFFFFE0];
	[tilespmem:s16+$0x2850 ss:$0x81] =	vst.msk $0xffff, v3;
	s13 =	sand.u32 $0x380, s26;
	s19 =	sadd.s32 s20, s19  }
0x12: {  	s18 =	sshra.s32 s18, $0x2;
	v59 =	vld [tilespmem:s17+$0xFFFFFFF0];
	[tilespmem:s16+$0x3060 ss:$0x81] =	vst.msk $0xffff, v2;
	s13 =	sor.u32 s13, s19  }
0x13: {  	v60 =	vld [tilespmem:s17+$0x0];
	[tilespmem:s16+$0x0 ss:$0x81] =	vst.msk $0xffff, v0;
	s15 =	sadd.s32 s18, s15;
	s27 =	sshrl.u32 s13, $0x7  }
0x14: {  	v61 =	vld [tilespmem:s17+$0x10];
	[tilespmem:s15+$0x3870 ss:$0x81] =	vst.msk $0xffff, v1;
	s16 =	smulhi.u32 $0x24924925, s27  }
0x15: {  	v62 =	vld [tilespmem:s17+$0x20];
	[tilespmem:s15+$0x810 ss:$0x81] =	vst.msk $0xffff, v5  }
0x16: {  	v63 =	vld [tilespmem:s17+$0xFFFFFFC0];
	s28 =	sand.u32 $0x7F, s12;
	[tilespmem:s15+$0x1020 ss:$0x81] =	vst.msk $0xffff, v58;
	s29 =	smul.u32 $0x380, s16  }
0x17: {  	[tilespmem:s15+$0x1830 ss:$0x81] =	vst.msk $0xffff, v59;
	s12 =	sor.u32 s28, s13  }
0x18: {  	[tilespmem:s15+$0x2040 ss:$0x81] =	vst.msk $0xffff, v60;
	s30 =	sand.u32 $0x3FFF, s16;
	s12 =	ssub.s32 s12, s29  }
0x19: {  	[tilespmem:s15+$0x2850 ss:$0x81] =	vst.msk $0xffff, v61;
	s13 =	smul.u32 $0x70, s30;
	s31 =	sshrl.u32 s12, $0x3;
	s12 =	sand.u32 $0x7, s12  }
0x1a: {  	[tilespmem:s15+$0x3060 ss:$0x81] =	vst.msk $0xffff, v62;
	s16 =	sadd.s32 s3, s31;
	s12 =	sshll.u32 s12, $0x12  }
0x1b: {  	[tilespmem:s15+$0x0 ss:$0x81] =	vst.msk $0xffff, v63;
	s13 =	sadd.s32 s13, s16;
	s12 =	sor.u32 $0x400, s12  }
0x1c: {  	[hbm4b:s13+s12] =	stream.strided.scatter [tilespmem:s14], [sflag:$0x2], $0x4000, s8, s12, $0x20;
	[tilespmem:$0x10100] =	vst v63  }
.LBB1_5:
0x1d: {  	s14 =	sadd.s32 $0x1000, s9  }
0x1e: {  	s12 =	sadd.s32 $0x80, s10;
	s16 =	smov.u32 s10;
	p2 =	sgt.s32 s14, $0x3FFF  }
0x1f: {  	s16 =	smov.u32 @p2 s12  }
0x20: {  	s14 =	smov.u32 @p2 s2;
	p2 =	sgt.s32 s16, $0x37F  }
0x21: {  	s16 =	simm.s32 @p2 $0x0;
	p2 =	sne.s32 s11, s7  }
.Ltmp1:
0x22: {  	p1 =	slt.u32 s11, $0x2;
	(pc) =	sbr.rel @!p2 .LBB1_6-.Ltmp1, $4  }
0x23: {  	s15 =	simm.s32 @!p1 $0x2  }
0x24: {  	s13 =	smov.u32 s9;
	p0 =	por !p0, !p0;
	_ =	swait.ge @!p1 [sflag:s15], $0x4000  }
0x25: {  	s12 =	smov.u32 s10;
	[sflag:s15] =	ssyncset.done @!p1 $0x0;
	s9 =	smov.u32 s14  }
0x26: {  	s11 =	sadd.s32 $0x1, s11;
	[sflag:s15] =	ssyncadd.s32 @!p1 $0xFFFFC000;
	s10 =	smov.u32 s16  }
.LBB1_1:
0x27: {  	p1 =	sge.u32 s11, s5  }
0x28: {  	s14 =	sshll.u32 @!p1 s10, $0xE  }
0x29: {  	s15 =	sshll.u32 @!p1 s9, $0x3;
	s14 =	sand.u32 @!p1 $0xFFFE0000, s14  }
0x2a: {  	s14 =	sadd.s32 @!p1 s14, s15  }
0x2b: {  	s16 =	sshll.u32 @!p1 s10, $0x7;
	s14 =	sshrl.u32 @!p1 s14, $0xE  }
0x2c: {  	s17 =	sand.u32 @!p1 $0x78, s9;
	s16 =	sand.u32 @!p1 $0x380, s16;
	s18 =	smulhi.u32 @!p1 $0x492493, s14  }
0x2d: {  	s31 =	sadd.s32 $0xFFFFFFFF, s11;
	s16 =	sor.u32 @!p1 s16, s17  }
0x2e: {  	s17 =	sxor.u32 @!p1 $0xFFFFFFFF, s11;
	s15 =	sand.u32 @!p1 $0x3C00, s15;
	s18 =	smul.u32 @!p1 $0x380, s18  }
0x2f: {  	s17 =	sshll.u32 @!p1 s17, $0xE;
	s15 =	sor.u32 @!p1 s15, s16;
	s16 =	sand.u32 @!p1 $0x7, s9  }
0x30: {  	s17 =	sand.u32 @!p1 $0x4000, s17;
	s15 =	sshrl.u32 @!p1 s15, $0x3;
	s14 =	ssub.s32 @!p1 s14, s18  }
0x31: {  	s16 =	sshll.u32 @!p1 s16, $0x12;
	s15 =	sadd.s32 @!p1 s6, s15;
	s14 =	sshll.u32 @!p1 s14, $0xB  }
0x32: {  	s14 =	sadd.s32 @!p1 s14, s15;
	s15 =	sor.u32 @!p1 $0x400, s16;
	s16 =	simm.s32 @!p1 $0x20000  }
0x33: {  	[tilespmem:s17], [sflag:$0x1] =	stream.strided.gather @!p1 [hbm4b:s14+s15], $0x4000, s16, s15, $0x38;
	[tilespmem:$0x10100] =	vst v63  }
0x34: {  	p1 =	sge.u32 s31, s5  }
.Ltmp2:
0x35: {  	_ = 	snop;
	(pc) =	sbr.rel @p1 .LBB1_5-.Ltmp2, $1  }
0x36: {  	_ =	sdelay $0x3  }
0x37: {  	s14 =	simm.s32 $0x1  }
0x38: {  	_ =	swait.ge [sflag:s4], $0x4000;
	s14 =	simm.s32 @!p0 $0x0  }
0x39: {  	[sflag:s4] =	ssyncset.done $0x0;
	s15 =	sshll.u32 s14, $0xE  }
0x3a: {  	[sflag:s4] =	ssyncadd.s32 $0xFFFFC000;
	s17 =	sor.u32 $0x40, s15  }
0x3b: {  	s14 =	smul.u32 $0x10200, s14;
	v0 =	vld [tilespmem:s17+$0x30]  }
0x3c: {  	v1 =	vld [tilespmem:s17+$0xFFFFFFD0]  }
0x3d: {  	s14 =	sshrl.u32 s14, $0x2;
	v5 =	vld [tilespmem:s17+$0xFFFFFFE0]  }
0x3e: {  	v6 =	vld [tilespmem:s17+$0xFFFFFFF0];
	s15 =	sor.u32 $0x8000, s14  }
0x3f: {  	s31 =	sand.u32 $0x1, s11;
	v4 =	vld [tilespmem:s17+$0x0];
	s16 =	sadd.s32 $0x0, s15  }
0x40: {  	v3 =	vld [tilespmem:s17+$0x10];
	s14 =	smul.u32 $0x10200, s31;
	[tilespmem:s16+$0x3870 ss:$0x81] =	vst.msk $0xffff, v0  }
0x41: {  	v2 =	vld [tilespmem:s17+$0x20];
	[tilespmem:s16+$0x810 ss:$0x81] =	vst.msk $0xffff, v1  }
0x42: {  	s14 =	sshrl.u32 s14, $0x2;
	v0 =	vld [tilespmem:s17+$0xFFFFFFC0];
	[tilespmem:s16+$0x1020 ss:$0x81] =	vst.msk $0xffff, v5;
	s17 =	sadd.s32 $0x80, s17  }
0x43: {  	s18 =	simm.s32 $0x4;
	s19 =	simm.s32 $0x8;
	s14 =	sor.u32 $0x8000, s14;
	[tilespmem:s16+$0x1830 ss:$0x81] =	vst.msk $0xffff, v6;
	v1 =	vld [tilespmem:s17+$0x30]  }
.LBB1_3:
0x44: {  	p1 =	sne.s32 s19, $0x1FC;
	v5 =	vld [tilespmem:s17+$0xFFFFFFD0];
	[tilespmem:s16+$0x2040 ss:$0x81] =	vst.msk $0xffff, v4  }
0x45: {  	v6 =	vld [tilespmem:s17+$0xFFFFFFE0];
	[tilespmem:s16+$0x2850 ss:$0x81] =	vst.msk $0xffff, v3  }
0x46: {  	s20 =	sshra.s32 s18, $0x2;
	s18 =	smov.u32 s19;
	v7 =	vld [tilespmem:s17+$0xFFFFFFF0];
	[tilespmem:s16+$0x3060 ss:$0x81] =	vst.msk $0xffff, v2  }
.Ltmp3:
0x47: {  	v4 =	vld [tilespmem:s17+$0x0];
	[tilespmem:s16+$0x0 ss:$0x81] =	vst.msk $0xffff, v0;
	s16 =	sadd.s32 s20, s15;
	(pc) =	sbr.rel @p1 .LBB1_3-.Ltmp3, $4  }
0x48: {  	v3 =	vld [tilespmem:s17+$0x10];
	[tilespmem:s16+$0x3870 ss:$0x81] =	vst.msk $0xffff, v1  }
0x49: {  	[tilespmem:s16+$0x810 ss:$0x81] =	vst.msk $0xffff, v5;
	v2 =	vld [tilespmem:s17+$0x20]  }
0x4a: {  	v0 =	vld [tilespmem:s17+$0xFFFFFFC0];
	[tilespmem:s16+$0x1020 ss:$0x81] =	vst.msk $0xffff, v6;
	s17 =	sadd.s32 $0x80, s17  }
0x4b: {  	s19 =	sadd.s32 $0x4, s19;
	v1 =	vld [tilespmem:s17+$0x30];
	[tilespmem:s16+$0x1830 ss:$0x81] =	vst.msk $0xffff, v7  }
.Ltmp4:
0x4c: {  	_ = 	snop;
	(pc) =	sbr.rel .LBB1_4-.Ltmp4, $1  }
0x4d: {  	_ =	sdelay $0x3  }
.LBB1_6:
0x4e: {  	_ =	sfence.sel $0x180000  }
0x4f: {  	s2 =	simm.s32 $0x1;
	[bflag:$0x0] =	sbarrier.arrive $0xFFFF  }
0x50: {  	s31 =	simm.s32 $0x2;
	[sflag:s2] =	ssyncpa.u1 $0x1  }
0x51: {  	[sflag:s31] =	ssyncpa.u1 $0x1  }
0x52: {  	p0 =	sne.s32 s0, $0x0;
	_ =	strace $0x9000004D  }
0x53: {  	s0 =	sadd.s32 @!p0 $0x100000, s1;
	[bflag:$0x2] =	sbarrier.arrive $0xFFFF  }
0x54: {  	[sflag:s0] =	ssyncadd.tile.s32 @!p0 $0x1;
	_ =	shalt  }
.Lfunc_end1:
_tile_overlayer_lowered:
.L_overlay_start_2:
0x55: {  	(tag) =	ssettag $0x2  }
0x56: {  	s0 =	rddreg [dreg:$0x0];
	s2 =	stileid.u32  }
0x57: {  	s1 =	rddreg [dreg:$0x1];
	p0 =	sne.s32 s2, $0x0  }
0x58: {  	s3 =	rddreg [dreg:$0x2];
	[bflag:$0x3] =	sbarrier.arrive $0xFFFF;
	s2 =	simm.s32 @!p0 $0x1C01  }
0x59: {  	[timem:s3], [sflag:s2] =	dma.local @!p0 [hbm:s0], s1  }
0x5a: {  	s0 =	simm.s32 @!p0 $0x1  }
0x5b: {  	_ =	swait.ge @!p0 [sflag:s0], s1  }
0x5c: {  	s1 =	ssub.s32 @!p0 $0x0, s1;
	[sflag:s0] =	ssyncset.done @!p0 $0x0  }
0x5d: {  	[sflag:s0] =	ssyncadd.s32 @!p0 s1  }
0x5e: {  	[bflag:$0x3] =	sbarrier.arrive $0xFFFF  }
0x5f: {  	_ =	shalt  }

</sc_bundles>
